<compile_context>
chip_gen: v7x
topology: tpu7x:2x2x1
jax: 0.10.2.dev20260603
libtpu: 0.0.44.dev20260713+nightly
codegen_flags: <defaults>
</compile_context>

<pallas_src>
import jax
import jax.numpy as jnp
from jax import lax
from jax.experimental import pallas as pl
from jax.experimental.pallas import tpu as pltpu, tpu_sc as plsc

N = 10000
NNZ = 320000
NE = 5000
F = 128
NCLASS = 16
VP = 10240
EP = 5120
DEGE = 0.5
EPS = 1e-5

NTILES = 32
NBUF = 4
NNZP = 327680

_mesh = plsc.VectorSubcoreMesh(core_axis_name="c", subcore_axis_name="s")


def _make_seg_kernel(ndst, C, pairs_per_tile, NBUF):
    rows_per_tile = ndst // 16
    nchunk = pairs_per_tile // C
    assert pairs_per_tile % C == 0 and nchunk % NBUF == 0 and C % 16 == 0
    assert NTILES * pairs_per_tile >= NNZ and NTILES * pairs_per_tile <= NNZP
    out_type = [jax.ShapeDtypeStruct((2, ndst, F), jnp.float32)]
    scratch = [
        pltpu.VMEM_SHARED((ndst, F), jnp.float32),
    ]
    scratch += [pltpu.VMEM((C,), jnp.int32) for _ in range(NBUF)]
    scratch += [pltpu.VMEM((C,), jnp.int32) for _ in range(NBUF)]
    scratch += [pltpu.VMEM((C, F), jnp.float32) for _ in range(NBUF)]
    scratch += [pltpu.SemaphoreType.DMA for _ in range(3 * NBUF)]

    def body(table, src_idx, dst_idx, zeros, out, *rest):
        accum = rest[0]
        sidx = rest[1:1 + NBUF]
        didx = rest[1 + NBUF:1 + 2 * NBUF]
        rows = rest[1 + 2 * NBUF:1 + 3 * NBUF]
        semi = rest[1 + 3 * NBUF:1 + 4 * NBUF]
        semg = rest[1 + 4 * NBUF:1 + 5 * NBUF]
        sems = rest[1 + 5 * NBUF:1 + 6 * NBUF]
        core = lax.axis_index("c")
        sub = lax.axis_index("s")
        wid = core * 16 + sub
        r0 = sub * rows_per_tile
        pltpu.sync_copy(zeros.at[pl.ds(r0, rows_per_tile)],
                        accum.at[pl.ds(r0, rows_per_tile)])
        plsc.subcore_barrier()

        base0 = wid * pairs_per_tile

        def issue_idx(s, k):
            base = base0 + k * C
            pltpu.async_copy(src_idx.at[pl.ds(base, C)], sidx[s], semi[s])
            pltpu.async_copy(dst_idx.at[pl.ds(base, C)], didx[s], semi[s])

        def issue_gather(s):
            pltpu.make_async_copy(src_idx.at[pl.ds(0, C)], sidx[s], semi[s]).wait()
            pltpu.make_async_copy(dst_idx.at[pl.ds(0, C)], didx[s], semi[s]).wait()
            pltpu.async_copy(table.at[sidx[s]], rows[s], semg[s])

        def issue_scatter(s):
            pltpu.make_async_copy(table.at[sidx[s]], rows[s], semg[s]).wait()
            pltpu.async_copy(rows[s], accum.at[didx[s]], sems[s], add=True)

        def wait_reuse(s):
            pltpu.make_async_copy(rows[s], accum.at[didx[s]], sems[s]).wait()

        for jj in range(NBUF):
            issue_idx(jj, jj)
            if jj >= 1:
                issue_gather(jj - 1)
            if jj >= 2:
                issue_scatter(jj - 2)

        def stages(g, carry):
            for i in range(NBUF):
                j = g * NBUF + i
                wait_reuse(i)
                issue_idx(i, j)
                issue_gather((i - 1) % NBUF)
                issue_scatter((i - 2) % NBUF)
            return carry

        lax.fori_loop(1, nchunk // NBUF, stages, 0)

        issue_gather((nchunk - 1) % NBUF)
        issue_scatter((nchunk - 2) % NBUF)
        issue_scatter((nchunk - 1) % NBUF)
        for k in range(nchunk - NBUF, nchunk):
            wait_reuse(k % NBUF)
        plsc.subcore_barrier()
        pltpu.sync_copy(accum.at[pl.ds(r0, rows_per_tile)],
                        out.at[core, pl.ds(r0, rows_per_tile)])

    return pl.kernel(body, mesh=_mesh, out_type=out_type, scratch_types=scratch)


def _make_cnt_kernel(C, pairs_per_tile, NBUF):
    rows_per_tile = EP // 16
    nchunk = pairs_per_tile // C
    assert pairs_per_tile % C == 0 and nchunk % NBUF == 0 and C % 16 == 0
    out_type = [jax.ShapeDtypeStruct((2, EP, F), jnp.float32)]
    scratch = [pltpu.VMEM_SHARED((EP, F), jnp.float32)]
    scratch += [pltpu.VMEM((C,), jnp.int32) for _ in range(NBUF)]
    scratch += [pltpu.VMEM((C, F), jnp.float32)]
    scratch += [pltpu.SemaphoreType.DMA for _ in range(2 * NBUF)]

    def body(dst_idx, zeros, ones, out, *rest):
        accum = rest[0]
        didx = rest[1:1 + NBUF]
        ones_v = rest[1 + NBUF]
        semi = rest[2 + NBUF:2 + 2 * NBUF]
        sems = rest[2 + 2 * NBUF:2 + 3 * NBUF]
        core = lax.axis_index("c")
        sub = lax.axis_index("s")
        wid = core * 16 + sub
        r0 = sub * rows_per_tile
        pltpu.sync_copy(zeros.at[pl.ds(r0, rows_per_tile)],
                        accum.at[pl.ds(r0, rows_per_tile)])
        pltpu.sync_copy(ones, ones_v)
        plsc.subcore_barrier()

        base0 = wid * pairs_per_tile

        def issue_idx(s, k):
            pltpu.async_copy(dst_idx.at[pl.ds(base0 + k * C, C)], didx[s],
                             semi[s])

        def issue_scatter(s):
            pltpu.make_async_copy(dst_idx.at[pl.ds(0, C)], didx[s],
                                  semi[s]).wait()
            pltpu.async_copy(ones_v, accum.at[didx[s]], sems[s], add=True)

        def wait_reuse(s):
            pltpu.make_async_copy(ones_v, accum.at[didx[s]], sems[s]).wait()

        for jj in range(NBUF):
            issue_idx(jj, jj)
            if jj >= 1:
                issue_scatter(jj - 1)

        def stages(g, carry):
            for i in range(NBUF):
                j = g * NBUF + i
                wait_reuse(i)
                issue_idx(i, j)
                issue_scatter((i - 1) % NBUF)
            return carry

        lax.fori_loop(1, nchunk // NBUF, stages, 0)
        issue_scatter((nchunk - 1) % NBUF)
        for k in range(nchunk - NBUF, nchunk):
            wait_reuse(k % NBUF)
        plsc.subcore_barrier()
        pltpu.sync_copy(accum.at[pl.ds(r0, rows_per_tile)],
                        out.at[core, pl.ds(r0, rows_per_tile)])

    return pl.kernel(body, mesh=_mesh, out_type=out_type, scratch_types=scratch)


CE = 80
CV = 80
_seg_edge = _make_seg_kernel(EP, CE, 10080, 6)
_seg_vert = _make_seg_kernel(VP, CV, 10240, 4)
_cnt_edge = _make_cnt_kernel(CE, 10080, 6)



BR = 2048
BRE = 1024


def _lin_silu_body(x_ref, w_ref, b_ref, o_ref):
    z = lax.dot_general(x_ref[...].astype(jnp.bfloat16),
                        w_ref[...].astype(jnp.bfloat16),
                        (((1,), (1,)), ((), ())),
                        preferred_element_type=jnp.float32)
    z = z + b_ref[...]
    o_ref[...] = z * jax.nn.sigmoid(z)


def _lin_silu(x, w, b):
    return pl.pallas_call(
        _lin_silu_body,
        grid=(VP // BR,),
        in_specs=[
            pl.BlockSpec((BR, F), lambda i: (i, 0)),
            pl.BlockSpec((F, F), lambda i: (0, 0)),
            pl.BlockSpec((1, F), lambda i: (0, 0)),
        ],
        out_specs=pl.BlockSpec((BR, F), lambda i: (i, 0)),
        out_shape=jax.ShapeDtypeStruct((VP, F), jnp.float32),
    )(x, w, b)


def _edge_combine_body(p_ref, c_ref, o_ref):
    s = p_ref[0] + p_ref[1]
    cnt = c_ref[0, :, 0:1] + c_ref[1, :, 0:1]
    o_ref[...] = s * (DEGE / jnp.maximum(cnt, 1.0))


def _edge_combine(p, cnts):
    return pl.pallas_call(
        _edge_combine_body,
        grid=(EP // BRE,),
        in_specs=[
            pl.BlockSpec((2, BRE, F), lambda i: (0, i, 0)),
            pl.BlockSpec((2, BRE, F), lambda i: (0, i, 0)),
        ],
        out_specs=pl.BlockSpec((BRE, F), lambda i: (i, 0)),
        out_shape=jax.ShapeDtypeStruct((EP, F), jnp.float32),
    )(p, cnts)


def _vert_combine_body(p_ref, h0_ref, w_ref, sc_ref, o_ref):
    y = p_ref[0] + p_ref[1]
    mu = jnp.mean(y, axis=1, keepdims=True)
    d = y - mu
    var = jnp.mean(d * d, axis=1, keepdims=True)
    xn = d * lax.rsqrt(var + EPS)
    xn = xn * sc_ref[2:3, :] + sc_ref[3:4, :]
    alpha = sc_ref[0:1, :]
    beta = sc_ref[1:2, :]
    xi = (1.0 - alpha) * xn + alpha * h0_ref[...]
    z = (1.0 - beta) * xi + beta * lax.dot_general(
        xi.astype(jnp.bfloat16), w_ref[...].astype(jnp.bfloat16),
        (((1,), (1,)), ((), ())),
        preferred_element_type=jnp.float32)
    o_ref[...] = z * jax.nn.sigmoid(z)


def _vert_combine(p, h0, w, sc):
    return pl.pallas_call(
        _vert_combine_body,
        grid=(VP // BR,),
        in_specs=[
            pl.BlockSpec((2, BR, F), lambda i: (0, i, 0)),
            pl.BlockSpec((BR, F), lambda i: (i, 0)),
            pl.BlockSpec((F, F), lambda i: (0, 0)),
            pl.BlockSpec((4, F), lambda i: (0, 0)),
        ],
        out_specs=pl.BlockSpec((BR, F), lambda i: (i, 0)),
        out_shape=jax.ShapeDtypeStruct((VP, F), jnp.float32),
    )(p, h0, w, sc)


def _vert_out_body(p_ref, h0_ref, w_ref, sc_ref, wo_ref, bo_ref, o_ref):
    y = p_ref[0] + p_ref[1]
    mu = jnp.mean(y, axis=1, keepdims=True)
    d = y - mu
    var = jnp.mean(d * d, axis=1, keepdims=True)
    xn = d * lax.rsqrt(var + EPS)
    xn = xn * sc_ref[2:3, :] + sc_ref[3:4, :]
    alpha = sc_ref[0:1, :]
    beta = sc_ref[1:2, :]
    xi = (1.0 - alpha) * xn + alpha * h0_ref[...]
    z = (1.0 - beta) * xi + beta * lax.dot_general(
        xi.astype(jnp.bfloat16), w_ref[...].astype(jnp.bfloat16),
        (((1,), (1,)), ((), ())),
        preferred_element_type=jnp.float32)
    h = z * jax.nn.sigmoid(z)
    zz = lax.dot_general(h.astype(jnp.bfloat16), wo_ref[...].astype(jnp.bfloat16),
                         (((1,), (1,)), ((), ())),
                         preferred_element_type=jnp.float32)
    zz = zz + bo_ref[...]
    m = jnp.max(zz, axis=1, keepdims=True)
    e = zz - m
    lse = jnp.log(jnp.sum(jnp.exp(e), axis=1, keepdims=True))
    o_ref[...] = e - lse


def _vert_out(p, h0, w, sc, wo, bo):
    return pl.pallas_call(
        _vert_out_body,
        grid=(VP // BR,),
        in_specs=[
            pl.BlockSpec((2, BR, F), lambda i: (0, i, 0)),
            pl.BlockSpec((BR, F), lambda i: (i, 0)),
            pl.BlockSpec((F, F), lambda i: (0, 0)),
            pl.BlockSpec((4, F), lambda i: (0, 0)),
            pl.BlockSpec((NCLASS, F), lambda i: (0, 0)),
            pl.BlockSpec((1, NCLASS), lambda i: (0, 0)),
        ],
        out_specs=pl.BlockSpec((BR, NCLASS), lambda i: (i, 0)),
        out_shape=jax.ShapeDtypeStruct((VP, NCLASS), jnp.float32),
    )(p, h0, w, sc, wo, bo)


def kernel(x, V, E, W_in, b_in, W0, alpha0, beta0, g0, bln0,
           W1, alpha1, beta1, g1, bln1, W_out, b_out):
    xp = jnp.zeros((VP, F), jnp.float32).at[:N].set(x)
    zeros = jnp.zeros((VP, F), jnp.float32)
    ones = jnp.ones((CE, F), jnp.float32)

    pad = jnp.arange(NNZP - NNZ, dtype=jnp.int32)
    Vp = jnp.concatenate([V, N + pad % (VP - N)])
    Ep = jnp.concatenate([E, NE + pad % (EP - NE)])

    h0 = _lin_silu(xp, W_in, b_in.reshape(1, F))

    sc0 = jnp.stack([jnp.broadcast_to(alpha0, (F,)),
                     jnp.broadcast_to(beta0, (F,)), g0, bln0])
    sc1 = jnp.stack([jnp.broadcast_to(alpha1, (F,)),
                     jnp.broadcast_to(beta1, (F,)), g1, bln1])

    (cnts,) = _cnt_edge(Ep, zeros, ones)
    (p_e,) = _seg_edge(h0, Vp, Ep, zeros)
    xe = _edge_combine(p_e, cnts)
    (p_v,) = _seg_vert(xe, Ep, Vp, zeros)
    h1 = _vert_combine(p_v, h0, W0, sc0)

    (p_e1,) = _seg_edge(h1, Vp, Ep, zeros)
    xe1 = _edge_combine(p_e1, cnts)
    (p_v1,) = _seg_vert(xe1, Ep, Vp, zeros)
    out = _vert_out(p_v1, h0, W1, sc1, W_out, b_out.reshape(1, NCLASS))
    return out[:N]

# --- scband reference (transcript-rebuilt; emitter-appended) ---
"""Pipeline reference for scband-uni-gcnii-67688684585240 (READ-ONLY COPY).

The authoritative reference and input builder live on the scoring server;
editing this copy changes nothing except your own understanding.
"""

import jax, jax.numpy as jnp
import numpy as np

N = 10000
NNZ = 320000
NE = 5000
NFEAT = 128
NHID = 128  # nhid(32) * nhead(4)
NCLASS = 16
NLAYER = 2
DEGE = 0.5
DEGV = 0.5
EPS = 1e-5


def _xavier(key, shape):
    fan_out, fan_in = shape
    limit = (6.0 / (fan_in + fan_out)) ** 0.5
    return jax.random.uniform(key, shape, minval=-limit, maxval=limit, dtype=jnp.float32)


def setup_inputs(seed: int = 0):
    key = jax.random.key(seed)
    ks = jax.random.split(key, 12)
    inp = {}
    inp['x'] = jax.random.normal(ks[0], (N, NFEAT), dtype=jnp.float32)
    inp['V'] = jax.random.randint(ks[1], (NNZ,), 0, N, dtype=jnp.int32)
    inp['E'] = jax.random.randint(ks[2], (NNZ,), 0, NE, dtype=jnp.int32)
    # input linear
    inp['W_in'] = _xavier(ks[3], (NHID, NFEAT))
    inp['b_in'] = jnp.zeros((NHID,), jnp.float32)
    # conv layer 0
    inp['W0'] = _xavier(ks[4], (NHID, NHID))
    inp['alpha0'] = jnp.asarray(0.1, jnp.float32)
    inp['beta0'] = jnp.asarray(0.5, jnp.float32)
    inp['g0'] = jnp.ones((NHID,), jnp.float32)
    inp['bln0'] = jnp.zeros((NHID,), jnp.float32)
    # conv layer 1
    inp['W1'] = _xavier(ks[5], (NHID, NHID))
    inp['alpha1'] = jnp.asarray(0.1, jnp.float32)
    inp['beta1'] = jnp.asarray(0.5, jnp.float32)
    inp['g1'] = jnp.ones((NHID,), jnp.float32)
    inp['bln1'] = jnp.zeros((NHID,), jnp.float32)
    # output linear
    inp['W_out'] = _xavier(ks[6], (NCLASS, NHID))
    inp['b_out'] = jnp.zeros((NCLASS,), jnp.float32)
    return inp


def _conv(X, X0, V, E, W, alpha, beta, g, bln):
    # UniGCNIIConv: vertex -> hyperedge mean aggregate, hyperedge -> vertex sum aggregate
    Xve = X[V]
    sums = jax.ops.segment_sum(Xve, E, num_segments=NE)
    cnt = jax.ops.segment_sum(jnp.ones((NNZ, 1), jnp.float32), E, num_segments=NE)
    Xe = sums / jnp.maximum(cnt, 1.0)
    Xe = Xe * DEGE
    Xev = Xe[E]
    Xv = jax.ops.segment_sum(Xev, V, num_segments=N)
    Xv = Xv * DEGV
    X = Xv + Xv  # residual path: in_features == out_features, residual = X itself
    # LayerNorm (use_norm=True)
    mu = jnp.mean(X, axis=-1, keepdims=True)
    var = jnp.var(X, axis=-1, keepdims=True)
    X = (X - mu) / jnp.sqrt(var + EPS) * g + bln
    Xi = (1.0 - alpha) * X + alpha * X0
    X = (1.0 - beta) * Xi + beta * (Xi @ W.T)
    return X


def reference(x, V, E, W_in, b_in, W0, alpha0, beta0, g0, bln0, W1, alpha1, beta1, g1, bln1, W_out, b_out):
    # dropout p=0.0 (eval), skipped
    h = jax.nn.silu(x @ W_in.T + b_in)
    h0 = h
    h = jax.nn.silu(_conv(h, h0, V, E, W0, alpha0, beta0, g0, bln0))
    h = jax.nn.silu(_conv(h, h0, V, E, W1, alpha1, beta1, g1, bln1))
    out = h @ W_out.T + b_out
    return jax.nn.log_softmax(out, axis=1)

if __name__ == "__main__":
    import jax
    _d = setup_inputs()
    print(jax.jit(kernel)(*tuple(_d.values())))

</pallas_src>

<mosaic_0001>
#map = affine_map<(d0, d1) -> (0, 0)>
#map1 = affine_map<(d0, d1) -> (0)>
#map2 = affine_map<(d0, d1) -> (0, 0, 0)>
module attributes {stable_mosaic.version = 14 : i64} {
  func.func @body(%arg0: i32, %arg1: i32, %arg2: memref<5120x128xf32, #tpu.memory_space<hbm>>, %arg3: memref<327680xi32, #tpu.memory_space<hbm>>, %arg4: memref<327680xi32, #tpu.memory_space<hbm>>, %arg5: memref<10240x128xf32, #tpu.memory_space<hbm>>, %arg6: memref<2x10240x128xf32, #tpu.memory_space<hbm>>, %arg7: memref<10240x128xf32, #tpu.memory_space<vmem_shared>>, %arg8: memref<80xi32, #tpu.memory_space<vmem>>, %arg9: memref<80xi32, #tpu.memory_space<vmem>>, %arg10: memref<80xi32, #tpu.memory_space<vmem>>, %arg11: memref<80xi32, #tpu.memory_space<vmem>>, %arg12: memref<80xi32, #tpu.memory_space<vmem>>, %arg13: memref<80xi32, #tpu.memory_space<vmem>>, %arg14: memref<80xi32, #tpu.memory_space<vmem>>, %arg15: memref<80xi32, #tpu.memory_space<vmem>>, %arg16: memref<80x128xf32, #tpu.memory_space<vmem>>, %arg17: memref<80x128xf32, #tpu.memory_space<vmem>>, %arg18: memref<80x128xf32, #tpu.memory_space<vmem>>, %arg19: memref<80x128xf32, #tpu.memory_space<vmem>>, %arg20: memref<!tpu.dma_semaphore, #tpu.memory_space<semaphore_mem>>, %arg21: memref<!tpu.dma_semaphore, #tpu.memory_space<semaphore_mem>>, %arg22: memref<!tpu.dma_semaphore, #tpu.memory_space<semaphore_mem>>, %arg23: memref<!tpu.dma_semaphore, #tpu.memory_space<semaphore_mem>>, %arg24: memref<!tpu.dma_semaphore, #tpu.memory_space<semaphore_mem>>, %arg25: memref<!tpu.dma_semaphore, #tpu.memory_space<semaphore_mem>>, %arg26: memref<!tpu.dma_semaphore, #tpu.memory_space<semaphore_mem>>, %arg27: memref<!tpu.dma_semaphore, #tpu.memory_space<semaphore_mem>>, %arg28: memref<!tpu.dma_semaphore, #tpu.memory_space<semaphore_mem>>, %arg29: memref<!tpu.dma_semaphore, #tpu.memory_space<semaphore_mem>>, %arg30: memref<!tpu.dma_semaphore, #tpu.memory_space<semaphore_mem>>, %arg31: memref<!tpu.dma_semaphore, #tpu.memory_space<semaphore_mem>>) attributes {dimension_semantics = [#tpu.dimension_semantics<core_parallel>, #tpu.dimension_semantics<subcore_parallel>], iteration_bounds = array<i64: 2, 16>, scalar_prefetch = 0 : i64, scratch_operands = 25 : i64, tpu.core_type = #tpu.core_type<sc_vector_subcore>, window_params = [{transform_indices = #map}, {transform_indices = #map1}, {transform_indices = #map1}, {transform_indices = #map}, {transform_indices = #map2}]} {
    %mul3A = arith.constant 16 : i32
    %mul3A_0 = arith.muli %arg0, %mul3A : i32
    %add3A = arith.addi %mul3A_0, %arg1 : i32
    %mul3A_1 = arith.constant 640 : i32
    %mul3A_2 = arith.muli %arg1, %mul3A_1 : i32
    "tpu.region"() ({
      %run_scoped3A = tpu.sem_alloc : memref<!tpu.dma_semaphore, #tpu.memory_space<semaphore_mem>>
      %dma_start3A_113 = arith.constant 0 : i32
      %dma_start3A_114 = tpu.memref_slice %arg7[%mul3A_2, %dma_start3A_113] : memref<10240x128xf32, #tpu.memory_space<vmem_shared>> -> memref<640x128xf32, #tpu.memory_space<vmem_shared>>
      %dma_start3A_115 = arith.constant 0 : i32
      %dma_start3A_116 = tpu.memref_slice %arg5[%mul3A_2, %dma_start3A_115] : memref<10240x128xf32, #tpu.memory_space<hbm>> -> memref<640x128xf32, #tpu.memory_space<hbm>>
      tpu.enqueue_dma source(%dma_start3A_116 : memref<640x128xf32, #tpu.memory_space<hbm>>) target(%dma_start3A_114 : memref<640x128xf32, #tpu.memory_space<vmem_shared>>) target_semaphore(%run_scoped3A : memref<!tpu.dma_semaphore, #tpu.memory_space<semaphore_mem>>)
      %dma_wait3A_117 = arith.constant 0 : i32
      %dma_wait3A_118 = tpu.memref_slice %arg7[%mul3A_2, %dma_wait3A_117] : memref<10240x128xf32, #tpu.memory_space<vmem_shared>> -> memref<640x128xf32, #tpu.memory_space<vmem_shared>>
      %dma_wait3A_119 = arith.constant 0 : i32
      %dma_wait3A_120 = tpu.memref_slice %arg5[%mul3A_2, %dma_wait3A_119] : memref<10240x128xf32, #tpu.memory_space<hbm>> -> memref<640x128xf32, #tpu.memory_space<hbm>>
      tpu.wait_dma2 semaphore(%run_scoped3A : memref<!tpu.dma_semaphore, #tpu.memory_space<semaphore_mem>>) src(%dma_wait3A_120 : memref<640x128xf32, #tpu.memory_space<hbm>>) dst(%dma_wait3A_118 : memref<640x128xf32, #tpu.memory_space<vmem_shared>>)
      tpu.yield
    }) : () -> ()
    %barrier3A = arith.constant 0 : index
    tpu.barrier barrier_id(%barrier3A)
    %mul3A_3 = arith.constant 10240 : i32
    %mul3A_4 = arith.muli %add3A, %mul3A_3 : i32
    %add3A_5 = arith.constant 0 : i32
    %add3A_6 = arith.addi %mul3A_4, %add3A_5 : i32
    %dma_start3A = tpu.memref_slice %arg3[%add3A_6] : memref<327680xi32, #tpu.memory_space<hbm>> -> memref<80xi32, #tpu.memory_space<hbm>>
    %dma_start3A_7 = tpu.memref_slice %arg3[%add3A_6] : memref<327680xi32, #tpu.memory_space<hbm>> -> memref<80xi32, #tpu.memory_space<hbm>>
    tpu.enqueue_dma source(%dma_start3A_7 : memref<80xi32, #tpu.memory_space<hbm>>) target(%arg8 : memref<80xi32, #tpu.memory_space<vmem>>) target_semaphore(%arg20 : memref<!tpu.dma_semaphore, #tpu.memory_space<semaphore_mem>>)
    %dma_start3A_8 = tpu.memref_slice %arg4[%add3A_6] : memref<327680xi32, #tpu.memory_space<hbm>> -> memref<80xi32, #tpu.memory_space<hbm>>
    %dma_start3A_9 = tpu.memref_slice %arg4[%add3A_6] : memref<327680xi32, #tpu.memory_space<hbm>> -> memref<80xi32, #tpu.memory_space<hbm>>
    tpu.enqueue_dma source(%dma_start3A_9 : memref<80xi32, #tpu.memory_space<hbm>>) target(%arg12 : memref<80xi32, #tpu.memory_space<vmem>>) target_semaphore(%arg20 : memref<!tpu.dma_semaphore, #tpu.memory_space<semaphore_mem>>)
    %add3A_10 = arith.constant 80 : i32
    %add3A_11 = arith.addi %mul3A_4, %add3A_10 : i32
    %dma_start3A_12 = tpu.memref_slice %arg3[%add3A_11] : memref<327680xi32, #tpu.memory_space<hbm>> -> memref<80xi32, #tpu.memory_space<hbm>>
    %dma_start3A_13 = tpu.memref_slice %arg3[%add3A_11] : memref<327680xi32, #tpu.memory_space<hbm>> -> memref<80xi32, #tpu.memory_space<hbm>>
    tpu.enqueue_dma source(%dma_start3A_13 : memref<80xi32, #tpu.memory_space<hbm>>) target(%arg9 : memref<80xi32, #tpu.memory_space<vmem>>) target_semaphore(%arg21 : memref<!tpu.dma_semaphore, #tpu.memory_space<semaphore_mem>>)
    %dma_start3A_14 = tpu.memref_slice %arg4[%add3A_11] : memref<327680xi32, #tpu.memory_space<hbm>> -> memref<80xi32, #tpu.memory_space<hbm>>
    %dma_start3A_15 = tpu.memref_slice %arg4[%add3A_11] : memref<327680xi32, #tpu.memory_space<hbm>> -> memref<80xi32, #tpu.memory_space<hbm>>
    tpu.enqueue_dma source(%dma_start3A_15 : memref<80xi32, #tpu.memory_space<hbm>>) target(%arg13 : memref<80xi32, #tpu.memory_space<vmem>>) target_semaphore(%arg21 : memref<!tpu.dma_semaphore, #tpu.memory_space<semaphore_mem>>)
    %dma_wait3A = arith.constant 0 : i32
    %dma_wait3A_16 = tpu.memref_slice %arg3[%dma_wait3A] : memref<327680xi32, #tpu.memory_space<hbm>> -> memref<80xi32, #tpu.memory_space<hbm>>
    %dma_wait3A_17 = arith.constant 0 : i32
    %dma_wait3A_18 = tpu.memref_slice %arg3[%dma_wait3A_17] : memref<327680xi32, #tpu.memory_space<hbm>> -> memref<80xi32, #tpu.memory_space<hbm>>
    tpu.wait_dma2 semaphore(%arg20 : memref<!tpu.dma_semaphore, #tpu.memory_space<semaphore_mem>>) src(%dma_wait3A_18 : memref<80xi32, #tpu.memory_space<hbm>>) dst(%arg8 : memref<80xi32, #tpu.memory_space<vmem>>)
    %dma_wait3A_19 = arith.constant 0 : i32
    %dma_wait3A_20 = tpu.memref_slice %arg4[%dma_wait3A_19] : memref<327680xi32, #tpu.memory_space<hbm>> -> memref<80xi32, #tpu.memory_space<hbm>>
    %dma_wait3A_21 = arith.constant 0 : i32
    %dma_wait3A_22 = tpu.memref_slice %arg4[%dma_wait3A_21] : memref<327680xi32, #tpu.memory_space<hbm>> -> memref<80xi32, #tpu.memory_space<hbm>>
    tpu.wait_dma2 semaphore(%arg20 : memref<!tpu.dma_semaphore, #tpu.memory_space<semaphore_mem>>) src(%dma_wait3A_22 : memref<80xi32, #tpu.memory_space<hbm>>) dst(%arg12 : memref<80xi32, #tpu.memory_space<vmem>>)
    %dma_start3A_23 = arith.constant 0 : i32
    %dma_start3A_24 = arith.constant 0 : i32
    %dma_start3A_25 = tpu.memref_slice %arg2[%dma_start3A_23, %dma_start3A_24] : memref<5120x128xf32, #tpu.memory_space<hbm>> -> memref<5120x128xf32, #tpu.memory_space<hbm>>
    tpu.enqueue_indirect_dma source(%dma_start3A_25 : memref<5120x128xf32, #tpu.memory_space<hbm>>) target(%arg16 : memref<80x128xf32, #tpu.memory_space<vmem>>) offsets(%arg8 : memref<80xi32, #tpu.memory_space<vmem>>) semaphore(%arg24 : memref<!tpu.dma_semaphore, #tpu.memory_space<semaphore_mem>>)
    %add3A_26 = arith.constant 160 : i32
    %add3A_27 = arith.addi %mul3A_4, %add3A_26 : i32
    %dma_start3A_28 = tpu.memref_slice %arg3[%add3A_27] : memref<327680xi32, #tpu.memory_space<hbm>> -> memref<80xi32, #tpu.memory_space<hbm>>
    %dma_start3A_29 = tpu.memref_slice %arg3[%add3A_27] : memref<327680xi32, #tpu.memory_space<hbm>> -> memref<80xi32, #tpu.memory_space<hbm>>
    tpu.enqueue_dma source(%dma_start3A_29 : memref<80xi32, #tpu.memory_space<hbm>>) target(%arg10 : memref<80xi32, #tpu.memory_space<vmem>>) target_semaphore(%arg22 : memref<!tpu.dma_semaphore, #tpu.memory_space<semaphore_mem>>)
    %dma_start3A_30 = tpu.memref_slice %arg4[%add3A_27] : memref<327680xi32, #tpu.memory_space<hbm>> -> memref<80xi32, #tpu.memory_space<hbm>>
    %dma_start3A_31 = tpu.memref_slice %arg4[%add3A_27] : memref<327680xi32, #tpu.memory_space<hbm>> -> memref<80xi32, #tpu.memory_space<hbm>>
    tpu.enqueue_dma source(%dma_start3A_31 : memref<80xi32, #tpu.memory_space<hbm>>) target(%arg14 : memref<80xi32, #tpu.memory_space<vmem>>) target_semaphore(%arg22 : memref<!tpu.dma_semaphore, #tpu.memory_space<semaphore_mem>>)
    %dma_wait3A_32 = arith.constant 0 : i32
    %dma_wait3A_33 = tpu.memref_slice %arg3[%dma_wait3A_32] : memref<327680xi32, #tpu.memory_space<hbm>> -> memref<80xi32, #tpu.memory_space<hbm>>
    %dma_wait3A_34 = arith.constant 0 : i32
    %dma_wait3A_35 = tpu.memref_slice %arg3[%dma_wait3A_34] : memref<327680xi32, #tpu.memory_space<hbm>> -> memref<80xi32, #tpu.memory_space<hbm>>
    tpu.wait_dma2 semaphore(%arg21 : memref<!tpu.dma_semaphore, #tpu.memory_space<semaphore_mem>>) src(%dma_wait3A_35 : memref<80xi32, #tpu.memory_space<hbm>>) dst(%arg9 : memref<80xi32, #tpu.memory_space<vmem>>)
    %dma_wait3A_36 = arith.constant 0 : i32
    %dma_wait3A_37 = tpu.memref_slice %arg4[%dma_wait3A_36] : memref<327680xi32, #tpu.memory_space<hbm>> -> memref<80xi32, #tpu.memory_space<hbm>>
    %dma_wait3A_38 = arith.constant 0 : i32
    %dma_wait3A_39 = tpu.memref_slice %arg4[%dma_wait3A_38] : memref<327680xi32, #tpu.memory_space<hbm>> -> memref<80xi32, #tpu.memory_space<hbm>>
    tpu.wait_dma2 semaphore(%arg21 : memref<!tpu.dma_semaphore, #tpu.memory_space<semaphore_mem>>) src(%dma_wait3A_39 : memref<80xi32, #tpu.memory_space<hbm>>) dst(%arg13 : memref<80xi32, #tpu.memory_space<vmem>>)
    %dma_start3A_40 = arith.constant 0 : i32
    %dma_start3A_41 = arith.constant 0 : i32
    %dma_start3A_42 = tpu.memref_slice %arg2[%dma_start3A_40, %dma_start3A_41] : memref<5120x128xf32, #tpu.memory_space<hbm>> -> memref<5120x128xf32, #tpu.memory_space<hbm>>
    tpu.enqueue_indirect_dma source(%dma_start3A_42 : memref<5120x128xf32, #tpu.memory_space<hbm>>) target(%arg17 : memref<80x128xf32, #tpu.memory_space<vmem>>) offsets(%arg9 : memref<80xi32, #tpu.memory_space<vmem>>) semaphore(%arg25 : memref<!tpu.dma_semaphore, #tpu.memory_space<semaphore_mem>>)
    %dma_wait3A_43 = arith.constant 0 : i32
    %dma_wait3A_44 = arith.constant 0 : i32
    %dma_wait3A_45 = tpu.memref_slice %arg2[%dma_wait3A_43, %dma_wait3A_44] : memref<5120x128xf32, #tpu.memory_space<hbm>> -> memref<5120x128xf32, #tpu.memory_space<hbm>>
    tpu.wait_indirect_dma semaphore(%arg24 : memref<!tpu.dma_semaphore, #tpu.memory_space<semaphore_mem>>) src(%dma_wait3A_45 : memref<5120x128xf32, #tpu.memory_space<hbm>>) dst(%arg16 : memref<80x128xf32, #tpu.memory_space<vmem>>)
    %dma_start3A_46 = arith.constant 0 : i32
    %dma_start3A_47 = arith.constant 0 : i32
    %dma_start3A_48 = tpu.memref_slice %arg7[%dma_start3A_46, %dma_start3A_47] : memref<10240x128xf32, #tpu.memory_space<vmem_shared>> -> memref<10240x128xf32, #tpu.memory_space<vmem_shared>>
    tpu.enqueue_indirect_dma source(%arg16 : memref<80x128xf32, #tpu.memory_space<vmem>>) target(%dma_start3A_48 : memref<10240x128xf32, #tpu.memory_space<vmem_shared>>) offsets(%arg12 : memref<80xi32, #tpu.memory_space<vmem>>) semaphore(%arg28 : memref<!tpu.dma_semaphore, #tpu.memory_space<semaphore_mem>>) {add = true}
    %add3A_49 = arith.constant 240 : i32
    %add3A_50 = arith.addi %mul3A_4, %add3A_49 : i32
    %dma_start3A_51 = tpu.memref_slice %arg3[%add3A_50] : memref<327680xi32, #tpu.memory_space<hbm>> -> memref<80xi32, #tpu.memory_space<hbm>>
    %dma_start3A_52 = tpu.memref_slice %arg3[%add3A_50] : memref<327680xi32, #tpu.memory_space<hbm>> -> memref<80xi32, #tpu.memory_space<hbm>>
    tpu.enqueue_dma source(%dma_start3A_52 : memref<80xi32, #tpu.memory_space<hbm>>) target(%arg11 : memref<80xi32, #tpu.memory_space<vmem>>) target_semaphore(%arg23 : memref<!tpu.dma_semaphore, #tpu.memory_space<semaphore_mem>>)
    %dma_start3A_53 = tpu.memref_slice %arg4[%add3A_50] : memref<327680xi32, #tpu.memory_space<hbm>> -> memref<80xi32, #tpu.memory_space<hbm>>
    %dma_start3A_54 = tpu.memref_slice %arg4[%add3A_50] : memref<327680xi32, #tpu.memory_space<hbm>> -> memref<80xi32, #tpu.memory_space<hbm>>
    tpu.enqueue_dma source(%dma_start3A_54 : memref<80xi32, #tpu.memory_space<hbm>>) target(%arg15 : memref<80xi32, #tpu.memory_space<vmem>>) target_semaphore(%arg23 : memref<!tpu.dma_semaphore, #tpu.memory_space<semaphore_mem>>)
    %dma_wait3A_55 = arith.constant 0 : i32
    %dma_wait3A_56 = tpu.memref_slice %arg3[%dma_wait3A_55] : memref<327680xi32, #tpu.memory_space<hbm>> -> memref<80xi32, #tpu.memory_space<hbm>>
    %dma_wait3A_57 = arith.constant 0 : i32
    %dma_wait3A_58 = tpu.memref_slice %arg3[%dma_wait3A_57] : memref<327680xi32, #tpu.memory_space<hbm>> -> memref<80xi32, #tpu.memory_space<hbm>>
    tpu.wait_dma2 semaphore(%arg22 : memref<!tpu.dma_semaphore, #tpu.memory_space<semaphore_mem>>) src(%dma_wait3A_58 : memref<80xi32, #tpu.memory_space<hbm>>) dst(%arg10 : memref<80xi32, #tpu.memory_space<vmem>>)
    %dma_wait3A_59 = arith.constant 0 : i32
    %dma_wait3A_60 = tpu.memref_slice %arg4[%dma_wait3A_59] : memref<327680xi32, #tpu.memory_space<hbm>> -> memref<80xi32, #tpu.memory_space<hbm>>
    %dma_wait3A_61 = arith.constant 0 : i32
    %dma_wait3A_62 = tpu.memref_slice %arg4[%dma_wait3A_61] : memref<327680xi32, #tpu.memory_space<hbm>> -> memref<80xi32, #tpu.memory_space<hbm>>
    tpu.wait_dma2 semaphore(%arg22 : memref<!tpu.dma_semaphore, #tpu.memory_space<semaphore_mem>>) src(%dma_wait3A_62 : memref<80xi32, #tpu.memory_space<hbm>>) dst(%arg14 : memref<80xi32, #tpu.memory_space<vmem>>)
    %dma_start3A_63 = arith.constant 0 : i32
    %dma_start3A_64 = arith.constant 0 : i32
    %dma_start3A_65 = tpu.memref_slice %arg2[%dma_start3A_63, %dma_start3A_64] : memref<5120x128xf32, #tpu.memory_space<hbm>> -> memref<5120x128xf32, #tpu.memory_space<hbm>>
    tpu.enqueue_indirect_dma source(%dma_start3A_65 : memref<5120x128xf32, #tpu.memory_space<hbm>>) target(%arg18 : memref<80x128xf32, #tpu.memory_space<vmem>>) offsets(%arg10 : memref<80xi32, #tpu.memory_space<vmem>>) semaphore(%arg26 : memref<!tpu.dma_semaphore, #tpu.memory_space<semaphore_mem>>)
    %dma_wait3A_66 = arith.constant 0 : i32
    %dma_wait3A_67 = arith.constant 0 : i32
    %dma_wait3A_68 = tpu.memref_slice %arg2[%dma_wait3A_66, %dma_wait3A_67] : memref<5120x128xf32, #tpu.memory_space<hbm>> -> memref<5120x128xf32, #tpu.memory_space<hbm>>
    tpu.wait_indirect_dma semaphore(%arg25 : memref<!tpu.dma_semaphore, #tpu.memory_space<semaphore_mem>>) src(%dma_wait3A_68 : memref<5120x128xf32, #tpu.memory_space<hbm>>) dst(%arg17 : memref<80x128xf32, #tpu.memory_space<vmem>>)
    %dma_start3A_69 = arith.constant 0 : i32
    %dma_start3A_70 = arith.constant 0 : i32
    %dma_start3A_71 = tpu.memref_slice %arg7[%dma_start3A_69, %dma_start3A_70] : memref<10240x128xf32, #tpu.memory_space<vmem_shared>> -> memref<10240x128xf32, #tpu.memory_space<vmem_shared>>
    tpu.enqueue_indirect_dma source(%arg17 : memref<80x128xf32, #tpu.memory_space<vmem>>) target(%dma_start3A_71 : memref<10240x128xf32, #tpu.memory_space<vmem_shared>>) offsets(%arg13 : memref<80xi32, #tpu.memory_space<vmem>>) semaphore(%arg29 : memref<!tpu.dma_semaphore, #tpu.memory_space<semaphore_mem>>) {add = true}
    %scan3A = arith.constant 0 : i32
    %scan3A_72 = arith.constant 1 : i32
    %scan3A_73 = arith.constant 31 : i32
    %scan3A_74 = arith.addi %scan3A_72, %scan3A_73 : i32
    %scan3A_75 = arith.constant 1 : i32
    scf.for %scan3A_113 = %scan3A_72 to %scan3A_74 step %scan3A_75  : i32 {
      %mul3A_114 = arith.constant 4 : i32
      %mul3A_115 = arith.muli %scan3A_113, %mul3A_114 : i32
      %add3A_116 = arith.constant 0 : i32
      %add3A_117 = arith.addi %mul3A_115, %add3A_116 : i32
      %dma_wait3A_118 = arith.constant 0 : i32
      %dma_wait3A_119 = arith.constant 0 : i32
      %dma_wait3A_120 = tpu.memref_slice %arg7[%dma_wait3A_118, %dma_wait3A_119] : memref<10240x128xf32, #tpu.memory_space<vmem_shared>> -> memref<10240x128xf32, #tpu.memory_space<vmem_shared>>
      tpu.wait_indirect_dma semaphore(%arg28 : memref<!tpu.dma_semaphore, #tpu.memory_space<semaphore_mem>>) src(%arg16 : memref<80x128xf32, #tpu.memory_space<vmem>>) dst(%dma_wait3A_120 : memref<10240x128xf32, #tpu.memory_space<vmem_shared>>)
      %mul3A_121 = arith.constant 80 : i32
      %mul3A_122 = arith.muli %add3A_117, %mul3A_121 : i32
      %add3A_123 = arith.addi %mul3A_4, %mul3A_122 : i32
      %dma_start3A_124 = tpu.memref_slice %arg3[%add3A_123] : memref<327680xi32, #tpu.memory_space<hbm>> -> memref<80xi32, #tpu.memory_space<hbm>>
      %dma_start3A_125 = tpu.memref_slice %arg3[%add3A_123] : memref<327680xi32, #tpu.memory_space<hbm>> -> memref<80xi32, #tpu.memory_space<hbm>>
      tpu.enqueue_dma source(%dma_start3A_125 : memref<80xi32, #tpu.memory_space<hbm>>) target(%arg8 : memref<80xi32, #tpu.memory_space<vmem>>) target_semaphore(%arg20 : memref<!tpu.dma_semaphore, #tpu.memory_space<semaphore_mem>>)
      %dma_start3A_126 = tpu.memref_slice %arg4[%add3A_123] : memref<327680xi32, #tpu.memory_space<hbm>> -> memref<80xi32, #tpu.memory_space<hbm>>
      %dma_start3A_127 = tpu.memref_slice %arg4[%add3A_123] : memref<327680xi32, #tpu.memory_space<hbm>> -> memref<80xi32, #tpu.memory_space<hbm>>
      tpu.enqueue_dma source(%dma_start3A_127 : memref<80xi32, #tpu.memory_space<hbm>>) target(%arg12 : memref<80xi32, #tpu.memory_space<vmem>>) target_semaphore(%arg20 : memref<!tpu.dma_semaphore, #tpu.memory_space<semaphore_mem>>)
      %dma_wait3A_128 = arith.constant 0 : i32
      %dma_wait3A_129 = tpu.memref_slice %arg3[%dma_wait3A_128] : memref<327680xi32, #tpu.memory_space<hbm>> -> memref<80xi32, #tpu.memory_space<hbm>>
      %dma_wait3A_130 = arith.constant 0 : i32
      %dma_wait3A_131 = tpu.memref_slice %arg3[%dma_wait3A_130] : memref<327680xi32, #tpu.memory_space<hbm>> -> memref<80xi32, #tpu.memory_space<hbm>>
      tpu.wait_dma2 semaphore(%arg23 : memref<!tpu.dma_semaphore, #tpu.memory_space<semaphore_mem>>) src(%dma_wait3A_131 : memref<80xi32, #tpu.memory_space<hbm>>) dst(%arg11 : memref<80xi32, #tpu.memory_space<vmem>>)
      %dma_wait3A_132 = arith.constant 0 : i32
      %dma_wait3A_133 = tpu.memref_slice %arg4[%dma_wait3A_132] : memref<327680xi32, #tpu.memory_space<hbm>> -> memref<80xi32, #tpu.memory_space<hbm>>
      %dma_wait3A_134 = arith.constant 0 : i32
      %dma_wait3A_135 = tpu.memref_slice %arg4[%dma_wait3A_134] : memref<327680xi32, #tpu.memory_space<hbm>> -> memref<80xi32, #tpu.memory_space<hbm>>
      tpu.wait_dma2 semaphore(%arg23 : memref<!tpu.dma_semaphore, #tpu.memory_space<semaphore_mem>>) src(%dma_wait3A_135 : memref<80xi32, #tpu.memory_space<hbm>>) dst(%arg15 : memref<80xi32, #tpu.memory_space<vmem>>)
      %dma_start3A_136 = arith.constant 0 : i32
      %dma_start3A_137 = arith.constant 0 : i32
      %dma_start3A_138 = tpu.memref_slice %arg2[%dma_start3A_136, %dma_start3A_137] : memref<5120x128xf32, #tpu.memory_space<hbm>> -> memref<5120x128xf32, #tpu.memory_space<hbm>>
      tpu.enqueue_indirect_dma source(%dma_start3A_138 : memref<5120x128xf32, #tpu.memory_space<hbm>>) target(%arg19 : memref<80x128xf32, #tpu.memory_space<vmem>>) offsets(%arg11 : memref<80xi32, #tpu.memory_space<vmem>>) semaphore(%arg27 : memref<!tpu.dma_semaphore, #tpu.memory_space<semaphore_mem>>)
      %dma_wait3A_139 = arith.constant 0 : i32
      %dma_wait3A_140 = arith.constant 0 : i32
      %dma_wait3A_141 = tpu.memref_slice %arg2[%dma_wait3A_139, %dma_wait3A_140] : memref<5120x128xf32, #tpu.memory_space<hbm>> -> memref<5120x128xf32, #tpu.memory_space<hbm>>
      tpu.wait_indirect_dma semaphore(%arg26 : memref<!tpu.dma_semaphore, #tpu.memory_space<semaphore_mem>>) src(%dma_wait3A_141 : memref<5120x128xf32, #tpu.memory_space<hbm>>) dst(%arg18 : memref<80x128xf32, #tpu.memory_space<vmem>>)
      %dma_start3A_142 = arith.constant 0 : i32
      %dma_start3A_143 = arith.constant 0 : i32
      %dma_start3A_144 = tpu.memref_slice %arg7[%dma_start3A_142, %dma_start3A_143] : memref<10240x128xf32, #tpu.memory_space<vmem_shared>> -> memref<10240x128xf32, #tpu.memory_space<vmem_shared>>
      tpu.enqueue_indirect_dma source(%arg18 : memref<80x128xf32, #tpu.memory_space<vmem>>) target(%dma_start3A_144 : memref<10240x128xf32, #tpu.memory_space<vmem_shared>>) offsets(%arg14 : memref<80xi32, #tpu.memory_space<vmem>>) semaphore(%arg30 : memref<!tpu.dma_semaphore, #tpu.memory_space<semaphore_mem>>) {add = true}
      %mul3A_145 = arith.constant 4 : i32
      %mul3A_146 = arith.muli %scan3A_113, %mul3A_145 : i32
      %add3A_147 = arith.constant 1 : i32
      %add3A_148 = arith.addi %mul3A_146, %add3A_147 : i32
      %dma_wait3A_149 = arith.constant 0 : i32
      %dma_wait3A_150 = arith.constant 0 : i32
      %dma_wait3A_151 = tpu.memref_slice %arg7[%dma_wait3A_149, %dma_wait3A_150] : memref<10240x128xf32, #tpu.memory_space<vmem_shared>> -> memref<10240x128xf32, #tpu.memory_space<vmem_shared>>
      tpu.wait_indirect_dma semaphore(%arg29 : memref<!tpu.dma_semaphore, #tpu.memory_space<semaphore_mem>>) src(%arg17 : memref<80x128xf32, #tpu.memory_space<vmem>>) dst(%dma_wait3A_151 : memref<10240x128xf32, #tpu.memory_space<vmem_shared>>)
      %mul3A_152 = arith.constant 80 : i32
      %mul3A_153 = arith.muli %add3A_148, %mul3A_152 : i32
      %add3A_154 = arith.addi %mul3A_4, %mul3A_153 : i32
      %dma_start3A_155 = tpu.memref_slice %arg3[%add3A_154] : memref<327680xi32, #tpu.memory_space<hbm>> -> memref<80xi32, #tpu.memory_space<hbm>>
      %dma_start3A_156 = tpu.memref_slice %arg3[%add3A_154] : memref<327680xi32, #tpu.memory_space<hbm>> -> memref<80xi32, #tpu.memory_space<hbm>>
      tpu.enqueue_dma source(%dma_start3A_156 : memref<80xi32, #tpu.memory_space<hbm>>) target(%arg9 : memref<80xi32, #tpu.memory_space<vmem>>) target_semaphore(%arg21 : memref<!tpu.dma_semaphore, #tpu.memory_space<semaphore_mem>>)
      %dma_start3A_157 = tpu.memref_slice %arg4[%add3A_154] : memref<327680xi32, #tpu.memory_space<hbm>> -> memref<80xi32, #tpu.memory_space<hbm>>
      %dma_start3A_158 = tpu.memref_slice %arg4[%add3A_154] : memref<327680xi32, #tpu.memory_space<hbm>> -> memref<80xi32, #tpu.memory_space<hbm>>
      tpu.enqueue_dma source(%dma_start3A_158 : memref<80xi32, #tpu.memory_space<hbm>>) target(%arg13 : memref<80xi32, #tpu.memory_space<vmem>>) target_semaphore(%arg21 : memref<!tpu.dma_semaphore, #tpu.memory_space<semaphore_mem>>)
      %dma_wait3A_159 = arith.constant 0 : i32
      %dma_wait3A_160 = tpu.memref_slice %arg3[%dma_wait3A_159] : memref<327680xi32, #tpu.memory_space<hbm>> -> memref<80xi32, #tpu.memory_space<hbm>>
      %dma_wait3A_161 = arith.constant 0 : i32
      %dma_wait3A_162 = tpu.memref_slice %arg3[%dma_wait3A_161] : memref<327680xi32, #tpu.memory_space<hbm>> -> memref<80xi32, #tpu.memory_space<hbm>>
      tpu.wait_dma2 semaphore(%arg20 : memref<!tpu.dma_semaphore, #tpu.memory_space<semaphore_mem>>) src(%dma_wait3A_162 : memref<80xi32, #tpu.memory_space<hbm>>) dst(%arg8 : memref<80xi32, #tpu.memory_space<vmem>>)
      %dma_wait3A_163 = arith.constant 0 : i32
      %dma_wait3A_164 = tpu.memref_slice %arg4[%dma_wait3A_163] : memref<327680xi32, #tpu.memory_space<hbm>> -> memref<80xi32, #tpu.memory_space<hbm>>
      %dma_wait3A_165 = arith.constant 0 : i32
      %dma_wait3A_166 = tpu.memref_slice %arg4[%dma_wait3A_165] : memref<327680xi32, #tpu.memory_space<hbm>> -> memref<80xi32, #tpu.memory_space<hbm>>
      tpu.wait_dma2 semaphore(%arg20 : memref<!tpu.dma_semaphore, #tpu.memory_space<semaphore_mem>>) src(%dma_wait3A_166 : memref<80xi32, #tpu.memory_space<hbm>>) dst(%arg12 : memref<80xi32, #tpu.memory_space<vmem>>)
      %dma_start3A_167 = arith.constant 0 : i32
      %dma_start3A_168 = arith.constant 0 : i32
      %dma_start3A_169 = tpu.memref_slice %arg2[%dma_start3A_167, %dma_start3A_168] : memref<5120x128xf32, #tpu.memory_space<hbm>> -> memref<5120x128xf32, #tpu.memory_space<hbm>>
      tpu.enqueue_indirect_dma source(%dma_start3A_169 : memref<5120x128xf32, #tpu.memory_space<hbm>>) target(%arg16 : memref<80x128xf32, #tpu.memory_space<vmem>>) offsets(%arg8 : memref<80xi32, #tpu.memory_space<vmem>>) semaphore(%arg24 : memref<!tpu.dma_semaphore, #tpu.memory_space<semaphore_mem>>)
      %dma_wait3A_170 = arith.constant 0 : i32
      %dma_wait3A_171 = arith.constant 0 : i32
      %dma_wait3A_172 = tpu.memref_slice %arg2[%dma_wait3A_170, %dma_wait3A_171] : memref<5120x128xf32, #tpu.memory_space<hbm>> -> memref<5120x128xf32, #tpu.memory_space<hbm>>
      tpu.wait_indirect_dma semaphore(%arg27 : memref<!tpu.dma_semaphore, #tpu.memory_space<semaphore_mem>>) src(%dma_wait3A_172 : memref<5120x128xf32, #tpu.memory_space<hbm>>) dst(%arg19 : memref<80x128xf32, #tpu.memory_space<vmem>>)
      %dma_start3A_173 = arith.constant 0 : i32
      %dma_start3A_174 = arith.constant 0 : i32
      %dma_start3A_175 = tpu.memref_slice %arg7[%dma_start3A_173, %dma_start3A_174] : memref<10240x128xf32, #tpu.memory_space<vmem_shared>> -> memref<10240x128xf32, #tpu.memory_space<vmem_shared>>
      tpu.enqueue_indirect_dma source(%arg19 : memref<80x128xf32, #tpu.memory_space<vmem>>) target(%dma_start3A_175 : memref<10240x128xf32, #tpu.memory_space<vmem_shared>>) offsets(%arg15 : memref<80xi32, #tpu.memory_space<vmem>>) semaphore(%arg31 : memref<!tpu.dma_semaphore, #tpu.memory_space<semaphore_mem>>) {add = true}
      %mul3A_176 = arith.constant 4 : i32
      %mul3A_177 = arith.muli %scan3A_113, %mul3A_176 : i32
      %add3A_178 = arith.constant 2 : i32
      %add3A_179 = arith.addi %mul3A_177, %add3A_178 : i32
      %dma_wait3A_180 = arith.constant 0 : i32
      %dma_wait3A_181 = arith.constant 0 : i32
      %dma_wait3A_182 = tpu.memref_slice %arg7[%dma_wait3A_180, %dma_wait3A_181] : memref<10240x128xf32, #tpu.memory_space<vmem_shared>> -> memref<10240x128xf32, #tpu.memory_space<vmem_shared>>
      tpu.wait_indirect_dma semaphore(%arg30 : memref<!tpu.dma_semaphore, #tpu.memory_space<semaphore_mem>>) src(%arg18 : memref<80x128xf32, #tpu.memory_space<vmem>>) dst(%dma_wait3A_182 : memref<10240x128xf32, #tpu.memory_space<vmem_shared>>)
      %mul3A_183 = arith.constant 80 : i32
      %mul3A_184 = arith.muli %add3A_179, %mul3A_183 : i32
      %add3A_185 = arith.addi %mul3A_4, %mul3A_184 : i32
      %dma_start3A_186 = tpu.memref_slice %arg3[%add3A_185] : memref<327680xi32, #tpu.memory_space<hbm>> -> memref<80xi32, #tpu.memory_space<hbm>>
      %dma_start3A_187 = tpu.memref_slice %arg3[%add3A_185] : memref<327680xi32, #tpu.memory_space<hbm>> -> memref<80xi32, #tpu.memory_space<hbm>>
      tpu.enqueue_dma source(%dma_start3A_187 : memref<80xi32, #tpu.memory_space<hbm>>) target(%arg10 : memref<80xi32, #tpu.memory_space<vmem>>) target_semaphore(%arg22 : memref<!tpu.dma_semaphore, #tpu.memory_space<semaphore_mem>>)
      %dma_start3A_188 = tpu.memref_slice %arg4[%add3A_185] : memref<327680xi32, #tpu.memory_space<hbm>> -> memref<80xi32, #tpu.memory_space<hbm>>
      %dma_start3A_189 = tpu.memref_slice %arg4[%add3A_185] : memref<327680xi32, #tpu.memory_space<hbm>> -> memref<80xi32, #tpu.memory_space<hbm>>
      tpu.enqueue_dma source(%dma_start3A_189 : memref<80xi32, #tpu.memory_space<hbm>>) target(%arg14 : memref<80xi32, #tpu.memory_space<vmem>>) target_semaphore(%arg22 : memref<!tpu.dma_semaphore, #tpu.memory_space<semaphore_mem>>)
      %dma_wait3A_190 = arith.constant 0 : i32
      %dma_wait3A_191 = tpu.memref_slice %arg3[%dma_wait3A_190] : memref<327680xi32, #tpu.memory_space<hbm>> -> memref<80xi32, #tpu.memory_space<hbm>>
      %dma_wait3A_192 = arith.constant 0 : i32
      %dma_wait3A_193 = tpu.memref_slice %arg3[%dma_wait3A_192] : memref<327680xi32, #tpu.memory_space<hbm>> -> memref<80xi32, #tpu.memory_space<hbm>>
      tpu.wait_dma2 semaphore(%arg21 : memref<!tpu.dma_semaphore, #tpu.memory_space<semaphore_mem>>) src(%dma_wait3A_193 : memref<80xi32, #tpu.memory_space<hbm>>) dst(%arg9 : memref<80xi32, #tpu.memory_space<vmem>>)
      %dma_wait3A_194 = arith.constant 0 : i32
      %dma_wait3A_195 = tpu.memref_slice %arg4[%dma_wait3A_194] : memref<327680xi32, #tpu.memory_space<hbm>> -> memref<80xi32, #tpu.memory_space<hbm>>
      %dma_wait3A_196 = arith.constant 0 : i32
      %dma_wait3A_197 = tpu.memref_slice %arg4[%dma_wait3A_196] : memref<327680xi32, #tpu.memory_space<hbm>> -> memref<80xi32, #tpu.memory_space<hbm>>
      tpu.wait_dma2 semaphore(%arg21 : memref<!tpu.dma_semaphore, #tpu.memory_space<semaphore_mem>>) src(%dma_wait3A_197 : memref<80xi32, #tpu.memory_space<hbm>>) dst(%arg13 : memref<80xi32, #tpu.memory_space<vmem>>)
      %dma_start3A_198 = arith.constant 0 : i32
      %dma_start3A_199 = arith.constant 0 : i32
      %dma_start3A_200 = tpu.memref_slice %arg2[%dma_start3A_198, %dma_start3A_199] : memref<5120x128xf32, #tpu.memory_space<hbm>> -> memref<5120x128xf32, #tpu.memory_space<hbm>>
      tpu.enqueue_indirect_dma source(%dma_start3A_200 : memref<5120x128xf32, #tpu.memory_space<hbm>>) target(%arg17 : memref<80x128xf32, #tpu.memory_space<vmem>>) offsets(%arg9 : memref<80xi32, #tpu.memory_space<vmem>>) semaphore(%arg25 : memref<!tpu.dma_semaphore, #tpu.memory_space<semaphore_mem>>)
      %dma_wait3A_201 = arith.constant 0 : i32
      %dma_wait3A_202 = arith.constant 0 : i32
      %dma_wait3A_203 = tpu.memref_slice %arg2[%dma_wait3A_201, %dma_wait3A_202] : memref<5120x128xf32, #tpu.memory_space<hbm>> -> memref<5120x128xf32, #tpu.memory_space<hbm>>
      tpu.wait_indirect_dma semaphore(%arg24 : memref<!tpu.dma_semaphore, #tpu.memory_space<semaphore_mem>>) src(%dma_wait3A_203 : memref<5120x128xf32, #tpu.memory_space<hbm>>) dst(%arg16 : memref<80x128xf32, #tpu.memory_space<vmem>>)
      %dma_start3A_204 = arith.constant 0 : i32
      %dma_start3A_205 = arith.constant 0 : i32
      %dma_start3A_206 = tpu.memref_slice %arg7[%dma_start3A_204, %dma_start3A_205] : memref<10240x128xf32, #tpu.memory_space<vmem_shared>> -> memref<10240x128xf32, #tpu.memory_space<vmem_shared>>
      tpu.enqueue_indirect_dma source(%arg16 : memref<80x128xf32, #tpu.memory_space<vmem>>) target(%dma_start3A_206 : memref<10240x128xf32, #tpu.memory_space<vmem_shared>>) offsets(%arg12 : memref<80xi32, #tpu.memory_space<vmem>>) semaphore(%arg28 : memref<!tpu.dma_semaphore, #tpu.memory_space<semaphore_mem>>) {add = true}
      %mul3A_207 = arith.constant 4 : i32
      %mul3A_208 = arith.muli %scan3A_113, %mul3A_207 : i32
      %add3A_209 = arith.constant 3 : i32
      %add3A_210 = arith.addi %mul3A_208, %add3A_209 : i32
      %dma_wait3A_211 = arith.constant 0 : i32
      %dma_wait3A_212 = arith.constant 0 : i32
      %dma_wait3A_213 = tpu.memref_slice %arg7[%dma_wait3A_211, %dma_wait3A_212] : memref<10240x128xf32, #tpu.memory_space<vmem_shared>> -> memref<10240x128xf32, #tpu.memory_space<vmem_shared>>
      tpu.wait_indirect_dma semaphore(%arg31 : memref<!tpu.dma_semaphore, #tpu.memory_space<semaphore_mem>>) src(%arg19 : memref<80x128xf32, #tpu.memory_space<vmem>>) dst(%dma_wait3A_213 : memref<10240x128xf32, #tpu.memory_space<vmem_shared>>)
      %mul3A_214 = arith.constant 80 : i32
      %mul3A_215 = arith.muli %add3A_210, %mul3A_214 : i32
      %add3A_216 = arith.addi %mul3A_4, %mul3A_215 : i32
      %dma_start3A_217 = tpu.memref_slice %arg3[%add3A_216] : memref<327680xi32, #tpu.memory_space<hbm>> -> memref<80xi32, #tpu.memory_space<hbm>>
      %dma_start3A_218 = tpu.memref_slice %arg3[%add3A_216] : memref<327680xi32, #tpu.memory_space<hbm>> -> memref<80xi32, #tpu.memory_space<hbm>>
      tpu.enqueue_dma source(%dma_start3A_218 : memref<80xi32, #tpu.memory_space<hbm>>) target(%arg11 : memref<80xi32, #tpu.memory_space<vmem>>) target_semaphore(%arg23 : memref<!tpu.dma_semaphore, #tpu.memory_space<semaphore_mem>>)
      %dma_start3A_219 = tpu.memref_slice %arg4[%add3A_216] : memref<327680xi32, #tpu.memory_space<hbm>> -> memref<80xi32, #tpu.memory_space<hbm>>
      %dma_start3A_220 = tpu.memref_slice %arg4[%add3A_216] : memref<327680xi32, #tpu.memory_space<hbm>> -> memref<80xi32, #tpu.memory_space<hbm>>
      tpu.enqueue_dma source(%dma_start3A_220 : memref<80xi32, #tpu.memory_space<hbm>>) target(%arg15 : memref<80xi32, #tpu.memory_space<vmem>>) target_semaphore(%arg23 : memref<!tpu.dma_semaphore, #tpu.memory_space<semaphore_mem>>)
      %dma_wait3A_221 = arith.constant 0 : i32
      %dma_wait3A_222 = tpu.memref_slice %arg3[%dma_wait3A_221] : memref<327680xi32, #tpu.memory_space<hbm>> -> memref<80xi32, #tpu.memory_space<hbm>>
      %dma_wait3A_223 = arith.constant 0 : i32
      %dma_wait3A_224 = tpu.memref_slice %arg3[%dma_wait3A_223] : memref<327680xi32, #tpu.memory_space<hbm>> -> memref<80xi32, #tpu.memory_space<hbm>>
      tpu.wait_dma2 semaphore(%arg22 : memref<!tpu.dma_semaphore, #tpu.memory_space<semaphore_mem>>) src(%dma_wait3A_224 : memref<80xi32, #tpu.memory_space<hbm>>) dst(%arg10 : memref<80xi32, #tpu.memory_space<vmem>>)
      %dma_wait3A_225 = arith.constant 0 : i32
      %dma_wait3A_226 = tpu.memref_slice %arg4[%dma_wait3A_225] : memref<327680xi32, #tpu.memory_space<hbm>> -> memref<80xi32, #tpu.memory_space<hbm>>
      %dma_wait3A_227 = arith.constant 0 : i32
      %dma_wait3A_228 = tpu.memref_slice %arg4[%dma_wait3A_227] : memref<327680xi32, #tpu.memory_space<hbm>> -> memref<80xi32, #tpu.memory_space<hbm>>
      tpu.wait_dma2 semaphore(%arg22 : memref<!tpu.dma_semaphore, #tpu.memory_space<semaphore_mem>>) src(%dma_wait3A_228 : memref<80xi32, #tpu.memory_space<hbm>>) dst(%arg14 : memref<80xi32, #tpu.memory_space<vmem>>)
      %dma_start3A_229 = arith.constant 0 : i32
      %dma_start3A_230 = arith.constant 0 : i32
      %dma_start3A_231 = tpu.memref_slice %arg2[%dma_start3A_229, %dma_start3A_230] : memref<5120x128xf32, #tpu.memory_space<hbm>> -> memref<5120x128xf32, #tpu.memory_space<hbm>>
      tpu.enqueue_indirect_dma source(%dma_start3A_231 : memref<5120x128xf32, #tpu.memory_space<hbm>>) target(%arg18 : memref<80x128xf32, #tpu.memory_space<vmem>>) offsets(%arg10 : memref<80xi32, #tpu.memory_space<vmem>>) semaphore(%arg26 : memref<!tpu.dma_semaphore, #tpu.memory_space<semaphore_mem>>)
      %dma_wait3A_232 = arith.constant 0 : i32
      %dma_wait3A_233 = arith.constant 0 : i32
      %dma_wait3A_234 = tpu.memref_slice %arg2[%dma_wait3A_232, %dma_wait3A_233] : memref<5120x128xf32, #tpu.memory_space<hbm>> -> memref<5120x128xf32, #tpu.memory_space<hbm>>
      tpu.wait_indirect_dma semaphore(%arg25 : memref<!tpu.dma_semaphore, #tpu.memory_space<semaphore_mem>>) src(%dma_wait3A_234 : memref<5120x128xf32, #tpu.memory_space<hbm>>) dst(%arg17 : memref<80x128xf32, #tpu.memory_space<vmem>>)
      %dma_start3A_235 = arith.constant 0 : i32
      %dma_start3A_236 = arith.constant 0 : i32
      %dma_start3A_237 = tpu.memref_slice %arg7[%dma_start3A_235, %dma_start3A_236] : memref<10240x128xf32, #tpu.memory_space<vmem_shared>> -> memref<10240x128xf32, #tpu.memory_space<vmem_shared>>
      tpu.enqueue_indirect_dma source(%arg17 : memref<80x128xf32, #tpu.memory_space<vmem>>) target(%dma_start3A_237 : memref<10240x128xf32, #tpu.memory_space<vmem_shared>>) offsets(%arg13 : memref<80xi32, #tpu.memory_space<vmem>>) semaphore(%arg29 : memref<!tpu.dma_semaphore, #tpu.memory_space<semaphore_mem>>) {add = true}
    }
    %scan3A_76 = arith.constant 31 : i32
    %dma_wait3A_77 = arith.constant 0 : i32
    %dma_wait3A_78 = tpu.memref_slice %arg3[%dma_wait3A_77] : memref<327680xi32, #tpu.memory_space<hbm>> -> memref<80xi32, #tpu.memory_space<hbm>>
    %dma_wait3A_79 = arith.constant 0 : i32
    %dma_wait3A_80 = tpu.memref_slice %arg3[%dma_wait3A_79] : memref<327680xi32, #tpu.memory_space<hbm>> -> memref<80xi32, #tpu.memory_space<hbm>>
    tpu.wait_dma2 semaphore(%arg23 : memref<!tpu.dma_semaphore, #tpu.memory_space<semaphore_mem>>) src(%dma_wait3A_80 : memref<80xi32, #tpu.memory_space<hbm>>) dst(%arg11 : memref<80xi32, #tpu.memory_space<vmem>>)
    %dma_wait3A_81 = arith.constant 0 : i32
    %dma_wait3A_82 = tpu.memref_slice %arg4[%dma_wait3A_81] : memref<327680xi32, #tpu.memory_space<hbm>> -> memref<80xi32, #tpu.memory_space<hbm>>
    %dma_wait3A_83 = arith.constant 0 : i32
    %dma_wait3A_84 = tpu.memref_slice %arg4[%dma_wait3A_83] : memref<327680xi32, #tpu.memory_space<hbm>> -> memref<80xi32, #tpu.memory_space<hbm>>
    tpu.wait_dma2 semaphore(%arg23 : memref<!tpu.dma_semaphore, #tpu.memory_space<semaphore_mem>>) src(%dma_wait3A_84 : memref<80xi32, #tpu.memory_space<hbm>>) dst(%arg15 : memref<80xi32, #tpu.memory_space<vmem>>)
    %dma_start3A_85 = arith.constant 0 : i32
    %dma_start3A_86 = arith.constant 0 : i32
    %dma_start3A_87 = tpu.memref_slice %arg2[%dma_start3A_85, %dma_start3A_86] : memref<5120x128xf32, #tpu.memory_space<hbm>> -> memref<5120x128xf32, #tpu.memory_space<hbm>>
    tpu.enqueue_indirect_dma source(%dma_start3A_87 : memref<5120x128xf32, #tpu.memory_space<hbm>>) target(%arg19 : memref<80x128xf32, #tpu.memory_space<vmem>>) offsets(%arg11 : memref<80xi32, #tpu.memory_space<vmem>>) semaphore(%arg27 : memref<!tpu.dma_semaphore, #tpu.memory_space<semaphore_mem>>)
    %dma_wait3A_88 = arith.constant 0 : i32
    %dma_wait3A_89 = arith.constant 0 : i32
    %dma_wait3A_90 = tpu.memref_slice %arg2[%dma_wait3A_88, %dma_wait3A_89] : memref<5120x128xf32, #tpu.memory_space<hbm>> -> memref<5120x128xf32, #tpu.memory_space<hbm>>
    tpu.wait_indirect_dma semaphore(%arg26 : memref<!tpu.dma_semaphore, #tpu.memory_space<semaphore_mem>>) src(%dma_wait3A_90 : memref<5120x128xf32, #tpu.memory_space<hbm>>) dst(%arg18 : memref<80x128xf32, #tpu.memory_space<vmem>>)
    %dma_start3A_91 = arith.constant 0 : i32
    %dma_start3A_92 = arith.constant 0 : i32
    %dma_start3A_93 = tpu.memref_slice %arg7[%dma_start3A_91, %dma_start3A_92] : memref<10240x128xf32, #tpu.memory_space<vmem_shared>> -> memref<10240x128xf32, #tpu.memory_space<vmem_shared>>
    tpu.enqueue_indirect_dma source(%arg18 : memref<80x128xf32, #tpu.memory_space<vmem>>) target(%dma_start3A_93 : memref<10240x128xf32, #tpu.memory_space<vmem_shared>>) offsets(%arg14 : memref<80xi32, #tpu.memory_space<vmem>>) semaphore(%arg30 : memref<!tpu.dma_semaphore, #tpu.memory_space<semaphore_mem>>) {add = true}
    %dma_wait3A_94 = arith.constant 0 : i32
    %dma_wait3A_95 = arith.constant 0 : i32
    %dma_wait3A_96 = tpu.memref_slice %arg2[%dma_wait3A_94, %dma_wait3A_95] : memref<5120x128xf32, #tpu.memory_space<hbm>> -> memref<5120x128xf32, #tpu.memory_space<hbm>>
    tpu.wait_indirect_dma semaphore(%arg27 : memref<!tpu.dma_semaphore, #tpu.memory_space<semaphore_mem>>) src(%dma_wait3A_96 : memref<5120x128xf32, #tpu.memory_space<hbm>>) dst(%arg19 : memref<80x128xf32, #tpu.memory_space<vmem>>)
    %dma_start3A_97 = arith.constant 0 : i32
    %dma_start3A_98 = arith.constant 0 : i32
    %dma_start3A_99 = tpu.memref_slice %arg7[%dma_start3A_97, %dma_start3A_98] : memref<10240x128xf32, #tpu.memory_space<vmem_shared>> -> memref<10240x128xf32, #tpu.memory_space<vmem_shared>>
    tpu.enqueue_indirect_dma source(%arg19 : memref<80x128xf32, #tpu.memory_space<vmem>>) target(%dma_start3A_99 : memref<10240x128xf32, #tpu.memory_space<vmem_shared>>) offsets(%arg15 : memref<80xi32, #tpu.memory_space<vmem>>) semaphore(%arg31 : memref<!tpu.dma_semaphore, #tpu.memory_space<semaphore_mem>>) {add = true}
    %dma_wait3A_100 = arith.constant 0 : i32
    %dma_wait3A_101 = arith.constant 0 : i32
    %dma_wait3A_102 = tpu.memref_slice %arg7[%dma_wait3A_100, %dma_wait3A_101] : memref<10240x128xf32, #tpu.memory_space<vmem_shared>> -> memref<10240x128xf32, #tpu.memory_space<vmem_shared>>
    tpu.wait_indirect_dma semaphore(%arg28 : memref<!tpu.dma_semaphore, #tpu.memory_space<semaphore_mem>>) src(%arg16 : memref<80x128xf32, #tpu.memory_space<vmem>>) dst(%dma_wait3A_102 : memref<10240x128xf32, #tpu.memory_space<vmem_shared>>)
    %dma_wait3A_103 = arith.constant 0 : i32
    %dma_wait3A_104 = arith.constant 0 : i32
    %dma_wait3A_105 = tpu.memref_slice %arg7[%dma_wait3A_103, %dma_wait3A_104] : memref<10240x128xf32, #tpu.memory_space<vmem_shared>> -> memref<10240x128xf32, #tpu.memory_space<vmem_shared>>
    tpu.wait_indirect_dma semaphore(%arg29 : memref<!tpu.dma_semaphore, #tpu.memory_space<semaphore_mem>>) src(%arg17 : memref<80x128xf32, #tpu.memory_space<vmem>>) dst(%dma_wait3A_105 : memref<10240x128xf32, #tpu.memory_space<vmem_shared>>)
    %dma_wait3A_106 = arith.constant 0 : i32
    %dma_wait3A_107 = arith.constant 0 : i32
    %dma_wait3A_108 = tpu.memref_slice %arg7[%dma_wait3A_106, %dma_wait3A_107] : memref<10240x128xf32, #tpu.memory_space<vmem_shared>> -> memref<10240x128xf32, #tpu.memory_space<vmem_shared>>
    tpu.wait_indirect_dma semaphore(%arg30 : memref<!tpu.dma_semaphore, #tpu.memory_space<semaphore_mem>>) src(%arg18 : memref<80x128xf32, #tpu.memory_space<vmem>>) dst(%dma_wait3A_108 : memref<10240x128xf32, #tpu.memory_space<vmem_shared>>)
    %dma_wait3A_109 = arith.constant 0 : i32
    %dma_wait3A_110 = arith.constant 0 : i32
    %dma_wait3A_111 = tpu.memref_slice %arg7[%dma_wait3A_109, %dma_wait3A_110] : memref<10240x128xf32, #tpu.memory_space<vmem_shared>> -> memref<10240x128xf32, #tpu.memory_space<vmem_shared>>
    tpu.wait_indirect_dma semaphore(%arg31 : memref<!tpu.dma_semaphore, #tpu.memory_space<semaphore_mem>>) src(%arg19 : memref<80x128xf32, #tpu.memory_space<vmem>>) dst(%dma_wait3A_111 : memref<10240x128xf32, #tpu.memory_space<vmem_shared>>)
    %barrier3A_112 = arith.constant 0 : index
    tpu.barrier barrier_id(%barrier3A_112)
    "tpu.region"() ({
      %run_scoped3A = tpu.sem_alloc : memref<!tpu.dma_semaphore, #tpu.memory_space<semaphore_mem>>
      %dma_start3A_113 = arith.constant 0 : i32
      %dma_start3A_114 = tpu.memref_slice %arg6[%arg0, %mul3A_2, %dma_start3A_113] : memref<2x10240x128xf32, #tpu.memory_space<hbm>> -> memref<1x640x128xf32, #tpu.memory_space<hbm>>
      %dma_start3A_115 = tpu.memref_squeeze %dma_start3A_114 : memref<1x640x128xf32, #tpu.memory_space<hbm>> -> memref<640x128xf32, #tpu.memory_space<hbm>>
      %dma_start3A_116 = arith.constant 0 : i32
      %dma_start3A_117 = tpu.memref_slice %arg7[%mul3A_2, %dma_start3A_116] : memref<10240x128xf32, #tpu.memory_space<vmem_shared>> -> memref<640x128xf32, #tpu.memory_space<vmem_shared>>
      tpu.enqueue_dma source(%dma_start3A_117 : memref<640x128xf32, #tpu.memory_space<vmem_shared>>) target(%dma_start3A_115 : memref<640x128xf32, #tpu.memory_space<hbm>>) target_semaphore(%run_scoped3A : memref<!tpu.dma_semaphore, #tpu.memory_space<semaphore_mem>>)
      %dma_wait3A_118 = arith.constant 0 : i32
      %dma_wait3A_119 = tpu.memref_slice %arg6[%arg0, %mul3A_2, %dma_wait3A_118] : memref<2x10240x128xf32, #tpu.memory_space<hbm>> -> memref<1x640x128xf32, #tpu.memory_space<hbm>>
      %dma_wait3A_120 = tpu.memref_squeeze %dma_wait3A_119 : memref<1x640x128xf32, #tpu.memory_space<hbm>> -> memref<640x128xf32, #tpu.memory_space<hbm>>
      %dma_wait3A_121 = arith.constant 0 : i32
      %dma_wait3A_122 = tpu.memref_slice %arg7[%mul3A_2, %dma_wait3A_121] : memref<10240x128xf32, #tpu.memory_space<vmem_shared>> -> memref<640x128xf32, #tpu.memory_space<vmem_shared>>
      tpu.wait_dma2 semaphore(%run_scoped3A : memref<!tpu.dma_semaphore, #tpu.memory_space<semaphore_mem>>) src(%dma_wait3A_122 : memref<640x128xf32, #tpu.memory_space<vmem_shared>>) dst(%dma_wait3A_120 : memref<640x128xf32, #tpu.memory_space<hbm>>)
      tpu.yield
    }) : () -> ()
    return
  }
}

#map = affine_map<(d0, d1) -> (0, 0)>
#map1 = affine_map<(d0, d1) -> (0)>
#map2 = affine_map<(d0, d1) -> (0, 0, 0)>
module attributes {stable_mosaic.version = 14 : i64} {
  func.func @body(%arg0: i32, %arg1: i32, %arg2: memref<10240x128xf32, #tpu.memory_space<hbm>>, %arg3: memref<327680xi32, #tpu.memory_space<hbm>>, %arg4: memref<327680xi32, #tpu.memory_space<hbm>>, %arg5: memref<10240x128xf32, #tpu.memory_space<hbm>>, %arg6: memref<2x5120x128xf32, #tpu.memory_space<hbm>>, %arg7: memref<5120x128xf32, #tpu.memory_space<vmem_shared>>, %arg8: memref<80xi32, #tpu.memory_space<vmem>>, %arg9: memref<80xi32, #tpu.memory_space<vmem>>, %arg10: memref<80xi32, #tpu.memory_space<vmem>>, %arg11: memref<80xi32, #tpu.memory_space<vmem>>, %arg12: memref<80xi32, #tpu.memory_space<vmem>>, %arg13: memref<80xi32, #tpu.memory_space<vmem>>, %arg14: memref<80xi32, #tpu.memory_space<vmem>>, %arg15: memref<80xi32, #tpu.memory_space<vmem>>, %arg16: memref<80xi32, #tpu.memory_space<vmem>>, %arg17: memref<80xi32, #tpu.memory_space<vmem>>, %arg18: memref<80xi32, #tpu.memory_space<vmem>>, %arg19: memref<80xi32, #tpu.memory_space<vmem>>, %arg20: memref<80x128xf32, #tpu.memory_space<vmem>>, %arg21: memref<80x128xf32, #tpu.memory_space<vmem>>, %arg22: memref<80x128xf32, #tpu.memory_space<vmem>>, %arg23: memref<80x128xf32, #tpu.memory_space<vmem>>, %arg24: memref<80x128xf32, #tpu.memory_space<vmem>>, %arg25: memref<80x128xf32, #tpu.memory_space<vmem>>, %arg26: memref<!tpu.dma_semaphore, #tpu.memory_space<semaphore_mem>>, %arg27: memref<!tpu.dma_semaphore, #tpu.memory_space<semaphore_mem>>, %arg28: memref<!tpu.dma_semaphore, #tpu.memory_space<semaphore_mem>>, %arg29: memref<!tpu.dma_semaphore, #tpu.memory_space<semaphore_mem>>, %arg30: memref<!tpu.dma_semaphore, #tpu.memory_space<semaphore_mem>>, %arg31: memref<!tpu.dma_semaphore, #tpu.memory_space<semaphore_mem>>, %arg32: memref<!tpu.dma_semaphore, #tpu.memory_space<semaphore_mem>>, %arg33: memref<!tpu.dma_semaphore, #tpu.memory_space<semaphore_mem>>, %arg34: memref<!tpu.dma_semaphore, #tpu.memory_space<semaphore_mem>>, %arg35: memref<!tpu.dma_semaphore, #tpu.memory_space<semaphore_mem>>, %arg36: memref<!tpu.dma_semaphore, #tpu.memory_space<semaphore_mem>>, %arg37: memref<!tpu.dma_semaphore, #tpu.memory_space<semaphore_mem>>, %arg38: memref<!tpu.dma_semaphore, #tpu.memory_space<semaphore_mem>>, %arg39: memref<!tpu.dma_semaphore, #tpu.memory_space<semaphore_mem>>, %arg40: memref<!tpu.dma_semaphore, #tpu.memory_space<semaphore_mem>>, %arg41: memref<!tpu.dma_semaphore, #tpu.memory_space<semaphore_mem>>, %arg42: memref<!tpu.dma_semaphore, #tpu.memory_space<semaphore_mem>>, %arg43: memref<!tpu.dma_semaphore, #tpu.memory_space<semaphore_mem>>) attributes {dimension_semantics = [#tpu.dimension_semantics<core_parallel>, #tpu.dimension_semantics<subcore_parallel>], iteration_bounds = array<i64: 2, 16>, scalar_prefetch = 0 : i64, scratch_operands = 37 : i64, tpu.core_type = #tpu.core_type<sc_vector_subcore>, window_params = [{transform_indices = #map}, {transform_indices = #map1}, {transform_indices = #map1}, {transform_indices = #map}, {transform_indices = #map2}]} {
    %mul3A = arith.constant 16 : i32
    %mul3A_0 = arith.muli %arg0, %mul3A : i32
    %add3A = arith.addi %mul3A_0, %arg1 : i32
    %mul3A_1 = arith.constant 320 : i32
    %mul3A_2 = arith.muli %arg1, %mul3A_1 : i32
    "tpu.region"() ({
      %run_scoped3A = tpu.sem_alloc : memref<!tpu.dma_semaphore, #tpu.memory_space<semaphore_mem>>
      %dma_start3A_165 = arith.constant 0 : i32
      %dma_start3A_166 = tpu.memref_slice %arg7[%mul3A_2, %dma_start3A_165] : memref<5120x128xf32, #tpu.memory_space<vmem_shared>> -> memref<320x128xf32, #tpu.memory_space<vmem_shared>>
      %dma_start3A_167 = arith.constant 0 : i32
      %dma_start3A_168 = tpu.memref_slice %arg5[%mul3A_2, %dma_start3A_167] : memref<10240x128xf32, #tpu.memory_space<hbm>> -> memref<320x128xf32, #tpu.memory_space<hbm>>
      tpu.enqueue_dma source(%dma_start3A_168 : memref<320x128xf32, #tpu.memory_space<hbm>>) target(%dma_start3A_166 : memref<320x128xf32, #tpu.memory_space<vmem_shared>>) target_semaphore(%run_scoped3A : memref<!tpu.dma_semaphore, #tpu.memory_space<semaphore_mem>>)
      %dma_wait3A_169 = arith.constant 0 : i32
      %dma_wait3A_170 = tpu.memref_slice %arg7[%mul3A_2, %dma_wait3A_169] : memref<5120x128xf32, #tpu.memory_space<vmem_shared>> -> memref<320x128xf32, #tpu.memory_space<vmem_shared>>
      %dma_wait3A_171 = arith.constant 0 : i32
      %dma_wait3A_172 = tpu.memref_slice %arg5[%mul3A_2, %dma_wait3A_171] : memref<10240x128xf32, #tpu.memory_space<hbm>> -> memref<320x128xf32, #tpu.memory_space<hbm>>
      tpu.wait_dma2 semaphore(%run_scoped3A : memref<!tpu.dma_semaphore, #tpu.memory_space<semaphore_mem>>) src(%dma_wait3A_172 : memref<320x128xf32, #tpu.memory_space<hbm>>) dst(%dma_wait3A_170 : memref<320x128xf32, #tpu.memory_space<vmem_shared>>)
      tpu.yield
    }) : () -> ()
    %barrier3A = arith.constant 0 : index
    tpu.barrier barrier_id(%barrier3A)
    %mul3A_3 = arith.constant 10080 : i32
    %mul3A_4 = arith.muli %add3A, %mul3A_3 : i32
    %add3A_5 = arith.constant 0 : i32
    %add3A_6 = arith.addi %mul3A_4, %add3A_5 : i32
    %dma_start3A = tpu.memref_slice %arg3[%add3A_6] : memref<327680xi32, #tpu.memory_space<hbm>> -> memref<80xi32, #tpu.memory_space<hbm>>
    %dma_start3A_7 = tpu.memref_slice %arg3[%add3A_6] : memref<327680xi32, #tpu.memory_space<hbm>> -> memref<80xi32, #tpu.memory_space<hbm>>
    tpu.enqueue_dma source(%dma_start3A_7 : memref<80xi32, #tpu.memory_space<hbm>>) target(%arg8 : memref<80xi32, #tpu.memory_space<vmem>>) target_semaphore(%arg26 : memref<!tpu.dma_semaphore, #tpu.memory_space<semaphore_mem>>)
    %dma_start3A_8 = tpu.memref_slice %arg4[%add3A_6] : memref<327680xi32, #tpu.memory_space<hbm>> -> memref<80xi32, #tpu.memory_space<hbm>>
    %dma_start3A_9 = tpu.memref_slice %arg4[%add3A_6] : memref<327680xi32, #tpu.memory_space<hbm>> -> memref<80xi32, #tpu.memory_space<hbm>>
    tpu.enqueue_dma source(%dma_start3A_9 : memref<80xi32, #tpu.memory_space<hbm>>) target(%arg14 : memref<80xi32, #tpu.memory_space<vmem>>) target_semaphore(%arg26 : memref<!tpu.dma_semaphore, #tpu.memory_space<semaphore_mem>>)
    %add3A_10 = arith.constant 80 : i32
    %add3A_11 = arith.addi %mul3A_4, %add3A_10 : i32
    %dma_start3A_12 = tpu.memref_slice %arg3[%add3A_11] : memref<327680xi32, #tpu.memory_space<hbm>> -> memref<80xi32, #tpu.memory_space<hbm>>
    %dma_start3A_13 = tpu.memref_slice %arg3[%add3A_11] : memref<327680xi32, #tpu.memory_space<hbm>> -> memref<80xi32, #tpu.memory_space<hbm>>
    tpu.enqueue_dma source(%dma_start3A_13 : memref<80xi32, #tpu.memory_space<hbm>>) target(%arg9 : memref<80xi32, #tpu.memory_space<vmem>>) target_semaphore(%arg27 : memref<!tpu.dma_semaphore, #tpu.memory_space<semaphore_mem>>)
    %dma_start3A_14 = tpu.memref_slice %arg4[%add3A_11] : memref<327680xi32, #tpu.memory_space<hbm>> -> memref<80xi32, #tpu.memory_space<hbm>>
    %dma_start3A_15 = tpu.memref_slice %arg4[%add3A_11] : memref<327680xi32, #tpu.memory_space<hbm>> -> memref<80xi32, #tpu.memory_space<hbm>>
    tpu.enqueue_dma source(%dma_start3A_15 : memref<80xi32, #tpu.memory_space<hbm>>) target(%arg15 : memref<80xi32, #tpu.memory_space<vmem>>) target_semaphore(%arg27 : memref<!tpu.dma_semaphore, #tpu.memory_space<semaphore_mem>>)
    %dma_wait3A = arith.constant 0 : i32
    %dma_wait3A_16 = tpu.memref_slice %arg3[%dma_wait3A] : memref<327680xi32, #tpu.memory_space<hbm>> -> memref<80xi32, #tpu.memory_space<hbm>>
    %dma_wait3A_17 = arith.constant 0 : i32
    %dma_wait3A_18 = tpu.memref_slice %arg3[%dma_wait3A_17] : memref<327680xi32, #tpu.memory_space<hbm>> -> memref<80xi32, #tpu.memory_space<hbm>>
    tpu.wait_dma2 semaphore(%arg26 : memref<!tpu.dma_semaphore, #tpu.memory_space<semaphore_mem>>) src(%dma_wait3A_18 : memref<80xi32, #tpu.memory_space<hbm>>) dst(%arg8 : memref<80xi32, #tpu.memory_space<vmem>>)
    %dma_wait3A_19 = arith.constant 0 : i32
    %dma_wait3A_20 = tpu.memref_slice %arg4[%dma_wait3A_19] : memref<327680xi32, #tpu.memory_space<hbm>> -> memref<80xi32, #tpu.memory_space<hbm>>
    %dma_wait3A_21 = arith.constant 0 : i32
    %dma_wait3A_22 = tpu.memref_slice %arg4[%dma_wait3A_21] : memref<327680xi32, #tpu.memory_space<hbm>> -> memref<80xi32, #tpu.memory_space<hbm>>
    tpu.wait_dma2 semaphore(%arg26 : memref<!tpu.dma_semaphore, #tpu.memory_space<semaphore_mem>>) src(%dma_wait3A_22 : memref<80xi32, #tpu.memory_space<hbm>>) dst(%arg14 : memref<80xi32, #tpu.memory_space<vmem>>)
    %dma_start3A_23 = arith.constant 0 : i32
    %dma_start3A_24 = arith.constant 0 : i32
    %dma_start3A_25 = tpu.memref_slice %arg2[%dma_start3A_23, %dma_start3A_24] : memref<10240x128xf32, #tpu.memory_space<hbm>> -> memref<10240x128xf32, #tpu.memory_space<hbm>>
    tpu.enqueue_indirect_dma source(%dma_start3A_25 : memref<10240x128xf32, #tpu.memory_space<hbm>>) target(%arg20 : memref<80x128xf32, #tpu.memory_space<vmem>>) offsets(%arg8 : memref<80xi32, #tpu.memory_space<vmem>>) semaphore(%arg32 : memref<!tpu.dma_semaphore, #tpu.memory_space<semaphore_mem>>)
    %add3A_26 = arith.constant 160 : i32
    %add3A_27 = arith.addi %mul3A_4, %add3A_26 : i32
    %dma_start3A_28 = tpu.memref_slice %arg3[%add3A_27] : memref<327680xi32, #tpu.memory_space<hbm>> -> memref<80xi32, #tpu.memory_space<hbm>>
    %dma_start3A_29 = tpu.memref_slice %arg3[%add3A_27] : memref<327680xi32, #tpu.memory_space<hbm>> -> memref<80xi32, #tpu.memory_space<hbm>>
    tpu.enqueue_dma source(%dma_start3A_29 : memref<80xi32, #tpu.memory_space<hbm>>) target(%arg10 : memref<80xi32, #tpu.memory_space<vmem>>) target_semaphore(%arg28 : memref<!tpu.dma_semaphore, #tpu.memory_space<semaphore_mem>>)
    %dma_start3A_30 = tpu.memref_slice %arg4[%add3A_27] : memref<327680xi32, #tpu.memory_space<hbm>> -> memref<80xi32, #tpu.memory_space<hbm>>
    %dma_start3A_31 = tpu.memref_slice %arg4[%add3A_27] : memref<327680xi32, #tpu.memory_space<hbm>> -> memref<80xi32, #tpu.memory_space<hbm>>
    tpu.enqueue_dma source(%dma_start3A_31 : memref<80xi32, #tpu.memory_space<hbm>>) target(%arg16 : memref<80xi32, #tpu.memory_space<vmem>>) target_semaphore(%arg28 : memref<!tpu.dma_semaphore, #tpu.memory_space<semaphore_mem>>)
    %dma_wait3A_32 = arith.constant 0 : i32
    %dma_wait3A_33 = tpu.memref_slice %arg3[%dma_wait3A_32] : memref<327680xi32, #tpu.memory_space<hbm>> -> memref<80xi32, #tpu.memory_space<hbm>>
    %dma_wait3A_34 = arith.constant 0 : i32
    %dma_wait3A_35 = tpu.memref_slice %arg3[%dma_wait3A_34] : memref<327680xi32, #tpu.memory_space<hbm>> -> memref<80xi32, #tpu.memory_space<hbm>>
    tpu.wait_dma2 semaphore(%arg27 : memref<!tpu.dma_semaphore, #tpu.memory_space<semaphore_mem>>) src(%dma_wait3A_35 : memref<80xi32, #tpu.memory_space<hbm>>) dst(%arg9 : memref<80xi32, #tpu.memory_space<vmem>>)
    %dma_wait3A_36 = arith.constant 0 : i32
    %dma_wait3A_37 = tpu.memref_slice %arg4[%dma_wait3A_36] : memref<327680xi32, #tpu.memory_space<hbm>> -> memref<80xi32, #tpu.memory_space<hbm>>
    %dma_wait3A_38 = arith.constant 0 : i32
    %dma_wait3A_39 = tpu.memref_slice %arg4[%dma_wait3A_38] : memref<327680xi32, #tpu.memory_space<hbm>> -> memref<80xi32, #tpu.memory_space<hbm>>
    tpu.wait_dma2 semaphore(%arg27 : memref<!tpu.dma_semaphore, #tpu.memory_space<semaphore_mem>>) src(%dma_wait3A_39 : memref<80xi32, #tpu.memory_space<hbm>>) dst(%arg15 : memref<80xi32, #tpu.memory_space<vmem>>)
    %dma_start3A_40 = arith.constant 0 : i32
    %dma_start3A_41 = arith.constant 0 : i32
    %dma_start3A_42 = tpu.memref_slice %arg2[%dma_start3A_40, %dma_start3A_41] : memref<10240x128xf32, #tpu.memory_space<hbm>> -> memref<10240x128xf32, #tpu.memory_space<hbm>>
    tpu.enqueue_indirect_dma source(%dma_start3A_42 : memref<10240x128xf32, #tpu.memory_space<hbm>>) target(%arg21 : memref<80x128xf32, #tpu.memory_space<vmem>>) offsets(%arg9 : memref<80xi32, #tpu.memory_space<vmem>>) semaphore(%arg33 : memref<!tpu.dma_semaphore, #tpu.memory_space<semaphore_mem>>)
    %dma_wait3A_43 = arith.constant 0 : i32
    %dma_wait3A_44 = arith.constant 0 : i32
    %dma_wait3A_45 = tpu.memref_slice %arg2[%dma_wait3A_43, %dma_wait3A_44] : memref<10240x128xf32, #tpu.memory_space<hbm>> -> memref<10240x128xf32, #tpu.memory_space<hbm>>
    tpu.wait_indirect_dma semaphore(%arg32 : memref<!tpu.dma_semaphore, #tpu.memory_space<semaphore_mem>>) src(%dma_wait3A_45 : memref<10240x128xf32, #tpu.memory_space<hbm>>) dst(%arg20 : memref<80x128xf32, #tpu.memory_space<vmem>>)
    %dma_start3A_46 = arith.constant 0 : i32
    %dma_start3A_47 = arith.constant 0 : i32
    %dma_start3A_48 = tpu.memref_slice %arg7[%dma_start3A_46, %dma_start3A_47] : memref<5120x128xf32, #tpu.memory_space<vmem_shared>> -> memref<5120x128xf32, #tpu.memory_space<vmem_shared>>
    tpu.enqueue_indirect_dma source(%arg20 : memref<80x128xf32, #tpu.memory_space<vmem>>) target(%dma_start3A_48 : memref<5120x128xf32, #tpu.memory_space<vmem_shared>>) offsets(%arg14 : memref<80xi32, #tpu.memory_space<vmem>>) semaphore(%arg38 : memref<!tpu.dma_semaphore, #tpu.memory_space<semaphore_mem>>) {add = true}
    %add3A_49 = arith.constant 240 : i32
    %add3A_50 = arith.addi %mul3A_4, %add3A_49 : i32
    %dma_start3A_51 = tpu.memref_slice %arg3[%add3A_50] : memref<327680xi32, #tpu.memory_space<hbm>> -> memref<80xi32, #tpu.memory_space<hbm>>
    %dma_start3A_52 = tpu.memref_slice %arg3[%add3A_50] : memref<327680xi32, #tpu.memory_space<hbm>> -> memref<80xi32, #tpu.memory_space<hbm>>
    tpu.enqueue_dma source(%dma_start3A_52 : memref<80xi32, #tpu.memory_space<hbm>>) target(%arg11 : memref<80xi32, #tpu.memory_space<vmem>>) target_semaphore(%arg29 : memref<!tpu.dma_semaphore, #tpu.memory_space<semaphore_mem>>)
    %dma_start3A_53 = tpu.memref_slice %arg4[%add3A_50] : memref<327680xi32, #tpu.memory_space<hbm>> -> memref<80xi32, #tpu.memory_space<hbm>>
    %dma_start3A_54 = tpu.memref_slice %arg4[%add3A_50] : memref<327680xi32, #tpu.memory_space<hbm>> -> memref<80xi32, #tpu.memory_space<hbm>>
    tpu.enqueue_dma source(%dma_start3A_54 : memref<80xi32, #tpu.memory_space<hbm>>) target(%arg17 : memref<80xi32, #tpu.memory_space<vmem>>) target_semaphore(%arg29 : memref<!tpu.dma_semaphore, #tpu.memory_space<semaphore_mem>>)
    %dma_wait3A_55 = arith.constant 0 : i32
    %dma_wait3A_56 = tpu.memref_slice %arg3[%dma_wait3A_55] : memref<327680xi32, #tpu.memory_space<hbm>> -> memref<80xi32, #tpu.memory_space<hbm>>
    %dma_wait3A_57 = arith.constant 0 : i32
    %dma_wait3A_58 = tpu.memref_slice %arg3[%dma_wait3A_57] : memref<327680xi32, #tpu.memory_space<hbm>> -> memref<80xi32, #tpu.memory_space<hbm>>
    tpu.wait_dma2 semaphore(%arg28 : memref<!tpu.dma_semaphore, #tpu.memory_space<semaphore_mem>>) src(%dma_wait3A_58 : memref<80xi32, #tpu.memory_space<hbm>>) dst(%arg10 : memref<80xi32, #tpu.memory_space<vmem>>)
    %dma_wait3A_59 = arith.constant 0 : i32
    %dma_wait3A_60 = tpu.memref_slice %arg4[%dma_wait3A_59] : memref<327680xi32, #tpu.memory_space<hbm>> -> memref<80xi32, #tpu.memory_space<hbm>>
    %dma_wait3A_61 = arith.constant 0 : i32
    %dma_wait3A_62 = tpu.memref_slice %arg4[%dma_wait3A_61] : memref<327680xi32, #tpu.memory_space<hbm>> -> memref<80xi32, #tpu.memory_space<hbm>>
    tpu.wait_dma2 semaphore(%arg28 : memref<!tpu.dma_semaphore, #tpu.memory_space<semaphore_mem>>) src(%dma_wait3A_62 : memref<80xi32, #tpu.memory_space<hbm>>) dst(%arg16 : memref<80xi32, #tpu.memory_space<vmem>>)
    %dma_start3A_63 = arith.constant 0 : i32
    %dma_start3A_64 = arith.constant 0 : i32
    %dma_start3A_65 = tpu.memref_slice %arg2[%dma_start3A_63, %dma_start3A_64] : memref<10240x128xf32, #tpu.memory_space<hbm>> -> memref<10240x128xf32, #tpu.memory_space<hbm>>
    tpu.enqueue_indirect_dma source(%dma_start3A_65 : memref<10240x128xf32, #tpu.memory_space<hbm>>) target(%arg22 : memref<80x128xf32, #tpu.memory_space<vmem>>) offsets(%arg10 : memref<80xi32, #tpu.memory_space<vmem>>) semaphore(%arg34 : memref<!tpu.dma_semaphore, #tpu.memory_space<semaphore_mem>>)
    %dma_wait3A_66 = arith.constant 0 : i32
    %dma_wait3A_67 = arith.constant 0 : i32
    %dma_wait3A_68 = tpu.memref_slice %arg2[%dma_wait3A_66, %dma_wait3A_67] : memref<10240x128xf32, #tpu.memory_space<hbm>> -> memref<10240x128xf32, #tpu.memory_space<hbm>>
    tpu.wait_indirect_dma semaphore(%arg33 : memref<!tpu.dma_semaphore, #tpu.memory_space<semaphore_mem>>) src(%dma_wait3A_68 : memref<10240x128xf32, #tpu.memory_space<hbm>>) dst(%arg21 : memref<80x128xf32, #tpu.memory_space<vmem>>)
    %dma_start3A_69 = arith.constant 0 : i32
    %dma_start3A_70 = arith.constant 0 : i32
    %dma_start3A_71 = tpu.memref_slice %arg7[%dma_start3A_69, %dma_start3A_70] : memref<5120x128xf32, #tpu.memory_space<vmem_shared>> -> memref<5120x128xf32, #tpu.memory_space<vmem_shared>>
    tpu.enqueue_indirect_dma source(%arg21 : memref<80x128xf32, #tpu.memory_space<vmem>>) target(%dma_start3A_71 : memref<5120x128xf32, #tpu.memory_space<vmem_shared>>) offsets(%arg15 : memref<80xi32, #tpu.memory_space<vmem>>) semaphore(%arg39 : memref<!tpu.dma_semaphore, #tpu.memory_space<semaphore_mem>>) {add = true}
    %add3A_72 = arith.constant 320 : i32
    %add3A_73 = arith.addi %mul3A_4, %add3A_72 : i32
    %dma_start3A_74 = tpu.memref_slice %arg3[%add3A_73] : memref<327680xi32, #tpu.memory_space<hbm>> -> memref<80xi32, #tpu.memory_space<hbm>>
    %dma_start3A_75 = tpu.memref_slice %arg3[%add3A_73] : memref<327680xi32, #tpu.memory_space<hbm>> -> memref<80xi32, #tpu.memory_space<hbm>>
    tpu.enqueue_dma source(%dma_start3A_75 : memref<80xi32, #tpu.memory_space<hbm>>) target(%arg12 : memref<80xi32, #tpu.memory_space<vmem>>) target_semaphore(%arg30 : memref<!tpu.dma_semaphore, #tpu.memory_space<semaphore_mem>>)
    %dma_start3A_76 = tpu.memref_slice %arg4[%add3A_73] : memref<327680xi32, #tpu.memory_space<hbm>> -> memref<80xi32, #tpu.memory_space<hbm>>
    %dma_start3A_77 = tpu.memref_slice %arg4[%add3A_73] : memref<327680xi32, #tpu.memory_space<hbm>> -> memref<80xi32, #tpu.memory_space<hbm>>
    tpu.enqueue_dma source(%dma_start3A_77 : memref<80xi32, #tpu.memory_space<hbm>>) target(%arg18 : memref<80xi32, #tpu.memory_space<vmem>>) target_semaphore(%arg30 : memref<!tpu.dma_semaphore, #tpu.memory_space<semaphore_mem>>)
    %dma_wait3A_78 = arith.constant 0 : i32
    %dma_wait3A_79 = tpu.memref_slice %arg3[%dma_wait3A_78] : memref<327680xi32, #tpu.memory_space<hbm>> -> memref<80xi32, #tpu.memory_space<hbm>>
    %dma_wait3A_80 = arith.constant 0 : i32
    %dma_wait3A_81 = tpu.memref_slice %arg3[%dma_wait3A_80] : memref<327680xi32, #tpu.memory_space<hbm>> -> memref<80xi32, #tpu.memory_space<hbm>>
    tpu.wait_dma2 semaphore(%arg29 : memref<!tpu.dma_semaphore, #tpu.memory_space<semaphore_mem>>) src(%dma_wait3A_81 : memref<80xi32, #tpu.memory_space<hbm>>) dst(%arg11 : memref<80xi32, #tpu.memory_space<vmem>>)
    %dma_wait3A_82 = arith.constant 0 : i32
    %dma_wait3A_83 = tpu.memref_slice %arg4[%dma_wait3A_82] : memref<327680xi32, #tpu.memory_space<hbm>> -> memref<80xi32, #tpu.memory_space<hbm>>
    %dma_wait3A_84 = arith.constant 0 : i32
    %dma_wait3A_85 = tpu.memref_slice %arg4[%dma_wait3A_84] : memref<327680xi32, #tpu.memory_space<hbm>> -> memref<80xi32, #tpu.memory_space<hbm>>
    tpu.wait_dma2 semaphore(%arg29 : memref<!tpu.dma_semaphore, #tpu.memory_space<semaphore_mem>>) src(%dma_wait3A_85 : memref<80xi32, #tpu.memory_space<hbm>>) dst(%arg17 : memref<80xi32, #tpu.memory_space<vmem>>)
    %dma_start3A_86 = arith.constant 0 : i32
    %dma_start3A_87 = arith.constant 0 : i32
    %dma_start3A_88 = tpu.memref_slice %arg2[%dma_start3A_86, %dma_start3A_87] : memref<10240x128xf32, #tpu.memory_space<hbm>> -> memref<10240x128xf32, #tpu.memory_space<hbm>>
    tpu.enqueue_indirect_dma source(%dma_start3A_88 : memref<10240x128xf32, #tpu.memory_space<hbm>>) target(%arg23 : memref<80x128xf32, #tpu.memory_space<vmem>>) offsets(%arg11 : memref<80xi32, #tpu.memory_space<vmem>>) semaphore(%arg35 : memref<!tpu.dma_semaphore, #tpu.memory_space<semaphore_mem>>)
    %dma_wait3A_89 = arith.constant 0 : i32
    %dma_wait3A_90 = arith.constant 0 : i32
    %dma_wait3A_91 = tpu.memref_slice %arg2[%dma_wait3A_89, %dma_wait3A_90] : memref<10240x128xf32, #tpu.memory_space<hbm>> -> memref<10240x128xf32, #tpu.memory_space<hbm>>
    tpu.wait_indirect_dma semaphore(%arg34 : memref<!tpu.dma_semaphore, #tpu.memory_space<semaphore_mem>>) src(%dma_wait3A_91 : memref<10240x128xf32, #tpu.memory_space<hbm>>) dst(%arg22 : memref<80x128xf32, #tpu.memory_space<vmem>>)
    %dma_start3A_92 = arith.constant 0 : i32
    %dma_start3A_93 = arith.constant 0 : i32
    %dma_start3A_94 = tpu.memref_slice %arg7[%dma_start3A_92, %dma_start3A_93] : memref<5120x128xf32, #tpu.memory_space<vmem_shared>> -> memref<5120x128xf32, #tpu.memory_space<vmem_shared>>
    tpu.enqueue_indirect_dma source(%arg22 : memref<80x128xf32, #tpu.memory_space<vmem>>) target(%dma_start3A_94 : memref<5120x128xf32, #tpu.memory_space<vmem_shared>>) offsets(%arg16 : memref<80xi32, #tpu.memory_space<vmem>>) semaphore(%arg40 : memref<!tpu.dma_semaphore, #tpu.memory_space<semaphore_mem>>) {add = true}
    %add3A_95 = arith.constant 400 : i32
    %add3A_96 = arith.addi %mul3A_4, %add3A_95 : i32
    %dma_start3A_97 = tpu.memref_slice %arg3[%add3A_96] : memref<327680xi32, #tpu.memory_space<hbm>> -> memref<80xi32, #tpu.memory_space<hbm>>
    %dma_start3A_98 = tpu.memref_slice %arg3[%add3A_96] : memref<327680xi32, #tpu.memory_space<hbm>> -> memref<80xi32, #tpu.memory_space<hbm>>
    tpu.enqueue_dma source(%dma_start3A_98 : memref<80xi32, #tpu.memory_space<hbm>>) target(%arg13 : memref<80xi32, #tpu.memory_space<vmem>>) target_semaphore(%arg31 : memref<!tpu.dma_semaphore, #tpu.memory_space<semaphore_mem>>)
    %dma_start3A_99 = tpu.memref_slice %arg4[%add3A_96] : memref<327680xi32, #tpu.memory_space<hbm>> -> memref<80xi32, #tpu.memory_space<hbm>>
    %dma_start3A_100 = tpu.memref_slice %arg4[%add3A_96] : memref<327680xi32, #tpu.memory_space<hbm>> -> memref<80xi32, #tpu.memory_space<hbm>>
    tpu.enqueue_dma source(%dma_start3A_100 : memref<80xi32, #tpu.memory_space<hbm>>) target(%arg19 : memref<80xi32, #tpu.memory_space<vmem>>) target_semaphore(%arg31 : memref<!tpu.dma_semaphore, #tpu.memory_space<semaphore_mem>>)
    %dma_wait3A_101 = arith.constant 0 : i32
    %dma_wait3A_102 = tpu.memref_slice %arg3[%dma_wait3A_101] : memref<327680xi32, #tpu.memory_space<hbm>> -> memref<80xi32, #tpu.memory_space<hbm>>
    %dma_wait3A_103 = arith.constant 0 : i32
    %dma_wait3A_104 = tpu.memref_slice %arg3[%dma_wait3A_103] : memref<327680xi32, #tpu.memory_space<hbm>> -> memref<80xi32, #tpu.memory_space<hbm>>
    tpu.wait_dma2 semaphore(%arg30 : memref<!tpu.dma_semaphore, #tpu.memory_space<semaphore_mem>>) src(%dma_wait3A_104 : memref<80xi32, #tpu.memory_space<hbm>>) dst(%arg12 : memref<80xi32, #tpu.memory_space<vmem>>)
    %dma_wait3A_105 = arith.constant 0 : i32
    %dma_wait3A_106 = tpu.memref_slice %arg4[%dma_wait3A_105] : memref<327680xi32, #tpu.memory_space<hbm>> -> memref<80xi32, #tpu.memory_space<hbm>>
    %dma_wait3A_107 = arith.constant 0 : i32
    %dma_wait3A_108 = tpu.memref_slice %arg4[%dma_wait3A_107] : memref<327680xi32, #tpu.memory_space<hbm>> -> memref<80xi32, #tpu.memory_space<hbm>>
    tpu.wait_dma2 semaphore(%arg30 : memref<!tpu.dma_semaphore, #tpu.memory_space<semaphore_mem>>) src(%dma_wait3A_108 : memref<80xi32, #tpu.memory_space<hbm>>) dst(%arg18 : memref<80xi32, #tpu.memory_space<vmem>>)
    %dma_start3A_109 = arith.constant 0 : i32
    %dma_start3A_110 = arith.constant 0 : i32
    %dma_start3A_111 = tpu.memref_slice %arg2[%dma_start3A_109, %dma_start3A_110] : memref<10240x128xf32, #tpu.memory_space<hbm>> -> memref<10240x128xf32, #tpu.memory_space<hbm>>
    tpu.enqueue_indirect_dma source(%dma_start3A_111 : memref<10240x128xf32, #tpu.memory_space<hbm>>) target(%arg24 : memref<80x128xf32, #tpu.memory_space<vmem>>) offsets(%arg12 : memref<80xi32, #tpu.memory_space<vmem>>) semaphore(%arg36 : memref<!tpu.dma_semaphore, #tpu.memory_space<semaphore_mem>>)
    %dma_wait3A_112 = arith.constant 0 : i32
    %dma_wait3A_113 = arith.constant 0 : i32
    %dma_wait3A_114 = tpu.memref_slice %arg2[%dma_wait3A_112, %dma_wait3A_113] : memref<10240x128xf32, #tpu.memory_space<hbm>> -> memref<10240x128xf32, #tpu.memory_space<hbm>>
    tpu.wait_indirect_dma semaphore(%arg35 : memref<!tpu.dma_semaphore, #tpu.memory_space<semaphore_mem>>) src(%dma_wait3A_114 : memref<10240x128xf32, #tpu.memory_space<hbm>>) dst(%arg23 : memref<80x128xf32, #tpu.memory_space<vmem>>)
    %dma_start3A_115 = arith.constant 0 : i32
    %dma_start3A_116 = arith.constant 0 : i32
    %dma_start3A_117 = tpu.memref_slice %arg7[%dma_start3A_115, %dma_start3A_116] : memref<5120x128xf32, #tpu.memory_space<vmem_shared>> -> memref<5120x128xf32, #tpu.memory_space<vmem_shared>>
    tpu.enqueue_indirect_dma source(%arg23 : memref<80x128xf32, #tpu.memory_space<vmem>>) target(%dma_start3A_117 : memref<5120x128xf32, #tpu.memory_space<vmem_shared>>) offsets(%arg17 : memref<80xi32, #tpu.memory_space<vmem>>) semaphore(%arg41 : memref<!tpu.dma_semaphore, #tpu.memory_space<semaphore_mem>>) {add = true}
    %scan3A = arith.constant 0 : i32
    %scan3A_118 = arith.constant 1 : i32
    %scan3A_119 = arith.constant 20 : i32
    %scan3A_120 = arith.addi %scan3A_118, %scan3A_119 : i32
    %scan3A_121 = arith.constant 1 : i32
    scf.for %scan3A_165 = %scan3A_118 to %scan3A_120 step %scan3A_121  : i32 {
      %mul3A_166 = arith.constant 6 : i32
      %mul3A_167 = arith.muli %scan3A_165, %mul3A_166 : i32
      %add3A_168 = arith.constant 0 : i32
      %add3A_169 = arith.addi %mul3A_167, %add3A_168 : i32
      %dma_wait3A_170 = arith.constant 0 : i32
      %dma_wait3A_171 = arith.constant 0 : i32
      %dma_wait3A_172 = tpu.memref_slice %arg7[%dma_wait3A_170, %dma_wait3A_171] : memref<5120x128xf32, #tpu.memory_space<vmem_shared>> -> memref<5120x128xf32, #tpu.memory_space<vmem_shared>>
      tpu.wait_indirect_dma semaphore(%arg38 : memref<!tpu.dma_semaphore, #tpu.memory_space<semaphore_mem>>) src(%arg20 : memref<80x128xf32, #tpu.memory_space<vmem>>) dst(%dma_wait3A_172 : memref<5120x128xf32, #tpu.memory_space<vmem_shared>>)
      %mul3A_173 = arith.constant 80 : i32
      %mul3A_174 = arith.muli %add3A_169, %mul3A_173 : i32
      %add3A_175 = arith.addi %mul3A_4, %mul3A_174 : i32
      %dma_start3A_176 = tpu.memref_slice %arg3[%add3A_175] : memref<327680xi32, #tpu.memory_space<hbm>> -> memref<80xi32, #tpu.memory_space<hbm>>
      %dma_start3A_177 = tpu.memref_slice %arg3[%add3A_175] : memref<327680xi32, #tpu.memory_space<hbm>> -> memref<80xi32, #tpu.memory_space<hbm>>
      tpu.enqueue_dma source(%dma_start3A_177 : memref<80xi32, #tpu.memory_space<hbm>>) target(%arg8 : memref<80xi32, #tpu.memory_space<vmem>>) target_semaphore(%arg26 : memref<!tpu.dma_semaphore, #tpu.memory_space<semaphore_mem>>)
      %dma_start3A_178 = tpu.memref_slice %arg4[%add3A_175] : memref<327680xi32, #tpu.memory_space<hbm>> -> memref<80xi32, #tpu.memory_space<hbm>>
      %dma_start3A_179 = tpu.memref_slice %arg4[%add3A_175] : memref<327680xi32, #tpu.memory_space<hbm>> -> memref<80xi32, #tpu.memory_space<hbm>>
      tpu.enqueue_dma source(%dma_start3A_179 : memref<80xi32, #tpu.memory_space<hbm>>) target(%arg14 : memref<80xi32, #tpu.memory_space<vmem>>) target_semaphore(%arg26 : memref<!tpu.dma_semaphore, #tpu.memory_space<semaphore_mem>>)
      %dma_wait3A_180 = arith.constant 0 : i32
      %dma_wait3A_181 = tpu.memref_slice %arg3[%dma_wait3A_180] : memref<327680xi32, #tpu.memory_space<hbm>> -> memref<80xi32, #tpu.memory_space<hbm>>
      %dma_wait3A_182 = arith.constant 0 : i32
      %dma_wait3A_183 = tpu.memref_slice %arg3[%dma_wait3A_182] : memref<327680xi32, #tpu.memory_space<hbm>> -> memref<80xi32, #tpu.memory_space<hbm>>
      tpu.wait_dma2 semaphore(%arg31 : memref<!tpu.dma_semaphore, #tpu.memory_space<semaphore_mem>>) src(%dma_wait3A_183 : memref<80xi32, #tpu.memory_space<hbm>>) dst(%arg13 : memref<80xi32, #tpu.memory_space<vmem>>)
      %dma_wait3A_184 = arith.constant 0 : i32
      %dma_wait3A_185 = tpu.memref_slice %arg4[%dma_wait3A_184] : memref<327680xi32, #tpu.memory_space<hbm>> -> memref<80xi32, #tpu.memory_space<hbm>>
      %dma_wait3A_186 = arith.constant 0 : i32
      %dma_wait3A_187 = tpu.memref_slice %arg4[%dma_wait3A_186] : memref<327680xi32, #tpu.memory_space<hbm>> -> memref<80xi32, #tpu.memory_space<hbm>>
      tpu.wait_dma2 semaphore(%arg31 : memref<!tpu.dma_semaphore, #tpu.memory_space<semaphore_mem>>) src(%dma_wait3A_187 : memref<80xi32, #tpu.memory_space<hbm>>) dst(%arg19 : memref<80xi32, #tpu.memory_space<vmem>>)
      %dma_start3A_188 = arith.constant 0 : i32
      %dma_start3A_189 = arith.constant 0 : i32
      %dma_start3A_190 = tpu.memref_slice %arg2[%dma_start3A_188, %dma_start3A_189] : memref<10240x128xf32, #tpu.memory_space<hbm>> -> memref<10240x128xf32, #tpu.memory_space<hbm>>
      tpu.enqueue_indirect_dma source(%dma_start3A_190 : memref<10240x128xf32, #tpu.memory_space<hbm>>) target(%arg25 : memref<80x128xf32, #tpu.memory_space<vmem>>) offsets(%arg13 : memref<80xi32, #tpu.memory_space<vmem>>) semaphore(%arg37 : memref<!tpu.dma_semaphore, #tpu.memory_space<semaphore_mem>>)
      %dma_wait3A_191 = arith.constant 0 : i32
      %dma_wait3A_192 = arith.constant 0 : i32
      %dma_wait3A_193 = tpu.memref_slice %arg2[%dma_wait3A_191, %dma_wait3A_192] : memref<10240x128xf32, #tpu.memory_space<hbm>> -> memref<10240x128xf32, #tpu.memory_space<hbm>>
      tpu.wait_indirect_dma semaphore(%arg36 : memref<!tpu.dma_semaphore, #tpu.memory_space<semaphore_mem>>) src(%dma_wait3A_193 : memref<10240x128xf32, #tpu.memory_space<hbm>>) dst(%arg24 : memref<80x128xf32, #tpu.memory_space<vmem>>)
      %dma_start3A_194 = arith.constant 0 : i32
      %dma_start3A_195 = arith.constant 0 : i32
      %dma_start3A_196 = tpu.memref_slice %arg7[%dma_start3A_194, %dma_start3A_195] : memref<5120x128xf32, #tpu.memory_space<vmem_shared>> -> memref<5120x128xf32, #tpu.memory_space<vmem_shared>>
      tpu.enqueue_indirect_dma source(%arg24 : memref<80x128xf32, #tpu.memory_space<vmem>>) target(%dma_start3A_196 : memref<5120x128xf32, #tpu.memory_space<vmem_shared>>) offsets(%arg18 : memref<80xi32, #tpu.memory_space<vmem>>) semaphore(%arg42 : memref<!tpu.dma_semaphore, #tpu.memory_space<semaphore_mem>>) {add = true}
      %mul3A_197 = arith.constant 6 : i32
      %mul3A_198 = arith.muli %scan3A_165, %mul3A_197 : i32
      %add3A_199 = arith.constant 1 : i32
      %add3A_200 = arith.addi %mul3A_198, %add3A_199 : i32
      %dma_wait3A_201 = arith.constant 0 : i32
      %dma_wait3A_202 = arith.constant 0 : i32
      %dma_wait3A_203 = tpu.memref_slice %arg7[%dma_wait3A_201, %dma_wait3A_202] : memref<5120x128xf32, #tpu.memory_space<vmem_shared>> -> memref<5120x128xf32, #tpu.memory_space<vmem_shared>>
      tpu.wait_indirect_dma semaphore(%arg39 : memref<!tpu.dma_semaphore, #tpu.memory_space<semaphore_mem>>) src(%arg21 : memref<80x128xf32, #tpu.memory_space<vmem>>) dst(%dma_wait3A_203 : memref<5120x128xf32, #tpu.memory_space<vmem_shared>>)
      %mul3A_204 = arith.constant 80 : i32
      %mul3A_205 = arith.muli %add3A_200, %mul3A_204 : i32
      %add3A_206 = arith.addi %mul3A_4, %mul3A_205 : i32
      %dma_start3A_207 = tpu.memref_slice %arg3[%add3A_206] : memref<327680xi32, #tpu.memory_space<hbm>> -> memref<80xi32, #tpu.memory_space<hbm>>
      %dma_start3A_208 = tpu.memref_slice %arg3[%add3A_206] : memref<327680xi32, #tpu.memory_space<hbm>> -> memref<80xi32, #tpu.memory_space<hbm>>
      tpu.enqueue_dma source(%dma_start3A_208 : memref<80xi32, #tpu.memory_space<hbm>>) target(%arg9 : memref<80xi32, #tpu.memory_space<vmem>>) target_semaphore(%arg27 : memref<!tpu.dma_semaphore, #tpu.memory_space<semaphore_mem>>)
      %dma_start3A_209 = tpu.memref_slice %arg4[%add3A_206] : memref<327680xi32, #tpu.memory_space<hbm>> -> memref<80xi32, #tpu.memory_space<hbm>>
      %dma_start3A_210 = tpu.memref_slice %arg4[%add3A_206] : memref<327680xi32, #tpu.memory_space<hbm>> -> memref<80xi32, #tpu.memory_space<hbm>>
      tpu.enqueue_dma source(%dma_start3A_210 : memref<80xi32, #tpu.memory_space<hbm>>) target(%arg15 : memref<80xi32, #tpu.memory_space<vmem>>) target_semaphore(%arg27 : memref<!tpu.dma_semaphore, #tpu.memory_space<semaphore_mem>>)
      %dma_wait3A_211 = arith.constant 0 : i32
      %dma_wait3A_212 = tpu.memref_slice %arg3[%dma_wait3A_211] : memref<327680xi32, #tpu.memory_space<hbm>> -> memref<80xi32, #tpu.memory_space<hbm>>
      %dma_wait3A_213 = arith.constant 0 : i32
      %dma_wait3A_214 = tpu.memref_slice %arg3[%dma_wait3A_213] : memref<327680xi32, #tpu.memory_space<hbm>> -> memref<80xi32, #tpu.memory_space<hbm>>
      tpu.wait_dma2 semaphore(%arg26 : memref<!tpu.dma_semaphore, #tpu.memory_space<semaphore_mem>>) src(%dma_wait3A_214 : memref<80xi32, #tpu.memory_space<hbm>>) dst(%arg8 : memref<80xi32, #tpu.memory_space<vmem>>)
      %dma_wait3A_215 = arith.constant 0 : i32
      %dma_wait3A_216 = tpu.memref_slice %arg4[%dma_wait3A_215] : memref<327680xi32, #tpu.memory_space<hbm>> -> memref<80xi32, #tpu.memory_space<hbm>>
      %dma_wait3A_217 = arith.constant 0 : i32
      %dma_wait3A_218 = tpu.memref_slice %arg4[%dma_wait3A_217] : memref<327680xi32, #tpu.memory_space<hbm>> -> memref<80xi32, #tpu.memory_space<hbm>>
      tpu.wait_dma2 semaphore(%arg26 : memref<!tpu.dma_semaphore, #tpu.memory_space<semaphore_mem>>) src(%dma_wait3A_218 : memref<80xi32, #tpu.memory_space<hbm>>) dst(%arg14 : memref<80xi32, #tpu.memory_space<vmem>>)
      %dma_start3A_219 = arith.constant 0 : i32
      %dma_start3A_220 = arith.constant 0 : i32
      %dma_start3A_221 = tpu.memref_slice %arg2[%dma_start3A_219, %dma_start3A_220] : memref<10240x128xf32, #tpu.memory_space<hbm>> -> memref<10240x128xf32, #tpu.memory_space<hbm>>
      tpu.enqueue_indirect_dma source(%dma_start3A_221 : memref<10240x128xf32, #tpu.memory_space<hbm>>) target(%arg20 : memref<80x128xf32, #tpu.memory_space<vmem>>) offsets(%arg8 : memref<80xi32, #tpu.memory_space<vmem>>) semaphore(%arg32 : memref<!tpu.dma_semaphore, #tpu.memory_space<semaphore_mem>>)
      %dma_wait3A_222 = arith.constant 0 : i32
      %dma_wait3A_223 = arith.constant 0 : i32
      %dma_wait3A_224 = tpu.memref_slice %arg2[%dma_wait3A_222, %dma_wait3A_223] : memref<10240x128xf32, #tpu.memory_space<hbm>> -> memref<10240x128xf32, #tpu.memory_space<hbm>>
      tpu.wait_indirect_dma semaphore(%arg37 : memref<!tpu.dma_semaphore, #tpu.memory_space<semaphore_mem>>) src(%dma_wait3A_224 : memref<10240x128xf32, #tpu.memory_space<hbm>>) dst(%arg25 : memref<80x128xf32, #tpu.memory_space<vmem>>)
      %dma_start3A_225 = arith.constant 0 : i32
      %dma_start3A_226 = arith.constant 0 : i32
      %dma_start3A_227 = tpu.memref_slice %arg7[%dma_start3A_225, %dma_start3A_226] : memref<5120x128xf32, #tpu.memory_space<vmem_shared>> -> memref<5120x128xf32, #tpu.memory_space<vmem_shared>>
      tpu.enqueue_indirect_dma source(%arg25 : memref<80x128xf32, #tpu.memory_space<vmem>>) target(%dma_start3A_227 : memref<5120x128xf32, #tpu.memory_space<vmem_shared>>) offsets(%arg19 : memref<80xi32, #tpu.memory_space<vmem>>) semaphore(%arg43 : memref<!tpu.dma_semaphore, #tpu.memory_space<semaphore_mem>>) {add = true}
      %mul3A_228 = arith.constant 6 : i32
      %mul3A_229 = arith.muli %scan3A_165, %mul3A_228 : i32
      %add3A_230 = arith.constant 2 : i32
      %add3A_231 = arith.addi %mul3A_229, %add3A_230 : i32
      %dma_wait3A_232 = arith.constant 0 : i32
      %dma_wait3A_233 = arith.constant 0 : i32
      %dma_wait3A_234 = tpu.memref_slice %arg7[%dma_wait3A_232, %dma_wait3A_233] : memref<5120x128xf32, #tpu.memory_space<vmem_shared>> -> memref<5120x128xf32, #tpu.memory_space<vmem_shared>>
      tpu.wait_indirect_dma semaphore(%arg40 : memref<!tpu.dma_semaphore, #tpu.memory_space<semaphore_mem>>) src(%arg22 : memref<80x128xf32, #tpu.memory_space<vmem>>) dst(%dma_wait3A_234 : memref<5120x128xf32, #tpu.memory_space<vmem_shared>>)
      %mul3A_235 = arith.constant 80 : i32
      %mul3A_236 = arith.muli %add3A_231, %mul3A_235 : i32
      %add3A_237 = arith.addi %mul3A_4, %mul3A_236 : i32
      %dma_start3A_238 = tpu.memref_slice %arg3[%add3A_237] : memref<327680xi32, #tpu.memory_space<hbm>> -> memref<80xi32, #tpu.memory_space<hbm>>
      %dma_start3A_239 = tpu.memref_slice %arg3[%add3A_237] : memref<327680xi32, #tpu.memory_space<hbm>> -> memref<80xi32, #tpu.memory_space<hbm>>
      tpu.enqueue_dma source(%dma_start3A_239 : memref<80xi32, #tpu.memory_space<hbm>>) target(%arg10 : memref<80xi32, #tpu.memory_space<vmem>>) target_semaphore(%arg28 : memref<!tpu.dma_semaphore, #tpu.memory_space<semaphore_mem>>)
      %dma_start3A_240 = tpu.memref_slice %arg4[%add3A_237] : memref<327680xi32, #tpu.memory_space<hbm>> -> memref<80xi32, #tpu.memory_space<hbm>>
      %dma_start3A_241 = tpu.memref_slice %arg4[%add3A_237] : memref<327680xi32, #tpu.memory_space<hbm>> -> memref<80xi32, #tpu.memory_space<hbm>>
      tpu.enqueue_dma source(%dma_start3A_241 : memref<80xi32, #tpu.memory_space<hbm>>) target(%arg16 : memref<80xi32, #tpu.memory_space<vmem>>) target_semaphore(%arg28 : memref<!tpu.dma_semaphore, #tpu.memory_space<semaphore_mem>>)
      %dma_wait3A_242 = arith.constant 0 : i32
      %dma_wait3A_243 = tpu.memref_slice %arg3[%dma_wait3A_242] : memref<327680xi32, #tpu.memory_space<hbm>> -> memref<80xi32, #tpu.memory_space<hbm>>
      %dma_wait3A_244 = arith.constant 0 : i32
      %dma_wait3A_245 = tpu.memref_slice %arg3[%dma_wait3A_244] : memref<327680xi32, #tpu.memory_space<hbm>> -> memref<80xi32, #tpu.memory_space<hbm>>
      tpu.wait_dma2 semaphore(%arg27 : memref<!tpu.dma_semaphore, #tpu.memory_space<semaphore_mem>>) src(%dma_wait3A_245 : memref<80xi32, #tpu.memory_space<hbm>>) dst(%arg9 : memref<80xi32, #tpu.memory_space<vmem>>)
      %dma_wait3A_246 = arith.constant 0 : i32
      %dma_wait3A_247 = tpu.memref_slice %arg4[%dma_wait3A_246] : memref<327680xi32, #tpu.memory_space<hbm>> -> memref<80xi32, #tpu.memory_space<hbm>>
      %dma_wait3A_248 = arith.constant 0 : i32
      %dma_wait3A_249 = tpu.memref_slice %arg4[%dma_wait3A_248] : memref<327680xi32, #tpu.memory_space<hbm>> -> memref<80xi32, #tpu.memory_space<hbm>>
      tpu.wait_dma2 semaphore(%arg27 : memref<!tpu.dma_semaphore, #tpu.memory_space<semaphore_mem>>) src(%dma_wait3A_249 : memref<80xi32, #tpu.memory_space<hbm>>) dst(%arg15 : memref<80xi32, #tpu.memory_space<vmem>>)
      %dma_start3A_250 = arith.constant 0 : i32
      %dma_start3A_251 = arith.constant 0 : i32
      %dma_start3A_252 = tpu.memref_slice %arg2[%dma_start3A_250, %dma_start3A_251] : memref<10240x128xf32, #tpu.memory_space<hbm>> -> memref<10240x128xf32, #tpu.memory_space<hbm>>
      tpu.enqueue_indirect_dma source(%dma_start3A_252 : memref<10240x128xf32, #tpu.memory_space<hbm>>) target(%arg21 : memref<80x128xf32, #tpu.memory_space<vmem>>) offsets(%arg9 : memref<80xi32, #tpu.memory_space<vmem>>) semaphore(%arg33 : memref<!tpu.dma_semaphore, #tpu.memory_space<semaphore_mem>>)
      %dma_wait3A_253 = arith.constant 0 : i32
      %dma_wait3A_254 = arith.constant 0 : i32
      %dma_wait3A_255 = tpu.memref_slice %arg2[%dma_wait3A_253, %dma_wait3A_254] : memref<10240x128xf32, #tpu.memory_space<hbm>> -> memref<10240x128xf32, #tpu.memory_space<hbm>>
      tpu.wait_indirect_dma semaphore(%arg32 : memref<!tpu.dma_semaphore, #tpu.memory_space<semaphore_mem>>) src(%dma_wait3A_255 : memref<10240x128xf32, #tpu.memory_space<hbm>>) dst(%arg20 : memref<80x128xf32, #tpu.memory_space<vmem>>)
      %dma_start3A_256 = arith.constant 0 : i32
      %dma_start3A_257 = arith.constant 0 : i32
      %dma_start3A_258 = tpu.memref_slice %arg7[%dma_start3A_256, %dma_start3A_257] : memref<5120x128xf32, #tpu.memory_space<vmem_shared>> -> memref<5120x128xf32, #tpu.memory_space<vmem_shared>>
      tpu.enqueue_indirect_dma source(%arg20 : memref<80x128xf32, #tpu.memory_space<vmem>>) target(%dma_start3A_258 : memref<5120x128xf32, #tpu.memory_space<vmem_shared>>) offsets(%arg14 : memref<80xi32, #tpu.memory_space<vmem>>) semaphore(%arg38 : memref<!tpu.dma_semaphore, #tpu.memory_space<semaphore_mem>>) {add = true}
      %mul3A_259 = arith.constant 6 : i32
      %mul3A_260 = arith.muli %scan3A_165, %mul3A_259 : i32
      %add3A_261 = arith.constant 3 : i32
      %add3A_262 = arith.addi %mul3A_260, %add3A_261 : i32
      %dma_wait3A_263 = arith.constant 0 : i32
      %dma_wait3A_264 = arith.constant 0 : i32
      %dma_wait3A_265 = tpu.memref_slice %arg7[%dma_wait3A_263, %dma_wait3A_264] : memref<5120x128xf32, #tpu.memory_space<vmem_shared>> -> memref<5120x128xf32, #tpu.memory_space<vmem_shared>>
      tpu.wait_indirect_dma semaphore(%arg41 : memref<!tpu.dma_semaphore, #tpu.memory_space<semaphore_mem>>) src(%arg23 : memref<80x128xf32, #tpu.memory_space<vmem>>) dst(%dma_wait3A_265 : memref<5120x128xf32, #tpu.memory_space<vmem_shared>>)
      %mul3A_266 = arith.constant 80 : i32
      %mul3A_267 = arith.muli %add3A_262, %mul3A_266 : i32
      %add3A_268 = arith.addi %mul3A_4, %mul3A_267 : i32
      %dma_start3A_269 = tpu.memref_slice %arg3[%add3A_268] : memref<327680xi32, #tpu.memory_space<hbm>> -> memref<80xi32, #tpu.memory_space<hbm>>
      %dma_start3A_270 = tpu.memref_slice %arg3[%add3A_268] : memref<327680xi32, #tpu.memory_space<hbm>> -> memref<80xi32, #tpu.memory_space<hbm>>
      tpu.enqueue_dma source(%dma_start3A_270 : memref<80xi32, #tpu.memory_space<hbm>>) target(%arg11 : memref<80xi32, #tpu.memory_space<vmem>>) target_semaphore(%arg29 : memref<!tpu.dma_semaphore, #tpu.memory_space<semaphore_mem>>)
      %dma_start3A_271 = tpu.memref_slice %arg4[%add3A_268] : memref<327680xi32, #tpu.memory_space<hbm>> -> memref<80xi32, #tpu.memory_space<hbm>>
      %dma_start3A_272 = tpu.memref_slice %arg4[%add3A_268] : memref<327680xi32, #tpu.memory_space<hbm>> -> memref<80xi32, #tpu.memory_space<hbm>>
      tpu.enqueue_dma source(%dma_start3A_272 : memref<80xi32, #tpu.memory_space<hbm>>) target(%arg17 : memref<80xi32, #tpu.memory_space<vmem>>) target_semaphore(%arg29 : memref<!tpu.dma_semaphore, #tpu.memory_space<semaphore_mem>>)
      %dma_wait3A_273 = arith.constant 0 : i32
      %dma_wait3A_274 = tpu.memref_slice %arg3[%dma_wait3A_273] : memref<327680xi32, #tpu.memory_space<hbm>> -> memref<80xi32, #tpu.memory_space<hbm>>
      %dma_wait3A_275 = arith.constant 0 : i32
      %dma_wait3A_276 = tpu.memref_slice %arg3[%dma_wait3A_275] : memref<327680xi32, #tpu.memory_space<hbm>> -> memref<80xi32, #tpu.memory_space<hbm>>
      tpu.wait_dma2 semaphore(%arg28 : memref<!tpu.dma_semaphore, #tpu.memory_space<semaphore_mem>>) src(%dma_wait3A_276 : memref<80xi32, #tpu.memory_space<hbm>>) dst(%arg10 : memref<80xi32, #tpu.memory_space<vmem>>)
      %dma_wait3A_277 = arith.constant 0 : i32
      %dma_wait3A_278 = tpu.memref_slice %arg4[%dma_wait3A_277] : memref<327680xi32, #tpu.memory_space<hbm>> -> memref<80xi32, #tpu.memory_space<hbm>>
      %dma_wait3A_279 = arith.constant 0 : i32
      %dma_wait3A_280 = tpu.memref_slice %arg4[%dma_wait3A_279] : memref<327680xi32, #tpu.memory_space<hbm>> -> memref<80xi32, #tpu.memory_space<hbm>>
      tpu.wait_dma2 semaphore(%arg28 : memref<!tpu.dma_semaphore, #tpu.memory_space<semaphore_mem>>) src(%dma_wait3A_280 : memref<80xi32, #tpu.memory_space<hbm>>) dst(%arg16 : memref<80xi32, #tpu.memory_space<vmem>>)
      %dma_start3A_281 = arith.constant 0 : i32
      %dma_start3A_282 = arith.constant 0 : i32
      %dma_start3A_283 = tpu.memref_slice %arg2[%dma_start3A_281, %dma_start3A_282] : memref<10240x128xf32, #tpu.memory_space<hbm>> -> memref<10240x128xf32, #tpu.memory_space<hbm>>
      tpu.enqueue_indirect_dma source(%dma_start3A_283 : memref<10240x128xf32, #tpu.memory_space<hbm>>) target(%arg22 : memref<80x128xf32, #tpu.memory_space<vmem>>) offsets(%arg10 : memref<80xi32, #tpu.memory_space<vmem>>) semaphore(%arg34 : memref<!tpu.dma_semaphore, #tpu.memory_space<semaphore_mem>>)
      %dma_wait3A_284 = arith.constant 0 : i32
      %dma_wait3A_285 = arith.constant 0 : i32
      %dma_wait3A_286 = tpu.memref_slice %arg2[%dma_wait3A_284, %dma_wait3A_285] : memref<10240x128xf32, #tpu.memory_space<hbm>> -> memref<10240x128xf32, #tpu.memory_space<hbm>>
      tpu.wait_indirect_dma semaphore(%arg33 : memref<!tpu.dma_semaphore, #tpu.memory_space<semaphore_mem>>) src(%dma_wait3A_286 : memref<10240x128xf32, #tpu.memory_space<hbm>>) dst(%arg21 : memref<80x128xf32, #tpu.memory_space<vmem>>)
      %dma_start3A_287 = arith.constant 0 : i32
      %dma_start3A_288 = arith.constant 0 : i32
      %dma_start3A_289 = tpu.memref_slice %arg7[%dma_start3A_287, %dma_start3A_288] : memref<5120x128xf32, #tpu.memory_space<vmem_shared>> -> memref<5120x128xf32, #tpu.memory_space<vmem_shared>>
      tpu.enqueue_indirect_dma source(%arg21 : memref<80x128xf32, #tpu.memory_space<vmem>>) target(%dma_start3A_289 : memref<5120x128xf32, #tpu.memory_space<vmem_shared>>) offsets(%arg15 : memref<80xi32, #tpu.memory_space<vmem>>) semaphore(%arg39 : memref<!tpu.dma_semaphore, #tpu.memory_space<semaphore_mem>>) {add = true}
      %mul3A_290 = arith.constant 6 : i32
      %mul3A_291 = arith.muli %scan3A_165, %mul3A_290 : i32
      %add3A_292 = arith.constant 4 : i32
      %add3A_293 = arith.addi %mul3A_291, %add3A_292 : i32
      %dma_wait3A_294 = arith.constant 0 : i32
      %dma_wait3A_295 = arith.constant 0 : i32
      %dma_wait3A_296 = tpu.memref_slice %arg7[%dma_wait3A_294, %dma_wait3A_295] : memref<5120x128xf32, #tpu.memory_space<vmem_shared>> -> memref<5120x128xf32, #tpu.memory_space<vmem_shared>>
      tpu.wait_indirect_dma semaphore(%arg42 : memref<!tpu.dma_semaphore, #tpu.memory_space<semaphore_mem>>) src(%arg24 : memref<80x128xf32, #tpu.memory_space<vmem>>) dst(%dma_wait3A_296 : memref<5120x128xf32, #tpu.memory_space<vmem_shared>>)
      %mul3A_297 = arith.constant 80 : i32
      %mul3A_298 = arith.muli %add3A_293, %mul3A_297 : i32
      %add3A_299 = arith.addi %mul3A_4, %mul3A_298 : i32
      %dma_start3A_300 = tpu.memref_slice %arg3[%add3A_299] : memref<327680xi32, #tpu.memory_space<hbm>> -> memref<80xi32, #tpu.memory_space<hbm>>
      %dma_start3A_301 = tpu.memref_slice %arg3[%add3A_299] : memref<327680xi32, #tpu.memory_space<hbm>> -> memref<80xi32, #tpu.memory_space<hbm>>
      tpu.enqueue_dma source(%dma_start3A_301 : memref<80xi32, #tpu.memory_space<hbm>>) target(%arg12 : memref<80xi32, #tpu.memory_space<vmem>>) target_semaphore(%arg30 : memref<!tpu.dma_semaphore, #tpu.memory_space<semaphore_mem>>)
      %dma_start3A_302 = tpu.memref_slice %arg4[%add3A_299] : memref<327680xi32, #tpu.memory_space<hbm>> -> memref<80xi32, #tpu.memory_space<hbm>>
      %dma_start3A_303 = tpu.memref_slice %arg4[%add3A_299] : memref<327680xi32, #tpu.memory_space<hbm>> -> memref<80xi32, #tpu.memory_space<hbm>>
      tpu.enqueue_dma source(%dma_start3A_303 : memref<80xi32, #tpu.memory_space<hbm>>) target(%arg18 : memref<80xi32, #tpu.memory_space<vmem>>) target_semaphore(%arg30 : memref<!tpu.dma_semaphore, #tpu.memory_space<semaphore_mem>>)
      %dma_wait3A_304 = arith.constant 0 : i32
      %dma_wait3A_305 = tpu.memref_slice %arg3[%dma_wait3A_304] : memref<327680xi32, #tpu.memory_space<hbm>> -> memref<80xi32, #tpu.memory_space<hbm>>
      %dma_wait3A_306 = arith.constant 0 : i32
      %dma_wait3A_307 = tpu.memref_slice %arg3[%dma_wait3A_306] : memref<327680xi32, #tpu.memory_space<hbm>> -> memref<80xi32, #tpu.memory_space<hbm>>
      tpu.wait_dma2 semaphore(%arg29 : memref<!tpu.dma_semaphore, #tpu.memory_space<semaphore_mem>>) src(%dma_wait3A_307 : memref<80xi32, #tpu.memory_space<hbm>>) dst(%arg11 : memref<80xi32, #tpu.memory_space<vmem>>)
      %dma_wait3A_308 = arith.constant 0 : i32
      %dma_wait3A_309 = tpu.memref_slice %arg4[%dma_wait3A_308] : memref<327680xi32, #tpu.memory_space<hbm>> -> memref<80xi32, #tpu.memory_space<hbm>>
      %dma_wait3A_310 = arith.constant 0 : i32
      %dma_wait3A_311 = tpu.memref_slice %arg4[%dma_wait3A_310] : memref<327680xi32, #tpu.memory_space<hbm>> -> memref<80xi32, #tpu.memory_space<hbm>>
      tpu.wait_dma2 semaphore(%arg29 : memref<!tpu.dma_semaphore, #tpu.memory_space<semaphore_mem>>) src(%dma_wait3A_311 : memref<80xi32, #tpu.memory_space<hbm>>) dst(%arg17 : memref<80xi32, #tpu.memory_space<vmem>>)
      %dma_start3A_312 = arith.constant 0 : i32
      %dma_start3A_313 = arith.constant 0 : i32
      %dma_start3A_314 = tpu.memref_slice %arg2[%dma_start3A_312, %dma_start3A_313] : memref<10240x128xf32, #tpu.memory_space<hbm>> -> memref<10240x128xf32, #tpu.memory_space<hbm>>
      tpu.enqueue_indirect_dma source(%dma_start3A_314 : memref<10240x128xf32, #tpu.memory_space<hbm>>) target(%arg23 : memref<80x128xf32, #tpu.memory_space<vmem>>) offsets(%arg11 : memref<80xi32, #tpu.memory_space<vmem>>) semaphore(%arg35 : memref<!tpu.dma_semaphore, #tpu.memory_space<semaphore_mem>>)
      %dma_wait3A_315 = arith.constant 0 : i32
      %dma_wait3A_316 = arith.constant 0 : i32
      %dma_wait3A_317 = tpu.memref_slice %arg2[%dma_wait3A_315, %dma_wait3A_316] : memref<10240x128xf32, #tpu.memory_space<hbm>> -> memref<10240x128xf32, #tpu.memory_space<hbm>>
      tpu.wait_indirect_dma semaphore(%arg34 : memref<!tpu.dma_semaphore, #tpu.memory_space<semaphore_mem>>) src(%dma_wait3A_317 : memref<10240x128xf32, #tpu.memory_space<hbm>>) dst(%arg22 : memref<80x128xf32, #tpu.memory_space<vmem>>)
      %dma_start3A_318 = arith.constant 0 : i32
      %dma_start3A_319 = arith.constant 0 : i32
      %dma_start3A_320 = tpu.memref_slice %arg7[%dma_start3A_318, %dma_start3A_319] : memref<5120x128xf32, #tpu.memory_space<vmem_shared>> -> memref<5120x128xf32, #tpu.memory_space<vmem_shared>>
      tpu.enqueue_indirect_dma source(%arg22 : memref<80x128xf32, #tpu.memory_space<vmem>>) target(%dma_start3A_320 : memref<5120x128xf32, #tpu.memory_space<vmem_shared>>) offsets(%arg16 : memref<80xi32, #tpu.memory_space<vmem>>) semaphore(%arg40 : memref<!tpu.dma_semaphore, #tpu.memory_space<semaphore_mem>>) {add = true}
      %mul3A_321 = arith.constant 6 : i32
      %mul3A_322 = arith.muli %scan3A_165, %mul3A_321 : i32
      %add3A_323 = arith.constant 5 : i32
      %add3A_324 = arith.addi %mul3A_322, %add3A_323 : i32
      %dma_wait3A_325 = arith.constant 0 : i32
      %dma_wait3A_326 = arith.constant 0 : i32
      %dma_wait3A_327 = tpu.memref_slice %arg7[%dma_wait3A_325, %dma_wait3A_326] : memref<5120x128xf32, #tpu.memory_space<vmem_shared>> -> memref<5120x128xf32, #tpu.memory_space<vmem_shared>>
      tpu.wait_indirect_dma semaphore(%arg43 : memref<!tpu.dma_semaphore, #tpu.memory_space<semaphore_mem>>) src(%arg25 : memref<80x128xf32, #tpu.memory_space<vmem>>) dst(%dma_wait3A_327 : memref<5120x128xf32, #tpu.memory_space<vmem_shared>>)
      %mul3A_328 = arith.constant 80 : i32
      %mul3A_329 = arith.muli %add3A_324, %mul3A_328 : i32
      %add3A_330 = arith.addi %mul3A_4, %mul3A_329 : i32
      %dma_start3A_331 = tpu.memref_slice %arg3[%add3A_330] : memref<327680xi32, #tpu.memory_space<hbm>> -> memref<80xi32, #tpu.memory_space<hbm>>
      %dma_start3A_332 = tpu.memref_slice %arg3[%add3A_330] : memref<327680xi32, #tpu.memory_space<hbm>> -> memref<80xi32, #tpu.memory_space<hbm>>
      tpu.enqueue_dma source(%dma_start3A_332 : memref<80xi32, #tpu.memory_space<hbm>>) target(%arg13 : memref<80xi32, #tpu.memory_space<vmem>>) target_semaphore(%arg31 : memref<!tpu.dma_semaphore, #tpu.memory_space<semaphore_mem>>)
      %dma_start3A_333 = tpu.memref_slice %arg4[%add3A_330] : memref<327680xi32, #tpu.memory_space<hbm>> -> memref<80xi32, #tpu.memory_space<hbm>>
      %dma_start3A_334 = tpu.memref_slice %arg4[%add3A_330] : memref<327680xi32, #tpu.memory_space<hbm>> -> memref<80xi32, #tpu.memory_space<hbm>>
      tpu.enqueue_dma source(%dma_start3A_334 : memref<80xi32, #tpu.memory_space<hbm>>) target(%arg19 : memref<80xi32, #tpu.memory_space<vmem>>) target_semaphore(%arg31 : memref<!tpu.dma_semaphore, #tpu.memory_space<semaphore_mem>>)
      %dma_wait3A_335 = arith.constant 0 : i32
      %dma_wait3A_336 = tpu.memref_slice %arg3[%dma_wait3A_335] : memref<327680xi32, #tpu.memory_space<hbm>> -> memref<80xi32, #tpu.memory_space<hbm>>
      %dma_wait3A_337 = arith.constant 0 : i32
      %dma_wait3A_338 = tpu.memref_slice %arg3[%dma_wait3A_337] : memref<327680xi32, #tpu.memory_space<hbm>> -> memref<80xi32, #tpu.memory_space<hbm>>
      tpu.wait_dma2 semaphore(%arg30 : memref<!tpu.dma_semaphore, #tpu.memory_space<semaphore_mem>>) src(%dma_wait3A_338 : memref<80xi32, #tpu.memory_space<hbm>>) dst(%arg12 : memref<80xi32, #tpu.memory_space<vmem>>)
      %dma_wait3A_339 = arith.constant 0 : i32
      %dma_wait3A_340 = tpu.memref_slice %arg4[%dma_wait3A_339] : memref<327680xi32, #tpu.memory_space<hbm>> -> memref<80xi32, #tpu.memory_space<hbm>>
      %dma_wait3A_341 = arith.constant 0 : i32
      %dma_wait3A_342 = tpu.memref_slice %arg4[%dma_wait3A_341] : memref<327680xi32, #tpu.memory_space<hbm>> -> memref<80xi32, #tpu.memory_space<hbm>>
      tpu.wait_dma2 semaphore(%arg30 : memref<!tpu.dma_semaphore, #tpu.memory_space<semaphore_mem>>) src(%dma_wait3A_342 : memref<80xi32, #tpu.memory_space<hbm>>) dst(%arg18 : memref<80xi32, #tpu.memory_space<vmem>>)
      %dma_start3A_343 = arith.constant 0 : i32
      %dma_start3A_344 = arith.constant 0 : i32
      %dma_start3A_345 = tpu.memref_slice %arg2[%dma_start3A_343, %dma_start3A_344] : memref<10240x128xf32, #tpu.memory_space<hbm>> -> memref<10240x128xf32, #tpu.memory_space<hbm>>
      tpu.enqueue_indirect_dma source(%dma_start3A_345 : memref<10240x128xf32, #tpu.memory_space<hbm>>) target(%arg24 : memref<80x128xf32, #tpu.memory_space<vmem>>) offsets(%arg12 : memref<80xi32, #tpu.memory_space<vmem>>) semaphore(%arg36 : memref<!tpu.dma_semaphore, #tpu.memory_space<semaphore_mem>>)
      %dma_wait3A_346 = arith.constant 0 : i32
      %dma_wait3A_347 = arith.constant 0 : i32
      %dma_wait3A_348 = tpu.memref_slice %arg2[%dma_wait3A_346, %dma_wait3A_347] : memref<10240x128xf32, #tpu.memory_space<hbm>> -> memref<10240x128xf32, #tpu.memory_space<hbm>>
      tpu.wait_indirect_dma semaphore(%arg35 : memref<!tpu.dma_semaphore, #tpu.memory_space<semaphore_mem>>) src(%dma_wait3A_348 : memref<10240x128xf32, #tpu.memory_space<hbm>>) dst(%arg23 : memref<80x128xf32, #tpu.memory_space<vmem>>)
      %dma_start3A_349 = arith.constant 0 : i32
      %dma_start3A_350 = arith.constant 0 : i32
      %dma_start3A_351 = tpu.memref_slice %arg7[%dma_start3A_349, %dma_start3A_350] : memref<5120x128xf32, #tpu.memory_space<vmem_shared>> -> memref<5120x128xf32, #tpu.memory_space<vmem_shared>>
      tpu.enqueue_indirect_dma source(%arg23 : memref<80x128xf32, #tpu.memory_space<vmem>>) target(%dma_start3A_351 : memref<5120x128xf32, #tpu.memory_space<vmem_shared>>) offsets(%arg17 : memref<80xi32, #tpu.memory_space<vmem>>) semaphore(%arg41 : memref<!tpu.dma_semaphore, #tpu.memory_space<semaphore_mem>>) {add = true}
    }
    %scan3A_122 = arith.constant 20 : i32
    %dma_wait3A_123 = arith.constant 0 : i32
    %dma_wait3A_124 = tpu.memref_slice %arg3[%dma_wait3A_123] : memref<327680xi32, #tpu.memory_space<hbm>> -> memref<80xi32, #tpu.memory_space<hbm>>
    %dma_wait3A_125 = arith.constant 0 : i32
    %dma_wait3A_126 = tpu.memref_slice %arg3[%dma_wait3A_125] : memref<327680xi32, #tpu.memory_space<hbm>> -> memref<80xi32, #tpu.memory_space<hbm>>
    tpu.wait_dma2 semaphore(%arg31 : memref<!tpu.dma_semaphore, #tpu.memory_space<semaphore_mem>>) src(%dma_wait3A_126 : memref<80xi32, #tpu.memory_space<hbm>>) dst(%arg13 : memref<80xi32, #tpu.memory_space<vmem>>)
    %dma_wait3A_127 = arith.constant 0 : i32
    %dma_wait3A_128 = tpu.memref_slice %arg4[%dma_wait3A_127] : memref<327680xi32, #tpu.memory_space<hbm>> -> memref<80xi32, #tpu.memory_space<hbm>>
    %dma_wait3A_129 = arith.constant 0 : i32
    %dma_wait3A_130 = tpu.memref_slice %arg4[%dma_wait3A_129] : memref<327680xi32, #tpu.memory_space<hbm>> -> memref<80xi32, #tpu.memory_space<hbm>>
    tpu.wait_dma2 semaphore(%arg31 : memref<!tpu.dma_semaphore, #tpu.memory_space<semaphore_mem>>) src(%dma_wait3A_130 : memref<80xi32, #tpu.memory_space<hbm>>) dst(%arg19 : memref<80xi32, #tpu.memory_space<vmem>>)
    %dma_start3A_131 = arith.constant 0 : i32
    %dma_start3A_132 = arith.constant 0 : i32
    %dma_start3A_133 = tpu.memref_slice %arg2[%dma_start3A_131, %dma_start3A_132] : memref<10240x128xf32, #tpu.memory_space<hbm>> -> memref<10240x128xf32, #tpu.memory_space<hbm>>
    tpu.enqueue_indirect_dma source(%dma_start3A_133 : memref<10240x128xf32, #tpu.memory_space<hbm>>) target(%arg25 : memref<80x128xf32, #tpu.memory_space<vmem>>) offsets(%arg13 : memref<80xi32, #tpu.memory_space<vmem>>) semaphore(%arg37 : memref<!tpu.dma_semaphore, #tpu.memory_space<semaphore_mem>>)
    %dma_wait3A_134 = arith.constant 0 : i32
    %dma_wait3A_135 = arith.constant 0 : i32
    %dma_wait3A_136 = tpu.memref_slice %arg2[%dma_wait3A_134, %dma_wait3A_135] : memref<10240x128xf32, #tpu.memory_space<hbm>> -> memref<10240x128xf32, #tpu.memory_space<hbm>>
    tpu.wait_indirect_dma semaphore(%arg36 : memref<!tpu.dma_semaphore, #tpu.memory_space<semaphore_mem>>) src(%dma_wait3A_136 : memref<10240x128xf32, #tpu.memory_space<hbm>>) dst(%arg24 : memref<80x128xf32, #tpu.memory_space<vmem>>)
    %dma_start3A_137 = arith.constant 0 : i32
    %dma_start3A_138 = arith.constant 0 : i32
    %dma_start3A_139 = tpu.memref_slice %arg7[%dma_start3A_137, %dma_start3A_138] : memref<5120x128xf32, #tpu.memory_space<vmem_shared>> -> memref<5120x128xf32, #tpu.memory_space<vmem_shared>>
    tpu.enqueue_indirect_dma source(%arg24 : memref<80x128xf32, #tpu.memory_space<vmem>>) target(%dma_start3A_139 : memref<5120x128xf32, #tpu.memory_space<vmem_shared>>) offsets(%arg18 : memref<80xi32, #tpu.memory_space<vmem>>) semaphore(%arg42 : memref<!tpu.dma_semaphore, #tpu.memory_space<semaphore_mem>>) {add = true}
    %dma_wait3A_140 = arith.constant 0 : i32
    %dma_wait3A_141 = arith.constant 0 : i32
    %dma_wait3A_142 = tpu.memref_slice %arg2[%dma_wait3A_140, %dma_wait3A_141] : memref<10240x128xf32, #tpu.memory_space<hbm>> -> memref<10240x128xf32, #tpu.memory_space<hbm>>
    tpu.wait_indirect_dma semaphore(%arg37 : memref<!tpu.dma_semaphore, #tpu.memory_space<semaphore_mem>>) src(%dma_wait3A_142 : memref<10240x128xf32, #tpu.memory_space<hbm>>) dst(%arg25 : memref<80x128xf32, #tpu.memory_space<vmem>>)
    %dma_start3A_143 = arith.constant 0 : i32
    %dma_start3A_144 = arith.constant 0 : i32
    %dma_start3A_145 = tpu.memref_slice %arg7[%dma_start3A_143, %dma_start3A_144] : memref<5120x128xf32, #tpu.memory_space<vmem_shared>> -> memref<5120x128xf32, #tpu.memory_space<vmem_shared>>
    tpu.enqueue_indirect_dma source(%arg25 : memref<80x128xf32, #tpu.memory_space<vmem>>) target(%dma_start3A_145 : memref<5120x128xf32, #tpu.memory_space<vmem_shared>>) offsets(%arg19 : memref<80xi32, #tpu.memory_space<vmem>>) semaphore(%arg43 : memref<!tpu.dma_semaphore, #tpu.memory_space<semaphore_mem>>) {add = true}
    %dma_wait3A_146 = arith.constant 0 : i32
    %dma_wait3A_147 = arith.constant 0 : i32
    %dma_wait3A_148 = tpu.memref_slice %arg7[%dma_wait3A_146, %dma_wait3A_147] : memref<5120x128xf32, #tpu.memory_space<vmem_shared>> -> memref<5120x128xf32, #tpu.memory_space<vmem_shared>>
    tpu.wait_indirect_dma semaphore(%arg38 : memref<!tpu.dma_semaphore, #tpu.memory_space<semaphore_mem>>) src(%arg20 : memref<80x128xf32, #tpu.memory_space<vmem>>) dst(%dma_wait3A_148 : memref<5120x128xf32, #tpu.memory_space<vmem_shared>>)
    %dma_wait3A_149 = arith.constant 0 : i32
    %dma_wait3A_150 = arith.constant 0 : i32
    %dma_wait3A_151 = tpu.memref_slice %arg7[%dma_wait3A_149, %dma_wait3A_150] : memref<5120x128xf32, #tpu.memory_space<vmem_shared>> -> memref<5120x128xf32, #tpu.memory_space<vmem_shared>>
    tpu.wait_indirect_dma semaphore(%arg39 : memref<!tpu.dma_semaphore, #tpu.memory_space<semaphore_mem>>) src(%arg21 : memref<80x128xf32, #tpu.memory_space<vmem>>) dst(%dma_wait3A_151 : memref<5120x128xf32, #tpu.memory_space<vmem_shared>>)
    %dma_wait3A_152 = arith.constant 0 : i32
    %dma_wait3A_153 = arith.constant 0 : i32
    %dma_wait3A_154 = tpu.memref_slice %arg7[%dma_wait3A_152, %dma_wait3A_153] : memref<5120x128xf32, #tpu.memory_space<vmem_shared>> -> memref<5120x128xf32, #tpu.memory_space<vmem_shared>>
    tpu.wait_indirect_dma semaphore(%arg40 : memref<!tpu.dma_semaphore, #tpu.memory_space<semaphore_mem>>) src(%arg22 : memref<80x128xf32, #tpu.memory_space<vmem>>) dst(%dma_wait3A_154 : memref<5120x128xf32, #tpu.memory_space<vmem_shared>>)
    %dma_wait3A_155 = arith.constant 0 : i32
    %dma_wait3A_156 = arith.constant 0 : i32
    %dma_wait3A_157 = tpu.memref_slice %arg7[%dma_wait3A_155, %dma_wait3A_156] : memref<5120x128xf32, #tpu.memory_space<vmem_shared>> -> memref<5120x128xf32, #tpu.memory_space<vmem_shared>>
    tpu.wait_indirect_dma semaphore(%arg41 : memref<!tpu.dma_semaphore, #tpu.memory_space<semaphore_mem>>) src(%arg23 : memref<80x128xf32, #tpu.memory_space<vmem>>) dst(%dma_wait3A_157 : memref<5120x128xf32, #tpu.memory_space<vmem_shared>>)
    %dma_wait3A_158 = arith.constant 0 : i32
    %dma_wait3A_159 = arith.constant 0 : i32
    %dma_wait3A_160 = tpu.memref_slice %arg7[%dma_wait3A_158, %dma_wait3A_159] : memref<5120x128xf32, #tpu.memory_space<vmem_shared>> -> memref<5120x128xf32, #tpu.memory_space<vmem_shared>>
    tpu.wait_indirect_dma semaphore(%arg42 : memref<!tpu.dma_semaphore, #tpu.memory_space<semaphore_mem>>) src(%arg24 : memref<80x128xf32, #tpu.memory_space<vmem>>) dst(%dma_wait3A_160 : memref<5120x128xf32, #tpu.memory_space<vmem_shared>>)
    %dma_wait3A_161 = arith.constant 0 : i32
    %dma_wait3A_162 = arith.constant 0 : i32
    %dma_wait3A_163 = tpu.memref_slice %arg7[%dma_wait3A_161, %dma_wait3A_162] : memref<5120x128xf32, #tpu.memory_space<vmem_shared>> -> memref<5120x128xf32, #tpu.memory_space<vmem_shared>>
    tpu.wait_indirect_dma semaphore(%arg43 : memref<!tpu.dma_semaphore, #tpu.memory_space<semaphore_mem>>) src(%arg25 : memref<80x128xf32, #tpu.memory_space<vmem>>) dst(%dma_wait3A_163 : memref<5120x128xf32, #tpu.memory_space<vmem_shared>>)
    %barrier3A_164 = arith.constant 0 : index
    tpu.barrier barrier_id(%barrier3A_164)
    "tpu.region"() ({
      %run_scoped3A = tpu.sem_alloc : memref<!tpu.dma_semaphore, #tpu.memory_space<semaphore_mem>>
      %dma_start3A_165 = arith.constant 0 : i32
      %dma_start3A_166 = tpu.memref_slice %arg6[%arg0, %mul3A_2, %dma_start3A_165] : memref<2x5120x128xf32, #tpu.memory_space<hbm>> -> memref<1x320x128xf32, #tpu.memory_space<hbm>>
      %dma_start3A_167 = tpu.memref_squeeze %dma_start3A_166 : memref<1x320x128xf32, #tpu.memory_space<hbm>> -> memref<320x128xf32, #tpu.memory_space<hbm>>
      %dma_start3A_168 = arith.constant 0 : i32
      %dma_start3A_169 = tpu.memref_slice %arg7[%mul3A_2, %dma_start3A_168] : memref<5120x128xf32, #tpu.memory_space<vmem_shared>> -> memref<320x128xf32, #tpu.memory_space<vmem_shared>>
      tpu.enqueue_dma source(%dma_start3A_169 : memref<320x128xf32, #tpu.memory_space<vmem_shared>>) target(%dma_start3A_167 : memref<320x128xf32, #tpu.memory_space<hbm>>) target_semaphore(%run_scoped3A : memref<!tpu.dma_semaphore, #tpu.memory_space<semaphore_mem>>)
      %dma_wait3A_170 = arith.constant 0 : i32
      %dma_wait3A_171 = tpu.memref_slice %arg6[%arg0, %mul3A_2, %dma_wait3A_170] : memref<2x5120x128xf32, #tpu.memory_space<hbm>> -> memref<1x320x128xf32, #tpu.memory_space<hbm>>
      %dma_wait3A_172 = tpu.memref_squeeze %dma_wait3A_171 : memref<1x320x128xf32, #tpu.memory_space<hbm>> -> memref<320x128xf32, #tpu.memory_space<hbm>>
      %dma_wait3A_173 = arith.constant 0 : i32
      %dma_wait3A_174 = tpu.memref_slice %arg7[%mul3A_2, %dma_wait3A_173] : memref<5120x128xf32, #tpu.memory_space<vmem_shared>> -> memref<320x128xf32, #tpu.memory_space<vmem_shared>>
      tpu.wait_dma2 semaphore(%run_scoped3A : memref<!tpu.dma_semaphore, #tpu.memory_space<semaphore_mem>>) src(%dma_wait3A_174 : memref<320x128xf32, #tpu.memory_space<vmem_shared>>) dst(%dma_wait3A_172 : memref<320x128xf32, #tpu.memory_space<hbm>>)
      tpu.yield
    }) : () -> ()
    return
  }
}

#map = affine_map<(d0, d1) -> (0, 0)>
#map1 = affine_map<(d0, d1) -> (0)>
#map2 = affine_map<(d0, d1) -> (0, 0, 0)>
module attributes {stable_mosaic.version = 14 : i64} {
  func.func @body(%arg0: i32, %arg1: i32, %arg2: memref<10240x128xf32, #tpu.memory_space<hbm>>, %arg3: memref<327680xi32, #tpu.memory_space<hbm>>, %arg4: memref<327680xi32, #tpu.memory_space<hbm>>, %arg5: memref<10240x128xf32, #tpu.memory_space<hbm>>, %arg6: memref<2x5120x128xf32, #tpu.memory_space<hbm>>, %arg7: memref<5120x128xf32, #tpu.memory_space<vmem_shared>>, %arg8: memref<80xi32, #tpu.memory_space<vmem>>, %arg9: memref<80xi32, #tpu.memory_space<vmem>>, %arg10: memref<80xi32, #tpu.memory_space<vmem>>, %arg11: memref<80xi32, #tpu.memory_space<vmem>>, %arg12: memref<80xi32, #tpu.memory_space<vmem>>, %arg13: memref<80xi32, #tpu.memory_space<vmem>>, %arg14: memref<80xi32, #tpu.memory_space<vmem>>, %arg15: memref<80xi32, #tpu.memory_space<vmem>>, %arg16: memref<80xi32, #tpu.memory_space<vmem>>, %arg17: memref<80xi32, #tpu.memory_space<vmem>>, %arg18: memref<80xi32, #tpu.memory_space<vmem>>, %arg19: memref<80xi32, #tpu.memory_space<vmem>>, %arg20: memref<80x128xf32, #tpu.memory_space<vmem>>, %arg21: memref<80x128xf32, #tpu.memory_space<vmem>>, %arg22: memref<80x128xf32, #tpu.memory_space<vmem>>, %arg23: memref<80x128xf32, #tpu.memory_space<vmem>>, %arg24: memref<80x128xf32, #tpu.memory_space<vmem>>, %arg25: memref<80x128xf32, #tpu.memory_space<vmem>>, %arg26: memref<!tpu.dma_semaphore, #tpu.memory_space<semaphore_mem>>, %arg27: memref<!tpu.dma_semaphore, #tpu.memory_space<semaphore_mem>>, %arg28: memref<!tpu.dma_semaphore, #tpu.memory_space<semaphore_mem>>, %arg29: memref<!tpu.dma_semaphore, #tpu.memory_space<semaphore_mem>>, %arg30: memref<!tpu.dma_semaphore, #tpu.memory_space<semaphore_mem>>, %arg31: memref<!tpu.dma_semaphore, #tpu.memory_space<semaphore_mem>>, %arg32: memref<!tpu.dma_semaphore, #tpu.memory_space<semaphore_mem>>, %arg33: memref<!tpu.dma_semaphore, #tpu.memory_space<semaphore_mem>>, %arg34: memref<!tpu.dma_semaphore, #tpu.memory_space<semaphore_mem>>, %arg35: memref<!tpu.dma_semaphore, #tpu.memory_space<semaphore_mem>>, %arg36: memref<!tpu.dma_semaphore, #tpu.memory_space<semaphore_mem>>, %arg37: memref<!tpu.dma_semaphore, #tpu.memory_space<semaphore_mem>>, %arg38: memref<!tpu.dma_semaphore, #tpu.memory_space<semaphore_mem>>, %arg39: memref<!tpu.dma_semaphore, #tpu.memory_space<semaphore_mem>>, %arg40: memref<!tpu.dma_semaphore, #tpu.memory_space<semaphore_mem>>, %arg41: memref<!tpu.dma_semaphore, #tpu.memory_space<semaphore_mem>>, %arg42: memref<!tpu.dma_semaphore, #tpu.memory_space<semaphore_mem>>, %arg43: memref<!tpu.dma_semaphore, #tpu.memory_space<semaphore_mem>>) attributes {dimension_semantics = [#tpu.dimension_semantics<core_parallel>, #tpu.dimension_semantics<subcore_parallel>], iteration_bounds = array<i64: 2, 16>, scalar_prefetch = 0 : i64, scratch_operands = 37 : i64, tpu.core_type = #tpu.core_type<sc_vector_subcore>, window_params = [{transform_indices = #map}, {transform_indices = #map1}, {transform_indices = #map1}, {transform_indices = #map}, {transform_indices = #map2}]} {
    %mul3A = arith.constant 16 : i32
    %mul3A_0 = arith.muli %arg0, %mul3A : i32
    %add3A = arith.addi %mul3A_0, %arg1 : i32
    %mul3A_1 = arith.constant 320 : i32
    %mul3A_2 = arith.muli %arg1, %mul3A_1 : i32
    "tpu.region"() ({
      %run_scoped3A = tpu.sem_alloc : memref<!tpu.dma_semaphore, #tpu.memory_space<semaphore_mem>>
      %dma_start3A_165 = arith.constant 0 : i32
      %dma_start3A_166 = tpu.memref_slice %arg7[%mul3A_2, %dma_start3A_165] : memref<5120x128xf32, #tpu.memory_space<vmem_shared>> -> memref<320x128xf32, #tpu.memory_space<vmem_shared>>
      %dma_start3A_167 = arith.constant 0 : i32
      %dma_start3A_168 = tpu.memref_slice %arg5[%mul3A_2, %dma_start3A_167] : memref<10240x128xf32, #tpu.memory_space<hbm>> -> memref<320x128xf32, #tpu.memory_space<hbm>>
      tpu.enqueue_dma source(%dma_start3A_168 : memref<320x128xf32, #tpu.memory_space<hbm>>) target(%dma_start3A_166 : memref<320x128xf32, #tpu.memory_space<vmem_shared>>) target_semaphore(%run_scoped3A : memref<!tpu.dma_semaphore, #tpu.memory_space<semaphore_mem>>)
      %dma_wait3A_169 = arith.constant 0 : i32
      %dma_wait3A_170 = tpu.memref_slice %arg7[%mul3A_2, %dma_wait3A_169] : memref<5120x128xf32, #tpu.memory_space<vmem_shared>> -> memref<320x128xf32, #tpu.memory_space<vmem_shared>>
      %dma_wait3A_171 = arith.constant 0 : i32
      %dma_wait3A_172 = tpu.memref_slice %arg5[%mul3A_2, %dma_wait3A_171] : memref<10240x128xf32, #tpu.memory_space<hbm>> -> memref<320x128xf32, #tpu.memory_space<hbm>>
      tpu.wait_dma2 semaphore(%run_scoped3A : memref<!tpu.dma_semaphore, #tpu.memory_space<semaphore_mem>>) src(%dma_wait3A_172 : memref<320x128xf32, #tpu.memory_space<hbm>>) dst(%dma_wait3A_170 : memref<320x128xf32, #tpu.memory_space<vmem_shared>>)
      tpu.yield
    }) : () -> ()
    %barrier3A = arith.constant 0 : index
    tpu.barrier barrier_id(%barrier3A)
    %mul3A_3 = arith.constant 10080 : i32
    %mul3A_4 = arith.muli %add3A, %mul3A_3 : i32
    %add3A_5 = arith.constant 0 : i32
    %add3A_6 = arith.addi %mul3A_4, %add3A_5 : i32
    %dma_start3A = tpu.memref_slice %arg3[%add3A_6] : memref<327680xi32, #tpu.memory_space<hbm>> -> memref<80xi32, #tpu.memory_space<hbm>>
    %dma_start3A_7 = tpu.memref_slice %arg3[%add3A_6] : memref<327680xi32, #tpu.memory_space<hbm>> -> memref<80xi32, #tpu.memory_space<hbm>>
    tpu.enqueue_dma source(%dma_start3A_7 : memref<80xi32, #tpu.memory_space<hbm>>) target(%arg8 : memref<80xi32, #tpu.memory_space<vmem>>) target_semaphore(%arg26 : memref<!tpu.dma_semaphore, #tpu.memory_space<semaphore_mem>>)
    %dma_start3A_8 = tpu.memref_slice %arg4[%add3A_6] : memref<327680xi32, #tpu.memory_space<hbm>> -> memref<80xi32, #tpu.memory_space<hbm>>
    %dma_start3A_9 = tpu.memref_slice %arg4[%add3A_6] : memref<327680xi32, #tpu.memory_space<hbm>> -> memref<80xi32, #tpu.memory_space<hbm>>
    tpu.enqueue_dma source(%dma_start3A_9 : memref<80xi32, #tpu.memory_space<hbm>>) target(%arg14 : memref<80xi32, #tpu.memory_space<vmem>>) target_semaphore(%arg26 : memref<!tpu.dma_semaphore, #tpu.memory_space<semaphore_mem>>)
    %add3A_10 = arith.constant 80 : i32
    %add3A_11 = arith.addi %mul3A_4, %add3A_10 : i32
    %dma_start3A_12 = tpu.memref_slice %arg3[%add3A_11] : memref<327680xi32, #tpu.memory_space<hbm>> -> memref<80xi32, #tpu.memory_space<hbm>>
    %dma_start3A_13 = tpu.memref_slice %arg3[%add3A_11] : memref<327680xi32, #tpu.memory_space<hbm>> -> memref<80xi32, #tpu.memory_space<hbm>>
    tpu.enqueue_dma source(%dma_start3A_13 : memref<80xi32, #tpu.memory_space<hbm>>) target(%arg9 : memref<80xi32, #tpu.memory_space<vmem>>) target_semaphore(%arg27 : memref<!tpu.dma_semaphore, #tpu.memory_space<semaphore_mem>>)
    %dma_start3A_14 = tpu.memref_slice %arg4[%add3A_11] : memref<327680xi32, #tpu.memory_space<hbm>> -> memref<80xi32, #tpu.memory_space<hbm>>
    %dma_start3A_15 = tpu.memref_slice %arg4[%add3A_11] : memref<327680xi32, #tpu.memory_space<hbm>> -> memref<80xi32, #tpu.memory_space<hbm>>
    tpu.enqueue_dma source(%dma_start3A_15 : memref<80xi32, #tpu.memory_space<hbm>>) target(%arg15 : memref<80xi32, #tpu.memory_space<vmem>>) target_semaphore(%arg27 : memref<!tpu.dma_semaphore, #tpu.memory_space<semaphore_mem>>)
    %dma_wait3A = arith.constant 0 : i32
    %dma_wait3A_16 = tpu.memref_slice %arg3[%dma_wait3A] : memref<327680xi32, #tpu.memory_space<hbm>> -> memref<80xi32, #tpu.memory_space<hbm>>
    %dma_wait3A_17 = arith.constant 0 : i32
    %dma_wait3A_18 = tpu.memref_slice %arg3[%dma_wait3A_17] : memref<327680xi32, #tpu.memory_space<hbm>> -> memref<80xi32, #tpu.memory_space<hbm>>
    tpu.wait_dma2 semaphore(%arg26 : memref<!tpu.dma_semaphore, #tpu.memory_space<semaphore_mem>>) src(%dma_wait3A_18 : memref<80xi32, #tpu.memory_space<hbm>>) dst(%arg8 : memref<80xi32, #tpu.memory_space<vmem>>)
    %dma_wait3A_19 = arith.constant 0 : i32
    %dma_wait3A_20 = tpu.memref_slice %arg4[%dma_wait3A_19] : memref<327680xi32, #tpu.memory_space<hbm>> -> memref<80xi32, #tpu.memory_space<hbm>>
    %dma_wait3A_21 = arith.constant 0 : i32
    %dma_wait3A_22 = tpu.memref_slice %arg4[%dma_wait3A_21] : memref<327680xi32, #tpu.memory_space<hbm>> -> memref<80xi32, #tpu.memory_space<hbm>>
    tpu.wait_dma2 semaphore(%arg26 : memref<!tpu.dma_semaphore, #tpu.memory_space<semaphore_mem>>) src(%dma_wait3A_22 : memref<80xi32, #tpu.memory_space<hbm>>) dst(%arg14 : memref<80xi32, #tpu.memory_space<vmem>>)
    %dma_start3A_23 = arith.constant 0 : i32
    %dma_start3A_24 = arith.constant 0 : i32
    %dma_start3A_25 = tpu.memref_slice %arg2[%dma_start3A_23, %dma_start3A_24] : memref<10240x128xf32, #tpu.memory_space<hbm>> -> memref<10240x128xf32, #tpu.memory_space<hbm>>
    tpu.enqueue_indirect_dma source(%dma_start3A_25 : memref<10240x128xf32, #tpu.memory_space<hbm>>) target(%arg20 : memref<80x128xf32, #tpu.memory_space<vmem>>) offsets(%arg8 : memref<80xi32, #tpu.memory_space<vmem>>) semaphore(%arg32 : memref<!tpu.dma_semaphore, #tpu.memory_space<semaphore_mem>>)
    %add3A_26 = arith.constant 160 : i32
    %add3A_27 = arith.addi %mul3A_4, %add3A_26 : i32
    %dma_start3A_28 = tpu.memref_slice %arg3[%add3A_27] : memref<327680xi32, #tpu.memory_space<hbm>> -> memref<80xi32, #tpu.memory_space<hbm>>
    %dma_start3A_29 = tpu.memref_slice %arg3[%add3A_27] : memref<327680xi32, #tpu.memory_space<hbm>> -> memref<80xi32, #tpu.memory_space<hbm>>
    tpu.enqueue_dma source(%dma_start3A_29 : memref<80xi32, #tpu.memory_space<hbm>>) target(%arg10 : memref<80xi32, #tpu.memory_space<vmem>>) target_semaphore(%arg28 : memref<!tpu.dma_semaphore, #tpu.memory_space<semaphore_mem>>)
    %dma_start3A_30 = tpu.memref_slice %arg4[%add3A_27] : memref<327680xi32, #tpu.memory_space<hbm>> -> memref<80xi32, #tpu.memory_space<hbm>>
    %dma_start3A_31 = tpu.memref_slice %arg4[%add3A_27] : memref<327680xi32, #tpu.memory_space<hbm>> -> memref<80xi32, #tpu.memory_space<hbm>>
    tpu.enqueue_dma source(%dma_start3A_31 : memref<80xi32, #tpu.memory_space<hbm>>) target(%arg16 : memref<80xi32, #tpu.memory_space<vmem>>) target_semaphore(%arg28 : memref<!tpu.dma_semaphore, #tpu.memory_space<semaphore_mem>>)
    %dma_wait3A_32 = arith.constant 0 : i32
    %dma_wait3A_33 = tpu.memref_slice %arg3[%dma_wait3A_32] : memref<327680xi32, #tpu.memory_space<hbm>> -> memref<80xi32, #tpu.memory_space<hbm>>
    %dma_wait3A_34 = arith.constant 0 : i32
    %dma_wait3A_35 = tpu.memref_slice %arg3[%dma_wait3A_34] : memref<327680xi32, #tpu.memory_space<hbm>> -> memref<80xi32, #tpu.memory_space<hbm>>
    tpu.wait_dma2 semaphore(%arg27 : memref<!tpu.dma_semaphore, #tpu.memory_space<semaphore_mem>>) src(%dma_wait3A_35 : memref<80xi32, #tpu.memory_space<hbm>>) dst(%arg9 : memref<80xi32, #tpu.memory_space<vmem>>)
    %dma_wait3A_36 = arith.constant 0 : i32
    %dma_wait3A_37 = tpu.memref_slice %arg4[%dma_wait3A_36] : memref<327680xi32, #tpu.memory_space<hbm>> -> memref<80xi32, #tpu.memory_space<hbm>>
    %dma_wait3A_38 = arith.constant 0 : i32
    %dma_wait3A_39 = tpu.memref_slice %arg4[%dma_wait3A_38] : memref<327680xi32, #tpu.memory_space<hbm>> -> memref<80xi32, #tpu.memory_space<hbm>>
    tpu.wait_dma2 semaphore(%arg27 : memref<!tpu.dma_semaphore, #tpu.memory_space<semaphore_mem>>) src(%dma_wait3A_39 : memref<80xi32, #tpu.memory_space<hbm>>) dst(%arg15 : memref<80xi32, #tpu.memory_space<vmem>>)
    %dma_start3A_40 = arith.constant 0 : i32
    %dma_start3A_41 = arith.constant 0 : i32
    %dma_start3A_42 = tpu.memref_slice %arg2[%dma_start3A_40, %dma_start3A_41] : memref<10240x128xf32, #tpu.memory_space<hbm>> -> memref<10240x128xf32, #tpu.memory_space<hbm>>
    tpu.enqueue_indirect_dma source(%dma_start3A_42 : memref<10240x128xf32, #tpu.memory_space<hbm>>) target(%arg21 : memref<80x128xf32, #tpu.memory_space<vmem>>) offsets(%arg9 : memref<80xi32, #tpu.memory_space<vmem>>) semaphore(%arg33 : memref<!tpu.dma_semaphore, #tpu.memory_space<semaphore_mem>>)
    %dma_wait3A_43 = arith.constant 0 : i32
    %dma_wait3A_44 = arith.constant 0 : i32
    %dma_wait3A_45 = tpu.memref_slice %arg2[%dma_wait3A_43, %dma_wait3A_44] : memref<10240x128xf32, #tpu.memory_space<hbm>> -> memref<10240x128xf32, #tpu.memory_space<hbm>>
    tpu.wait_indirect_dma semaphore(%arg32 : memref<!tpu.dma_semaphore, #tpu.memory_space<semaphore_mem>>) src(%dma_wait3A_45 : memref<10240x128xf32, #tpu.memory_space<hbm>>) dst(%arg20 : memref<80x128xf32, #tpu.memory_space<vmem>>)
    %dma_start3A_46 = arith.constant 0 : i32
    %dma_start3A_47 = arith.constant 0 : i32
    %dma_start3A_48 = tpu.memref_slice %arg7[%dma_start3A_46, %dma_start3A_47] : memref<5120x128xf32, #tpu.memory_space<vmem_shared>> -> memref<5120x128xf32, #tpu.memory_space<vmem_shared>>
    tpu.enqueue_indirect_dma source(%arg20 : memref<80x128xf32, #tpu.memory_space<vmem>>) target(%dma_start3A_48 : memref<5120x128xf32, #tpu.memory_space<vmem_shared>>) offsets(%arg14 : memref<80xi32, #tpu.memory_space<vmem>>) semaphore(%arg38 : memref<!tpu.dma_semaphore, #tpu.memory_space<semaphore_mem>>) {add = true}
    %add3A_49 = arith.constant 240 : i32
    %add3A_50 = arith.addi %mul3A_4, %add3A_49 : i32
    %dma_start3A_51 = tpu.memref_slice %arg3[%add3A_50] : memref<327680xi32, #tpu.memory_space<hbm>> -> memref<80xi32, #tpu.memory_space<hbm>>
    %dma_start3A_52 = tpu.memref_slice %arg3[%add3A_50] : memref<327680xi32, #tpu.memory_space<hbm>> -> memref<80xi32, #tpu.memory_space<hbm>>
    tpu.enqueue_dma source(%dma_start3A_52 : memref<80xi32, #tpu.memory_space<hbm>>) target(%arg11 : memref<80xi32, #tpu.memory_space<vmem>>) target_semaphore(%arg29 : memref<!tpu.dma_semaphore, #tpu.memory_space<semaphore_mem>>)
    %dma_start3A_53 = tpu.memref_slice %arg4[%add3A_50] : memref<327680xi32, #tpu.memory_space<hbm>> -> memref<80xi32, #tpu.memory_space<hbm>>
    %dma_start3A_54 = tpu.memref_slice %arg4[%add3A_50] : memref<327680xi32, #tpu.memory_space<hbm>> -> memref<80xi32, #tpu.memory_space<hbm>>
    tpu.enqueue_dma source(%dma_start3A_54 : memref<80xi32, #tpu.memory_space<hbm>>) target(%arg17 : memref<80xi32, #tpu.memory_space<vmem>>) target_semaphore(%arg29 : memref<!tpu.dma_semaphore, #tpu.memory_space<semaphore_mem>>)
    %dma_wait3A_55 = arith.constant 0 : i32
    %dma_wait3A_56 = tpu.memref_slice %arg3[%dma_wait3A_55] : memref<327680xi32, #tpu.memory_space<hbm>> -> memref<80xi32, #tpu.memory_space<hbm>>
    %dma_wait3A_57 = arith.constant 0 : i32
    %dma_wait3A_58 = tpu.memref_slice %arg3[%dma_wait3A_57] : memref<327680xi32, #tpu.memory_space<hbm>> -> memref<80xi32, #tpu.memory_space<hbm>>
    tpu.wait_dma2 semaphore(%arg28 : memref<!tpu.dma_semaphore, #tpu.memory_space<semaphore_mem>>) src(%dma_wait3A_58 : memref<80xi32, #tpu.memory_space<hbm>>) dst(%arg10 : memref<80xi32, #tpu.memory_space<vmem>>)
    %dma_wait3A_59 = arith.constant 0 : i32
    %dma_wait3A_60 = tpu.memref_slice %arg4[%dma_wait3A_59] : memref<327680xi32, #tpu.memory_space<hbm>> -> memref<80xi32, #tpu.memory_space<hbm>>
    %dma_wait3A_61 = arith.constant 0 : i32
    %dma_wait3A_62 = tpu.memref_slice %arg4[%dma_wait3A_61] : memref<327680xi32, #tpu.memory_space<hbm>> -> memref<80xi32, #tpu.memory_space<hbm>>
    tpu.wait_dma2 semaphore(%arg28 : memref<!tpu.dma_semaphore, #tpu.memory_space<semaphore_mem>>) src(%dma_wait3A_62 : memref<80xi32, #tpu.memory_space<hbm>>) dst(%arg16 : memref<80xi32, #tpu.memory_space<vmem>>)
    %dma_start3A_63 = arith.constant 0 : i32
    %dma_start3A_64 = arith.constant 0 : i32
    %dma_start3A_65 = tpu.memref_slice %arg2[%dma_start3A_63, %dma_start3A_64] : memref<10240x128xf32, #tpu.memory_space<hbm>> -> memref<10240x128xf32, #tpu.memory_space<hbm>>
    tpu.enqueue_indirect_dma source(%dma_start3A_65 : memref<10240x128xf32, #tpu.memory_space<hbm>>) target(%arg22 : memref<80x128xf32, #tpu.memory_space<vmem>>) offsets(%arg10 : memref<80xi32, #tpu.memory_space<vmem>>) semaphore(%arg34 : memref<!tpu.dma_semaphore, #tpu.memory_space<semaphore_mem>>)
    %dma_wait3A_66 = arith.constant 0 : i32
    %dma_wait3A_67 = arith.constant 0 : i32
    %dma_wait3A_68 = tpu.memref_slice %arg2[%dma_wait3A_66, %dma_wait3A_67] : memref<10240x128xf32, #tpu.memory_space<hbm>> -> memref<10240x128xf32, #tpu.memory_space<hbm>>
    tpu.wait_indirect_dma semaphore(%arg33 : memref<!tpu.dma_semaphore, #tpu.memory_space<semaphore_mem>>) src(%dma_wait3A_68 : memref<10240x128xf32, #tpu.memory_space<hbm>>) dst(%arg21 : memref<80x128xf32, #tpu.memory_space<vmem>>)
    %dma_start3A_69 = arith.constant 0 : i32
    %dma_start3A_70 = arith.constant 0 : i32
    %dma_start3A_71 = tpu.memref_slice %arg7[%dma_start3A_69, %dma_start3A_70] : memref<5120x128xf32, #tpu.memory_space<vmem_shared>> -> memref<5120x128xf32, #tpu.memory_space<vmem_shared>>
    tpu.enqueue_indirect_dma source(%arg21 : memref<80x128xf32, #tpu.memory_space<vmem>>) target(%dma_start3A_71 : memref<5120x128xf32, #tpu.memory_space<vmem_shared>>) offsets(%arg15 : memref<80xi32, #tpu.memory_space<vmem>>) semaphore(%arg39 : memref<!tpu.dma_semaphore, #tpu.memory_space<semaphore_mem>>) {add = true}
    %add3A_72 = arith.constant 320 : i32
    %add3A_73 = arith.addi %mul3A_4, %add3A_72 : i32
    %dma_start3A_74 = tpu.memref_slice %arg3[%add3A_73] : memref<327680xi32, #tpu.memory_space<hbm>> -> memref<80xi32, #tpu.memory_space<hbm>>
    %dma_start3A_75 = tpu.memref_slice %arg3[%add3A_73] : memref<327680xi32, #tpu.memory_space<hbm>> -> memref<80xi32, #tpu.memory_space<hbm>>
    tpu.enqueue_dma source(%dma_start3A_75 : memref<80xi32, #tpu.memory_space<hbm>>) target(%arg12 : memref<80xi32, #tpu.memory_space<vmem>>) target_semaphore(%arg30 : memref<!tpu.dma_semaphore, #tpu.memory_space<semaphore_mem>>)
    %dma_start3A_76 = tpu.memref_slice %arg4[%add3A_73] : memref<327680xi32, #tpu.memory_space<hbm>> -> memref<80xi32, #tpu.memory_space<hbm>>
    %dma_start3A_77 = tpu.memref_slice %arg4[%add3A_73] : memref<327680xi32, #tpu.memory_space<hbm>> -> memref<80xi32, #tpu.memory_space<hbm>>
    tpu.enqueue_dma source(%dma_start3A_77 : memref<80xi32, #tpu.memory_space<hbm>>) target(%arg18 : memref<80xi32, #tpu.memory_space<vmem>>) target_semaphore(%arg30 : memref<!tpu.dma_semaphore, #tpu.memory_space<semaphore_mem>>)
    %dma_wait3A_78 = arith.constant 0 : i32
    %dma_wait3A_79 = tpu.memref_slice %arg3[%dma_wait3A_78] : memref<327680xi32, #tpu.memory_space<hbm>> -> memref<80xi32, #tpu.memory_space<hbm>>
    %dma_wait3A_80 = arith.constant 0 : i32
    %dma_wait3A_81 = tpu.memref_slice %arg3[%dma_wait3A_80] : memref<327680xi32, #tpu.memory_space<hbm>> -> memref<80xi32, #tpu.memory_space<hbm>>
    tpu.wait_dma2 semaphore(%arg29 : memref<!tpu.dma_semaphore, #tpu.memory_space<semaphore_mem>>) src(%dma_wait3A_81 : memref<80xi32, #tpu.memory_space<hbm>>) dst(%arg11 : memref<80xi32, #tpu.memory_space<vmem>>)
    %dma_wait3A_82 = arith.constant 0 : i32
    %dma_wait3A_83 = tpu.memref_slice %arg4[%dma_wait3A_82] : memref<327680xi32, #tpu.memory_space<hbm>> -> memref<80xi32, #tpu.memory_space<hbm>>
    %dma_wait3A_84 = arith.constant 0 : i32
    %dma_wait3A_85 = tpu.memref_slice %arg4[%dma_wait3A_84] : memref<327680xi32, #tpu.memory_space<hbm>> -> memref<80xi32, #tpu.memory_space<hbm>>
    tpu.wait_dma2 semaphore(%arg29 : memref<!tpu.dma_semaphore, #tpu.memory_space<semaphore_mem>>) src(%dma_wait3A_85 : memref<80xi32, #tpu.memory_space<hbm>>) dst(%arg17 : memref<80xi32, #tpu.memory_space<vmem>>)
    %dma_start3A_86 = arith.constant 0 : i32
    %dma_start3A_87 = arith.constant 0 : i32
    %dma_start3A_88 = tpu.memref_slice %arg2[%dma_start3A_86, %dma_start3A_87] : memref<10240x128xf32, #tpu.memory_space<hbm>> -> memref<10240x128xf32, #tpu.memory_space<hbm>>
    tpu.enqueue_indirect_dma source(%dma_start3A_88 : memref<10240x128xf32, #tpu.memory_space<hbm>>) target(%arg23 : memref<80x128xf32, #tpu.memory_space<vmem>>) offsets(%arg11 : memref<80xi32, #tpu.memory_space<vmem>>) semaphore(%arg35 : memref<!tpu.dma_semaphore, #tpu.memory_space<semaphore_mem>>)
    %dma_wait3A_89 = arith.constant 0 : i32
    %dma_wait3A_90 = arith.constant 0 : i32
    %dma_wait3A_91 = tpu.memref_slice %arg2[%dma_wait3A_89, %dma_wait3A_90] : memref<10240x128xf32, #tpu.memory_space<hbm>> -> memref<10240x128xf32, #tpu.memory_space<hbm>>
    tpu.wait_indirect_dma semaphore(%arg34 : memref<!tpu.dma_semaphore, #tpu.memory_space<semaphore_mem>>) src(%dma_wait3A_91 : memref<10240x128xf32, #tpu.memory_space<hbm>>) dst(%arg22 : memref<80x128xf32, #tpu.memory_space<vmem>>)
    %dma_start3A_92 = arith.constant 0 : i32
    %dma_start3A_93 = arith.constant 0 : i32
    %dma_start3A_94 = tpu.memref_slice %arg7[%dma_start3A_92, %dma_start3A_93] : memref<5120x128xf32, #tpu.memory_space<vmem_shared>> -> memref<5120x128xf32, #tpu.memory_space<vmem_shared>>
    tpu.enqueue_indirect_dma source(%arg22 : memref<80x128xf32, #tpu.memory_space<vmem>>) target(%dma_start3A_94 : memref<5120x128xf32, #tpu.memory_space<vmem_shared>>) offsets(%arg16 : memref<80xi32, #tpu.memory_space<vmem>>) semaphore(%arg40 : memref<!tpu.dma_semaphore, #tpu.memory_space<semaphore_mem>>) {add = true}
    %add3A_95 = arith.constant 400 : i32
    %add3A_96 = arith.addi %mul3A_4, %add3A_95 : i32
    %dma_start3A_97 = tpu.memref_slice %arg3[%add3A_96] : memref<327680xi32, #tpu.memory_space<hbm>> -> memref<80xi32, #tpu.memory_space<hbm>>
    %dma_start3A_98 = tpu.memref_slice %arg3[%add3A_96] : memref<327680xi32, #tpu.memory_space<hbm>> -> memref<80xi32, #tpu.memory_space<hbm>>
    tpu.enqueue_dma source(%dma_start3A_98 : memref<80xi32, #tpu.memory_space<hbm>>) target(%arg13 : memref<80xi32, #tpu.memory_space<vmem>>) target_semaphore(%arg31 : memref<!tpu.dma_semaphore, #tpu.memory_space<semaphore_mem>>)
    %dma_start3A_99 = tpu.memref_slice %arg4[%add3A_96] : memref<327680xi32, #tpu.memory_space<hbm>> -> memref<80xi32, #tpu.memory_space<hbm>>
    %dma_start3A_100 = tpu.memref_slice %arg4[%add3A_96] : memref<327680xi32, #tpu.memory_space<hbm>> -> memref<80xi32, #tpu.memory_space<hbm>>
    tpu.enqueue_dma source(%dma_start3A_100 : memref<80xi32, #tpu.memory_space<hbm>>) target(%arg19 : memref<80xi32, #tpu.memory_space<vmem>>) target_semaphore(%arg31 : memref<!tpu.dma_semaphore, #tpu.memory_space<semaphore_mem>>)
    %dma_wait3A_101 = arith.constant 0 : i32
    %dma_wait3A_102 = tpu.memref_slice %arg3[%dma_wait3A_101] : memref<327680xi32, #tpu.memory_space<hbm>> -> memref<80xi32, #tpu.memory_space<hbm>>
    %dma_wait3A_103 = arith.constant 0 : i32
    %dma_wait3A_104 = tpu.memref_slice %arg3[%dma_wait3A_103] : memref<327680xi32, #tpu.memory_space<hbm>> -> memref<80xi32, #tpu.memory_space<hbm>>
    tpu.wait_dma2 semaphore(%arg30 : memref<!tpu.dma_semaphore, #tpu.memory_space<semaphore_mem>>) src(%dma_wait3A_104 : memref<80xi32, #tpu.memory_space<hbm>>) dst(%arg12 : memref<80xi32, #tpu.memory_space<vmem>>)
    %dma_wait3A_105 = arith.constant 0 : i32
    %dma_wait3A_106 = tpu.memref_slice %arg4[%dma_wait3A_105] : memref<327680xi32, #tpu.memory_space<hbm>> -> memref<80xi32, #tpu.memory_space<hbm>>
    %dma_wait3A_107 = arith.constant 0 : i32
    %dma_wait3A_108 = tpu.memref_slice %arg4[%dma_wait3A_107] : memref<327680xi32, #tpu.memory_space<hbm>> -> memref<80xi32, #tpu.memory_space<hbm>>
    tpu.wait_dma2 semaphore(%arg30 : memref<!tpu.dma_semaphore, #tpu.memory_space<semaphore_mem>>) src(%dma_wait3A_108 : memref<80xi32, #tpu.memory_space<hbm>>) dst(%arg18 : memref<80xi32, #tpu.memory_space<vmem>>)
    %dma_start3A_109 = arith.constant 0 : i32
    %dma_start3A_110 = arith.constant 0 : i32
    %dma_start3A_111 = tpu.memref_slice %arg2[%dma_start3A_109, %dma_start3A_110] : memref<10240x128xf32, #tpu.memory_space<hbm>> -> memref<10240x128xf32, #tpu.memory_space<hbm>>
    tpu.enqueue_indirect_dma source(%dma_start3A_111 : memref<10240x128xf32, #tpu.memory_space<hbm>>) target(%arg24 : memref<80x128xf32, #tpu.memory_space<vmem>>) offsets(%arg12 : memref<80xi32, #tpu.memory_space<vmem>>) semaphore(%arg36 : memref<!tpu.dma_semaphore, #tpu.memory_space<semaphore_mem>>)
    %dma_wait3A_112 = arith.constant 0 : i32
    %dma_wait3A_113 = arith.constant 0 : i32
    %dma_wait3A_114 = tpu.memref_slice %arg2[%dma_wait3A_112, %dma_wait3A_113] : memref<10240x128xf32, #tpu.memory_space<hbm>> -> memref<10240x128xf32, #tpu.memory_space<hbm>>
    tpu.wait_indirect_dma semaphore(%arg35 : memref<!tpu.dma_semaphore, #tpu.memory_space<semaphore_mem>>) src(%dma_wait3A_114 : memref<10240x128xf32, #tpu.memory_space<hbm>>) dst(%arg23 : memref<80x128xf32, #tpu.memory_space<vmem>>)
    %dma_start3A_115 = arith.constant 0 : i32
    %dma_start3A_116 = arith.constant 0 : i32
    %dma_start3A_117 = tpu.memref_slice %arg7[%dma_start3A_115, %dma_start3A_116] : memref<5120x128xf32, #tpu.memory_space<vmem_shared>> -> memref<5120x128xf32, #tpu.memory_space<vmem_shared>>
    tpu.enqueue_indirect_dma source(%arg23 : memref<80x128xf32, #tpu.memory_space<vmem>>) target(%dma_start3A_117 : memref<5120x128xf32, #tpu.memory_space<vmem_shared>>) offsets(%arg17 : memref<80xi32, #tpu.memory_space<vmem>>) semaphore(%arg41 : memref<!tpu.dma_semaphore, #tpu.memory_space<semaphore_mem>>) {add = true}
    %scan3A = arith.constant 0 : i32
    %scan3A_118 = arith.constant 1 : i32
    %scan3A_119 = arith.constant 20 : i32
    %scan3A_120 = arith.addi %scan3A_118, %scan3A_119 : i32
    %scan3A_121 = arith.constant 1 : i32
    scf.for %scan3A_165 = %scan3A_118 to %scan3A_120 step %scan3A_121  : i32 {
      %mul3A_166 = arith.constant 6 : i32
      %mul3A_167 = arith.muli %scan3A_165, %mul3A_166 : i32
      %add3A_168 = arith.constant 0 : i32
      %add3A_169 = arith.addi %mul3A_167, %add3A_168 : i32
      %dma_wait3A_170 = arith.constant 0 : i32
      %dma_wait3A_171 = arith.constant 0 : i32
      %dma_wait3A_172 = tpu.memref_slice %arg7[%dma_wait3A_170, %dma_wait3A_171] : memref<5120x128xf32, #tpu.memory_space<vmem_shared>> -> memref<5120x128xf32, #tpu.memory_space<vmem_shared>>
      tpu.wait_indirect_dma semaphore(%arg38 : memref<!tpu.dma_semaphore, #tpu.memory_space<semaphore_mem>>) src(%arg20 : memref<80x128xf32, #tpu.memory_space<vmem>>) dst(%dma_wait3A_172 : memref<5120x128xf32, #tpu.memory_space<vmem_shared>>)
      %mul3A_173 = arith.constant 80 : i32
      %mul3A_174 = arith.muli %add3A_169, %mul3A_173 : i32
      %add3A_175 = arith.addi %mul3A_4, %mul3A_174 : i32
      %dma_start3A_176 = tpu.memref_slice %arg3[%add3A_175] : memref<327680xi32, #tpu.memory_space<hbm>> -> memref<80xi32, #tpu.memory_space<hbm>>
      %dma_start3A_177 = tpu.memref_slice %arg3[%add3A_175] : memref<327680xi32, #tpu.memory_space<hbm>> -> memref<80xi32, #tpu.memory_space<hbm>>
      tpu.enqueue_dma source(%dma_start3A_177 : memref<80xi32, #tpu.memory_space<hbm>>) target(%arg8 : memref<80xi32, #tpu.memory_space<vmem>>) target_semaphore(%arg26 : memref<!tpu.dma_semaphore, #tpu.memory_space<semaphore_mem>>)
      %dma_start3A_178 = tpu.memref_slice %arg4[%add3A_175] : memref<327680xi32, #tpu.memory_space<hbm>> -> memref<80xi32, #tpu.memory_space<hbm>>
      %dma_start3A_179 = tpu.memref_slice %arg4[%add3A_175] : memref<327680xi32, #tpu.memory_space<hbm>> -> memref<80xi32, #tpu.memory_space<hbm>>
      tpu.enqueue_dma source(%dma_start3A_179 : memref<80xi32, #tpu.memory_space<hbm>>) target(%arg14 : memref<80xi32, #tpu.memory_space<vmem>>) target_semaphore(%arg26 : memref<!tpu.dma_semaphore, #tpu.memory_space<semaphore_mem>>)
      %dma_wait3A_180 = arith.constant 0 : i32
      %dma_wait3A_181 = tpu.memref_slice %arg3[%dma_wait3A_180] : memref<327680xi32, #tpu.memory_space<hbm>> -> memref<80xi32, #tpu.memory_space<hbm>>
      %dma_wait3A_182 = arith.constant 0 : i32
      %dma_wait3A_183 = tpu.memref_slice %arg3[%dma_wait3A_182] : memref<327680xi32, #tpu.memory_space<hbm>> -> memref<80xi32, #tpu.memory_space<hbm>>
      tpu.wait_dma2 semaphore(%arg31 : memref<!tpu.dma_semaphore, #tpu.memory_space<semaphore_mem>>) src(%dma_wait3A_183 : memref<80xi32, #tpu.memory_space<hbm>>) dst(%arg13 : memref<80xi32, #tpu.memory_space<vmem>>)
      %dma_wait3A_184 = arith.constant 0 : i32
      %dma_wait3A_185 = tpu.memref_slice %arg4[%dma_wait3A_184] : memref<327680xi32, #tpu.memory_space<hbm>> -> memref<80xi32, #tpu.memory_space<hbm>>
      %dma_wait3A_186 = arith.constant 0 : i32
      %dma_wait3A_187 = tpu.memref_slice %arg4[%dma_wait3A_186] : memref<327680xi32, #tpu.memory_space<hbm>> -> memref<80xi32, #tpu.memory_space<hbm>>
      tpu.wait_dma2 semaphore(%arg31 : memref<!tpu.dma_semaphore, #tpu.memory_space<semaphore_mem>>) src(%dma_wait3A_187 : memref<80xi32, #tpu.memory_space<hbm>>) dst(%arg19 : memref<80xi32, #tpu.memory_space<vmem>>)
      %dma_start3A_188 = arith.constant 0 : i32
      %dma_start3A_189 = arith.constant 0 : i32
      %dma_start3A_190 = tpu.memref_slice %arg2[%dma_start3A_188, %dma_start3A_189] : memref<10240x128xf32, #tpu.memory_space<hbm>> -> memref<10240x128xf32, #tpu.memory_space<hbm>>
      tpu.enqueue_indirect_dma source(%dma_start3A_190 : memref<10240x128xf32, #tpu.memory_space<hbm>>) target(%arg25 : memref<80x128xf32, #tpu.memory_space<vmem>>) offsets(%arg13 : memref<80xi32, #tpu.memory_space<vmem>>) semaphore(%arg37 : memref<!tpu.dma_semaphore, #tpu.memory_space<semaphore_mem>>)
      %dma_wait3A_191 = arith.constant 0 : i32
      %dma_wait3A_192 = arith.constant 0 : i32
      %dma_wait3A_193 = tpu.memref_slice %arg2[%dma_wait3A_191, %dma_wait3A_192] : memref<10240x128xf32, #tpu.memory_space<hbm>> -> memref<10240x128xf32, #tpu.memory_space<hbm>>
      tpu.wait_indirect_dma semaphore(%arg36 : memref<!tpu.dma_semaphore, #tpu.memory_space<semaphore_mem>>) src(%dma_wait3A_193 : memref<10240x128xf32, #tpu.memory_space<hbm>>) dst(%arg24 : memref<80x128xf32, #tpu.memory_space<vmem>>)
      %dma_start3A_194 = arith.constant 0 : i32
      %dma_start3A_195 = arith.constant 0 : i32
      %dma_start3A_196 = tpu.memref_slice %arg7[%dma_start3A_194, %dma_start3A_195] : memref<5120x128xf32, #tpu.memory_space<vmem_shared>> -> memref<5120x128xf32, #tpu.memory_space<vmem_shared>>
      tpu.enqueue_indirect_dma source(%arg24 : memref<80x128xf32, #tpu.memory_space<vmem>>) target(%dma_start3A_196 : memref<5120x128xf32, #tpu.memory_space<vmem_shared>>) offsets(%arg18 : memref<80xi32, #tpu.memory_space<vmem>>) semaphore(%arg42 : memref<!tpu.dma_semaphore, #tpu.memory_space<semaphore_mem>>) {add = true}
      %mul3A_197 = arith.constant 6 : i32
      %mul3A_198 = arith.muli %scan3A_165, %mul3A_197 : i32
      %add3A_199 = arith.constant 1 : i32
      %add3A_200 = arith.addi %mul3A_198, %add3A_199 : i32
      %dma_wait3A_201 = arith.constant 0 : i32
      %dma_wait3A_202 = arith.constant 0 : i32
      %dma_wait3A_203 = tpu.memref_slice %arg7[%dma_wait3A_201, %dma_wait3A_202] : memref<5120x128xf32, #tpu.memory_space<vmem_shared>> -> memref<5120x128xf32, #tpu.memory_space<vmem_shared>>
      tpu.wait_indirect_dma semaphore(%arg39 : memref<!tpu.dma_semaphore, #tpu.memory_space<semaphore_mem>>) src(%arg21 : memref<80x128xf32, #tpu.memory_space<vmem>>) dst(%dma_wait3A_203 : memref<5120x128xf32, #tpu.memory_space<vmem_shared>>)
      %mul3A_204 = arith.constant 80 : i32
      %mul3A_205 = arith.muli %add3A_200, %mul3A_204 : i32
      %add3A_206 = arith.addi %mul3A_4, %mul3A_205 : i32
      %dma_start3A_207 = tpu.memref_slice %arg3[%add3A_206] : memref<327680xi32, #tpu.memory_space<hbm>> -> memref<80xi32, #tpu.memory_space<hbm>>
      %dma_start3A_208 = tpu.memref_slice %arg3[%add3A_206] : memref<327680xi32, #tpu.memory_space<hbm>> -> memref<80xi32, #tpu.memory_space<hbm>>
      tpu.enqueue_dma source(%dma_start3A_208 : memref<80xi32, #tpu.memory_space<hbm>>) target(%arg9 : memref<80xi32, #tpu.memory_space<vmem>>) target_semaphore(%arg27 : memref<!tpu.dma_semaphore, #tpu.memory_space<semaphore_mem>>)
      %dma_start3A_209 = tpu.memref_slice %arg4[%add3A_206] : memref<327680xi32, #tpu.memory_space<hbm>> -> memref<80xi32, #tpu.memory_space<hbm>>
      %dma_start3A_210 = tpu.memref_slice %arg4[%add3A_206] : memref<327680xi32, #tpu.memory_space<hbm>> -> memref<80xi32, #tpu.memory_space<hbm>>
      tpu.enqueue_dma source(%dma_start3A_210 : memref<80xi32, #tpu.memory_space<hbm>>) target(%arg15 : memref<80xi32, #tpu.memory_space<vmem>>) target_semaphore(%arg27 : memref<!tpu.dma_semaphore, #tpu.memory_space<semaphore_mem>>)
      %dma_wait3A_211 = arith.constant 0 : i32
      %dma_wait3A_212 = tpu.memref_slice %arg3[%dma_wait3A_211] : memref<327680xi32, #tpu.memory_space<hbm>> -> memref<80xi32, #tpu.memory_space<hbm>>
      %dma_wait3A_213 = arith.constant 0 : i32
      %dma_wait3A_214 = tpu.memref_slice %arg3[%dma_wait3A_213] : memref<327680xi32, #tpu.memory_space<hbm>> -> memref<80xi32, #tpu.memory_space<hbm>>
      tpu.wait_dma2 semaphore(%arg26 : memref<!tpu.dma_semaphore, #tpu.memory_space<semaphore_mem>>) src(%dma_wait3A_214 : memref<80xi32, #tpu.memory_space<hbm>>) dst(%arg8 : memref<80xi32, #tpu.memory_space<vmem>>)
      %dma_wait3A_215 = arith.constant 0 : i32
      %dma_wait3A_216 = tpu.memref_slice %arg4[%dma_wait3A_215] : memref<327680xi32, #tpu.memory_space<hbm>> -> memref<80xi32, #tpu.memory_space<hbm>>
      %dma_wait3A_217 = arith.constant 0 : i32
      %dma_wait3A_218 = tpu.memref_slice %arg4[%dma_wait3A_217] : memref<327680xi32, #tpu.memory_space<hbm>> -> memref<80xi32, #tpu.memory_space<hbm>>
      tpu.wait_dma2 semaphore(%arg26 : memref<!tpu.dma_semaphore, #tpu.memory_space<semaphore_mem>>) src(%dma_wait3A_218 : memref<80xi32, #tpu.memory_space<hbm>>) dst(%arg14 : memref<80xi32, #tpu.memory_space<vmem>>)
      %dma_start3A_219 = arith.constant 0 : i32
      %dma_start3A_220 = arith.constant 0 : i32
      %dma_start3A_221 = tpu.memref_slice %arg2[%dma_start3A_219, %dma_start3A_220] : memref<10240x128xf32, #tpu.memory_space<hbm>> -> memref<10240x128xf32, #tpu.memory_space<hbm>>
      tpu.enqueue_indirect_dma source(%dma_start3A_221 : memref<10240x128xf32, #tpu.memory_space<hbm>>) target(%arg20 : memref<80x128xf32, #tpu.memory_space<vmem>>) offsets(%arg8 : memref<80xi32, #tpu.memory_space<vmem>>) semaphore(%arg32 : memref<!tpu.dma_semaphore, #tpu.memory_space<semaphore_mem>>)
      %dma_wait3A_222 = arith.constant 0 : i32
      %dma_wait3A_223 = arith.constant 0 : i32
      %dma_wait3A_224 = tpu.memref_slice %arg2[%dma_wait3A_222, %dma_wait3A_223] : memref<10240x128xf32, #tpu.memory_space<hbm>> -> memref<10240x128xf32, #tpu.memory_space<hbm>>
      tpu.wait_indirect_dma semaphore(%arg37 : memref<!tpu.dma_semaphore, #tpu.memory_space<semaphore_mem>>) src(%dma_wait3A_224 : memref<10240x128xf32, #tpu.memory_space<hbm>>) dst(%arg25 : memref<80x128xf32, #tpu.memory_space<vmem>>)
      %dma_start3A_225 = arith.constant 0 : i32
      %dma_start3A_226 = arith.constant 0 : i32
      %dma_start3A_227 = tpu.memref_slice %arg7[%dma_start3A_225, %dma_start3A_226] : memref<5120x128xf32, #tpu.memory_space<vmem_shared>> -> memref<5120x128xf32, #tpu.memory_space<vmem_shared>>
      tpu.enqueue_indirect_dma source(%arg25 : memref<80x128xf32, #tpu.memory_space<vmem>>) target(%dma_start3A_227 : memref<5120x128xf32, #tpu.memory_space<vmem_shared>>) offsets(%arg19 : memref<80xi32, #tpu.memory_space<vmem>>) semaphore(%arg43 : memref<!tpu.dma_semaphore, #tpu.memory_space<semaphore_mem>>) {add = true}
      %mul3A_228 = arith.constant 6 : i32
      %mul3A_229 = arith.muli %scan3A_165, %mul3A_228 : i32
      %add3A_230 = arith.constant 2 : i32
      %add3A_231 = arith.addi %mul3A_229, %add3A_230 : i32
      %dma_wait3A_232 = arith.constant 0 : i32
      %dma_wait3A_233 = arith.constant 0 : i32
      %dma_wait3A_234 = tpu.memref_slice %arg7[%dma_wait3A_232, %dma_wait3A_233] : memref<5120x128xf32, #tpu.memory_space<vmem_shared>> -> memref<5120x128xf32, #tpu.memory_space<vmem_shared>>
      tpu.wait_indirect_dma semaphore(%arg40 : memref<!tpu.dma_semaphore, #tpu.memory_space<semaphore_mem>>) src(%arg22 : memref<80x128xf32, #tpu.memory_space<vmem>>) dst(%dma_wait3A_234 : memref<5120x128xf32, #tpu.memory_space<vmem_shared>>)
      %mul3A_235 = arith.constant 80 : i32
      %mul3A_236 = arith.muli %add3A_231, %mul3A_235 : i32
      %add3A_237 = arith.addi %mul3A_4, %mul3A_236 : i32
      %dma_start3A_238 = tpu.memref_slice %arg3[%add3A_237] : memref<327680xi32, #tpu.memory_space<hbm>> -> memref<80xi32, #tpu.memory_space<hbm>>
      %dma_start3A_239 = tpu.memref_slice %arg3[%add3A_237] : memref<327680xi32, #tpu.memory_space<hbm>> -> memref<80xi32, #tpu.memory_space<hbm>>
      tpu.enqueue_dma source(%dma_start3A_239 : memref<80xi32, #tpu.memory_space<hbm>>) target(%arg10 : memref<80xi32, #tpu.memory_space<vmem>>) target_semaphore(%arg28 : memref<!tpu.dma_semaphore, #tpu.memory_space<semaphore_mem>>)
      %dma_start3A_240 = tpu.memref_slice %arg4[%add3A_237] : memref<327680xi32, #tpu.memory_space<hbm>> -> memref<80xi32, #tpu.memory_space<hbm>>
      %dma_start3A_241 = tpu.memref_slice %arg4[%add3A_237] : memref<327680xi32, #tpu.memory_space<hbm>> -> memref<80xi32, #tpu.memory_space<hbm>>
      tpu.enqueue_dma source(%dma_start3A_241 : memref<80xi32, #tpu.memory_space<hbm>>) target(%arg16 : memref<80xi32, #tpu.memory_space<vmem>>) target_semaphore(%arg28 : memref<!tpu.dma_semaphore, #tpu.memory_space<semaphore_mem>>)
      %dma_wait3A_242 = arith.constant 0 : i32
      %dma_wait3A_243 = tpu.memref_slice %arg3[%dma_wait3A_242] : memref<327680xi32, #tpu.memory_space<hbm>> -> memref<80xi32, #tpu.memory_space<hbm>>
      %dma_wait3A_244 = arith.constant 0 : i32
      %dma_wait3A_245 = tpu.memref_slice %arg3[%dma_wait3A_244] : memref<327680xi32, #tpu.memory_space<hbm>> -> memref<80xi32, #tpu.memory_space<hbm>>
      tpu.wait_dma2 semaphore(%arg27 : memref<!tpu.dma_semaphore, #tpu.memory_space<semaphore_mem>>) src(%dma_wait3A_245 : memref<80xi32, #tpu.memory_space<hbm>>) dst(%arg9 : memref<80xi32, #tpu.memory_space<vmem>>)
      %dma_wait3A_246 = arith.constant 0 : i32
      %dma_wait3A_247 = tpu.memref_slice %arg4[%dma_wait3A_246] : memref<327680xi32, #tpu.memory_space<hbm>> -> memref<80xi32, #tpu.memory_space<hbm>>
      %dma_wait3A_248 = arith.constant 0 : i32
      %dma_wait3A_249 = tpu.memref_slice %arg4[%dma_wait3A_248] : memref<327680xi32, #tpu.memory_space<hbm>> -> memref<80xi32, #tpu.memory_space<hbm>>
      tpu.wait_dma2 semaphore(%arg27 : memref<!tpu.dma_semaphore, #tpu.memory_space<semaphore_mem>>) src(%dma_wait3A_249 : memref<80xi32, #tpu.memory_space<hbm>>) dst(%arg15 : memref<80xi32, #tpu.memory_space<vmem>>)
      %dma_start3A_250 = arith.constant 0 : i32
      %dma_start3A_251 = arith.constant 0 : i32
      %dma_start3A_252 = tpu.memref_slice %arg2[%dma_start3A_250, %dma_start3A_251] : memref<10240x128xf32, #tpu.memory_space<hbm>> -> memref<10240x128xf32, #tpu.memory_space<hbm>>
      tpu.enqueue_indirect_dma source(%dma_start3A_252 : memref<10240x128xf32, #tpu.memory_space<hbm>>) target(%arg21 : memref<80x128xf32, #tpu.memory_space<vmem>>) offsets(%arg9 : memref<80xi32, #tpu.memory_space<vmem>>) semaphore(%arg33 : memref<!tpu.dma_semaphore, #tpu.memory_space<semaphore_mem>>)
      %dma_wait3A_253 = arith.constant 0 : i32
      %dma_wait3A_254 = arith.constant 0 : i32
      %dma_wait3A_255 = tpu.memref_slice %arg2[%dma_wait3A_253, %dma_wait3A_254] : memref<10240x128xf32, #tpu.memory_space<hbm>> -> memref<10240x128xf32, #tpu.memory_space<hbm>>
      tpu.wait_indirect_dma semaphore(%arg32 : memref<!tpu.dma_semaphore, #tpu.memory_space<semaphore_mem>>) src(%dma_wait3A_255 : memref<10240x128xf32, #tpu.memory_space<hbm>>) dst(%arg20 : memref<80x128xf32, #tpu.memory_space<vmem>>)
      %dma_start3A_256 = arith.constant 0 : i32
      %dma_start3A_257 = arith.constant 0 : i32
      %dma_start3A_258 = tpu.memref_slice %arg7[%dma_start3A_256, %dma_start3A_257] : memref<5120x128xf32, #tpu.memory_space<vmem_shared>> -> memref<5120x128xf32, #tpu.memory_space<vmem_shared>>
      tpu.enqueue_indirect_dma source(%arg20 : memref<80x128xf32, #tpu.memory_space<vmem>>) target(%dma_start3A_258 : memref<5120x128xf32, #tpu.memory_space<vmem_shared>>) offsets(%arg14 : memref<80xi32, #tpu.memory_space<vmem>>) semaphore(%arg38 : memref<!tpu.dma_semaphore, #tpu.memory_space<semaphore_mem>>) {add = true}
      %mul3A_259 = arith.constant 6 : i32
      %mul3A_260 = arith.muli %scan3A_165, %mul3A_259 : i32
      %add3A_261 = arith.constant 3 : i32
      %add3A_262 = arith.addi %mul3A_260, %add3A_261 : i32
      %dma_wait3A_263 = arith.constant 0 : i32
      %dma_wait3A_264 = arith.constant 0 : i32
      %dma_wait3A_265 = tpu.memref_slice %arg7[%dma_wait3A_263, %dma_wait3A_264] : memref<5120x128xf32, #tpu.memory_space<vmem_shared>> -> memref<5120x128xf32, #tpu.memory_space<vmem_shared>>
      tpu.wait_indirect_dma semaphore(%arg41 : memref<!tpu.dma_semaphore, #tpu.memory_space<semaphore_mem>>) src(%arg23 : memref<80x128xf32, #tpu.memory_space<vmem>>) dst(%dma_wait3A_265 : memref<5120x128xf32, #tpu.memory_space<vmem_shared>>)
      %mul3A_266 = arith.constant 80 : i32
      %mul3A_267 = arith.muli %add3A_262, %mul3A_266 : i32
      %add3A_268 = arith.addi %mul3A_4, %mul3A_267 : i32
      %dma_start3A_269 = tpu.memref_slice %arg3[%add3A_268] : memref<327680xi32, #tpu.memory_space<hbm>> -> memref<80xi32, #tpu.memory_space<hbm>>
      %dma_start3A_270 = tpu.memref_slice %arg3[%add3A_268] : memref<327680xi32, #tpu.memory_space<hbm>> -> memref<80xi32, #tpu.memory_space<hbm>>
      tpu.enqueue_dma source(%dma_start3A_270 : memref<80xi32, #tpu.memory_space<hbm>>) target(%arg11 : memref<80xi32, #tpu.memory_space<vmem>>) target_semaphore(%arg29 : memref<!tpu.dma_semaphore, #tpu.memory_space<semaphore_mem>>)
      %dma_start3A_271 = tpu.memref_slice %arg4[%add3A_268] : memref<327680xi32, #tpu.memory_space<hbm>> -> memref<80xi32, #tpu.memory_space<hbm>>
      %dma_start3A_272 = tpu.memref_slice %arg4[%add3A_268] : memref<327680xi32, #tpu.memory_space<hbm>> -> memref<80xi32, #tpu.memory_space<hbm>>
      tpu.enqueue_dma source(%dma_start3A_272 : memref<80xi32, #tpu.memory_space<hbm>>) target(%arg17 : memref<80xi32, #tpu.memory_space<vmem>>) target_semaphore(%arg29 : memref<!tpu.dma_semaphore, #tpu.memory_space<semaphore_mem>>)
      %dma_wait3A_273 = arith.constant 0 : i32
      %dma_wait3A_274 = tpu.memref_slice %arg3[%dma_wait3A_273] : memref<327680xi32, #tpu.memory_space<hbm>> -> memref<80xi32, #tpu.memory_space<hbm>>
      %dma_wait3A_275 = arith.constant 0 : i32
      %dma_wait3A_276 = tpu.memref_slice %arg3[%dma_wait3A_275] : memref<327680xi32, #tpu.memory_space<hbm>> -> memref<80xi32, #tpu.memory_space<hbm>>
      tpu.wait_dma2 semaphore(%arg28 : memref<!tpu.dma_semaphore, #tpu.memory_space<semaphore_mem>>) src(%dma_wait3A_276 : memref<80xi32, #tpu.memory_space<hbm>>) dst(%arg10 : memref<80xi32, #tpu.memory_space<vmem>>)
      %dma_wait3A_277 = arith.constant 0 : i32
      %dma_wait3A_278 = tpu.memref_slice %arg4[%dma_wait3A_277] : memref<327680xi32, #tpu.memory_space<hbm>> -> memref<80xi32, #tpu.memory_space<hbm>>
      %dma_wait3A_279 = arith.constant 0 : i32
      %dma_wait3A_280 = tpu.memref_slice %arg4[%dma_wait3A_279] : memref<327680xi32, #tpu.memory_space<hbm>> -> memref<80xi32, #tpu.memory_space<hbm>>
      tpu.wait_dma2 semaphore(%arg28 : memref<!tpu.dma_semaphore, #tpu.memory_space<semaphore_mem>>) src(%dma_wait3A_280 : memref<80xi32, #tpu.memory_space<hbm>>) dst(%arg16 : memref<80xi32, #tpu.memory_space<vmem>>)
      %dma_start3A_281 = arith.constant 0 : i32
      %dma_start3A_282 = arith.constant 0 : i32
      %dma_start3A_283 = tpu.memref_slice %arg2[%dma_start3A_281, %dma_start3A_282] : memref<10240x128xf32, #tpu.memory_space<hbm>> -> memref<10240x128xf32, #tpu.memory_space<hbm>>
      tpu.enqueue_indirect_dma source(%dma_start3A_283 : memref<10240x128xf32, #tpu.memory_space<hbm>>) target(%arg22 : memref<80x128xf32, #tpu.memory_space<vmem>>) offsets(%arg10 : memref<80xi32, #tpu.memory_space<vmem>>) semaphore(%arg34 : memref<!tpu.dma_semaphore, #tpu.memory_space<semaphore_mem>>)
      %dma_wait3A_284 = arith.constant 0 : i32
      %dma_wait3A_285 = arith.constant 0 : i32
      %dma_wait3A_286 = tpu.memref_slice %arg2[%dma_wait3A_284, %dma_wait3A_285] : memref<10240x128xf32, #tpu.memory_space<hbm>> -> memref<10240x128xf32, #tpu.memory_space<hbm>>
      tpu.wait_indirect_dma semaphore(%arg33 : memref<!tpu.dma_semaphore, #tpu.memory_space<semaphore_mem>>) src(%dma_wait3A_286 : memref<10240x128xf32, #tpu.memory_space<hbm>>) dst(%arg21 : memref<80x128xf32, #tpu.memory_space<vmem>>)
      %dma_start3A_287 = arith.constant 0 : i32
      %dma_start3A_288 = arith.constant 0 : i32
      %dma_start3A_289 = tpu.memref_slice %arg7[%dma_start3A_287, %dma_start3A_288] : memref<5120x128xf32, #tpu.memory_space<vmem_shared>> -> memref<5120x128xf32, #tpu.memory_space<vmem_shared>>
      tpu.enqueue_indirect_dma source(%arg21 : memref<80x128xf32, #tpu.memory_space<vmem>>) target(%dma_start3A_289 : memref<5120x128xf32, #tpu.memory_space<vmem_shared>>) offsets(%arg15 : memref<80xi32, #tpu.memory_space<vmem>>) semaphore(%arg39 : memref<!tpu.dma_semaphore, #tpu.memory_space<semaphore_mem>>) {add = true}
      %mul3A_290 = arith.constant 6 : i32
      %mul3A_291 = arith.muli %scan3A_165, %mul3A_290 : i32
      %add3A_292 = arith.constant 4 : i32
      %add3A_293 = arith.addi %mul3A_291, %add3A_292 : i32
      %dma_wait3A_294 = arith.constant 0 : i32
      %dma_wait3A_295 = arith.constant 0 : i32
      %dma_wait3A_296 = tpu.memref_slice %arg7[%dma_wait3A_294, %dma_wait3A_295] : memref<5120x128xf32, #tpu.memory_space<vmem_shared>> -> memref<5120x128xf32, #tpu.memory_space<vmem_shared>>
      tpu.wait_indirect_dma semaphore(%arg42 : memref<!tpu.dma_semaphore, #tpu.memory_space<semaphore_mem>>) src(%arg24 : memref<80x128xf32, #tpu.memory_space<vmem>>) dst(%dma_wait3A_296 : memref<5120x128xf32, #tpu.memory_space<vmem_shared>>)
      %mul3A_297 = arith.constant 80 : i32
      %mul3A_298 = arith.muli %add3A_293, %mul3A_297 : i32
      %add3A_299 = arith.addi %mul3A_4, %mul3A_298 : i32
      %dma_start3A_300 = tpu.memref_slice %arg3[%add3A_299] : memref<327680xi32, #tpu.memory_space<hbm>> -> memref<80xi32, #tpu.memory_space<hbm>>
      %dma_start3A_301 = tpu.memref_slice %arg3[%add3A_299] : memref<327680xi32, #tpu.memory_space<hbm>> -> memref<80xi32, #tpu.memory_space<hbm>>
      tpu.enqueue_dma source(%dma_start3A_301 : memref<80xi32, #tpu.memory_space<hbm>>) target(%arg12 : memref<80xi32, #tpu.memory_space<vmem>>) target_semaphore(%arg30 : memref<!tpu.dma_semaphore, #tpu.memory_space<semaphore_mem>>)
      %dma_start3A_302 = tpu.memref_slice %arg4[%add3A_299] : memref<327680xi32, #tpu.memory_space<hbm>> -> memref<80xi32, #tpu.memory_space<hbm>>
      %dma_start3A_303 = tpu.memref_slice %arg4[%add3A_299] : memref<327680xi32, #tpu.memory_space<hbm>> -> memref<80xi32, #tpu.memory_space<hbm>>
      tpu.enqueue_dma source(%dma_start3A_303 : memref<80xi32, #tpu.memory_space<hbm>>) target(%arg18 : memref<80xi32, #tpu.memory_space<vmem>>) target_semaphore(%arg30 : memref<!tpu.dma_semaphore, #tpu.memory_space<semaphore_mem>>)
      %dma_wait3A_304 = arith.constant 0 : i32
      %dma_wait3A_305 = tpu.memref_slice %arg3[%dma_wait3A_304] : memref<327680xi32, #tpu.memory_space<hbm>> -> memref<80xi32, #tpu.memory_space<hbm>>
      %dma_wait3A_306 = arith.constant 0 : i32
      %dma_wait3A_307 = tpu.memref_slice %arg3[%dma_wait3A_306] : memref<327680xi32, #tpu.memory_space<hbm>> -> memref<80xi32, #tpu.memory_space<hbm>>
      tpu.wait_dma2 semaphore(%arg29 : memref<!tpu.dma_semaphore, #tpu.memory_space<semaphore_mem>>) src(%dma_wait3A_307 : memref<80xi32, #tpu.memory_space<hbm>>) dst(%arg11 : memref<80xi32, #tpu.memory_space<vmem>>)
      %dma_wait3A_308 = arith.constant 0 : i32
      %dma_wait3A_309 = tpu.memref_slice %arg4[%dma_wait3A_308] : memref<327680xi32, #tpu.memory_space<hbm>> -> memref<80xi32, #tpu.memory_space<hbm>>
      %dma_wait3A_310 = arith.constant 0 : i32
      %dma_wait3A_311 = tpu.memref_slice %arg4[%dma_wait3A_310] : memref<327680xi32, #tpu.memory_space<hbm>> -> memref<80xi32, #tpu.memory_space<hbm>>
      tpu.wait_dma2 semaphore(%arg29 : memref<!tpu.dma_semaphore, #tpu.memory_space<semaphore_mem>>) src(%dma_wait3A_311 : memref<80xi32, #tpu.memory_space<hbm>>) dst(%arg17 : memref<80xi32, #tpu.memory_space<vmem>>)
      %dma_start3A_312 = arith.constant 0 : i32
      %dma_start3A_313 = arith.constant 0 : i32
      %dma_start3A_314 = tpu.memref_slice %arg2[%dma_start3A_312, %dma_start3A_313] : memref<10240x128xf32, #tpu.memory_space<hbm>> -> memref<10240x128xf32, #tpu.memory_space<hbm>>
      tpu.enqueue_indirect_dma source(%dma_start3A_314 : memref<10240x128xf32, #tpu.memory_space<hbm>>) target(%arg23 : memref<80x128xf32, #tpu.memory_space<vmem>>) offsets(%arg11 : memref<80xi32, #tpu.memory_space<vmem>>) semaphore(%arg35 : memref<!tpu.dma_semaphore, #tpu.memory_space<semaphore_mem>>)
      %dma_wait3A_315 = arith.constant 0 : i32
      %dma_wait3A_316 = arith.constant 0 : i32
      %dma_wait3A_317 = tpu.memref_slice %arg2[%dma_wait3A_315, %dma_wait3A_316] : memref<10240x128xf32, #tpu.memory_space<hbm>> -> memref<10240x128xf32, #tpu.memory_space<hbm>>
      tpu.wait_indirect_dma semaphore(%arg34 : memref<!tpu.dma_semaphore, #tpu.memory_space<semaphore_mem>>) src(%dma_wait3A_317 : memref<10240x128xf32, #tpu.memory_space<hbm>>) dst(%arg22 : memref<80x128xf32, #tpu.memory_space<vmem>>)
      %dma_start3A_318 = arith.constant 0 : i32
      %dma_start3A_319 = arith.constant 0 : i32
      %dma_start3A_320 = tpu.memref_slice %arg7[%dma_start3A_318, %dma_start3A_319] : memref<5120x128xf32, #tpu.memory_space<vmem_shared>> -> memref<5120x128xf32, #tpu.memory_space<vmem_shared>>
      tpu.enqueue_indirect_dma source(%arg22 : memref<80x128xf32, #tpu.memory_space<vmem>>) target(%dma_start3A_320 : memref<5120x128xf32, #tpu.memory_space<vmem_shared>>) offsets(%arg16 : memref<80xi32, #tpu.memory_space<vmem>>) semaphore(%arg40 : memref<!tpu.dma_semaphore, #tpu.memory_space<semaphore_mem>>) {add = true}
      %mul3A_321 = arith.constant 6 : i32
      %mul3A_322 = arith.muli %scan3A_165, %mul3A_321 : i32
      %add3A_323 = arith.constant 5 : i32
      %add3A_324 = arith.addi %mul3A_322, %add3A_323 : i32
      %dma_wait3A_325 = arith.constant 0 : i32
      %dma_wait3A_326 = arith.constant 0 : i32
      %dma_wait3A_327 = tpu.memref_slice %arg7[%dma_wait3A_325, %dma_wait3A_326] : memref<5120x128xf32, #tpu.memory_space<vmem_shared>> -> memref<5120x128xf32, #tpu.memory_space<vmem_shared>>
      tpu.wait_indirect_dma semaphore(%arg43 : memref<!tpu.dma_semaphore, #tpu.memory_space<semaphore_mem>>) src(%arg25 : memref<80x128xf32, #tpu.memory_space<vmem>>) dst(%dma_wait3A_327 : memref<5120x128xf32, #tpu.memory_space<vmem_shared>>)
      %mul3A_328 = arith.constant 80 : i32
      %mul3A_329 = arith.muli %add3A_324, %mul3A_328 : i32
      %add3A_330 = arith.addi %mul3A_4, %mul3A_329 : i32
      %dma_start3A_331 = tpu.memref_slice %arg3[%add3A_330] : memref<327680xi32, #tpu.memory_space<hbm>> -> memref<80xi32, #tpu.memory_space<hbm>>
      %dma_start3A_332 = tpu.memref_slice %arg3[%add3A_330] : memref<327680xi32, #tpu.memory_space<hbm>> -> memref<80xi32, #tpu.memory_space<hbm>>
      tpu.enqueue_dma source(%dma_start3A_332 : memref<80xi32, #tpu.memory_space<hbm>>) target(%arg13 : memref<80xi32, #tpu.memory_space<vmem>>) target_semaphore(%arg31 : memref<!tpu.dma_semaphore, #tpu.memory_space<semaphore_mem>>)
      %dma_start3A_333 = tpu.memref_slice %arg4[%add3A_330] : memref<327680xi32, #tpu.memory_space<hbm>> -> memref<80xi32, #tpu.memory_space<hbm>>
      %dma_start3A_334 = tpu.memref_slice %arg4[%add3A_330] : memref<327680xi32, #tpu.memory_space<hbm>> -> memref<80xi32, #tpu.memory_space<hbm>>
      tpu.enqueue_dma source(%dma_start3A_334 : memref<80xi32, #tpu.memory_space<hbm>>) target(%arg19 : memref<80xi32, #tpu.memory_space<vmem>>) target_semaphore(%arg31 : memref<!tpu.dma_semaphore, #tpu.memory_space<semaphore_mem>>)
      %dma_wait3A_335 = arith.constant 0 : i32
      %dma_wait3A_336 = tpu.memref_slice %arg3[%dma_wait3A_335] : memref<327680xi32, #tpu.memory_space<hbm>> -> memref<80xi32, #tpu.memory_space<hbm>>
      %dma_wait3A_337 = arith.constant 0 : i32
      %dma_wait3A_338 = tpu.memref_slice %arg3[%dma_wait3A_337] : memref<327680xi32, #tpu.memory_space<hbm>> -> memref<80xi32, #tpu.memory_space<hbm>>
      tpu.wait_dma2 semaphore(%arg30 : memref<!tpu.dma_semaphore, #tpu.memory_space<semaphore_mem>>) src(%dma_wait3A_338 : memref<80xi32, #tpu.memory_space<hbm>>) dst(%arg12 : memref<80xi32, #tpu.memory_space<vmem>>)
      %dma_wait3A_339 = arith.constant 0 : i32
      %dma_wait3A_340 = tpu.memref_slice %arg4[%dma_wait3A_339] : memref<327680xi32, #tpu.memory_space<hbm>> -> memref<80xi32, #tpu.memory_space<hbm>>
      %dma_wait3A_341 = arith.constant 0 : i32
      %dma_wait3A_342 = tpu.memref_slice %arg4[%dma_wait3A_341] : memref<327680xi32, #tpu.memory_space<hbm>> -> memref<80xi32, #tpu.memory_space<hbm>>
      tpu.wait_dma2 semaphore(%arg30 : memref<!tpu.dma_semaphore, #tpu.memory_space<semaphore_mem>>) src(%dma_wait3A_342 : memref<80xi32, #tpu.memory_space<hbm>>) dst(%arg18 : memref<80xi32, #tpu.memory_space<vmem>>)
      %dma_start3A_343 = arith.constant 0 : i32
      %dma_start3A_344 = arith.constant 0 : i32
      %dma_start3A_345 = tpu.memref_slice %arg2[%dma_start3A_343, %dma_start3A_344] : memref<10240x128xf32, #tpu.memory_space<hbm>> -> memref<10240x128xf32, #tpu.memory_space<hbm>>
      tpu.enqueue_indirect_dma source(%dma_start3A_345 : memref<10240x128xf32, #tpu.memory_space<hbm>>) target(%arg24 : memref<80x128xf32, #tpu.memory_space<vmem>>) offsets(%arg12 : memref<80xi32, #tpu.memory_space<vmem>>) semaphore(%arg36 : memref<!tpu.dma_semaphore, #tpu.memory_space<semaphore_mem>>)
      %dma_wait3A_346 = arith.constant 0 : i32
      %dma_wait3A_347 = arith.constant 0 : i32
      %dma_wait3A_348 = tpu.memref_slice %arg2[%dma_wait3A_346, %dma_wait3A_347] : memref<10240x128xf32, #tpu.memory_space<hbm>> -> memref<10240x128xf32, #tpu.memory_space<hbm>>
      tpu.wait_indirect_dma semaphore(%arg35 : memref<!tpu.dma_semaphore, #tpu.memory_space<semaphore_mem>>) src(%dma_wait3A_348 : memref<10240x128xf32, #tpu.memory_space<hbm>>) dst(%arg23 : memref<80x128xf32, #tpu.memory_space<vmem>>)
      %dma_start3A_349 = arith.constant 0 : i32
      %dma_start3A_350 = arith.constant 0 : i32
      %dma_start3A_351 = tpu.memref_slice %arg7[%dma_start3A_349, %dma_start3A_350] : memref<5120x128xf32, #tpu.memory_space<vmem_shared>> -> memref<5120x128xf32, #tpu.memory_space<vmem_shared>>
      tpu.enqueue_indirect_dma source(%arg23 : memref<80x128xf32, #tpu.memory_space<vmem>>) target(%dma_start3A_351 : memref<5120x128xf32, #tpu.memory_space<vmem_shared>>) offsets(%arg17 : memref<80xi32, #tpu.memory_space<vmem>>) semaphore(%arg41 : memref<!tpu.dma_semaphore, #tpu.memory_space<semaphore_mem>>) {add = true}
    }
    %scan3A_122 = arith.constant 20 : i32
    %dma_wait3A_123 = arith.constant 0 : i32
    %dma_wait3A_124 = tpu.memref_slice %arg3[%dma_wait3A_123] : memref<327680xi32, #tpu.memory_space<hbm>> -> memref<80xi32, #tpu.memory_space<hbm>>
    %dma_wait3A_125 = arith.constant 0 : i32
    %dma_wait3A_126 = tpu.memref_slice %arg3[%dma_wait3A_125] : memref<327680xi32, #tpu.memory_space<hbm>> -> memref<80xi32, #tpu.memory_space<hbm>>
    tpu.wait_dma2 semaphore(%arg31 : memref<!tpu.dma_semaphore, #tpu.memory_space<semaphore_mem>>) src(%dma_wait3A_126 : memref<80xi32, #tpu.memory_space<hbm>>) dst(%arg13 : memref<80xi32, #tpu.memory_space<vmem>>)
    %dma_wait3A_127 = arith.constant 0 : i32
    %dma_wait3A_128 = tpu.memref_slice %arg4[%dma_wait3A_127] : memref<327680xi32, #tpu.memory_space<hbm>> -> memref<80xi32, #tpu.memory_space<hbm>>
    %dma_wait3A_129 = arith.constant 0 : i32
    %dma_wait3A_130 = tpu.memref_slice %arg4[%dma_wait3A_129] : memref<327680xi32, #tpu.memory_space<hbm>> -> memref<80xi32, #tpu.memory_space<hbm>>
    tpu.wait_dma2 semaphore(%arg31 : memref<!tpu.dma_semaphore, #tpu.memory_space<semaphore_mem>>) src(%dma_wait3A_130 : memref<80xi32, #tpu.memory_space<hbm>>) dst(%arg19 : memref<80xi32, #tpu.memory_space<vmem>>)
    %dma_start3A_131 = arith.constant 0 : i32
    %dma_start3A_132 = arith.constant 0 : i32
    %dma_start3A_133 = tpu.memref_slice %arg2[%dma_start3A_131, %dma_start3A_132] : memref<10240x128xf32, #tpu.memory_space<hbm>> -> memref<10240x128xf32, #tpu.memory_space<hbm>>
    tpu.enqueue_indirect_dma source(%dma_start3A_133 : memref<10240x128xf32, #tpu.memory_space<hbm>>) target(%arg25 : memref<80x128xf32, #tpu.memory_space<vmem>>) offsets(%arg13 : memref<80xi32, #tpu.memory_space<vmem>>) semaphore(%arg37 : memref<!tpu.dma_semaphore, #tpu.memory_space<semaphore_mem>>)
    %dma_wait3A_134 = arith.constant 0 : i32
    %dma_wait3A_135 = arith.constant 0 : i32
    %dma_wait3A_136 = tpu.memref_slice %arg2[%dma_wait3A_134, %dma_wait3A_135] : memref<10240x128xf32, #tpu.memory_space<hbm>> -> memref<10240x128xf32, #tpu.memory_space<hbm>>
    tpu.wait_indirect_dma semaphore(%arg36 : memref<!tpu.dma_semaphore, #tpu.memory_space<semaphore_mem>>) src(%dma_wait3A_136 : memref<10240x128xf32, #tpu.memory_space<hbm>>) dst(%arg24 : memref<80x128xf32, #tpu.memory_space<vmem>>)
    %dma_start3A_137 = arith.constant 0 : i32
    %dma_start3A_138 = arith.constant 0 : i32
    %dma_start3A_139 = tpu.memref_slice %arg7[%dma_start3A_137, %dma_start3A_138] : memref<5120x128xf32, #tpu.memory_space<vmem_shared>> -> memref<5120x128xf32, #tpu.memory_space<vmem_shared>>
    tpu.enqueue_indirect_dma source(%arg24 : memref<80x128xf32, #tpu.memory_space<vmem>>) target(%dma_start3A_139 : memref<5120x128xf32, #tpu.memory_space<vmem_shared>>) offsets(%arg18 : memref<80xi32, #tpu.memory_space<vmem>>) semaphore(%arg42 : memref<!tpu.dma_semaphore, #tpu.memory_space<semaphore_mem>>) {add = true}
    %dma_wait3A_140 = arith.constant 0 : i32
    %dma_wait3A_141 = arith.constant 0 : i32
    %dma_wait3A_142 = tpu.memref_slice %arg2[%dma_wait3A_140, %dma_wait3A_141] : memref<10240x128xf32, #tpu.memory_space<hbm>> -> memref<10240x128xf32, #tpu.memory_space<hbm>>
    tpu.wait_indirect_dma semaphore(%arg37 : memref<!tpu.dma_semaphore, #tpu.memory_space<semaphore_mem>>) src(%dma_wait3A_142 : memref<10240x128xf32, #tpu.memory_space<hbm>>) dst(%arg25 : memref<80x128xf32, #tpu.memory_space<vmem>>)
    %dma_start3A_143 = arith.constant 0 : i32
    %dma_start3A_144 = arith.constant 0 : i32
    %dma_start3A_145 = tpu.memref_slice %arg7[%dma_start3A_143, %dma_start3A_144] : memref<5120x128xf32, #tpu.memory_space<vmem_shared>> -> memref<5120x128xf32, #tpu.memory_space<vmem_shared>>
    tpu.enqueue_indirect_dma source(%arg25 : memref<80x128xf32, #tpu.memory_space<vmem>>) target(%dma_start3A_145 : memref<5120x128xf32, #tpu.memory_space<vmem_shared>>) offsets(%arg19 : memref<80xi32, #tpu.memory_space<vmem>>) semaphore(%arg43 : memref<!tpu.dma_semaphore, #tpu.memory_space<semaphore_mem>>) {add = true}
    %dma_wait3A_146 = arith.constant 0 : i32
    %dma_wait3A_147 = arith.constant 0 : i32
    %dma_wait3A_148 = tpu.memref_slice %arg7[%dma_wait3A_146, %dma_wait3A_147] : memref<5120x128xf32, #tpu.memory_space<vmem_shared>> -> memref<5120x128xf32, #tpu.memory_space<vmem_shared>>
    tpu.wait_indirect_dma semaphore(%arg38 : memref<!tpu.dma_semaphore, #tpu.memory_space<semaphore_mem>>) src(%arg20 : memref<80x128xf32, #tpu.memory_space<vmem>>) dst(%dma_wait3A_148 : memref<5120x128xf32, #tpu.memory_space<vmem_shared>>)
    %dma_wait3A_149 = arith.constant 0 : i32
    %dma_wait3A_150 = arith.constant 0 : i32
    %dma_wait3A_151 = tpu.memref_slice %arg7[%dma_wait3A_149, %dma_wait3A_150] : memref<5120x128xf32, #tpu.memory_space<vmem_shared>> -> memref<5120x128xf32, #tpu.memory_space<vmem_shared>>
    tpu.wait_indirect_dma semaphore(%arg39 : memref<!tpu.dma_semaphore, #tpu.memory_space<semaphore_mem>>) src(%arg21 : memref<80x128xf32, #tpu.memory_space<vmem>>) dst(%dma_wait3A_151 : memref<5120x128xf32, #tpu.memory_space<vmem_shared>>)
    %dma_wait3A_152 = arith.constant 0 : i32
    %dma_wait3A_153 = arith.constant 0 : i32
    %dma_wait3A_154 = tpu.memref_slice %arg7[%dma_wait3A_152, %dma_wait3A_153] : memref<5120x128xf32, #tpu.memory_space<vmem_shared>> -> memref<5120x128xf32, #tpu.memory_space<vmem_shared>>
    tpu.wait_indirect_dma semaphore(%arg40 : memref<!tpu.dma_semaphore, #tpu.memory_space<semaphore_mem>>) src(%arg22 : memref<80x128xf32, #tpu.memory_space<vmem>>) dst(%dma_wait3A_154 : memref<5120x128xf32, #tpu.memory_space<vmem_shared>>)
    %dma_wait3A_155 = arith.constant 0 : i32
    %dma_wait3A_156 = arith.constant 0 : i32
    %dma_wait3A_157 = tpu.memref_slice %arg7[%dma_wait3A_155, %dma_wait3A_156] : memref<5120x128xf32, #tpu.memory_space<vmem_shared>> -> memref<5120x128xf32, #tpu.memory_space<vmem_shared>>
    tpu.wait_indirect_dma semaphore(%arg41 : memref<!tpu.dma_semaphore, #tpu.memory_space<semaphore_mem>>) src(%arg23 : memref<80x128xf32, #tpu.memory_space<vmem>>) dst(%dma_wait3A_157 : memref<5120x128xf32, #tpu.memory_space<vmem_shared>>)
    %dma_wait3A_158 = arith.constant 0 : i32
    %dma_wait3A_159 = arith.constant 0 : i32
    %dma_wait3A_160 = tpu.memref_slice %arg7[%dma_wait3A_158, %dma_wait3A_159] : memref<5120x128xf32, #tpu.memory_space<vmem_shared>> -> memref<5120x128xf32, #tpu.memory_space<vmem_shared>>
    tpu.wait_indirect_dma semaphore(%arg42 : memref<!tpu.dma_semaphore, #tpu.memory_space<semaphore_mem>>) src(%arg24 : memref<80x128xf32, #tpu.memory_space<vmem>>) dst(%dma_wait3A_160 : memref<5120x128xf32, #tpu.memory_space<vmem_shared>>)
    %dma_wait3A_161 = arith.constant 0 : i32
    %dma_wait3A_162 = arith.constant 0 : i32
    %dma_wait3A_163 = tpu.memref_slice %arg7[%dma_wait3A_161, %dma_wait3A_162] : memref<5120x128xf32, #tpu.memory_space<vmem_shared>> -> memref<5120x128xf32, #tpu.memory_space<vmem_shared>>
    tpu.wait_indirect_dma semaphore(%arg43 : memref<!tpu.dma_semaphore, #tpu.memory_space<semaphore_mem>>) src(%arg25 : memref<80x128xf32, #tpu.memory_space<vmem>>) dst(%dma_wait3A_163 : memref<5120x128xf32, #tpu.memory_space<vmem_shared>>)
    %barrier3A_164 = arith.constant 0 : index
    tpu.barrier barrier_id(%barrier3A_164)
    "tpu.region"() ({
      %run_scoped3A = tpu.sem_alloc : memref<!tpu.dma_semaphore, #tpu.memory_space<semaphore_mem>>
      %dma_start3A_165 = arith.constant 0 : i32
      %dma_start3A_166 = tpu.memref_slice %arg6[%arg0, %mul3A_2, %dma_start3A_165] : memref<2x5120x128xf32, #tpu.memory_space<hbm>> -> memref<1x320x128xf32, #tpu.memory_space<hbm>>
      %dma_start3A_167 = tpu.memref_squeeze %dma_start3A_166 : memref<1x320x128xf32, #tpu.memory_space<hbm>> -> memref<320x128xf32, #tpu.memory_space<hbm>>
      %dma_start3A_168 = arith.constant 0 : i32
      %dma_start3A_169 = tpu.memref_slice %arg7[%mul3A_2, %dma_start3A_168] : memref<5120x128xf32, #tpu.memory_space<vmem_shared>> -> memref<320x128xf32, #tpu.memory_space<vmem_shared>>
      tpu.enqueue_dma source(%dma_start3A_169 : memref<320x128xf32, #tpu.memory_space<vmem_shared>>) target(%dma_start3A_167 : memref<320x128xf32, #tpu.memory_space<hbm>>) target_semaphore(%run_scoped3A : memref<!tpu.dma_semaphore, #tpu.memory_space<semaphore_mem>>)
      %dma_wait3A_170 = arith.constant 0 : i32
      %dma_wait3A_171 = tpu.memref_slice %arg6[%arg0, %mul3A_2, %dma_wait3A_170] : memref<2x5120x128xf32, #tpu.memory_space<hbm>> -> memref<1x320x128xf32, #tpu.memory_space<hbm>>
      %dma_wait3A_172 = tpu.memref_squeeze %dma_wait3A_171 : memref<1x320x128xf32, #tpu.memory_space<hbm>> -> memref<320x128xf32, #tpu.memory_space<hbm>>
      %dma_wait3A_173 = arith.constant 0 : i32
      %dma_wait3A_174 = tpu.memref_slice %arg7[%mul3A_2, %dma_wait3A_173] : memref<5120x128xf32, #tpu.memory_space<vmem_shared>> -> memref<320x128xf32, #tpu.memory_space<vmem_shared>>
      tpu.wait_dma2 semaphore(%run_scoped3A : memref<!tpu.dma_semaphore, #tpu.memory_space<semaphore_mem>>) src(%dma_wait3A_174 : memref<320x128xf32, #tpu.memory_space<vmem_shared>>) dst(%dma_wait3A_172 : memref<320x128xf32, #tpu.memory_space<hbm>>)
      tpu.yield
    }) : () -> ()
    return
  }
}

#map = affine_map<(d0, d1) -> (0)>
#map1 = affine_map<(d0, d1) -> (0, 0)>
#map2 = affine_map<(d0, d1) -> (0, 0, 0)>
module attributes {stable_mosaic.version = 14 : i64} {
  func.func @body(%arg0: i32, %arg1: i32, %arg2: memref<327680xi32, #tpu.memory_space<hbm>>, %arg3: memref<10240x128xf32, #tpu.memory_space<hbm>>, %arg4: memref<80x128xf32, #tpu.memory_space<hbm>>, %arg5: memref<2x5120x128xf32, #tpu.memory_space<hbm>>, %arg6: memref<5120x128xf32, #tpu.memory_space<vmem_shared>>, %arg7: memref<80xi32, #tpu.memory_space<vmem>>, %arg8: memref<80xi32, #tpu.memory_space<vmem>>, %arg9: memref<80xi32, #tpu.memory_space<vmem>>, %arg10: memref<80xi32, #tpu.memory_space<vmem>>, %arg11: memref<80xi32, #tpu.memory_space<vmem>>, %arg12: memref<80xi32, #tpu.memory_space<vmem>>, %arg13: memref<80x128xf32, #tpu.memory_space<vmem>>, %arg14: memref<!tpu.dma_semaphore, #tpu.memory_space<semaphore_mem>>, %arg15: memref<!tpu.dma_semaphore, #tpu.memory_space<semaphore_mem>>, %arg16: memref<!tpu.dma_semaphore, #tpu.memory_space<semaphore_mem>>, %arg17: memref<!tpu.dma_semaphore, #tpu.memory_space<semaphore_mem>>, %arg18: memref<!tpu.dma_semaphore, #tpu.memory_space<semaphore_mem>>, %arg19: memref<!tpu.dma_semaphore, #tpu.memory_space<semaphore_mem>>, %arg20: memref<!tpu.dma_semaphore, #tpu.memory_space<semaphore_mem>>, %arg21: memref<!tpu.dma_semaphore, #tpu.memory_space<semaphore_mem>>, %arg22: memref<!tpu.dma_semaphore, #tpu.memory_space<semaphore_mem>>, %arg23: memref<!tpu.dma_semaphore, #tpu.memory_space<semaphore_mem>>, %arg24: memref<!tpu.dma_semaphore, #tpu.memory_space<semaphore_mem>>, %arg25: memref<!tpu.dma_semaphore, #tpu.memory_space<semaphore_mem>>) attributes {dimension_semantics = [#tpu.dimension_semantics<core_parallel>, #tpu.dimension_semantics<subcore_parallel>], iteration_bounds = array<i64: 2, 16>, scalar_prefetch = 0 : i64, scratch_operands = 20 : i64, tpu.core_type = #tpu.core_type<sc_vector_subcore>, window_params = [{transform_indices = #map}, {transform_indices = #map1}, {transform_indices = #map1}, {transform_indices = #map2}]} {
    %mul3A = arith.constant 16 : i32
    %mul3A_0 = arith.muli %arg0, %mul3A : i32
    %add3A = arith.addi %mul3A_0, %arg1 : i32
    %mul3A_1 = arith.constant 320 : i32
    %mul3A_2 = arith.muli %arg1, %mul3A_1 : i32
    "tpu.region"() ({
      %run_scoped3A = tpu.sem_alloc : memref<!tpu.dma_semaphore, #tpu.memory_space<semaphore_mem>>
      %dma_start3A_93 = arith.constant 0 : i32
      %dma_start3A_94 = tpu.memref_slice %arg6[%mul3A_2, %dma_start3A_93] : memref<5120x128xf32, #tpu.memory_space<vmem_shared>> -> memref<320x128xf32, #tpu.memory_space<vmem_shared>>
      %dma_start3A_95 = arith.constant 0 : i32
      %dma_start3A_96 = tpu.memref_slice %arg3[%mul3A_2, %dma_start3A_95] : memref<10240x128xf32, #tpu.memory_space<hbm>> -> memref<320x128xf32, #tpu.memory_space<hbm>>
      tpu.enqueue_dma source(%dma_start3A_96 : memref<320x128xf32, #tpu.memory_space<hbm>>) target(%dma_start3A_94 : memref<320x128xf32, #tpu.memory_space<vmem_shared>>) target_semaphore(%run_scoped3A : memref<!tpu.dma_semaphore, #tpu.memory_space<semaphore_mem>>)
      %dma_wait3A_97 = arith.constant 0 : i32
      %dma_wait3A_98 = tpu.memref_slice %arg6[%mul3A_2, %dma_wait3A_97] : memref<5120x128xf32, #tpu.memory_space<vmem_shared>> -> memref<320x128xf32, #tpu.memory_space<vmem_shared>>
      %dma_wait3A_99 = arith.constant 0 : i32
      %dma_wait3A_100 = tpu.memref_slice %arg3[%mul3A_2, %dma_wait3A_99] : memref<10240x128xf32, #tpu.memory_space<hbm>> -> memref<320x128xf32, #tpu.memory_space<hbm>>
      tpu.wait_dma2 semaphore(%run_scoped3A : memref<!tpu.dma_semaphore, #tpu.memory_space<semaphore_mem>>) src(%dma_wait3A_100 : memref<320x128xf32, #tpu.memory_space<hbm>>) dst(%dma_wait3A_98 : memref<320x128xf32, #tpu.memory_space<vmem_shared>>)
      tpu.yield
    }) : () -> ()
    "tpu.region"() ({
      %run_scoped3A = tpu.sem_alloc : memref<!tpu.dma_semaphore, #tpu.memory_space<semaphore_mem>>
      tpu.enqueue_dma source(%arg4 : memref<80x128xf32, #tpu.memory_space<hbm>>) target(%arg13 : memref<80x128xf32, #tpu.memory_space<vmem>>) target_semaphore(%run_scoped3A : memref<!tpu.dma_semaphore, #tpu.memory_space<semaphore_mem>>)
      tpu.wait_dma2 semaphore(%run_scoped3A : memref<!tpu.dma_semaphore, #tpu.memory_space<semaphore_mem>>) src(%arg4 : memref<80x128xf32, #tpu.memory_space<hbm>>) dst(%arg13 : memref<80x128xf32, #tpu.memory_space<vmem>>)
      tpu.yield
    }) : () -> ()
    %barrier3A = arith.constant 0 : index
    tpu.barrier barrier_id(%barrier3A)
    %mul3A_3 = arith.constant 10080 : i32
    %mul3A_4 = arith.muli %add3A, %mul3A_3 : i32
    %add3A_5 = arith.constant 0 : i32
    %add3A_6 = arith.addi %mul3A_4, %add3A_5 : i32
    %dma_start3A = tpu.memref_slice %arg2[%add3A_6] : memref<327680xi32, #tpu.memory_space<hbm>> -> memref<80xi32, #tpu.memory_space<hbm>>
    %dma_start3A_7 = tpu.memref_slice %arg2[%add3A_6] : memref<327680xi32, #tpu.memory_space<hbm>> -> memref<80xi32, #tpu.memory_space<hbm>>
    tpu.enqueue_dma source(%dma_start3A_7 : memref<80xi32, #tpu.memory_space<hbm>>) target(%arg7 : memref<80xi32, #tpu.memory_space<vmem>>) target_semaphore(%arg14 : memref<!tpu.dma_semaphore, #tpu.memory_space<semaphore_mem>>)
    %add3A_8 = arith.constant 80 : i32
    %add3A_9 = arith.addi %mul3A_4, %add3A_8 : i32
    %dma_start3A_10 = tpu.memref_slice %arg2[%add3A_9] : memref<327680xi32, #tpu.memory_space<hbm>> -> memref<80xi32, #tpu.memory_space<hbm>>
    %dma_start3A_11 = tpu.memref_slice %arg2[%add3A_9] : memref<327680xi32, #tpu.memory_space<hbm>> -> memref<80xi32, #tpu.memory_space<hbm>>
    tpu.enqueue_dma source(%dma_start3A_11 : memref<80xi32, #tpu.memory_space<hbm>>) target(%arg8 : memref<80xi32, #tpu.memory_space<vmem>>) target_semaphore(%arg15 : memref<!tpu.dma_semaphore, #tpu.memory_space<semaphore_mem>>)
    %dma_wait3A = arith.constant 0 : i32
    %dma_wait3A_12 = tpu.memref_slice %arg2[%dma_wait3A] : memref<327680xi32, #tpu.memory_space<hbm>> -> memref<80xi32, #tpu.memory_space<hbm>>
    %dma_wait3A_13 = arith.constant 0 : i32
    %dma_wait3A_14 = tpu.memref_slice %arg2[%dma_wait3A_13] : memref<327680xi32, #tpu.memory_space<hbm>> -> memref<80xi32, #tpu.memory_space<hbm>>
    tpu.wait_dma2 semaphore(%arg14 : memref<!tpu.dma_semaphore, #tpu.memory_space<semaphore_mem>>) src(%dma_wait3A_14 : memref<80xi32, #tpu.memory_space<hbm>>) dst(%arg7 : memref<80xi32, #tpu.memory_space<vmem>>)
    %dma_start3A_15 = arith.constant 0 : i32
    %dma_start3A_16 = arith.constant 0 : i32
    %dma_start3A_17 = tpu.memref_slice %arg6[%dma_start3A_15, %dma_start3A_16] : memref<5120x128xf32, #tpu.memory_space<vmem_shared>> -> memref<5120x128xf32, #tpu.memory_space<vmem_shared>>
    tpu.enqueue_indirect_dma source(%arg13 : memref<80x128xf32, #tpu.memory_space<vmem>>) target(%dma_start3A_17 : memref<5120x128xf32, #tpu.memory_space<vmem_shared>>) offsets(%arg7 : memref<80xi32, #tpu.memory_space<vmem>>) semaphore(%arg20 : memref<!tpu.dma_semaphore, #tpu.memory_space<semaphore_mem>>) {add = true}
    %add3A_18 = arith.constant 160 : i32
    %add3A_19 = arith.addi %mul3A_4, %add3A_18 : i32
    %dma_start3A_20 = tpu.memref_slice %arg2[%add3A_19] : memref<327680xi32, #tpu.memory_space<hbm>> -> memref<80xi32, #tpu.memory_space<hbm>>
    %dma_start3A_21 = tpu.memref_slice %arg2[%add3A_19] : memref<327680xi32, #tpu.memory_space<hbm>> -> memref<80xi32, #tpu.memory_space<hbm>>
    tpu.enqueue_dma source(%dma_start3A_21 : memref<80xi32, #tpu.memory_space<hbm>>) target(%arg9 : memref<80xi32, #tpu.memory_space<vmem>>) target_semaphore(%arg16 : memref<!tpu.dma_semaphore, #tpu.memory_space<semaphore_mem>>)
    %dma_wait3A_22 = arith.constant 0 : i32
    %dma_wait3A_23 = tpu.memref_slice %arg2[%dma_wait3A_22] : memref<327680xi32, #tpu.memory_space<hbm>> -> memref<80xi32, #tpu.memory_space<hbm>>
    %dma_wait3A_24 = arith.constant 0 : i32
    %dma_wait3A_25 = tpu.memref_slice %arg2[%dma_wait3A_24] : memref<327680xi32, #tpu.memory_space<hbm>> -> memref<80xi32, #tpu.memory_space<hbm>>
    tpu.wait_dma2 semaphore(%arg15 : memref<!tpu.dma_semaphore, #tpu.memory_space<semaphore_mem>>) src(%dma_wait3A_25 : memref<80xi32, #tpu.memory_space<hbm>>) dst(%arg8 : memref<80xi32, #tpu.memory_space<vmem>>)
    %dma_start3A_26 = arith.constant 0 : i32
    %dma_start3A_27 = arith.constant 0 : i32
    %dma_start3A_28 = tpu.memref_slice %arg6[%dma_start3A_26, %dma_start3A_27] : memref<5120x128xf32, #tpu.memory_space<vmem_shared>> -> memref<5120x128xf32, #tpu.memory_space<vmem_shared>>
    tpu.enqueue_indirect_dma source(%arg13 : memref<80x128xf32, #tpu.memory_space<vmem>>) target(%dma_start3A_28 : memref<5120x128xf32, #tpu.memory_space<vmem_shared>>) offsets(%arg8 : memref<80xi32, #tpu.memory_space<vmem>>) semaphore(%arg21 : memref<!tpu.dma_semaphore, #tpu.memory_space<semaphore_mem>>) {add = true}
    %add3A_29 = arith.constant 240 : i32
    %add3A_30 = arith.addi %mul3A_4, %add3A_29 : i32
    %dma_start3A_31 = tpu.memref_slice %arg2[%add3A_30] : memref<327680xi32, #tpu.memory_space<hbm>> -> memref<80xi32, #tpu.memory_space<hbm>>
    %dma_start3A_32 = tpu.memref_slice %arg2[%add3A_30] : memref<327680xi32, #tpu.memory_space<hbm>> -> memref<80xi32, #tpu.memory_space<hbm>>
    tpu.enqueue_dma source(%dma_start3A_32 : memref<80xi32, #tpu.memory_space<hbm>>) target(%arg10 : memref<80xi32, #tpu.memory_space<vmem>>) target_semaphore(%arg17 : memref<!tpu.dma_semaphore, #tpu.memory_space<semaphore_mem>>)
    %dma_wait3A_33 = arith.constant 0 : i32
    %dma_wait3A_34 = tpu.memref_slice %arg2[%dma_wait3A_33] : memref<327680xi32, #tpu.memory_space<hbm>> -> memref<80xi32, #tpu.memory_space<hbm>>
    %dma_wait3A_35 = arith.constant 0 : i32
    %dma_wait3A_36 = tpu.memref_slice %arg2[%dma_wait3A_35] : memref<327680xi32, #tpu.memory_space<hbm>> -> memref<80xi32, #tpu.memory_space<hbm>>
    tpu.wait_dma2 semaphore(%arg16 : memref<!tpu.dma_semaphore, #tpu.memory_space<semaphore_mem>>) src(%dma_wait3A_36 : memref<80xi32, #tpu.memory_space<hbm>>) dst(%arg9 : memref<80xi32, #tpu.memory_space<vmem>>)
    %dma_start3A_37 = arith.constant 0 : i32
    %dma_start3A_38 = arith.constant 0 : i32
    %dma_start3A_39 = tpu.memref_slice %arg6[%dma_start3A_37, %dma_start3A_38] : memref<5120x128xf32, #tpu.memory_space<vmem_shared>> -> memref<5120x128xf32, #tpu.memory_space<vmem_shared>>
    tpu.enqueue_indirect_dma source(%arg13 : memref<80x128xf32, #tpu.memory_space<vmem>>) target(%dma_start3A_39 : memref<5120x128xf32, #tpu.memory_space<vmem_shared>>) offsets(%arg9 : memref<80xi32, #tpu.memory_space<vmem>>) semaphore(%arg22 : memref<!tpu.dma_semaphore, #tpu.memory_space<semaphore_mem>>) {add = true}
    %add3A_40 = arith.constant 320 : i32
    %add3A_41 = arith.addi %mul3A_4, %add3A_40 : i32
    %dma_start3A_42 = tpu.memref_slice %arg2[%add3A_41] : memref<327680xi32, #tpu.memory_space<hbm>> -> memref<80xi32, #tpu.memory_space<hbm>>
    %dma_start3A_43 = tpu.memref_slice %arg2[%add3A_41] : memref<327680xi32, #tpu.memory_space<hbm>> -> memref<80xi32, #tpu.memory_space<hbm>>
    tpu.enqueue_dma source(%dma_start3A_43 : memref<80xi32, #tpu.memory_space<hbm>>) target(%arg11 : memref<80xi32, #tpu.memory_space<vmem>>) target_semaphore(%arg18 : memref<!tpu.dma_semaphore, #tpu.memory_space<semaphore_mem>>)
    %dma_wait3A_44 = arith.constant 0 : i32
    %dma_wait3A_45 = tpu.memref_slice %arg2[%dma_wait3A_44] : memref<327680xi32, #tpu.memory_space<hbm>> -> memref<80xi32, #tpu.memory_space<hbm>>
    %dma_wait3A_46 = arith.constant 0 : i32
    %dma_wait3A_47 = tpu.memref_slice %arg2[%dma_wait3A_46] : memref<327680xi32, #tpu.memory_space<hbm>> -> memref<80xi32, #tpu.memory_space<hbm>>
    tpu.wait_dma2 semaphore(%arg17 : memref<!tpu.dma_semaphore, #tpu.memory_space<semaphore_mem>>) src(%dma_wait3A_47 : memref<80xi32, #tpu.memory_space<hbm>>) dst(%arg10 : memref<80xi32, #tpu.memory_space<vmem>>)
    %dma_start3A_48 = arith.constant 0 : i32
    %dma_start3A_49 = arith.constant 0 : i32
    %dma_start3A_50 = tpu.memref_slice %arg6[%dma_start3A_48, %dma_start3A_49] : memref<5120x128xf32, #tpu.memory_space<vmem_shared>> -> memref<5120x128xf32, #tpu.memory_space<vmem_shared>>
    tpu.enqueue_indirect_dma source(%arg13 : memref<80x128xf32, #tpu.memory_space<vmem>>) target(%dma_start3A_50 : memref<5120x128xf32, #tpu.memory_space<vmem_shared>>) offsets(%arg10 : memref<80xi32, #tpu.memory_space<vmem>>) semaphore(%arg23 : memref<!tpu.dma_semaphore, #tpu.memory_space<semaphore_mem>>) {add = true}
    %add3A_51 = arith.constant 400 : i32
    %add3A_52 = arith.addi %mul3A_4, %add3A_51 : i32
    %dma_start3A_53 = tpu.memref_slice %arg2[%add3A_52] : memref<327680xi32, #tpu.memory_space<hbm>> -> memref<80xi32, #tpu.memory_space<hbm>>
    %dma_start3A_54 = tpu.memref_slice %arg2[%add3A_52] : memref<327680xi32, #tpu.memory_space<hbm>> -> memref<80xi32, #tpu.memory_space<hbm>>
    tpu.enqueue_dma source(%dma_start3A_54 : memref<80xi32, #tpu.memory_space<hbm>>) target(%arg12 : memref<80xi32, #tpu.memory_space<vmem>>) target_semaphore(%arg19 : memref<!tpu.dma_semaphore, #tpu.memory_space<semaphore_mem>>)
    %dma_wait3A_55 = arith.constant 0 : i32
    %dma_wait3A_56 = tpu.memref_slice %arg2[%dma_wait3A_55] : memref<327680xi32, #tpu.memory_space<hbm>> -> memref<80xi32, #tpu.memory_space<hbm>>
    %dma_wait3A_57 = arith.constant 0 : i32
    %dma_wait3A_58 = tpu.memref_slice %arg2[%dma_wait3A_57] : memref<327680xi32, #tpu.memory_space<hbm>> -> memref<80xi32, #tpu.memory_space<hbm>>
    tpu.wait_dma2 semaphore(%arg18 : memref<!tpu.dma_semaphore, #tpu.memory_space<semaphore_mem>>) src(%dma_wait3A_58 : memref<80xi32, #tpu.memory_space<hbm>>) dst(%arg11 : memref<80xi32, #tpu.memory_space<vmem>>)
    %dma_start3A_59 = arith.constant 0 : i32
    %dma_start3A_60 = arith.constant 0 : i32
    %dma_start3A_61 = tpu.memref_slice %arg6[%dma_start3A_59, %dma_start3A_60] : memref<5120x128xf32, #tpu.memory_space<vmem_shared>> -> memref<5120x128xf32, #tpu.memory_space<vmem_shared>>
    tpu.enqueue_indirect_dma source(%arg13 : memref<80x128xf32, #tpu.memory_space<vmem>>) target(%dma_start3A_61 : memref<5120x128xf32, #tpu.memory_space<vmem_shared>>) offsets(%arg11 : memref<80xi32, #tpu.memory_space<vmem>>) semaphore(%arg24 : memref<!tpu.dma_semaphore, #tpu.memory_space<semaphore_mem>>) {add = true}
    %scan3A = arith.constant 0 : i32
    %scan3A_62 = arith.constant 1 : i32
    %scan3A_63 = arith.constant 20 : i32
    %scan3A_64 = arith.addi %scan3A_62, %scan3A_63 : i32
    %scan3A_65 = arith.constant 1 : i32
    scf.for %scan3A_93 = %scan3A_62 to %scan3A_64 step %scan3A_65  : i32 {
      %mul3A_94 = arith.constant 6 : i32
      %mul3A_95 = arith.muli %scan3A_93, %mul3A_94 : i32
      %add3A_96 = arith.constant 0 : i32
      %add3A_97 = arith.addi %mul3A_95, %add3A_96 : i32
      %dma_wait3A_98 = arith.constant 0 : i32
      %dma_wait3A_99 = arith.constant 0 : i32
      %dma_wait3A_100 = tpu.memref_slice %arg6[%dma_wait3A_98, %dma_wait3A_99] : memref<5120x128xf32, #tpu.memory_space<vmem_shared>> -> memref<5120x128xf32, #tpu.memory_space<vmem_shared>>
      tpu.wait_indirect_dma semaphore(%arg20 : memref<!tpu.dma_semaphore, #tpu.memory_space<semaphore_mem>>) src(%arg13 : memref<80x128xf32, #tpu.memory_space<vmem>>) dst(%dma_wait3A_100 : memref<5120x128xf32, #tpu.memory_space<vmem_shared>>)
      %mul3A_101 = arith.constant 80 : i32
      %mul3A_102 = arith.muli %add3A_97, %mul3A_101 : i32
      %add3A_103 = arith.addi %mul3A_4, %mul3A_102 : i32
      %dma_start3A_104 = tpu.memref_slice %arg2[%add3A_103] : memref<327680xi32, #tpu.memory_space<hbm>> -> memref<80xi32, #tpu.memory_space<hbm>>
      %dma_start3A_105 = tpu.memref_slice %arg2[%add3A_103] : memref<327680xi32, #tpu.memory_space<hbm>> -> memref<80xi32, #tpu.memory_space<hbm>>
      tpu.enqueue_dma source(%dma_start3A_105 : memref<80xi32, #tpu.memory_space<hbm>>) target(%arg7 : memref<80xi32, #tpu.memory_space<vmem>>) target_semaphore(%arg14 : memref<!tpu.dma_semaphore, #tpu.memory_space<semaphore_mem>>)
      %dma_wait3A_106 = arith.constant 0 : i32
      %dma_wait3A_107 = tpu.memref_slice %arg2[%dma_wait3A_106] : memref<327680xi32, #tpu.memory_space<hbm>> -> memref<80xi32, #tpu.memory_space<hbm>>
      %dma_wait3A_108 = arith.constant 0 : i32
      %dma_wait3A_109 = tpu.memref_slice %arg2[%dma_wait3A_108] : memref<327680xi32, #tpu.memory_space<hbm>> -> memref<80xi32, #tpu.memory_space<hbm>>
      tpu.wait_dma2 semaphore(%arg19 : memref<!tpu.dma_semaphore, #tpu.memory_space<semaphore_mem>>) src(%dma_wait3A_109 : memref<80xi32, #tpu.memory_space<hbm>>) dst(%arg12 : memref<80xi32, #tpu.memory_space<vmem>>)
      %dma_start3A_110 = arith.constant 0 : i32
      %dma_start3A_111 = arith.constant 0 : i32
      %dma_start3A_112 = tpu.memref_slice %arg6[%dma_start3A_110, %dma_start3A_111] : memref<5120x128xf32, #tpu.memory_space<vmem_shared>> -> memref<5120x128xf32, #tpu.memory_space<vmem_shared>>
      tpu.enqueue_indirect_dma source(%arg13 : memref<80x128xf32, #tpu.memory_space<vmem>>) target(%dma_start3A_112 : memref<5120x128xf32, #tpu.memory_space<vmem_shared>>) offsets(%arg12 : memref<80xi32, #tpu.memory_space<vmem>>) semaphore(%arg25 : memref<!tpu.dma_semaphore, #tpu.memory_space<semaphore_mem>>) {add = true}
      %mul3A_113 = arith.constant 6 : i32
      %mul3A_114 = arith.muli %scan3A_93, %mul3A_113 : i32
      %add3A_115 = arith.constant 1 : i32
      %add3A_116 = arith.addi %mul3A_114, %add3A_115 : i32
      %dma_wait3A_117 = arith.constant 0 : i32
      %dma_wait3A_118 = arith.constant 0 : i32
      %dma_wait3A_119 = tpu.memref_slice %arg6[%dma_wait3A_117, %dma_wait3A_118] : memref<5120x128xf32, #tpu.memory_space<vmem_shared>> -> memref<5120x128xf32, #tpu.memory_space<vmem_shared>>
      tpu.wait_indirect_dma semaphore(%arg21 : memref<!tpu.dma_semaphore, #tpu.memory_space<semaphore_mem>>) src(%arg13 : memref<80x128xf32, #tpu.memory_space<vmem>>) dst(%dma_wait3A_119 : memref<5120x128xf32, #tpu.memory_space<vmem_shared>>)
      %mul3A_120 = arith.constant 80 : i32
      %mul3A_121 = arith.muli %add3A_116, %mul3A_120 : i32
      %add3A_122 = arith.addi %mul3A_4, %mul3A_121 : i32
      %dma_start3A_123 = tpu.memref_slice %arg2[%add3A_122] : memref<327680xi32, #tpu.memory_space<hbm>> -> memref<80xi32, #tpu.memory_space<hbm>>
      %dma_start3A_124 = tpu.memref_slice %arg2[%add3A_122] : memref<327680xi32, #tpu.memory_space<hbm>> -> memref<80xi32, #tpu.memory_space<hbm>>
      tpu.enqueue_dma source(%dma_start3A_124 : memref<80xi32, #tpu.memory_space<hbm>>) target(%arg8 : memref<80xi32, #tpu.memory_space<vmem>>) target_semaphore(%arg15 : memref<!tpu.dma_semaphore, #tpu.memory_space<semaphore_mem>>)
      %dma_wait3A_125 = arith.constant 0 : i32
      %dma_wait3A_126 = tpu.memref_slice %arg2[%dma_wait3A_125] : memref<327680xi32, #tpu.memory_space<hbm>> -> memref<80xi32, #tpu.memory_space<hbm>>
      %dma_wait3A_127 = arith.constant 0 : i32
      %dma_wait3A_128 = tpu.memref_slice %arg2[%dma_wait3A_127] : memref<327680xi32, #tpu.memory_space<hbm>> -> memref<80xi32, #tpu.memory_space<hbm>>
      tpu.wait_dma2 semaphore(%arg14 : memref<!tpu.dma_semaphore, #tpu.memory_space<semaphore_mem>>) src(%dma_wait3A_128 : memref<80xi32, #tpu.memory_space<hbm>>) dst(%arg7 : memref<80xi32, #tpu.memory_space<vmem>>)
      %dma_start3A_129 = arith.constant 0 : i32
      %dma_start3A_130 = arith.constant 0 : i32
      %dma_start3A_131 = tpu.memref_slice %arg6[%dma_start3A_129, %dma_start3A_130] : memref<5120x128xf32, #tpu.memory_space<vmem_shared>> -> memref<5120x128xf32, #tpu.memory_space<vmem_shared>>
      tpu.enqueue_indirect_dma source(%arg13 : memref<80x128xf32, #tpu.memory_space<vmem>>) target(%dma_start3A_131 : memref<5120x128xf32, #tpu.memory_space<vmem_shared>>) offsets(%arg7 : memref<80xi32, #tpu.memory_space<vmem>>) semaphore(%arg20 : memref<!tpu.dma_semaphore, #tpu.memory_space<semaphore_mem>>) {add = true}
      %mul3A_132 = arith.constant 6 : i32
      %mul3A_133 = arith.muli %scan3A_93, %mul3A_132 : i32
      %add3A_134 = arith.constant 2 : i32
      %add3A_135 = arith.addi %mul3A_133, %add3A_134 : i32
      %dma_wait3A_136 = arith.constant 0 : i32
      %dma_wait3A_137 = arith.constant 0 : i32
      %dma_wait3A_138 = tpu.memref_slice %arg6[%dma_wait3A_136, %dma_wait3A_137] : memref<5120x128xf32, #tpu.memory_space<vmem_shared>> -> memref<5120x128xf32, #tpu.memory_space<vmem_shared>>
      tpu.wait_indirect_dma semaphore(%arg22 : memref<!tpu.dma_semaphore, #tpu.memory_space<semaphore_mem>>) src(%arg13 : memref<80x128xf32, #tpu.memory_space<vmem>>) dst(%dma_wait3A_138 : memref<5120x128xf32, #tpu.memory_space<vmem_shared>>)
      %mul3A_139 = arith.constant 80 : i32
      %mul3A_140 = arith.muli %add3A_135, %mul3A_139 : i32
      %add3A_141 = arith.addi %mul3A_4, %mul3A_140 : i32
      %dma_start3A_142 = tpu.memref_slice %arg2[%add3A_141] : memref<327680xi32, #tpu.memory_space<hbm>> -> memref<80xi32, #tpu.memory_space<hbm>>
      %dma_start3A_143 = tpu.memref_slice %arg2[%add3A_141] : memref<327680xi32, #tpu.memory_space<hbm>> -> memref<80xi32, #tpu.memory_space<hbm>>
      tpu.enqueue_dma source(%dma_start3A_143 : memref<80xi32, #tpu.memory_space<hbm>>) target(%arg9 : memref<80xi32, #tpu.memory_space<vmem>>) target_semaphore(%arg16 : memref<!tpu.dma_semaphore, #tpu.memory_space<semaphore_mem>>)
      %dma_wait3A_144 = arith.constant 0 : i32
      %dma_wait3A_145 = tpu.memref_slice %arg2[%dma_wait3A_144] : memref<327680xi32, #tpu.memory_space<hbm>> -> memref<80xi32, #tpu.memory_space<hbm>>
      %dma_wait3A_146 = arith.constant 0 : i32
      %dma_wait3A_147 = tpu.memref_slice %arg2[%dma_wait3A_146] : memref<327680xi32, #tpu.memory_space<hbm>> -> memref<80xi32, #tpu.memory_space<hbm>>
      tpu.wait_dma2 semaphore(%arg15 : memref<!tpu.dma_semaphore, #tpu.memory_space<semaphore_mem>>) src(%dma_wait3A_147 : memref<80xi32, #tpu.memory_space<hbm>>) dst(%arg8 : memref<80xi32, #tpu.memory_space<vmem>>)
      %dma_start3A_148 = arith.constant 0 : i32
      %dma_start3A_149 = arith.constant 0 : i32
      %dma_start3A_150 = tpu.memref_slice %arg6[%dma_start3A_148, %dma_start3A_149] : memref<5120x128xf32, #tpu.memory_space<vmem_shared>> -> memref<5120x128xf32, #tpu.memory_space<vmem_shared>>
      tpu.enqueue_indirect_dma source(%arg13 : memref<80x128xf32, #tpu.memory_space<vmem>>) target(%dma_start3A_150 : memref<5120x128xf32, #tpu.memory_space<vmem_shared>>) offsets(%arg8 : memref<80xi32, #tpu.memory_space<vmem>>) semaphore(%arg21 : memref<!tpu.dma_semaphore, #tpu.memory_space<semaphore_mem>>) {add = true}
      %mul3A_151 = arith.constant 6 : i32
      %mul3A_152 = arith.muli %scan3A_93, %mul3A_151 : i32
      %add3A_153 = arith.constant 3 : i32
      %add3A_154 = arith.addi %mul3A_152, %add3A_153 : i32
      %dma_wait3A_155 = arith.constant 0 : i32
      %dma_wait3A_156 = arith.constant 0 : i32
      %dma_wait3A_157 = tpu.memref_slice %arg6[%dma_wait3A_155, %dma_wait3A_156] : memref<5120x128xf32, #tpu.memory_space<vmem_shared>> -> memref<5120x128xf32, #tpu.memory_space<vmem_shared>>
      tpu.wait_indirect_dma semaphore(%arg23 : memref<!tpu.dma_semaphore, #tpu.memory_space<semaphore_mem>>) src(%arg13 : memref<80x128xf32, #tpu.memory_space<vmem>>) dst(%dma_wait3A_157 : memref<5120x128xf32, #tpu.memory_space<vmem_shared>>)
      %mul3A_158 = arith.constant 80 : i32
      %mul3A_159 = arith.muli %add3A_154, %mul3A_158 : i32
      %add3A_160 = arith.addi %mul3A_4, %mul3A_159 : i32
      %dma_start3A_161 = tpu.memref_slice %arg2[%add3A_160] : memref<327680xi32, #tpu.memory_space<hbm>> -> memref<80xi32, #tpu.memory_space<hbm>>
      %dma_start3A_162 = tpu.memref_slice %arg2[%add3A_160] : memref<327680xi32, #tpu.memory_space<hbm>> -> memref<80xi32, #tpu.memory_space<hbm>>
      tpu.enqueue_dma source(%dma_start3A_162 : memref<80xi32, #tpu.memory_space<hbm>>) target(%arg10 : memref<80xi32, #tpu.memory_space<vmem>>) target_semaphore(%arg17 : memref<!tpu.dma_semaphore, #tpu.memory_space<semaphore_mem>>)
      %dma_wait3A_163 = arith.constant 0 : i32
      %dma_wait3A_164 = tpu.memref_slice %arg2[%dma_wait3A_163] : memref<327680xi32, #tpu.memory_space<hbm>> -> memref<80xi32, #tpu.memory_space<hbm>>
      %dma_wait3A_165 = arith.constant 0 : i32
      %dma_wait3A_166 = tpu.memref_slice %arg2[%dma_wait3A_165] : memref<327680xi32, #tpu.memory_space<hbm>> -> memref<80xi32, #tpu.memory_space<hbm>>
      tpu.wait_dma2 semaphore(%arg16 : memref<!tpu.dma_semaphore, #tpu.memory_space<semaphore_mem>>) src(%dma_wait3A_166 : memref<80xi32, #tpu.memory_space<hbm>>) dst(%arg9 : memref<80xi32, #tpu.memory_space<vmem>>)
      %dma_start3A_167 = arith.constant 0 : i32
      %dma_start3A_168 = arith.constant 0 : i32
      %dma_start3A_169 = tpu.memref_slice %arg6[%dma_start3A_167, %dma_start3A_168] : memref<5120x128xf32, #tpu.memory_space<vmem_shared>> -> memref<5120x128xf32, #tpu.memory_space<vmem_shared>>
      tpu.enqueue_indirect_dma source(%arg13 : memref<80x128xf32, #tpu.memory_space<vmem>>) target(%dma_start3A_169 : memref<5120x128xf32, #tpu.memory_space<vmem_shared>>) offsets(%arg9 : memref<80xi32, #tpu.memory_space<vmem>>) semaphore(%arg22 : memref<!tpu.dma_semaphore, #tpu.memory_space<semaphore_mem>>) {add = true}
      %mul3A_170 = arith.constant 6 : i32
      %mul3A_171 = arith.muli %scan3A_93, %mul3A_170 : i32
      %add3A_172 = arith.constant 4 : i32
      %add3A_173 = arith.addi %mul3A_171, %add3A_172 : i32
      %dma_wait3A_174 = arith.constant 0 : i32
      %dma_wait3A_175 = arith.constant 0 : i32
      %dma_wait3A_176 = tpu.memref_slice %arg6[%dma_wait3A_174, %dma_wait3A_175] : memref<5120x128xf32, #tpu.memory_space<vmem_shared>> -> memref<5120x128xf32, #tpu.memory_space<vmem_shared>>
      tpu.wait_indirect_dma semaphore(%arg24 : memref<!tpu.dma_semaphore, #tpu.memory_space<semaphore_mem>>) src(%arg13 : memref<80x128xf32, #tpu.memory_space<vmem>>) dst(%dma_wait3A_176 : memref<5120x128xf32, #tpu.memory_space<vmem_shared>>)
      %mul3A_177 = arith.constant 80 : i32
      %mul3A_178 = arith.muli %add3A_173, %mul3A_177 : i32
      %add3A_179 = arith.addi %mul3A_4, %mul3A_178 : i32
      %dma_start3A_180 = tpu.memref_slice %arg2[%add3A_179] : memref<327680xi32, #tpu.memory_space<hbm>> -> memref<80xi32, #tpu.memory_space<hbm>>
      %dma_start3A_181 = tpu.memref_slice %arg2[%add3A_179] : memref<327680xi32, #tpu.memory_space<hbm>> -> memref<80xi32, #tpu.memory_space<hbm>>
      tpu.enqueue_dma source(%dma_start3A_181 : memref<80xi32, #tpu.memory_space<hbm>>) target(%arg11 : memref<80xi32, #tpu.memory_space<vmem>>) target_semaphore(%arg18 : memref<!tpu.dma_semaphore, #tpu.memory_space<semaphore_mem>>)
      %dma_wait3A_182 = arith.constant 0 : i32
      %dma_wait3A_183 = tpu.memref_slice %arg2[%dma_wait3A_182] : memref<327680xi32, #tpu.memory_space<hbm>> -> memref<80xi32, #tpu.memory_space<hbm>>
      %dma_wait3A_184 = arith.constant 0 : i32
      %dma_wait3A_185 = tpu.memref_slice %arg2[%dma_wait3A_184] : memref<327680xi32, #tpu.memory_space<hbm>> -> memref<80xi32, #tpu.memory_space<hbm>>
      tpu.wait_dma2 semaphore(%arg17 : memref<!tpu.dma_semaphore, #tpu.memory_space<semaphore_mem>>) src(%dma_wait3A_185 : memref<80xi32, #tpu.memory_space<hbm>>) dst(%arg10 : memref<80xi32, #tpu.memory_space<vmem>>)
      %dma_start3A_186 = arith.constant 0 : i32
      %dma_start3A_187 = arith.constant 0 : i32
      %dma_start3A_188 = tpu.memref_slice %arg6[%dma_start3A_186, %dma_start3A_187] : memref<5120x128xf32, #tpu.memory_space<vmem_shared>> -> memref<5120x128xf32, #tpu.memory_space<vmem_shared>>
      tpu.enqueue_indirect_dma source(%arg13 : memref<80x128xf32, #tpu.memory_space<vmem>>) target(%dma_start3A_188 : memref<5120x128xf32, #tpu.memory_space<vmem_shared>>) offsets(%arg10 : memref<80xi32, #tpu.memory_space<vmem>>) semaphore(%arg23 : memref<!tpu.dma_semaphore, #tpu.memory_space<semaphore_mem>>) {add = true}
      %mul3A_189 = arith.constant 6 : i32
      %mul3A_190 = arith.muli %scan3A_93, %mul3A_189 : i32
      %add3A_191 = arith.constant 5 : i32
      %add3A_192 = arith.addi %mul3A_190, %add3A_191 : i32
      %dma_wait3A_193 = arith.constant 0 : i32
      %dma_wait3A_194 = arith.constant 0 : i32
      %dma_wait3A_195 = tpu.memref_slice %arg6[%dma_wait3A_193, %dma_wait3A_194] : memref<5120x128xf32, #tpu.memory_space<vmem_shared>> -> memref<5120x128xf32, #tpu.memory_space<vmem_shared>>
      tpu.wait_indirect_dma semaphore(%arg25 : memref<!tpu.dma_semaphore, #tpu.memory_space<semaphore_mem>>) src(%arg13 : memref<80x128xf32, #tpu.memory_space<vmem>>) dst(%dma_wait3A_195 : memref<5120x128xf32, #tpu.memory_space<vmem_shared>>)
      %mul3A_196 = arith.constant 80 : i32
      %mul3A_197 = arith.muli %add3A_192, %mul3A_196 : i32
      %add3A_198 = arith.addi %mul3A_4, %mul3A_197 : i32
      %dma_start3A_199 = tpu.memref_slice %arg2[%add3A_198] : memref<327680xi32, #tpu.memory_space<hbm>> -> memref<80xi32, #tpu.memory_space<hbm>>
      %dma_start3A_200 = tpu.memref_slice %arg2[%add3A_198] : memref<327680xi32, #tpu.memory_space<hbm>> -> memref<80xi32, #tpu.memory_space<hbm>>
      tpu.enqueue_dma source(%dma_start3A_200 : memref<80xi32, #tpu.memory_space<hbm>>) target(%arg12 : memref<80xi32, #tpu.memory_space<vmem>>) target_semaphore(%arg19 : memref<!tpu.dma_semaphore, #tpu.memory_space<semaphore_mem>>)
      %dma_wait3A_201 = arith.constant 0 : i32
      %dma_wait3A_202 = tpu.memref_slice %arg2[%dma_wait3A_201] : memref<327680xi32, #tpu.memory_space<hbm>> -> memref<80xi32, #tpu.memory_space<hbm>>
      %dma_wait3A_203 = arith.constant 0 : i32
      %dma_wait3A_204 = tpu.memref_slice %arg2[%dma_wait3A_203] : memref<327680xi32, #tpu.memory_space<hbm>> -> memref<80xi32, #tpu.memory_space<hbm>>
      tpu.wait_dma2 semaphore(%arg18 : memref<!tpu.dma_semaphore, #tpu.memory_space<semaphore_mem>>) src(%dma_wait3A_204 : memref<80xi32, #tpu.memory_space<hbm>>) dst(%arg11 : memref<80xi32, #tpu.memory_space<vmem>>)
      %dma_start3A_205 = arith.constant 0 : i32
      %dma_start3A_206 = arith.constant 0 : i32
      %dma_start3A_207 = tpu.memref_slice %arg6[%dma_start3A_205, %dma_start3A_206] : memref<5120x128xf32, #tpu.memory_space<vmem_shared>> -> memref<5120x128xf32, #tpu.memory_space<vmem_shared>>
      tpu.enqueue_indirect_dma source(%arg13 : memref<80x128xf32, #tpu.memory_space<vmem>>) target(%dma_start3A_207 : memref<5120x128xf32, #tpu.memory_space<vmem_shared>>) offsets(%arg11 : memref<80xi32, #tpu.memory_space<vmem>>) semaphore(%arg24 : memref<!tpu.dma_semaphore, #tpu.memory_space<semaphore_mem>>) {add = true}
    }
    %scan3A_66 = arith.constant 20 : i32
    %dma_wait3A_67 = arith.constant 0 : i32
    %dma_wait3A_68 = tpu.memref_slice %arg2[%dma_wait3A_67] : memref<327680xi32, #tpu.memory_space<hbm>> -> memref<80xi32, #tpu.memory_space<hbm>>
    %dma_wait3A_69 = arith.constant 0 : i32
    %dma_wait3A_70 = tpu.memref_slice %arg2[%dma_wait3A_69] : memref<327680xi32, #tpu.memory_space<hbm>> -> memref<80xi32, #tpu.memory_space<hbm>>
    tpu.wait_dma2 semaphore(%arg19 : memref<!tpu.dma_semaphore, #tpu.memory_space<semaphore_mem>>) src(%dma_wait3A_70 : memref<80xi32, #tpu.memory_space<hbm>>) dst(%arg12 : memref<80xi32, #tpu.memory_space<vmem>>)
    %dma_start3A_71 = arith.constant 0 : i32
    %dma_start3A_72 = arith.constant 0 : i32
    %dma_start3A_73 = tpu.memref_slice %arg6[%dma_start3A_71, %dma_start3A_72] : memref<5120x128xf32, #tpu.memory_space<vmem_shared>> -> memref<5120x128xf32, #tpu.memory_space<vmem_shared>>
    tpu.enqueue_indirect_dma source(%arg13 : memref<80x128xf32, #tpu.memory_space<vmem>>) target(%dma_start3A_73 : memref<5120x128xf32, #tpu.memory_space<vmem_shared>>) offsets(%arg12 : memref<80xi32, #tpu.memory_space<vmem>>) semaphore(%arg25 : memref<!tpu.dma_semaphore, #tpu.memory_space<semaphore_mem>>) {add = true}
    %dma_wait3A_74 = arith.constant 0 : i32
    %dma_wait3A_75 = arith.constant 0 : i32
    %dma_wait3A_76 = tpu.memref_slice %arg6[%dma_wait3A_74, %dma_wait3A_75] : memref<5120x128xf32, #tpu.memory_space<vmem_shared>> -> memref<5120x128xf32, #tpu.memory_space<vmem_shared>>
    tpu.wait_indirect_dma semaphore(%arg20 : memref<!tpu.dma_semaphore, #tpu.memory_space<semaphore_mem>>) src(%arg13 : memref<80x128xf32, #tpu.memory_space<vmem>>) dst(%dma_wait3A_76 : memref<5120x128xf32, #tpu.memory_space<vmem_shared>>)
    %dma_wait3A_77 = arith.constant 0 : i32
    %dma_wait3A_78 = arith.constant 0 : i32
    %dma_wait3A_79 = tpu.memref_slice %arg6[%dma_wait3A_77, %dma_wait3A_78] : memref<5120x128xf32, #tpu.memory_space<vmem_shared>> -> memref<5120x128xf32, #tpu.memory_space<vmem_shared>>
    tpu.wait_indirect_dma semaphore(%arg21 : memref<!tpu.dma_semaphore, #tpu.memory_space<semaphore_mem>>) src(%arg13 : memref<80x128xf32, #tpu.memory_space<vmem>>) dst(%dma_wait3A_79 : memref<5120x128xf32, #tpu.memory_space<vmem_shared>>)
    %dma_wait3A_80 = arith.constant 0 : i32
    %dma_wait3A_81 = arith.constant 0 : i32
    %dma_wait3A_82 = tpu.memref_slice %arg6[%dma_wait3A_80, %dma_wait3A_81] : memref<5120x128xf32, #tpu.memory_space<vmem_shared>> -> memref<5120x128xf32, #tpu.memory_space<vmem_shared>>
    tpu.wait_indirect_dma semaphore(%arg22 : memref<!tpu.dma_semaphore, #tpu.memory_space<semaphore_mem>>) src(%arg13 : memref<80x128xf32, #tpu.memory_space<vmem>>) dst(%dma_wait3A_82 : memref<5120x128xf32, #tpu.memory_space<vmem_shared>>)
    %dma_wait3A_83 = arith.constant 0 : i32
    %dma_wait3A_84 = arith.constant 0 : i32
    %dma_wait3A_85 = tpu.memref_slice %arg6[%dma_wait3A_83, %dma_wait3A_84] : memref<5120x128xf32, #tpu.memory_space<vmem_shared>> -> memref<5120x128xf32, #tpu.memory_space<vmem_shared>>
    tpu.wait_indirect_dma semaphore(%arg23 : memref<!tpu.dma_semaphore, #tpu.memory_space<semaphore_mem>>) src(%arg13 : memref<80x128xf32, #tpu.memory_space<vmem>>) dst(%dma_wait3A_85 : memref<5120x128xf32, #tpu.memory_space<vmem_shared>>)
    %dma_wait3A_86 = arith.constant 0 : i32
    %dma_wait3A_87 = arith.constant 0 : i32
    %dma_wait3A_88 = tpu.memref_slice %arg6[%dma_wait3A_86, %dma_wait3A_87] : memref<5120x128xf32, #tpu.memory_space<vmem_shared>> -> memref<5120x128xf32, #tpu.memory_space<vmem_shared>>
    tpu.wait_indirect_dma semaphore(%arg24 : memref<!tpu.dma_semaphore, #tpu.memory_space<semaphore_mem>>) src(%arg13 : memref<80x128xf32, #tpu.memory_space<vmem>>) dst(%dma_wait3A_88 : memref<5120x128xf32, #tpu.memory_space<vmem_shared>>)
    %dma_wait3A_89 = arith.constant 0 : i32
    %dma_wait3A_90 = arith.constant 0 : i32
    %dma_wait3A_91 = tpu.memref_slice %arg6[%dma_wait3A_89, %dma_wait3A_90] : memref<5120x128xf32, #tpu.memory_space<vmem_shared>> -> memref<5120x128xf32, #tpu.memory_space<vmem_shared>>
    tpu.wait_indirect_dma semaphore(%arg25 : memref<!tpu.dma_semaphore, #tpu.memory_space<semaphore_mem>>) src(%arg13 : memref<80x128xf32, #tpu.memory_space<vmem>>) dst(%dma_wait3A_91 : memref<5120x128xf32, #tpu.memory_space<vmem_shared>>)
    %barrier3A_92 = arith.constant 0 : index
    tpu.barrier barrier_id(%barrier3A_92)
    "tpu.region"() ({
      %run_scoped3A = tpu.sem_alloc : memref<!tpu.dma_semaphore, #tpu.memory_space<semaphore_mem>>
      %dma_start3A_93 = arith.constant 0 : i32
      %dma_start3A_94 = tpu.memref_slice %arg5[%arg0, %mul3A_2, %dma_start3A_93] : memref<2x5120x128xf32, #tpu.memory_space<hbm>> -> memref<1x320x128xf32, #tpu.memory_space<hbm>>
      %dma_start3A_95 = tpu.memref_squeeze %dma_start3A_94 : memref<1x320x128xf32, #tpu.memory_space<hbm>> -> memref<320x128xf32, #tpu.memory_space<hbm>>
      %dma_start3A_96 = arith.constant 0 : i32
      %dma_start3A_97 = tpu.memref_slice %arg6[%mul3A_2, %dma_start3A_96] : memref<5120x128xf32, #tpu.memory_space<vmem_shared>> -> memref<320x128xf32, #tpu.memory_space<vmem_shared>>
      tpu.enqueue_dma source(%dma_start3A_97 : memref<320x128xf32, #tpu.memory_space<vmem_shared>>) target(%dma_start3A_95 : memref<320x128xf32, #tpu.memory_space<hbm>>) target_semaphore(%run_scoped3A : memref<!tpu.dma_semaphore, #tpu.memory_space<semaphore_mem>>)
      %dma_wait3A_98 = arith.constant 0 : i32
      %dma_wait3A_99 = tpu.memref_slice %arg5[%arg0, %mul3A_2, %dma_wait3A_98] : memref<2x5120x128xf32, #tpu.memory_space<hbm>> -> memref<1x320x128xf32, #tpu.memory_space<hbm>>
      %dma_wait3A_100 = tpu.memref_squeeze %dma_wait3A_99 : memref<1x320x128xf32, #tpu.memory_space<hbm>> -> memref<320x128xf32, #tpu.memory_space<hbm>>
      %dma_wait3A_101 = arith.constant 0 : i32
      %dma_wait3A_102 = tpu.memref_slice %arg6[%mul3A_2, %dma_wait3A_101] : memref<5120x128xf32, #tpu.memory_space<vmem_shared>> -> memref<320x128xf32, #tpu.memory_space<vmem_shared>>
      tpu.wait_dma2 semaphore(%run_scoped3A : memref<!tpu.dma_semaphore, #tpu.memory_space<semaphore_mem>>) src(%dma_wait3A_102 : memref<320x128xf32, #tpu.memory_space<vmem_shared>>) dst(%dma_wait3A_100 : memref<320x128xf32, #tpu.memory_space<hbm>>)
      tpu.yield
    }) : () -> ()
    return
  }
}

#map = affine_map<(d0, d1) -> (0, 0)>
#map1 = affine_map<(d0, d1) -> (0)>
#map2 = affine_map<(d0, d1) -> (0, 0, 0)>
module attributes {stable_mosaic.version = 14 : i64} {
  func.func @body(%arg0: i32, %arg1: i32, %arg2: memref<5120x128xf32, #tpu.memory_space<hbm>>, %arg3: memref<327680xi32, #tpu.memory_space<hbm>>, %arg4: memref<327680xi32, #tpu.memory_space<hbm>>, %arg5: memref<10240x128xf32, #tpu.memory_space<hbm>>, %arg6: memref<2x10240x128xf32, #tpu.memory_space<hbm>>, %arg7: memref<10240x128xf32, #tpu.memory_space<vmem_shared>>, %arg8: memref<80xi32, #tpu.memory_space<vmem>>, %arg9: memref<80xi32, #tpu.memory_space<vmem>>, %arg10: memref<80xi32, #tpu.memory_space<vmem>>, %arg11: memref<80xi32, #tpu.memory_space<vmem>>, %arg12: memref<80xi32, #tpu.memory_space<vmem>>, %arg13: memref<80xi32, #tpu.memory_space<vmem>>, %arg14: memref<80xi32, #tpu.memory_space<vmem>>, %arg15: memref<80xi32, #tpu.memory_space<vmem>>, %arg16: memref<80x128xf32, #tpu.memory_space<vmem>>, %arg17: memref<80x128xf32, #tpu.memory_space<vmem>>, %arg18: memref<80x128xf32, #tpu.memory_space<vmem>>, %arg19: memref<80x128xf32, #tpu.memory_space<vmem>>, %arg20: memref<!tpu.dma_semaphore, #tpu.memory_space<semaphore_mem>>, %arg21: memref<!tpu.dma_semaphore, #tpu.memory_space<semaphore_mem>>, %arg22: memref<!tpu.dma_semaphore, #tpu.memory_space<semaphore_mem>>, %arg23: memref<!tpu.dma_semaphore, #tpu.memory_space<semaphore_mem>>, %arg24: memref<!tpu.dma_semaphore, #tpu.memory_space<semaphore_mem>>, %arg25: memref<!tpu.dma_semaphore, #tpu.memory_space<semaphore_mem>>, %arg26: memref<!tpu.dma_semaphore, #tpu.memory_space<semaphore_mem>>, %arg27: memref<!tpu.dma_semaphore, #tpu.memory_space<semaphore_mem>>, %arg28: memref<!tpu.dma_semaphore, #tpu.memory_space<semaphore_mem>>, %arg29: memref<!tpu.dma_semaphore, #tpu.memory_space<semaphore_mem>>, %arg30: memref<!tpu.dma_semaphore, #tpu.memory_space<semaphore_mem>>, %arg31: memref<!tpu.dma_semaphore, #tpu.memory_space<semaphore_mem>>) attributes {dimension_semantics = [#tpu.dimension_semantics<core_parallel>, #tpu.dimension_semantics<subcore_parallel>], iteration_bounds = array<i64: 2, 16>, scalar_prefetch = 0 : i64, scratch_operands = 25 : i64, tpu.core_type = #tpu.core_type<sc_vector_subcore>, window_params = [{transform_indices = #map}, {transform_indices = #map1}, {transform_indices = #map1}, {transform_indices = #map}, {transform_indices = #map2}]} {
    %mul3A = arith.constant 16 : i32
    %mul3A_0 = arith.muli %arg0, %mul3A : i32
    %add3A = arith.addi %mul3A_0, %arg1 : i32
    %mul3A_1 = arith.constant 640 : i32
    %mul3A_2 = arith.muli %arg1, %mul3A_1 : i32
    "tpu.region"() ({
      %run_scoped3A = tpu.sem_alloc : memref<!tpu.dma_semaphore, #tpu.memory_space<semaphore_mem>>
      %dma_start3A_113 = arith.constant 0 : i32
      %dma_start3A_114 = tpu.memref_slice %arg7[%mul3A_2, %dma_start3A_113] : memref<10240x128xf32, #tpu.memory_space<vmem_shared>> -> memref<640x128xf32, #tpu.memory_space<vmem_shared>>
      %dma_start3A_115 = arith.constant 0 : i32
      %dma_start3A_116 = tpu.memref_slice %arg5[%mul3A_2, %dma_start3A_115] : memref<10240x128xf32, #tpu.memory_space<hbm>> -> memref<640x128xf32, #tpu.memory_space<hbm>>
      tpu.enqueue_dma source(%dma_start3A_116 : memref<640x128xf32, #tpu.memory_space<hbm>>) target(%dma_start3A_114 : memref<640x128xf32, #tpu.memory_space<vmem_shared>>) target_semaphore(%run_scoped3A : memref<!tpu.dma_semaphore, #tpu.memory_space<semaphore_mem>>)
      %dma_wait3A_117 = arith.constant 0 : i32
      %dma_wait3A_118 = tpu.memref_slice %arg7[%mul3A_2, %dma_wait3A_117] : memref<10240x128xf32, #tpu.memory_space<vmem_shared>> -> memref<640x128xf32, #tpu.memory_space<vmem_shared>>
      %dma_wait3A_119 = arith.constant 0 : i32
      %dma_wait3A_120 = tpu.memref_slice %arg5[%mul3A_2, %dma_wait3A_119] : memref<10240x128xf32, #tpu.memory_space<hbm>> -> memref<640x128xf32, #tpu.memory_space<hbm>>
      tpu.wait_dma2 semaphore(%run_scoped3A : memref<!tpu.dma_semaphore, #tpu.memory_space<semaphore_mem>>) src(%dma_wait3A_120 : memref<640x128xf32, #tpu.memory_space<hbm>>) dst(%dma_wait3A_118 : memref<640x128xf32, #tpu.memory_space<vmem_shared>>)
      tpu.yield
    }) : () -> ()
    %barrier3A = arith.constant 0 : index
    tpu.barrier barrier_id(%barrier3A)
    %mul3A_3 = arith.constant 10240 : i32
    %mul3A_4 = arith.muli %add3A, %mul3A_3 : i32
    %add3A_5 = arith.constant 0 : i32
    %add3A_6 = arith.addi %mul3A_4, %add3A_5 : i32
    %dma_start3A = tpu.memref_slice %arg3[%add3A_6] : memref<327680xi32, #tpu.memory_space<hbm>> -> memref<80xi32, #tpu.memory_space<hbm>>
    %dma_start3A_7 = tpu.memref_slice %arg3[%add3A_6] : memref<327680xi32, #tpu.memory_space<hbm>> -> memref<80xi32, #tpu.memory_space<hbm>>
    tpu.enqueue_dma source(%dma_start3A_7 : memref<80xi32, #tpu.memory_space<hbm>>) target(%arg8 : memref<80xi32, #tpu.memory_space<vmem>>) target_semaphore(%arg20 : memref<!tpu.dma_semaphore, #tpu.memory_space<semaphore_mem>>)
    %dma_start3A_8 = tpu.memref_slice %arg4[%add3A_6] : memref<327680xi32, #tpu.memory_space<hbm>> -> memref<80xi32, #tpu.memory_space<hbm>>
    %dma_start3A_9 = tpu.memref_slice %arg4[%add3A_6] : memref<327680xi32, #tpu.memory_space<hbm>> -> memref<80xi32, #tpu.memory_space<hbm>>
    tpu.enqueue_dma source(%dma_start3A_9 : memref<80xi32, #tpu.memory_space<hbm>>) target(%arg12 : memref<80xi32, #tpu.memory_space<vmem>>) target_semaphore(%arg20 : memref<!tpu.dma_semaphore, #tpu.memory_space<semaphore_mem>>)
    %add3A_10 = arith.constant 80 : i32
    %add3A_11 = arith.addi %mul3A_4, %add3A_10 : i32
    %dma_start3A_12 = tpu.memref_slice %arg3[%add3A_11] : memref<327680xi32, #tpu.memory_space<hbm>> -> memref<80xi32, #tpu.memory_space<hbm>>
    %dma_start3A_13 = tpu.memref_slice %arg3[%add3A_11] : memref<327680xi32, #tpu.memory_space<hbm>> -> memref<80xi32, #tpu.memory_space<hbm>>
    tpu.enqueue_dma source(%dma_start3A_13 : memref<80xi32, #tpu.memory_space<hbm>>) target(%arg9 : memref<80xi32, #tpu.memory_space<vmem>>) target_semaphore(%arg21 : memref<!tpu.dma_semaphore, #tpu.memory_space<semaphore_mem>>)
    %dma_start3A_14 = tpu.memref_slice %arg4[%add3A_11] : memref<327680xi32, #tpu.memory_space<hbm>> -> memref<80xi32, #tpu.memory_space<hbm>>
    %dma_start3A_15 = tpu.memref_slice %arg4[%add3A_11] : memref<327680xi32, #tpu.memory_space<hbm>> -> memref<80xi32, #tpu.memory_space<hbm>>
    tpu.enqueue_dma source(%dma_start3A_15 : memref<80xi32, #tpu.memory_space<hbm>>) target(%arg13 : memref<80xi32, #tpu.memory_space<vmem>>) target_semaphore(%arg21 : memref<!tpu.dma_semaphore, #tpu.memory_space<semaphore_mem>>)
    %dma_wait3A = arith.constant 0 : i32
    %dma_wait3A_16 = tpu.memref_slice %arg3[%dma_wait3A] : memref<327680xi32, #tpu.memory_space<hbm>> -> memref<80xi32, #tpu.memory_space<hbm>>
    %dma_wait3A_17 = arith.constant 0 : i32
    %dma_wait3A_18 = tpu.memref_slice %arg3[%dma_wait3A_17] : memref<327680xi32, #tpu.memory_space<hbm>> -> memref<80xi32, #tpu.memory_space<hbm>>
    tpu.wait_dma2 semaphore(%arg20 : memref<!tpu.dma_semaphore, #tpu.memory_space<semaphore_mem>>) src(%dma_wait3A_18 : memref<80xi32, #tpu.memory_space<hbm>>) dst(%arg8 : memref<80xi32, #tpu.memory_space<vmem>>)
    %dma_wait3A_19 = arith.constant 0 : i32
    %dma_wait3A_20 = tpu.memref_slice %arg4[%dma_wait3A_19] : memref<327680xi32, #tpu.memory_space<hbm>> -> memref<80xi32, #tpu.memory_space<hbm>>
    %dma_wait3A_21 = arith.constant 0 : i32
    %dma_wait3A_22 = tpu.memref_slice %arg4[%dma_wait3A_21] : memref<327680xi32, #tpu.memory_space<hbm>> -> memref<80xi32, #tpu.memory_space<hbm>>
    tpu.wait_dma2 semaphore(%arg20 : memref<!tpu.dma_semaphore, #tpu.memory_space<semaphore_mem>>) src(%dma_wait3A_22 : memref<80xi32, #tpu.memory_space<hbm>>) dst(%arg12 : memref<80xi32, #tpu.memory_space<vmem>>)
    %dma_start3A_23 = arith.constant 0 : i32
    %dma_start3A_24 = arith.constant 0 : i32
    %dma_start3A_25 = tpu.memref_slice %arg2[%dma_start3A_23, %dma_start3A_24] : memref<5120x128xf32, #tpu.memory_space<hbm>> -> memref<5120x128xf32, #tpu.memory_space<hbm>>
    tpu.enqueue_indirect_dma source(%dma_start3A_25 : memref<5120x128xf32, #tpu.memory_space<hbm>>) target(%arg16 : memref<80x128xf32, #tpu.memory_space<vmem>>) offsets(%arg8 : memref<80xi32, #tpu.memory_space<vmem>>) semaphore(%arg24 : memref<!tpu.dma_semaphore, #tpu.memory_space<semaphore_mem>>)
    %add3A_26 = arith.constant 160 : i32
    %add3A_27 = arith.addi %mul3A_4, %add3A_26 : i32
    %dma_start3A_28 = tpu.memref_slice %arg3[%add3A_27] : memref<327680xi32, #tpu.memory_space<hbm>> -> memref<80xi32, #tpu.memory_space<hbm>>
    %dma_start3A_29 = tpu.memref_slice %arg3[%add3A_27] : memref<327680xi32, #tpu.memory_space<hbm>> -> memref<80xi32, #tpu.memory_space<hbm>>
    tpu.enqueue_dma source(%dma_start3A_29 : memref<80xi32, #tpu.memory_space<hbm>>) target(%arg10 : memref<80xi32, #tpu.memory_space<vmem>>) target_semaphore(%arg22 : memref<!tpu.dma_semaphore, #tpu.memory_space<semaphore_mem>>)
    %dma_start3A_30 = tpu.memref_slice %arg4[%add3A_27] : memref<327680xi32, #tpu.memory_space<hbm>> -> memref<80xi32, #tpu.memory_space<hbm>>
    %dma_start3A_31 = tpu.memref_slice %arg4[%add3A_27] : memref<327680xi32, #tpu.memory_space<hbm>> -> memref<80xi32, #tpu.memory_space<hbm>>
    tpu.enqueue_dma source(%dma_start3A_31 : memref<80xi32, #tpu.memory_space<hbm>>) target(%arg14 : memref<80xi32, #tpu.memory_space<vmem>>) target_semaphore(%arg22 : memref<!tpu.dma_semaphore, #tpu.memory_space<semaphore_mem>>)
    %dma_wait3A_32 = arith.constant 0 : i32
    %dma_wait3A_33 = tpu.memref_slice %arg3[%dma_wait3A_32] : memref<327680xi32, #tpu.memory_space<hbm>> -> memref<80xi32, #tpu.memory_space<hbm>>
    %dma_wait3A_34 = arith.constant 0 : i32
    %dma_wait3A_35 = tpu.memref_slice %arg3[%dma_wait3A_34] : memref<327680xi32, #tpu.memory_space<hbm>> -> memref<80xi32, #tpu.memory_space<hbm>>
    tpu.wait_dma2 semaphore(%arg21 : memref<!tpu.dma_semaphore, #tpu.memory_space<semaphore_mem>>) src(%dma_wait3A_35 : memref<80xi32, #tpu.memory_space<hbm>>) dst(%arg9 : memref<80xi32, #tpu.memory_space<vmem>>)
    %dma_wait3A_36 = arith.constant 0 : i32
    %dma_wait3A_37 = tpu.memref_slice %arg4[%dma_wait3A_36] : memref<327680xi32, #tpu.memory_space<hbm>> -> memref<80xi32, #tpu.memory_space<hbm>>
    %dma_wait3A_38 = arith.constant 0 : i32
    %dma_wait3A_39 = tpu.memref_slice %arg4[%dma_wait3A_38] : memref<327680xi32, #tpu.memory_space<hbm>> -> memref<80xi32, #tpu.memory_space<hbm>>
    tpu.wait_dma2 semaphore(%arg21 : memref<!tpu.dma_semaphore, #tpu.memory_space<semaphore_mem>>) src(%dma_wait3A_39 : memref<80xi32, #tpu.memory_space<hbm>>) dst(%arg13 : memref<80xi32, #tpu.memory_space<vmem>>)
    %dma_start3A_40 = arith.constant 0 : i32
    %dma_start3A_41 = arith.constant 0 : i32
    %dma_start3A_42 = tpu.memref_slice %arg2[%dma_start3A_40, %dma_start3A_41] : memref<5120x128xf32, #tpu.memory_space<hbm>> -> memref<5120x128xf32, #tpu.memory_space<hbm>>
    tpu.enqueue_indirect_dma source(%dma_start3A_42 : memref<5120x128xf32, #tpu.memory_space<hbm>>) target(%arg17 : memref<80x128xf32, #tpu.memory_space<vmem>>) offsets(%arg9 : memref<80xi32, #tpu.memory_space<vmem>>) semaphore(%arg25 : memref<!tpu.dma_semaphore, #tpu.memory_space<semaphore_mem>>)
    %dma_wait3A_43 = arith.constant 0 : i32
    %dma_wait3A_44 = arith.constant 0 : i32
    %dma_wait3A_45 = tpu.memref_slice %arg2[%dma_wait3A_43, %dma_wait3A_44] : memref<5120x128xf32, #tpu.memory_space<hbm>> -> memref<5120x128xf32, #tpu.memory_space<hbm>>
    tpu.wait_indirect_dma semaphore(%arg24 : memref<!tpu.dma_semaphore, #tpu.memory_space<semaphore_mem>>) src(%dma_wait3A_45 : memref<5120x128xf32, #tpu.memory_space<hbm>>) dst(%arg16 : memref<80x128xf32, #tpu.memory_space<vmem>>)
    %dma_start3A_46 = arith.constant 0 : i32
    %dma_start3A_47 = arith.constant 0 : i32
    %dma_start3A_48 = tpu.memref_slice %arg7[%dma_start3A_46, %dma_start3A_47] : memref<10240x128xf32, #tpu.memory_space<vmem_shared>> -> memref<10240x128xf32, #tpu.memory_space<vmem_shared>>
    tpu.enqueue_indirect_dma source(%arg16 : memref<80x128xf32, #tpu.memory_space<vmem>>) target(%dma_start3A_48 : memref<10240x128xf32, #tpu.memory_space<vmem_shared>>) offsets(%arg12 : memref<80xi32, #tpu.memory_space<vmem>>) semaphore(%arg28 : memref<!tpu.dma_semaphore, #tpu.memory_space<semaphore_mem>>) {add = true}
    %add3A_49 = arith.constant 240 : i32
    %add3A_50 = arith.addi %mul3A_4, %add3A_49 : i32
    %dma_start3A_51 = tpu.memref_slice %arg3[%add3A_50] : memref<327680xi32, #tpu.memory_space<hbm>> -> memref<80xi32, #tpu.memory_space<hbm>>
    %dma_start3A_52 = tpu.memref_slice %arg3[%add3A_50] : memref<327680xi32, #tpu.memory_space<hbm>> -> memref<80xi32, #tpu.memory_space<hbm>>
    tpu.enqueue_dma source(%dma_start3A_52 : memref<80xi32, #tpu.memory_space<hbm>>) target(%arg11 : memref<80xi32, #tpu.memory_space<vmem>>) target_semaphore(%arg23 : memref<!tpu.dma_semaphore, #tpu.memory_space<semaphore_mem>>)
    %dma_start3A_53 = tpu.memref_slice %arg4[%add3A_50] : memref<327680xi32, #tpu.memory_space<hbm>> -> memref<80xi32, #tpu.memory_space<hbm>>
    %dma_start3A_54 = tpu.memref_slice %arg4[%add3A_50] : memref<327680xi32, #tpu.memory_space<hbm>> -> memref<80xi32, #tpu.memory_space<hbm>>
    tpu.enqueue_dma source(%dma_start3A_54 : memref<80xi32, #tpu.memory_space<hbm>>) target(%arg15 : memref<80xi32, #tpu.memory_space<vmem>>) target_semaphore(%arg23 : memref<!tpu.dma_semaphore, #tpu.memory_space<semaphore_mem>>)
    %dma_wait3A_55 = arith.constant 0 : i32
    %dma_wait3A_56 = tpu.memref_slice %arg3[%dma_wait3A_55] : memref<327680xi32, #tpu.memory_space<hbm>> -> memref<80xi32, #tpu.memory_space<hbm>>
    %dma_wait3A_57 = arith.constant 0 : i32
    %dma_wait3A_58 = tpu.memref_slice %arg3[%dma_wait3A_57] : memref<327680xi32, #tpu.memory_space<hbm>> -> memref<80xi32, #tpu.memory_space<hbm>>
    tpu.wait_dma2 semaphore(%arg22 : memref<!tpu.dma_semaphore, #tpu.memory_space<semaphore_mem>>) src(%dma_wait3A_58 : memref<80xi32, #tpu.memory_space<hbm>>) dst(%arg10 : memref<80xi32, #tpu.memory_space<vmem>>)
    %dma_wait3A_59 = arith.constant 0 : i32
    %dma_wait3A_60 = tpu.memref_slice %arg4[%dma_wait3A_59] : memref<327680xi32, #tpu.memory_space<hbm>> -> memref<80xi32, #tpu.memory_space<hbm>>
    %dma_wait3A_61 = arith.constant 0 : i32
    %dma_wait3A_62 = tpu.memref_slice %arg4[%dma_wait3A_61] : memref<327680xi32, #tpu.memory_space<hbm>> -> memref<80xi32, #tpu.memory_space<hbm>>
    tpu.wait_dma2 semaphore(%arg22 : memref<!tpu.dma_semaphore, #tpu.memory_space<semaphore_mem>>) src(%dma_wait3A_62 : memref<80xi32, #tpu.memory_space<hbm>>) dst(%arg14 : memref<80xi32, #tpu.memory_space<vmem>>)
    %dma_start3A_63 = arith.constant 0 : i32
    %dma_start3A_64 = arith.constant 0 : i32
    %dma_start3A_65 = tpu.memref_slice %arg2[%dma_start3A_63, %dma_start3A_64] : memref<5120x128xf32, #tpu.memory_space<hbm>> -> memref<5120x128xf32, #tpu.memory_space<hbm>>
    tpu.enqueue_indirect_dma source(%dma_start3A_65 : memref<5120x128xf32, #tpu.memory_space<hbm>>) target(%arg18 : memref<80x128xf32, #tpu.memory_space<vmem>>) offsets(%arg10 : memref<80xi32, #tpu.memory_space<vmem>>) semaphore(%arg26 : memref<!tpu.dma_semaphore, #tpu.memory_space<semaphore_mem>>)
    %dma_wait3A_66 = arith.constant 0 : i32
    %dma_wait3A_67 = arith.constant 0 : i32
    %dma_wait3A_68 = tpu.memref_slice %arg2[%dma_wait3A_66, %dma_wait3A_67] : memref<5120x128xf32, #tpu.memory_space<hbm>> -> memref<5120x128xf32, #tpu.memory_space<hbm>>
    tpu.wait_indirect_dma semaphore(%arg25 : memref<!tpu.dma_semaphore, #tpu.memory_space<semaphore_mem>>) src(%dma_wait3A_68 : memref<5120x128xf32, #tpu.memory_space<hbm>>) dst(%arg17 : memref<80x128xf32, #tpu.memory_space<vmem>>)
    %dma_start3A_69 = arith.constant 0 : i32
    %dma_start3A_70 = arith.constant 0 : i32
    %dma_start3A_71 = tpu.memref_slice %arg7[%dma_start3A_69, %dma_start3A_70] : memref<10240x128xf32, #tpu.memory_space<vmem_shared>> -> memref<10240x128xf32, #tpu.memory_space<vmem_shared>>
    tpu.enqueue_indirect_dma source(%arg17 : memref<80x128xf32, #tpu.memory_space<vmem>>) target(%dma_start3A_71 : memref<10240x128xf32, #tpu.memory_space<vmem_shared>>) offsets(%arg13 : memref<80xi32, #tpu.memory_space<vmem>>) semaphore(%arg29 : memref<!tpu.dma_semaphore, #tpu.memory_space<semaphore_mem>>) {add = true}
    %scan3A = arith.constant 0 : i32
    %scan3A_72 = arith.constant 1 : i32
    %scan3A_73 = arith.constant 31 : i32
    %scan3A_74 = arith.addi %scan3A_72, %scan3A_73 : i32
    %scan3A_75 = arith.constant 1 : i32
    scf.for %scan3A_113 = %scan3A_72 to %scan3A_74 step %scan3A_75  : i32 {
      %mul3A_114 = arith.constant 4 : i32
      %mul3A_115 = arith.muli %scan3A_113, %mul3A_114 : i32
      %add3A_116 = arith.constant 0 : i32
      %add3A_117 = arith.addi %mul3A_115, %add3A_116 : i32
      %dma_wait3A_118 = arith.constant 0 : i32
      %dma_wait3A_119 = arith.constant 0 : i32
      %dma_wait3A_120 = tpu.memref_slice %arg7[%dma_wait3A_118, %dma_wait3A_119] : memref<10240x128xf32, #tpu.memory_space<vmem_shared>> -> memref<10240x128xf32, #tpu.memory_space<vmem_shared>>
      tpu.wait_indirect_dma semaphore(%arg28 : memref<!tpu.dma_semaphore, #tpu.memory_space<semaphore_mem>>) src(%arg16 : memref<80x128xf32, #tpu.memory_space<vmem>>) dst(%dma_wait3A_120 : memref<10240x128xf32, #tpu.memory_space<vmem_shared>>)
      %mul3A_121 = arith.constant 80 : i32
      %mul3A_122 = arith.muli %add3A_117, %mul3A_121 : i32
      %add3A_123 = arith.addi %mul3A_4, %mul3A_122 : i32
      %dma_start3A_124 = tpu.memref_slice %arg3[%add3A_123] : memref<327680xi32, #tpu.memory_space<hbm>> -> memref<80xi32, #tpu.memory_space<hbm>>
      %dma_start3A_125 = tpu.memref_slice %arg3[%add3A_123] : memref<327680xi32, #tpu.memory_space<hbm>> -> memref<80xi32, #tpu.memory_space<hbm>>
      tpu.enqueue_dma source(%dma_start3A_125 : memref<80xi32, #tpu.memory_space<hbm>>) target(%arg8 : memref<80xi32, #tpu.memory_space<vmem>>) target_semaphore(%arg20 : memref<!tpu.dma_semaphore, #tpu.memory_space<semaphore_mem>>)
      %dma_start3A_126 = tpu.memref_slice %arg4[%add3A_123] : memref<327680xi32, #tpu.memory_space<hbm>> -> memref<80xi32, #tpu.memory_space<hbm>>
      %dma_start3A_127 = tpu.memref_slice %arg4[%add3A_123] : memref<327680xi32, #tpu.memory_space<hbm>> -> memref<80xi32, #tpu.memory_space<hbm>>
      tpu.enqueue_dma source(%dma_start3A_127 : memref<80xi32, #tpu.memory_space<hbm>>) target(%arg12 : memref<80xi32, #tpu.memory_space<vmem>>) target_semaphore(%arg20 : memref<!tpu.dma_semaphore, #tpu.memory_space<semaphore_mem>>)
      %dma_wait3A_128 = arith.constant 0 : i32
      %dma_wait3A_129 = tpu.memref_slice %arg3[%dma_wait3A_128] : memref<327680xi32, #tpu.memory_space<hbm>> -> memref<80xi32, #tpu.memory_space<hbm>>
      %dma_wait3A_130 = arith.constant 0 : i32
      %dma_wait3A_131 = tpu.memref_slice %arg3[%dma_wait3A_130] : memref<327680xi32, #tpu.memory_space<hbm>> -> memref<80xi32, #tpu.memory_space<hbm>>
      tpu.wait_dma2 semaphore(%arg23 : memref<!tpu.dma_semaphore, #tpu.memory_space<semaphore_mem>>) src(%dma_wait3A_131 : memref<80xi32, #tpu.memory_space<hbm>>) dst(%arg11 : memref<80xi32, #tpu.memory_space<vmem>>)
      %dma_wait3A_132 = arith.constant 0 : i32
      %dma_wait3A_133 = tpu.memref_slice %arg4[%dma_wait3A_132] : memref<327680xi32, #tpu.memory_space<hbm>> -> memref<80xi32, #tpu.memory_space<hbm>>
      %dma_wait3A_134 = arith.constant 0 : i32
      %dma_wait3A_135 = tpu.memref_slice %arg4[%dma_wait3A_134] : memref<327680xi32, #tpu.memory_space<hbm>> -> memref<80xi32, #tpu.memory_space<hbm>>
      tpu.wait_dma2 semaphore(%arg23 : memref<!tpu.dma_semaphore, #tpu.memory_space<semaphore_mem>>) src(%dma_wait3A_135 : memref<80xi32, #tpu.memory_space<hbm>>) dst(%arg15 : memref<80xi32, #tpu.memory_space<vmem>>)
      %dma_start3A_136 = arith.constant 0 : i32
      %dma_start3A_137 = arith.constant 0 : i32
      %dma_start3A_138 = tpu.memref_slice %arg2[%dma_start3A_136, %dma_start3A_137] : memref<5120x128xf32, #tpu.memory_space<hbm>> -> memref<5120x128xf32, #tpu.memory_space<hbm>>
      tpu.enqueue_indirect_dma source(%dma_start3A_138 : memref<5120x128xf32, #tpu.memory_space<hbm>>) target(%arg19 : memref<80x128xf32, #tpu.memory_space<vmem>>) offsets(%arg11 : memref<80xi32, #tpu.memory_space<vmem>>) semaphore(%arg27 : memref<!tpu.dma_semaphore, #tpu.memory_space<semaphore_mem>>)
      %dma_wait3A_139 = arith.constant 0 : i32
      %dma_wait3A_140 = arith.constant 0 : i32
      %dma_wait3A_141 = tpu.memref_slice %arg2[%dma_wait3A_139, %dma_wait3A_140] : memref<5120x128xf32, #tpu.memory_space<hbm>> -> memref<5120x128xf32, #tpu.memory_space<hbm>>
      tpu.wait_indirect_dma semaphore(%arg26 : memref<!tpu.dma_semaphore, #tpu.memory_space<semaphore_mem>>) src(%dma_wait3A_141 : memref<5120x128xf32, #tpu.memory_space<hbm>>) dst(%arg18 : memref<80x128xf32, #tpu.memory_space<vmem>>)
      %dma_start3A_142 = arith.constant 0 : i32
      %dma_start3A_143 = arith.constant 0 : i32
      %dma_start3A_144 = tpu.memref_slice %arg7[%dma_start3A_142, %dma_start3A_143] : memref<10240x128xf32, #tpu.memory_space<vmem_shared>> -> memref<10240x128xf32, #tpu.memory_space<vmem_shared>>
      tpu.enqueue_indirect_dma source(%arg18 : memref<80x128xf32, #tpu.memory_space<vmem>>) target(%dma_start3A_144 : memref<10240x128xf32, #tpu.memory_space<vmem_shared>>) offsets(%arg14 : memref<80xi32, #tpu.memory_space<vmem>>) semaphore(%arg30 : memref<!tpu.dma_semaphore, #tpu.memory_space<semaphore_mem>>) {add = true}
      %mul3A_145 = arith.constant 4 : i32
      %mul3A_146 = arith.muli %scan3A_113, %mul3A_145 : i32
      %add3A_147 = arith.constant 1 : i32
      %add3A_148 = arith.addi %mul3A_146, %add3A_147 : i32
      %dma_wait3A_149 = arith.constant 0 : i32
      %dma_wait3A_150 = arith.constant 0 : i32
      %dma_wait3A_151 = tpu.memref_slice %arg7[%dma_wait3A_149, %dma_wait3A_150] : memref<10240x128xf32, #tpu.memory_space<vmem_shared>> -> memref<10240x128xf32, #tpu.memory_space<vmem_shared>>
      tpu.wait_indirect_dma semaphore(%arg29 : memref<!tpu.dma_semaphore, #tpu.memory_space<semaphore_mem>>) src(%arg17 : memref<80x128xf32, #tpu.memory_space<vmem>>) dst(%dma_wait3A_151 : memref<10240x128xf32, #tpu.memory_space<vmem_shared>>)
      %mul3A_152 = arith.constant 80 : i32
      %mul3A_153 = arith.muli %add3A_148, %mul3A_152 : i32
      %add3A_154 = arith.addi %mul3A_4, %mul3A_153 : i32
      %dma_start3A_155 = tpu.memref_slice %arg3[%add3A_154] : memref<327680xi32, #tpu.memory_space<hbm>> -> memref<80xi32, #tpu.memory_space<hbm>>
      %dma_start3A_156 = tpu.memref_slice %arg3[%add3A_154] : memref<327680xi32, #tpu.memory_space<hbm>> -> memref<80xi32, #tpu.memory_space<hbm>>
      tpu.enqueue_dma source(%dma_start3A_156 : memref<80xi32, #tpu.memory_space<hbm>>) target(%arg9 : memref<80xi32, #tpu.memory_space<vmem>>) target_semaphore(%arg21 : memref<!tpu.dma_semaphore, #tpu.memory_space<semaphore_mem>>)
      %dma_start3A_157 = tpu.memref_slice %arg4[%add3A_154] : memref<327680xi32, #tpu.memory_space<hbm>> -> memref<80xi32, #tpu.memory_space<hbm>>
      %dma_start3A_158 = tpu.memref_slice %arg4[%add3A_154] : memref<327680xi32, #tpu.memory_space<hbm>> -> memref<80xi32, #tpu.memory_space<hbm>>
      tpu.enqueue_dma source(%dma_start3A_158 : memref<80xi32, #tpu.memory_space<hbm>>) target(%arg13 : memref<80xi32, #tpu.memory_space<vmem>>) target_semaphore(%arg21 : memref<!tpu.dma_semaphore, #tpu.memory_space<semaphore_mem>>)
      %dma_wait3A_159 = arith.constant 0 : i32
      %dma_wait3A_160 = tpu.memref_slice %arg3[%dma_wait3A_159] : memref<327680xi32, #tpu.memory_space<hbm>> -> memref<80xi32, #tpu.memory_space<hbm>>
      %dma_wait3A_161 = arith.constant 0 : i32
      %dma_wait3A_162 = tpu.memref_slice %arg3[%dma_wait3A_161] : memref<327680xi32, #tpu.memory_space<hbm>> -> memref<80xi32, #tpu.memory_space<hbm>>
      tpu.wait_dma2 semaphore(%arg20 : memref<!tpu.dma_semaphore, #tpu.memory_space<semaphore_mem>>) src(%dma_wait3A_162 : memref<80xi32, #tpu.memory_space<hbm>>) dst(%arg8 : memref<80xi32, #tpu.memory_space<vmem>>)
      %dma_wait3A_163 = arith.constant 0 : i32
      %dma_wait3A_164 = tpu.memref_slice %arg4[%dma_wait3A_163] : memref<327680xi32, #tpu.memory_space<hbm>> -> memref<80xi32, #tpu.memory_space<hbm>>
      %dma_wait3A_165 = arith.constant 0 : i32
      %dma_wait3A_166 = tpu.memref_slice %arg4[%dma_wait3A_165] : memref<327680xi32, #tpu.memory_space<hbm>> -> memref<80xi32, #tpu.memory_space<hbm>>
      tpu.wait_dma2 semaphore(%arg20 : memref<!tpu.dma_semaphore, #tpu.memory_space<semaphore_mem>>) src(%dma_wait3A_166 : memref<80xi32, #tpu.memory_space<hbm>>) dst(%arg12 : memref<80xi32, #tpu.memory_space<vmem>>)
      %dma_start3A_167 = arith.constant 0 : i32
      %dma_start3A_168 = arith.constant 0 : i32
      %dma_start3A_169 = tpu.memref_slice %arg2[%dma_start3A_167, %dma_start3A_168] : memref<5120x128xf32, #tpu.memory_space<hbm>> -> memref<5120x128xf32, #tpu.memory_space<hbm>>
      tpu.enqueue_indirect_dma source(%dma_start3A_169 : memref<5120x128xf32, #tpu.memory_space<hbm>>) target(%arg16 : memref<80x128xf32, #tpu.memory_space<vmem>>) offsets(%arg8 : memref<80xi32, #tpu.memory_space<vmem>>) semaphore(%arg24 : memref<!tpu.dma_semaphore, #tpu.memory_space<semaphore_mem>>)
      %dma_wait3A_170 = arith.constant 0 : i32
      %dma_wait3A_171 = arith.constant 0 : i32
      %dma_wait3A_172 = tpu.memref_slice %arg2[%dma_wait3A_170, %dma_wait3A_171] : memref<5120x128xf32, #tpu.memory_space<hbm>> -> memref<5120x128xf32, #tpu.memory_space<hbm>>
      tpu.wait_indirect_dma semaphore(%arg27 : memref<!tpu.dma_semaphore, #tpu.memory_space<semaphore_mem>>) src(%dma_wait3A_172 : memref<5120x128xf32, #tpu.memory_space<hbm>>) dst(%arg19 : memref<80x128xf32, #tpu.memory_space<vmem>>)
      %dma_start3A_173 = arith.constant 0 : i32
      %dma_start3A_174 = arith.constant 0 : i32
      %dma_start3A_175 = tpu.memref_slice %arg7[%dma_start3A_173, %dma_start3A_174] : memref<10240x128xf32, #tpu.memory_space<vmem_shared>> -> memref<10240x128xf32, #tpu.memory_space<vmem_shared>>
      tpu.enqueue_indirect_dma source(%arg19 : memref<80x128xf32, #tpu.memory_space<vmem>>) target(%dma_start3A_175 : memref<10240x128xf32, #tpu.memory_space<vmem_shared>>) offsets(%arg15 : memref<80xi32, #tpu.memory_space<vmem>>) semaphore(%arg31 : memref<!tpu.dma_semaphore, #tpu.memory_space<semaphore_mem>>) {add = true}
      %mul3A_176 = arith.constant 4 : i32
      %mul3A_177 = arith.muli %scan3A_113, %mul3A_176 : i32
      %add3A_178 = arith.constant 2 : i32
      %add3A_179 = arith.addi %mul3A_177, %add3A_178 : i32
      %dma_wait3A_180 = arith.constant 0 : i32
      %dma_wait3A_181 = arith.constant 0 : i32
      %dma_wait3A_182 = tpu.memref_slice %arg7[%dma_wait3A_180, %dma_wait3A_181] : memref<10240x128xf32, #tpu.memory_space<vmem_shared>> -> memref<10240x128xf32, #tpu.memory_space<vmem_shared>>
      tpu.wait_indirect_dma semaphore(%arg30 : memref<!tpu.dma_semaphore, #tpu.memory_space<semaphore_mem>>) src(%arg18 : memref<80x128xf32, #tpu.memory_space<vmem>>) dst(%dma_wait3A_182 : memref<10240x128xf32, #tpu.memory_space<vmem_shared>>)
      %mul3A_183 = arith.constant 80 : i32
      %mul3A_184 = arith.muli %add3A_179, %mul3A_183 : i32
      %add3A_185 = arith.addi %mul3A_4, %mul3A_184 : i32
      %dma_start3A_186 = tpu.memref_slice %arg3[%add3A_185] : memref<327680xi32, #tpu.memory_space<hbm>> -> memref<80xi32, #tpu.memory_space<hbm>>
      %dma_start3A_187 = tpu.memref_slice %arg3[%add3A_185] : memref<327680xi32, #tpu.memory_space<hbm>> -> memref<80xi32, #tpu.memory_space<hbm>>
      tpu.enqueue_dma source(%dma_start3A_187 : memref<80xi32, #tpu.memory_space<hbm>>) target(%arg10 : memref<80xi32, #tpu.memory_space<vmem>>) target_semaphore(%arg22 : memref<!tpu.dma_semaphore, #tpu.memory_space<semaphore_mem>>)
      %dma_start3A_188 = tpu.memref_slice %arg4[%add3A_185] : memref<327680xi32, #tpu.memory_space<hbm>> -> memref<80xi32, #tpu.memory_space<hbm>>
      %dma_start3A_189 = tpu.memref_slice %arg4[%add3A_185] : memref<327680xi32, #tpu.memory_space<hbm>> -> memref<80xi32, #tpu.memory_space<hbm>>
      tpu.enqueue_dma source(%dma_start3A_189 : memref<80xi32, #tpu.memory_space<hbm>>) target(%arg14 : memref<80xi32, #tpu.memory_space<vmem>>) target_semaphore(%arg22 : memref<!tpu.dma_semaphore, #tpu.memory_space<semaphore_mem>>)
      %dma_wait3A_190 = arith.constant 0 : i32
      %dma_wait3A_191 = tpu.memref_slice %arg3[%dma_wait3A_190] : memref<327680xi32, #tpu.memory_space<hbm>> -> memref<80xi32, #tpu.memory_space<hbm>>
      %dma_wait3A_192 = arith.constant 0 : i32
      %dma_wait3A_193 = tpu.memref_slice %arg3[%dma_wait3A_192] : memref<327680xi32, #tpu.memory_space<hbm>> -> memref<80xi32, #tpu.memory_space<hbm>>
      tpu.wait_dma2 semaphore(%arg21 : memref<!tpu.dma_semaphore, #tpu.memory_space<semaphore_mem>>) src(%dma_wait3A_193 : memref<80xi32, #tpu.memory_space<hbm>>) dst(%arg9 : memref<80xi32, #tpu.memory_space<vmem>>)
      %dma_wait3A_194 = arith.constant 0 : i32
      %dma_wait3A_195 = tpu.memref_slice %arg4[%dma_wait3A_194] : memref<327680xi32, #tpu.memory_space<hbm>> -> memref<80xi32, #tpu.memory_space<hbm>>
      %dma_wait3A_196 = arith.constant 0 : i32
      %dma_wait3A_197 = tpu.memref_slice %arg4[%dma_wait3A_196] : memref<327680xi32, #tpu.memory_space<hbm>> -> memref<80xi32, #tpu.memory_space<hbm>>
      tpu.wait_dma2 semaphore(%arg21 : memref<!tpu.dma_semaphore, #tpu.memory_space<semaphore_mem>>) src(%dma_wait3A_197 : memref<80xi32, #tpu.memory_space<hbm>>) dst(%arg13 : memref<80xi32, #tpu.memory_space<vmem>>)
      %dma_start3A_198 = arith.constant 0 : i32
      %dma_start3A_199 = arith.constant 0 : i32
      %dma_start3A_200 = tpu.memref_slice %arg2[%dma_start3A_198, %dma_start3A_199] : memref<5120x128xf32, #tpu.memory_space<hbm>> -> memref<5120x128xf32, #tpu.memory_space<hbm>>
      tpu.enqueue_indirect_dma source(%dma_start3A_200 : memref<5120x128xf32, #tpu.memory_space<hbm>>) target(%arg17 : memref<80x128xf32, #tpu.memory_space<vmem>>) offsets(%arg9 : memref<80xi32, #tpu.memory_space<vmem>>) semaphore(%arg25 : memref<!tpu.dma_semaphore, #tpu.memory_space<semaphore_mem>>)
      %dma_wait3A_201 = arith.constant 0 : i32
      %dma_wait3A_202 = arith.constant 0 : i32
      %dma_wait3A_203 = tpu.memref_slice %arg2[%dma_wait3A_201, %dma_wait3A_202] : memref<5120x128xf32, #tpu.memory_space<hbm>> -> memref<5120x128xf32, #tpu.memory_space<hbm>>
      tpu.wait_indirect_dma semaphore(%arg24 : memref<!tpu.dma_semaphore, #tpu.memory_space<semaphore_mem>>) src(%dma_wait3A_203 : memref<5120x128xf32, #tpu.memory_space<hbm>>) dst(%arg16 : memref<80x128xf32, #tpu.memory_space<vmem>>)
      %dma_start3A_204 = arith.constant 0 : i32
      %dma_start3A_205 = arith.constant 0 : i32
      %dma_start3A_206 = tpu.memref_slice %arg7[%dma_start3A_204, %dma_start3A_205] : memref<10240x128xf32, #tpu.memory_space<vmem_shared>> -> memref<10240x128xf32, #tpu.memory_space<vmem_shared>>
      tpu.enqueue_indirect_dma source(%arg16 : memref<80x128xf32, #tpu.memory_space<vmem>>) target(%dma_start3A_206 : memref<10240x128xf32, #tpu.memory_space<vmem_shared>>) offsets(%arg12 : memref<80xi32, #tpu.memory_space<vmem>>) semaphore(%arg28 : memref<!tpu.dma_semaphore, #tpu.memory_space<semaphore_mem>>) {add = true}
      %mul3A_207 = arith.constant 4 : i32
      %mul3A_208 = arith.muli %scan3A_113, %mul3A_207 : i32
      %add3A_209 = arith.constant 3 : i32
      %add3A_210 = arith.addi %mul3A_208, %add3A_209 : i32
      %dma_wait3A_211 = arith.constant 0 : i32
      %dma_wait3A_212 = arith.constant 0 : i32
      %dma_wait3A_213 = tpu.memref_slice %arg7[%dma_wait3A_211, %dma_wait3A_212] : memref<10240x128xf32, #tpu.memory_space<vmem_shared>> -> memref<10240x128xf32, #tpu.memory_space<vmem_shared>>
      tpu.wait_indirect_dma semaphore(%arg31 : memref<!tpu.dma_semaphore, #tpu.memory_space<semaphore_mem>>) src(%arg19 : memref<80x128xf32, #tpu.memory_space<vmem>>) dst(%dma_wait3A_213 : memref<10240x128xf32, #tpu.memory_space<vmem_shared>>)
      %mul3A_214 = arith.constant 80 : i32
      %mul3A_215 = arith.muli %add3A_210, %mul3A_214 : i32
      %add3A_216 = arith.addi %mul3A_4, %mul3A_215 : i32
      %dma_start3A_217 = tpu.memref_slice %arg3[%add3A_216] : memref<327680xi32, #tpu.memory_space<hbm>> -> memref<80xi32, #tpu.memory_space<hbm>>
      %dma_start3A_218 = tpu.memref_slice %arg3[%add3A_216] : memref<327680xi32, #tpu.memory_space<hbm>> -> memref<80xi32, #tpu.memory_space<hbm>>
      tpu.enqueue_dma source(%dma_start3A_218 : memref<80xi32, #tpu.memory_space<hbm>>) target(%arg11 : memref<80xi32, #tpu.memory_space<vmem>>) target_semaphore(%arg23 : memref<!tpu.dma_semaphore, #tpu.memory_space<semaphore_mem>>)
      %dma_start3A_219 = tpu.memref_slice %arg4[%add3A_216] : memref<327680xi32, #tpu.memory_space<hbm>> -> memref<80xi32, #tpu.memory_space<hbm>>
      %dma_start3A_220 = tpu.memref_slice %arg4[%add3A_216] : memref<327680xi32, #tpu.memory_space<hbm>> -> memref<80xi32, #tpu.memory_space<hbm>>
      tpu.enqueue_dma source(%dma_start3A_220 : memref<80xi32, #tpu.memory_space<hbm>>) target(%arg15 : memref<80xi32, #tpu.memory_space<vmem>>) target_semaphore(%arg23 : memref<!tpu.dma_semaphore, #tpu.memory_space<semaphore_mem>>)
      %dma_wait3A_221 = arith.constant 0 : i32
      %dma_wait3A_222 = tpu.memref_slice %arg3[%dma_wait3A_221] : memref<327680xi32, #tpu.memory_space<hbm>> -> memref<80xi32, #tpu.memory_space<hbm>>
      %dma_wait3A_223 = arith.constant 0 : i32
      %dma_wait3A_224 = tpu.memref_slice %arg3[%dma_wait3A_223] : memref<327680xi32, #tpu.memory_space<hbm>> -> memref<80xi32, #tpu.memory_space<hbm>>
      tpu.wait_dma2 semaphore(%arg22 : memref<!tpu.dma_semaphore, #tpu.memory_space<semaphore_mem>>) src(%dma_wait3A_224 : memref<80xi32, #tpu.memory_space<hbm>>) dst(%arg10 : memref<80xi32, #tpu.memory_space<vmem>>)
      %dma_wait3A_225 = arith.constant 0 : i32
      %dma_wait3A_226 = tpu.memref_slice %arg4[%dma_wait3A_225] : memref<327680xi32, #tpu.memory_space<hbm>> -> memref<80xi32, #tpu.memory_space<hbm>>
      %dma_wait3A_227 = arith.constant 0 : i32
      %dma_wait3A_228 = tpu.memref_slice %arg4[%dma_wait3A_227] : memref<327680xi32, #tpu.memory_space<hbm>> -> memref<80xi32, #tpu.memory_space<hbm>>
      tpu.wait_dma2 semaphore(%arg22 : memref<!tpu.dma_semaphore, #tpu.memory_space<semaphore_mem>>) src(%dma_wait3A_228 : memref<80xi32, #tpu.memory_space<hbm>>) dst(%arg14 : memref<80xi32, #tpu.memory_space<vmem>>)
      %dma_start3A_229 = arith.constant 0 : i32
      %dma_start3A_230 = arith.constant 0 : i32
      %dma_start3A_231 = tpu.memref_slice %arg2[%dma_start3A_229, %dma_start3A_230] : memref<5120x128xf32, #tpu.memory_space<hbm>> -> memref<5120x128xf32, #tpu.memory_space<hbm>>
      tpu.enqueue_indirect_dma source(%dma_start3A_231 : memref<5120x128xf32, #tpu.memory_space<hbm>>) target(%arg18 : memref<80x128xf32, #tpu.memory_space<vmem>>) offsets(%arg10 : memref<80xi32, #tpu.memory_space<vmem>>) semaphore(%arg26 : memref<!tpu.dma_semaphore, #tpu.memory_space<semaphore_mem>>)
      %dma_wait3A_232 = arith.constant 0 : i32
      %dma_wait3A_233 = arith.constant 0 : i32
      %dma_wait3A_234 = tpu.memref_slice %arg2[%dma_wait3A_232, %dma_wait3A_233] : memref<5120x128xf32, #tpu.memory_space<hbm>> -> memref<5120x128xf32, #tpu.memory_space<hbm>>
      tpu.wait_indirect_dma semaphore(%arg25 : memref<!tpu.dma_semaphore, #tpu.memory_space<semaphore_mem>>) src(%dma_wait3A_234 : memref<5120x128xf32, #tpu.memory_space<hbm>>) dst(%arg17 : memref<80x128xf32, #tpu.memory_space<vmem>>)
      %dma_start3A_235 = arith.constant 0 : i32
      %dma_start3A_236 = arith.constant 0 : i32
      %dma_start3A_237 = tpu.memref_slice %arg7[%dma_start3A_235, %dma_start3A_236] : memref<10240x128xf32, #tpu.memory_space<vmem_shared>> -> memref<10240x128xf32, #tpu.memory_space<vmem_shared>>
      tpu.enqueue_indirect_dma source(%arg17 : memref<80x128xf32, #tpu.memory_space<vmem>>) target(%dma_start3A_237 : memref<10240x128xf32, #tpu.memory_space<vmem_shared>>) offsets(%arg13 : memref<80xi32, #tpu.memory_space<vmem>>) semaphore(%arg29 : memref<!tpu.dma_semaphore, #tpu.memory_space<semaphore_mem>>) {add = true}
    }
    %scan3A_76 = arith.constant 31 : i32
    %dma_wait3A_77 = arith.constant 0 : i32
    %dma_wait3A_78 = tpu.memref_slice %arg3[%dma_wait3A_77] : memref<327680xi32, #tpu.memory_space<hbm>> -> memref<80xi32, #tpu.memory_space<hbm>>
    %dma_wait3A_79 = arith.constant 0 : i32
    %dma_wait3A_80 = tpu.memref_slice %arg3[%dma_wait3A_79] : memref<327680xi32, #tpu.memory_space<hbm>> -> memref<80xi32, #tpu.memory_space<hbm>>
    tpu.wait_dma2 semaphore(%arg23 : memref<!tpu.dma_semaphore, #tpu.memory_space<semaphore_mem>>) src(%dma_wait3A_80 : memref<80xi32, #tpu.memory_space<hbm>>) dst(%arg11 : memref<80xi32, #tpu.memory_space<vmem>>)
    %dma_wait3A_81 = arith.constant 0 : i32
    %dma_wait3A_82 = tpu.memref_slice %arg4[%dma_wait3A_81] : memref<327680xi32, #tpu.memory_space<hbm>> -> memref<80xi32, #tpu.memory_space<hbm>>
    %dma_wait3A_83 = arith.constant 0 : i32
    %dma_wait3A_84 = tpu.memref_slice %arg4[%dma_wait3A_83] : memref<327680xi32, #tpu.memory_space<hbm>> -> memref<80xi32, #tpu.memory_space<hbm>>
    tpu.wait_dma2 semaphore(%arg23 : memref<!tpu.dma_semaphore, #tpu.memory_space<semaphore_mem>>) src(%dma_wait3A_84 : memref<80xi32, #tpu.memory_space<hbm>>) dst(%arg15 : memref<80xi32, #tpu.memory_space<vmem>>)
    %dma_start3A_85 = arith.constant 0 : i32
    %dma_start3A_86 = arith.constant 0 : i32
    %dma_start3A_87 = tpu.memref_slice %arg2[%dma_start3A_85, %dma_start3A_86] : memref<5120x128xf32, #tpu.memory_space<hbm>> -> memref<5120x128xf32, #tpu.memory_space<hbm>>
    tpu.enqueue_indirect_dma source(%dma_start3A_87 : memref<5120x128xf32, #tpu.memory_space<hbm>>) target(%arg19 : memref<80x128xf32, #tpu.memory_space<vmem>>) offsets(%arg11 : memref<80xi32, #tpu.memory_space<vmem>>) semaphore(%arg27 : memref<!tpu.dma_semaphore, #tpu.memory_space<semaphore_mem>>)
    %dma_wait3A_88 = arith.constant 0 : i32
    %dma_wait3A_89 = arith.constant 0 : i32
    %dma_wait3A_90 = tpu.memref_slice %arg2[%dma_wait3A_88, %dma_wait3A_89] : memref<5120x128xf32, #tpu.memory_space<hbm>> -> memref<5120x128xf32, #tpu.memory_space<hbm>>
    tpu.wait_indirect_dma semaphore(%arg26 : memref<!tpu.dma_semaphore, #tpu.memory_space<semaphore_mem>>) src(%dma_wait3A_90 : memref<5120x128xf32, #tpu.memory_space<hbm>>) dst(%arg18 : memref<80x128xf32, #tpu.memory_space<vmem>>)
    %dma_start3A_91 = arith.constant 0 : i32
    %dma_start3A_92 = arith.constant 0 : i32
    %dma_start3A_93 = tpu.memref_slice %arg7[%dma_start3A_91, %dma_start3A_92] : memref<10240x128xf32, #tpu.memory_space<vmem_shared>> -> memref<10240x128xf32, #tpu.memory_space<vmem_shared>>
    tpu.enqueue_indirect_dma source(%arg18 : memref<80x128xf32, #tpu.memory_space<vmem>>) target(%dma_start3A_93 : memref<10240x128xf32, #tpu.memory_space<vmem_shared>>) offsets(%arg14 : memref<80xi32, #tpu.memory_space<vmem>>) semaphore(%arg30 : memref<!tpu.dma_semaphore, #tpu.memory_space<semaphore_mem>>) {add = true}
    %dma_wait3A_94 = arith.constant 0 : i32
    %dma_wait3A_95 = arith.constant 0 : i32
    %dma_wait3A_96 = tpu.memref_slice %arg2[%dma_wait3A_94, %dma_wait3A_95] : memref<5120x128xf32, #tpu.memory_space<hbm>> -> memref<5120x128xf32, #tpu.memory_space<hbm>>
    tpu.wait_indirect_dma semaphore(%arg27 : memref<!tpu.dma_semaphore, #tpu.memory_space<semaphore_mem>>) src(%dma_wait3A_96 : memref<5120x128xf32, #tpu.memory_space<hbm>>) dst(%arg19 : memref<80x128xf32, #tpu.memory_space<vmem>>)
    %dma_start3A_97 = arith.constant 0 : i32
    %dma_start3A_98 = arith.constant 0 : i32
    %dma_start3A_99 = tpu.memref_slice %arg7[%dma_start3A_97, %dma_start3A_98] : memref<10240x128xf32, #tpu.memory_space<vmem_shared>> -> memref<10240x128xf32, #tpu.memory_space<vmem_shared>>
    tpu.enqueue_indirect_dma source(%arg19 : memref<80x128xf32, #tpu.memory_space<vmem>>) target(%dma_start3A_99 : memref<10240x128xf32, #tpu.memory_space<vmem_shared>>) offsets(%arg15 : memref<80xi32, #tpu.memory_space<vmem>>) semaphore(%arg31 : memref<!tpu.dma_semaphore, #tpu.memory_space<semaphore_mem>>) {add = true}
    %dma_wait3A_100 = arith.constant 0 : i32
    %dma_wait3A_101 = arith.constant 0 : i32
    %dma_wait3A_102 = tpu.memref_slice %arg7[%dma_wait3A_100, %dma_wait3A_101] : memref<10240x128xf32, #tpu.memory_space<vmem_shared>> -> memref<10240x128xf32, #tpu.memory_space<vmem_shared>>
    tpu.wait_indirect_dma semaphore(%arg28 : memref<!tpu.dma_semaphore, #tpu.memory_space<semaphore_mem>>) src(%arg16 : memref<80x128xf32, #tpu.memory_space<vmem>>) dst(%dma_wait3A_102 : memref<10240x128xf32, #tpu.memory_space<vmem_shared>>)
    %dma_wait3A_103 = arith.constant 0 : i32
    %dma_wait3A_104 = arith.constant 0 : i32
    %dma_wait3A_105 = tpu.memref_slice %arg7[%dma_wait3A_103, %dma_wait3A_104] : memref<10240x128xf32, #tpu.memory_space<vmem_shared>> -> memref<10240x128xf32, #tpu.memory_space<vmem_shared>>
    tpu.wait_indirect_dma semaphore(%arg29 : memref<!tpu.dma_semaphore, #tpu.memory_space<semaphore_mem>>) src(%arg17 : memref<80x128xf32, #tpu.memory_space<vmem>>) dst(%dma_wait3A_105 : memref<10240x128xf32, #tpu.memory_space<vmem_shared>>)
    %dma_wait3A_106 = arith.constant 0 : i32
    %dma_wait3A_107 = arith.constant 0 : i32
    %dma_wait3A_108 = tpu.memref_slice %arg7[%dma_wait3A_106, %dma_wait3A_107] : memref<10240x128xf32, #tpu.memory_space<vmem_shared>> -> memref<10240x128xf32, #tpu.memory_space<vmem_shared>>
    tpu.wait_indirect_dma semaphore(%arg30 : memref<!tpu.dma_semaphore, #tpu.memory_space<semaphore_mem>>) src(%arg18 : memref<80x128xf32, #tpu.memory_space<vmem>>) dst(%dma_wait3A_108 : memref<10240x128xf32, #tpu.memory_space<vmem_shared>>)
    %dma_wait3A_109 = arith.constant 0 : i32
    %dma_wait3A_110 = arith.constant 0 : i32
    %dma_wait3A_111 = tpu.memref_slice %arg7[%dma_wait3A_109, %dma_wait3A_110] : memref<10240x128xf32, #tpu.memory_space<vmem_shared>> -> memref<10240x128xf32, #tpu.memory_space<vmem_shared>>
    tpu.wait_indirect_dma semaphore(%arg31 : memref<!tpu.dma_semaphore, #tpu.memory_space<semaphore_mem>>) src(%arg19 : memref<80x128xf32, #tpu.memory_space<vmem>>) dst(%dma_wait3A_111 : memref<10240x128xf32, #tpu.memory_space<vmem_shared>>)
    %barrier3A_112 = arith.constant 0 : index
    tpu.barrier barrier_id(%barrier3A_112)
    "tpu.region"() ({
      %run_scoped3A = tpu.sem_alloc : memref<!tpu.dma_semaphore, #tpu.memory_space<semaphore_mem>>
      %dma_start3A_113 = arith.constant 0 : i32
      %dma_start3A_114 = tpu.memref_slice %arg6[%arg0, %mul3A_2, %dma_start3A_113] : memref<2x10240x128xf32, #tpu.memory_space<hbm>> -> memref<1x640x128xf32, #tpu.memory_space<hbm>>
      %dma_start3A_115 = tpu.memref_squeeze %dma_start3A_114 : memref<1x640x128xf32, #tpu.memory_space<hbm>> -> memref<640x128xf32, #tpu.memory_space<hbm>>
      %dma_start3A_116 = arith.constant 0 : i32
      %dma_start3A_117 = tpu.memref_slice %arg7[%mul3A_2, %dma_start3A_116] : memref<10240x128xf32, #tpu.memory_space<vmem_shared>> -> memref<640x128xf32, #tpu.memory_space<vmem_shared>>
      tpu.enqueue_dma source(%dma_start3A_117 : memref<640x128xf32, #tpu.memory_space<vmem_shared>>) target(%dma_start3A_115 : memref<640x128xf32, #tpu.memory_space<hbm>>) target_semaphore(%run_scoped3A : memref<!tpu.dma_semaphore, #tpu.memory_space<semaphore_mem>>)
      %dma_wait3A_118 = arith.constant 0 : i32
      %dma_wait3A_119 = tpu.memref_slice %arg6[%arg0, %mul3A_2, %dma_wait3A_118] : memref<2x10240x128xf32, #tpu.memory_space<hbm>> -> memref<1x640x128xf32, #tpu.memory_space<hbm>>
      %dma_wait3A_120 = tpu.memref_squeeze %dma_wait3A_119 : memref<1x640x128xf32, #tpu.memory_space<hbm>> -> memref<640x128xf32, #tpu.memory_space<hbm>>
      %dma_wait3A_121 = arith.constant 0 : i32
      %dma_wait3A_122 = tpu.memref_slice %arg7[%mul3A_2, %dma_wait3A_121] : memref<10240x128xf32, #tpu.memory_space<vmem_shared>> -> memref<640x128xf32, #tpu.memory_space<vmem_shared>>
      tpu.wait_dma2 semaphore(%run_scoped3A : memref<!tpu.dma_semaphore, #tpu.memory_space<semaphore_mem>>) src(%dma_wait3A_122 : memref<640x128xf32, #tpu.memory_space<vmem_shared>>) dst(%dma_wait3A_120 : memref<640x128xf32, #tpu.memory_space<hbm>>)
      tpu.yield
    }) : () -> ()
    return
  }
}

module attributes {stable_mosaic.version = 14 : i64} {
  func.func @_lin_silu_body(%arg0: i32, %arg1: memref<2048x128xf32, #tpu.memory_space<vmem>>, %arg2: memref<128x128xf32, #tpu.memory_space<vmem>>, %arg3: memref<1x128xf32, #tpu.memory_space<vmem>>, %arg4: memref<2048x128xf32, #tpu.memory_space<vmem>>) attributes {dimension_semantics = [#tpu.dimension_semantics<arbitrary>], iteration_bounds = array<i64: 5>, scalar_prefetch = 0 : i64, scratch_operands = 0 : i64, tpu.core_type = #tpu.core_type<tc>, window_params = [{transform_indices = @transform_0, window_bounds = array<i64: 2048, 128>}, {pipeline_mode = #tpu.pipeline_mode<synchronous>, transform_indices = @transform_1, window_bounds = array<i64: 128, 128>}, {pipeline_mode = #tpu.pipeline_mode<synchronous>, transform_indices = @transform_2, window_bounds = array<i64: 1, 128>}, {transform_indices = @transform_3, window_bounds = array<i64: 2048, 128>}]} {
    %get3A = arith.constant 0 : index
    %get3A_0 = arith.constant 0 : index
    %get3A_1 = vector.load %arg1[%get3A, %get3A_0] : memref<2048x128xf32, #tpu.memory_space<vmem>>, vector<2048x128xf32>
    %convert_element_type3A = arith.truncf %get3A_1 : vector<2048x128xf32> to vector<2048x128xbf16>
    %get3A_2 = arith.constant 0 : index
    %get3A_3 = arith.constant 0 : index
    %get3A_4 = vector.load %arg2[%get3A_2, %get3A_3] : memref<128x128xf32, #tpu.memory_space<vmem>>, vector<128x128xf32>
    %convert_element_type3A_5 = arith.truncf %get3A_4 : vector<128x128xf32> to vector<128x128xbf16>
    %dot_general3A = arith.constant dense<0.000000e+00> : vector<2048x128xf32>
    %dot_general3A_6 = tpu.matmul %convert_element_type3A, %convert_element_type3A_5, %dot_general3A {dimension_numbers = #tpu.dot_dimension_numbers<[1], [1], [0], [0], [0, 0, 1, 0], [], []>, transpose_lhs_hint = false} : vector<2048x128xbf16>, vector<128x128xbf16>, vector<2048x128xf32> -> vector<2048x128xf32>
    %get3A_7 = arith.constant 0 : index
    %get3A_8 = arith.constant 0 : index
    %get3A_9 = vector.load %arg3[%get3A_7, %get3A_8] : memref<1x128xf32, #tpu.memory_space<vmem>>, vector<1x128xf32>
    %add3A = vector.broadcast %get3A_9 : vector<1x128xf32> to vector<2048x128xf32>
    %add3A_10 = arith.addf %dot_general3A_6, %add3A : vector<2048x128xf32>
    %logistic3A = arith.negf %add3A_10 : vector<2048x128xf32>
    %logistic3A_11 = math.exp %logistic3A : vector<2048x128xf32>
    %logistic3A_12 = arith.constant 1.000000e+00 : f32
    %logistic3A_13 = vector.broadcast %logistic3A_12 : f32 to vector<2048x128xf32>
    %logistic3A_14 = arith.addf %logistic3A_13, %logistic3A_11 : vector<2048x128xf32>
    %logistic3A_15 = arith.divf %logistic3A_13, %logistic3A_14 : vector<2048x128xf32>
    %mul3A = arith.mulf %add3A_10, %logistic3A_15 : vector<2048x128xf32>
    %swap3A = arith.constant 0 : index
    %swap3A_16 = arith.constant 0 : index
    %swap3A_17 = vector.load %arg4[%swap3A, %swap3A_16] : memref<2048x128xf32, #tpu.memory_space<vmem>>, vector<2048x128xf32>
    tpu.vector_store %arg4[%swap3A, %swap3A_16], %mul3A {strides = array<i32>} : memref<2048x128xf32, #tpu.memory_space<vmem>>, vector<2048x128xf32>,
    return
  }
  func.func @transform_0(%arg0: i32) -> (i32, i32) {
    %c0_i32 = arith.constant 0 : i32
    %c0_i32_0 = arith.constant 0 : i32
    return %arg0, %c0_i32 : i32, i32
  }
  func.func @transform_1(%arg0: i32) -> (i32, i32) {
    %c0_i32 = arith.constant 0 : i32
    %c0_i32_0 = arith.constant 0 : i32
    %c0_i32_1 = arith.constant 0 : i32
    return %c0_i32, %c0_i32_0 : i32, i32
  }
  func.func @transform_2(%arg0: i32) -> (i32, i32) {
    %c0_i32 = arith.constant 0 : i32
    %c0_i32_0 = arith.constant 0 : i32
    %c0_i32_1 = arith.constant 0 : i32
    return %c0_i32, %c0_i32_0 : i32, i32
  }
  func.func @transform_3(%arg0: i32) -> (i32, i32) {
    %c0_i32 = arith.constant 0 : i32
    %c0_i32_0 = arith.constant 0 : i32
    return %arg0, %c0_i32 : i32, i32
  }
}

module attributes {stable_mosaic.version = 14 : i64} {
  func.func @_edge_combine_body(%arg0: i32, %arg1: memref<2x1024x128xf32, #tpu.memory_space<vmem>>, %arg2: memref<2x1024x128xf32, #tpu.memory_space<vmem>>, %arg3: memref<1024x128xf32, #tpu.memory_space<vmem>>) attributes {dimension_semantics = [#tpu.dimension_semantics<arbitrary>], iteration_bounds = array<i64: 5>, scalar_prefetch = 0 : i64, scratch_operands = 0 : i64, tpu.core_type = #tpu.core_type<tc>, window_params = [{transform_indices = @transform_0, window_bounds = array<i64: 2, 1024, 128>}, {transform_indices = @transform_1, window_bounds = array<i64: 2, 1024, 128>}, {transform_indices = @transform_2, window_bounds = array<i64: 1024, 128>}]} {
    %get3A = arith.constant 0 : index
    %get3A_0 = arith.constant 0 : index
    %get3A_1 = arith.constant 0 : index
    %get3A_2 = vector.load %arg1[%get3A, %get3A_0, %get3A_1] : memref<2x1024x128xf32, #tpu.memory_space<vmem>>, vector<1x1024x128xf32>
    %get3A_3 = vector.shape_cast %get3A_2 : vector<1x1024x128xf32> to vector<1024x128xf32>
    %get3A_4 = arith.constant 1 : index
    %get3A_5 = arith.constant 0 : index
    %get3A_6 = arith.constant 0 : index
    %get3A_7 = vector.load %arg1[%get3A_4, %get3A_5, %get3A_6] : memref<2x1024x128xf32, #tpu.memory_space<vmem>>, vector<1x1024x128xf32>
    %get3A_8 = vector.shape_cast %get3A_7 : vector<1x1024x128xf32> to vector<1024x128xf32>
    %add3A = arith.addf %get3A_3, %get3A_8 : vector<1024x128xf32>
    %get3A_9 = arith.constant 0 : index
    %get3A_10 = arith.constant 0 : index
    %get3A_11 = arith.constant 0 : index
    %get3A_12 = vector.load %arg2[%get3A_9, %get3A_10, %get3A_11] : memref<2x1024x128xf32, #tpu.memory_space<vmem>>, vector<1x1024x1xf32>
    %get3A_13 = vector.shape_cast %get3A_12 : vector<1x1024x1xf32> to vector<1024x1xf32>
    %get3A_14 = arith.constant 1 : index
    %get3A_15 = arith.constant 0 : index
    %get3A_16 = arith.constant 0 : index
    %get3A_17 = vector.load %arg2[%get3A_14, %get3A_15, %get3A_16] : memref<2x1024x128xf32, #tpu.memory_space<vmem>>, vector<1x1024x1xf32>
    %get3A_18 = vector.shape_cast %get3A_17 : vector<1x1024x1xf32> to vector<1024x1xf32>
    %add3A_19 = arith.addf %get3A_13, %get3A_18 : vector<1024x1xf32>
    %max3A = arith.constant 1.000000e+00 : f32
    %max3A_20 = vector.broadcast %max3A : f32 to vector<1024x1xf32>
    %max3A_21 = arith.maximumf %add3A_19, %max3A_20 : vector<1024x1xf32>
    %div3A = arith.constant 5.000000e-01 : f32
    %div3A_22 = vector.broadcast %div3A : f32 to vector<1024x1xf32>
    %div3A_23 = arith.divf %div3A_22, %max3A_21 : vector<1024x1xf32>
    %mul3A = vector.broadcast %div3A_23 : vector<1024x1xf32> to vector<1024x128xf32>
    %mul3A_24 = arith.mulf %add3A, %mul3A : vector<1024x128xf32>
    %swap3A = arith.constant 0 : index
    %swap3A_25 = arith.constant 0 : index
    %swap3A_26 = vector.load %arg3[%swap3A, %swap3A_25] : memref<1024x128xf32, #tpu.memory_space<vmem>>, vector<1024x128xf32>
    tpu.vector_store %arg3[%swap3A, %swap3A_25], %mul3A_24 {strides = array<i32>} : memref<1024x128xf32, #tpu.memory_space<vmem>>, vector<1024x128xf32>,
    return
  }
  func.func @transform_0(%arg0: i32) -> (i32, i32, i32) {
    %c0_i32 = arith.constant 0 : i32
    %c0_i32_0 = arith.constant 0 : i32
    %c0_i32_1 = arith.constant 0 : i32
    return %c0_i32, %arg0, %c0_i32_0 : i32, i32, i32
  }
  func.func @transform_1(%arg0: i32) -> (i32, i32, i32) {
    %c0_i32 = arith.constant 0 : i32
    %c0_i32_0 = arith.constant 0 : i32
    %c0_i32_1 = arith.constant 0 : i32
    return %c0_i32, %arg0, %c0_i32_0 : i32, i32, i32
  }
  func.func @transform_2(%arg0: i32) -> (i32, i32) {
    %c0_i32 = arith.constant 0 : i32
    %c0_i32_0 = arith.constant 0 : i32
    return %arg0, %c0_i32 : i32, i32
  }
}

module attributes {stable_mosaic.version = 14 : i64} {
  func.func @_vert_combine_body(%arg0: i32, %arg1: memref<2x2048x128xf32, #tpu.memory_space<vmem>>, %arg2: memref<2048x128xf32, #tpu.memory_space<vmem>>, %arg3: memref<128x128xf32, #tpu.memory_space<vmem>>, %arg4: memref<4x128xf32, #tpu.memory_space<vmem>>, %arg5: memref<2048x128xf32, #tpu.memory_space<vmem>>) attributes {dimension_semantics = [#tpu.dimension_semantics<arbitrary>], iteration_bounds = array<i64: 5>, scalar_prefetch = 0 : i64, scratch_operands = 0 : i64, tpu.core_type = #tpu.core_type<tc>, window_params = [{transform_indices = @transform_0, window_bounds = array<i64: 2, 2048, 128>}, {transform_indices = @transform_1, window_bounds = array<i64: 2048, 128>}, {pipeline_mode = #tpu.pipeline_mode<synchronous>, transform_indices = @transform_2, window_bounds = array<i64: 128, 128>}, {pipeline_mode = #tpu.pipeline_mode<synchronous>, transform_indices = @transform_3, window_bounds = array<i64: 4, 128>}, {transform_indices = @transform_4, window_bounds = array<i64: 2048, 128>}]} {
    %get3A = arith.constant 0 : index
    %get3A_0 = arith.constant 0 : index
    %get3A_1 = arith.constant 0 : index
    %get3A_2 = vector.load %arg1[%get3A, %get3A_0, %get3A_1] : memref<2x2048x128xf32, #tpu.memory_space<vmem>>, vector<1x2048x128xf32>
    %get3A_3 = vector.shape_cast %get3A_2 : vector<1x2048x128xf32> to vector<2048x128xf32>
    %get3A_4 = arith.constant 1 : index
    %get3A_5 = arith.constant 0 : index
    %get3A_6 = arith.constant 0 : index
    %get3A_7 = vector.load %arg1[%get3A_4, %get3A_5, %get3A_6] : memref<2x2048x128xf32, #tpu.memory_space<vmem>>, vector<1x2048x128xf32>
    %get3A_8 = vector.shape_cast %get3A_7 : vector<1x2048x128xf32> to vector<2048x128xf32>
    %add3A = arith.addf %get3A_3, %get3A_8 : vector<2048x128xf32>
    %reduce_sum3A = arith.constant dense<0.000000e+00> : vector<2048xf32>
    %reduce_sum3A_9 = vector.multi_reduction <add>, %add3A, %reduce_sum3A [1] : vector<2048x128xf32> to vector<2048xf32>
    %broadcast_in_dim3A = vector.shape_cast %reduce_sum3A_9 : vector<2048xf32> to vector<2048x1xf32>
    %div3A = arith.constant 1.280000e+02 : f32
    %div3A_10 = vector.broadcast %div3A : f32 to vector<2048x1xf32>
    %div3A_11 = arith.divf %broadcast_in_dim3A, %div3A_10 : vector<2048x1xf32>
    %sub3A = vector.broadcast %div3A_11 : vector<2048x1xf32> to vector<2048x128xf32>
    %sub3A_12 = arith.subf %add3A, %sub3A : vector<2048x128xf32>
    %mul3A = arith.mulf %sub3A_12, %sub3A_12 : vector<2048x128xf32>
    %reduce_sum3A_13 = arith.constant dense<0.000000e+00> : vector<2048xf32>
    %reduce_sum3A_14 = vector.multi_reduction <add>, %mul3A, %reduce_sum3A_13 [1] : vector<2048x128xf32> to vector<2048xf32>
    %broadcast_in_dim3A_15 = vector.shape_cast %reduce_sum3A_14 : vector<2048xf32> to vector<2048x1xf32>
    %div3A_16 = arith.constant 1.280000e+02 : f32
    %div3A_17 = vector.broadcast %div3A_16 : f32 to vector<2048x1xf32>
    %div3A_18 = arith.divf %broadcast_in_dim3A_15, %div3A_17 : vector<2048x1xf32>
    %add3A_19 = arith.constant 9.99999974E-6 : f32
    %add3A_20 = vector.broadcast %add3A_19 : f32 to vector<2048x1xf32>
    %add3A_21 = arith.addf %div3A_18, %add3A_20 : vector<2048x1xf32>
    %rsqrt3A = math.rsqrt %add3A_21 : vector<2048x1xf32>
    %mul3A_22 = vector.broadcast %rsqrt3A : vector<2048x1xf32> to vector<2048x128xf32>
    %mul3A_23 = arith.mulf %sub3A_12, %mul3A_22 : vector<2048x128xf32>
    %get3A_24 = arith.constant 2 : index
    %get3A_25 = arith.constant 0 : index
    %get3A_26 = vector.load %arg4[%get3A_24, %get3A_25] : memref<4x128xf32, #tpu.memory_space<vmem>>, vector<1x128xf32>
    %mul3A_27 = vector.broadcast %get3A_26 : vector<1x128xf32> to vector<2048x128xf32>
    %mul3A_28 = arith.mulf %mul3A_23, %mul3A_27 : vector<2048x128xf32>
    %get3A_29 = arith.constant 3 : index
    %get3A_30 = arith.constant 0 : index
    %get3A_31 = vector.load %arg4[%get3A_29, %get3A_30] : memref<4x128xf32, #tpu.memory_space<vmem>>, vector<1x128xf32>
    %add3A_32 = vector.broadcast %get3A_31 : vector<1x128xf32> to vector<2048x128xf32>
    %add3A_33 = arith.addf %mul3A_28, %add3A_32 : vector<2048x128xf32>
    %get3A_34 = arith.constant 0 : index
    %get3A_35 = arith.constant 0 : index
    %get3A_36 = vector.load %arg4[%get3A_34, %get3A_35] : memref<4x128xf32, #tpu.memory_space<vmem>>, vector<1x128xf32>
    %get3A_37 = arith.constant 1 : index
    %get3A_38 = arith.constant 0 : index
    %get3A_39 = vector.load %arg4[%get3A_37, %get3A_38] : memref<4x128xf32, #tpu.memory_space<vmem>>, vector<1x128xf32>
    %sub3A_40 = arith.constant 1.000000e+00 : f32
    %sub3A_41 = vector.broadcast %sub3A_40 : f32 to vector<1x128xf32>
    %sub3A_42 = arith.subf %sub3A_41, %get3A_36 : vector<1x128xf32>
    %mul3A_43 = vector.broadcast %sub3A_42 : vector<1x128xf32> to vector<2048x128xf32>
    %mul3A_44 = arith.mulf %mul3A_43, %add3A_33 : vector<2048x128xf32>
    %get3A_45 = arith.constant 0 : index
    %get3A_46 = arith.constant 0 : index
    %get3A_47 = vector.load %arg2[%get3A_45, %get3A_46] : memref<2048x128xf32, #tpu.memory_space<vmem>>, vector<2048x128xf32>
    %mul3A_48 = vector.broadcast %get3A_36 : vector<1x128xf32> to vector<2048x128xf32>
    %mul3A_49 = arith.mulf %mul3A_48, %get3A_47 : vector<2048x128xf32>
    %add3A_50 = arith.addf %mul3A_44, %mul3A_49 : vector<2048x128xf32>
    %sub3A_51 = arith.constant 1.000000e+00 : f32
    %sub3A_52 = vector.broadcast %sub3A_51 : f32 to vector<1x128xf32>
    %sub3A_53 = arith.subf %sub3A_52, %get3A_39 : vector<1x128xf32>
    %mul3A_54 = vector.broadcast %sub3A_53 : vector<1x128xf32> to vector<2048x128xf32>
    %mul3A_55 = arith.mulf %mul3A_54, %add3A_50 : vector<2048x128xf32>
    %convert_element_type3A = arith.truncf %add3A_50 : vector<2048x128xf32> to vector<2048x128xbf16>
    %get3A_56 = arith.constant 0 : index
    %get3A_57 = arith.constant 0 : index
    %get3A_58 = vector.load %arg3[%get3A_56, %get3A_57] : memref<128x128xf32, #tpu.memory_space<vmem>>, vector<128x128xf32>
    %convert_element_type3A_59 = arith.truncf %get3A_58 : vector<128x128xf32> to vector<128x128xbf16>
    %dot_general3A = arith.constant dense<0.000000e+00> : vector<2048x128xf32>
    %dot_general3A_60 = tpu.matmul %convert_element_type3A, %convert_element_type3A_59, %dot_general3A {dimension_numbers = #tpu.dot_dimension_numbers<[1], [1], [0], [0], [0, 0, 1, 0], [], []>, transpose_lhs_hint = false} : vector<2048x128xbf16>, vector<128x128xbf16>, vector<2048x128xf32> -> vector<2048x128xf32>
    %mul3A_61 = vector.broadcast %get3A_39 : vector<1x128xf32> to vector<2048x128xf32>
    %mul3A_62 = arith.mulf %mul3A_61, %dot_general3A_60 : vector<2048x128xf32>
    %add3A_63 = arith.addf %mul3A_55, %mul3A_62 : vector<2048x128xf32>
    %logistic3A = arith.negf %add3A_63 : vector<2048x128xf32>
    %logistic3A_64 = math.exp %logistic3A : vector<2048x128xf32>
    %logistic3A_65 = arith.constant 1.000000e+00 : f32
    %logistic3A_66 = vector.broadcast %logistic3A_65 : f32 to vector<2048x128xf32>
    %logistic3A_67 = arith.addf %logistic3A_66, %logistic3A_64 : vector<2048x128xf32>
    %logistic3A_68 = arith.divf %logistic3A_66, %logistic3A_67 : vector<2048x128xf32>
    %mul3A_69 = arith.mulf %add3A_63, %logistic3A_68 : vector<2048x128xf32>
    %swap3A = arith.constant 0 : index
    %swap3A_70 = arith.constant 0 : index
    %swap3A_71 = vector.load %arg5[%swap3A, %swap3A_70] : memref<2048x128xf32, #tpu.memory_space<vmem>>, vector<2048x128xf32>
    tpu.vector_store %arg5[%swap3A, %swap3A_70], %mul3A_69 {strides = array<i32>} : memref<2048x128xf32, #tpu.memory_space<vmem>>, vector<2048x128xf32>,
    return
  }
  func.func @transform_0(%arg0: i32) -> (i32, i32, i32) {
    %c0_i32 = arith.constant 0 : i32
    %c0_i32_0 = arith.constant 0 : i32
    %c0_i32_1 = arith.constant 0 : i32
    return %c0_i32, %arg0, %c0_i32_0 : i32, i32, i32
  }
  func.func @transform_1(%arg0: i32) -> (i32, i32) {
    %c0_i32 = arith.constant 0 : i32
    %c0_i32_0 = arith.constant 0 : i32
    return %arg0, %c0_i32 : i32, i32
  }
  func.func @transform_2(%arg0: i32) -> (i32, i32) {
    %c0_i32 = arith.constant 0 : i32
    %c0_i32_0 = arith.constant 0 : i32
    %c0_i32_1 = arith.constant 0 : i32
    return %c0_i32, %c0_i32_0 : i32, i32
  }
  func.func @transform_3(%arg0: i32) -> (i32, i32) {
    %c0_i32 = arith.constant 0 : i32
    %c0_i32_0 = arith.constant 0 : i32
    %c0_i32_1 = arith.constant 0 : i32
    return %c0_i32, %c0_i32_0 : i32, i32
  }
  func.func @transform_4(%arg0: i32) -> (i32, i32) {
    %c0_i32 = arith.constant 0 : i32
    %c0_i32_0 = arith.constant 0 : i32
    return %arg0, %c0_i32 : i32, i32
  }
}

module attributes {stable_mosaic.version = 14 : i64} {
  func.func @_vert_out_body(%arg0: i32, %arg1: memref<2x2048x128xf32, #tpu.memory_space<vmem>>, %arg2: memref<2048x128xf32, #tpu.memory_space<vmem>>, %arg3: memref<128x128xf32, #tpu.memory_space<vmem>>, %arg4: memref<4x128xf32, #tpu.memory_space<vmem>>, %arg5: memref<16x128xf32, #tpu.memory_space<vmem>>, %arg6: memref<1x16xf32, #tpu.memory_space<vmem>>, %arg7: memref<2048x16xf32, #tpu.memory_space<vmem>>) attributes {dimension_semantics = [#tpu.dimension_semantics<arbitrary>], iteration_bounds = array<i64: 5>, scalar_prefetch = 0 : i64, scratch_operands = 0 : i64, tpu.core_type = #tpu.core_type<tc>, window_params = [{transform_indices = @transform_0, window_bounds = array<i64: 2, 2048, 128>}, {transform_indices = @transform_1, window_bounds = array<i64: 2048, 128>}, {pipeline_mode = #tpu.pipeline_mode<synchronous>, transform_indices = @transform_2, window_bounds = array<i64: 128, 128>}, {pipeline_mode = #tpu.pipeline_mode<synchronous>, transform_indices = @transform_3, window_bounds = array<i64: 4, 128>}, {pipeline_mode = #tpu.pipeline_mode<synchronous>, transform_indices = @transform_4, window_bounds = array<i64: 16, 128>}, {pipeline_mode = #tpu.pipeline_mode<synchronous>, transform_indices = @transform_5, window_bounds = array<i64: 1, 16>}, {transform_indices = @transform_6, window_bounds = array<i64: 2048, 16>}]} {
    %get3A = arith.constant 0 : index
    %get3A_0 = arith.constant 0 : index
    %get3A_1 = arith.constant 0 : index
    %get3A_2 = vector.load %arg1[%get3A, %get3A_0, %get3A_1] : memref<2x2048x128xf32, #tpu.memory_space<vmem>>, vector<1x2048x128xf32>
    %get3A_3 = vector.shape_cast %get3A_2 : vector<1x2048x128xf32> to vector<2048x128xf32>
    %get3A_4 = arith.constant 1 : index
    %get3A_5 = arith.constant 0 : index
    %get3A_6 = arith.constant 0 : index
    %get3A_7 = vector.load %arg1[%get3A_4, %get3A_5, %get3A_6] : memref<2x2048x128xf32, #tpu.memory_space<vmem>>, vector<1x2048x128xf32>
    %get3A_8 = vector.shape_cast %get3A_7 : vector<1x2048x128xf32> to vector<2048x128xf32>
    %add3A = arith.addf %get3A_3, %get3A_8 : vector<2048x128xf32>
    %reduce_sum3A = arith.constant dense<0.000000e+00> : vector<2048xf32>
    %reduce_sum3A_9 = vector.multi_reduction <add>, %add3A, %reduce_sum3A [1] : vector<2048x128xf32> to vector<2048xf32>
    %broadcast_in_dim3A = vector.shape_cast %reduce_sum3A_9 : vector<2048xf32> to vector<2048x1xf32>
    %div3A = arith.constant 1.280000e+02 : f32
    %div3A_10 = vector.broadcast %div3A : f32 to vector<2048x1xf32>
    %div3A_11 = arith.divf %broadcast_in_dim3A, %div3A_10 : vector<2048x1xf32>
    %sub3A = vector.broadcast %div3A_11 : vector<2048x1xf32> to vector<2048x128xf32>
    %sub3A_12 = arith.subf %add3A, %sub3A : vector<2048x128xf32>
    %mul3A = arith.mulf %sub3A_12, %sub3A_12 : vector<2048x128xf32>
    %reduce_sum3A_13 = arith.constant dense<0.000000e+00> : vector<2048xf32>
    %reduce_sum3A_14 = vector.multi_reduction <add>, %mul3A, %reduce_sum3A_13 [1] : vector<2048x128xf32> to vector<2048xf32>
    %broadcast_in_dim3A_15 = vector.shape_cast %reduce_sum3A_14 : vector<2048xf32> to vector<2048x1xf32>
    %div3A_16 = arith.constant 1.280000e+02 : f32
    %div3A_17 = vector.broadcast %div3A_16 : f32 to vector<2048x1xf32>
    %div3A_18 = arith.divf %broadcast_in_dim3A_15, %div3A_17 : vector<2048x1xf32>
    %add3A_19 = arith.constant 9.99999974E-6 : f32
    %add3A_20 = vector.broadcast %add3A_19 : f32 to vector<2048x1xf32>
    %add3A_21 = arith.addf %div3A_18, %add3A_20 : vector<2048x1xf32>
    %rsqrt3A = math.rsqrt %add3A_21 : vector<2048x1xf32>
    %mul3A_22 = vector.broadcast %rsqrt3A : vector<2048x1xf32> to vector<2048x128xf32>
    %mul3A_23 = arith.mulf %sub3A_12, %mul3A_22 : vector<2048x128xf32>
    %get3A_24 = arith.constant 2 : index
    %get3A_25 = arith.constant 0 : index
    %get3A_26 = vector.load %arg4[%get3A_24, %get3A_25] : memref<4x128xf32, #tpu.memory_space<vmem>>, vector<1x128xf32>
    %mul3A_27 = vector.broadcast %get3A_26 : vector<1x128xf32> to vector<2048x128xf32>
    %mul3A_28 = arith.mulf %mul3A_23, %mul3A_27 : vector<2048x128xf32>
    %get3A_29 = arith.constant 3 : index
    %get3A_30 = arith.constant 0 : index
    %get3A_31 = vector.load %arg4[%get3A_29, %get3A_30] : memref<4x128xf32, #tpu.memory_space<vmem>>, vector<1x128xf32>
    %add3A_32 = vector.broadcast %get3A_31 : vector<1x128xf32> to vector<2048x128xf32>
    %add3A_33 = arith.addf %mul3A_28, %add3A_32 : vector<2048x128xf32>
    %get3A_34 = arith.constant 0 : index
    %get3A_35 = arith.constant 0 : index
    %get3A_36 = vector.load %arg4[%get3A_34, %get3A_35] : memref<4x128xf32, #tpu.memory_space<vmem>>, vector<1x128xf32>
    %get3A_37 = arith.constant 1 : index
    %get3A_38 = arith.constant 0 : index
    %get3A_39 = vector.load %arg4[%get3A_37, %get3A_38] : memref<4x128xf32, #tpu.memory_space<vmem>>, vector<1x128xf32>
    %sub3A_40 = arith.constant 1.000000e+00 : f32
    %sub3A_41 = vector.broadcast %sub3A_40 : f32 to vector<1x128xf32>
    %sub3A_42 = arith.subf %sub3A_41, %get3A_36 : vector<1x128xf32>
    %mul3A_43 = vector.broadcast %sub3A_42 : vector<1x128xf32> to vector<2048x128xf32>
    %mul3A_44 = arith.mulf %mul3A_43, %add3A_33 : vector<2048x128xf32>
    %get3A_45 = arith.constant 0 : index
    %get3A_46 = arith.constant 0 : index
    %get3A_47 = vector.load %arg2[%get3A_45, %get3A_46] : memref<2048x128xf32, #tpu.memory_space<vmem>>, vector<2048x128xf32>
    %mul3A_48 = vector.broadcast %get3A_36 : vector<1x128xf32> to vector<2048x128xf32>
    %mul3A_49 = arith.mulf %mul3A_48, %get3A_47 : vector<2048x128xf32>
    %add3A_50 = arith.addf %mul3A_44, %mul3A_49 : vector<2048x128xf32>
    %sub3A_51 = arith.constant 1.000000e+00 : f32
    %sub3A_52 = vector.broadcast %sub3A_51 : f32 to vector<1x128xf32>
    %sub3A_53 = arith.subf %sub3A_52, %get3A_39 : vector<1x128xf32>
    %mul3A_54 = vector.broadcast %sub3A_53 : vector<1x128xf32> to vector<2048x128xf32>
    %mul3A_55 = arith.mulf %mul3A_54, %add3A_50 : vector<2048x128xf32>
    %convert_element_type3A = arith.truncf %add3A_50 : vector<2048x128xf32> to vector<2048x128xbf16>
    %get3A_56 = arith.constant 0 : index
    %get3A_57 = arith.constant 0 : index
    %get3A_58 = vector.load %arg3[%get3A_56, %get3A_57] : memref<128x128xf32, #tpu.memory_space<vmem>>, vector<128x128xf32>
    %convert_element_type3A_59 = arith.truncf %get3A_58 : vector<128x128xf32> to vector<128x128xbf16>
    %dot_general3A = arith.constant dense<0.000000e+00> : vector<2048x128xf32>
    %dot_general3A_60 = tpu.matmul %convert_element_type3A, %convert_element_type3A_59, %dot_general3A {dimension_numbers = #tpu.dot_dimension_numbers<[1], [1], [0], [0], [0, 0, 1, 0], [], []>, transpose_lhs_hint = false} : vector<2048x128xbf16>, vector<128x128xbf16>, vector<2048x128xf32> -> vector<2048x128xf32>
    %mul3A_61 = vector.broadcast %get3A_39 : vector<1x128xf32> to vector<2048x128xf32>
    %mul3A_62 = arith.mulf %mul3A_61, %dot_general3A_60 : vector<2048x128xf32>
    %add3A_63 = arith.addf %mul3A_55, %mul3A_62 : vector<2048x128xf32>
    %logistic3A = arith.negf %add3A_63 : vector<2048x128xf32>
    %logistic3A_64 = math.exp %logistic3A : vector<2048x128xf32>
    %logistic3A_65 = arith.constant 1.000000e+00 : f32
    %logistic3A_66 = vector.broadcast %logistic3A_65 : f32 to vector<2048x128xf32>
    %logistic3A_67 = arith.addf %logistic3A_66, %logistic3A_64 : vector<2048x128xf32>
    %logistic3A_68 = arith.divf %logistic3A_66, %logistic3A_67 : vector<2048x128xf32>
    %mul3A_69 = arith.mulf %add3A_63, %logistic3A_68 : vector<2048x128xf32>
    %convert_element_type3A_70 = arith.truncf %mul3A_69 : vector<2048x128xf32> to vector<2048x128xbf16>
    %get3A_71 = arith.constant 0 : index
    %get3A_72 = arith.constant 0 : index
    %get3A_73 = vector.load %arg5[%get3A_71, %get3A_72] : memref<16x128xf32, #tpu.memory_space<vmem>>, vector<16x128xf32>
    %convert_element_type3A_74 = arith.truncf %get3A_73 : vector<16x128xf32> to vector<16x128xbf16>
    %dot_general3A_75 = arith.constant dense<0.000000e+00> : vector<2048x16xf32>
    %dot_general3A_76 = tpu.matmul %convert_element_type3A_70, %convert_element_type3A_74, %dot_general3A_75 {dimension_numbers = #tpu.dot_dimension_numbers<[1], [1], [0], [0], [0, 0, 1, 0], [], []>, transpose_lhs_hint = false} : vector<2048x128xbf16>, vector<16x128xbf16>, vector<2048x16xf32> -> vector<2048x16xf32>
    %get3A_77 = arith.constant 0 : index
    %get3A_78 = arith.constant 0 : index
    %get3A_79 = vector.load %arg6[%get3A_77, %get3A_78] : memref<1x16xf32, #tpu.memory_space<vmem>>, vector<1x16xf32>
    %add3A_80 = vector.broadcast %get3A_79 : vector<1x16xf32> to vector<2048x16xf32>
    %add3A_81 = arith.addf %dot_general3A_76, %add3A_80 : vector<2048x16xf32>
    %reduce_max3A = arith.constant dense<0xFF800000> : vector<2048xf32>
    %reduce_max3A_82 = vector.multi_reduction <maximumf>, %add3A_81, %reduce_max3A [1] : vector<2048x16xf32> to vector<2048xf32>
    %broadcast_in_dim3A_83 = vector.shape_cast %reduce_max3A_82 : vector<2048xf32> to vector<2048x1xf32>
    %sub3A_84 = vector.broadcast %broadcast_in_dim3A_83 : vector<2048x1xf32> to vector<2048x16xf32>
    %sub3A_85 = arith.subf %add3A_81, %sub3A_84 : vector<2048x16xf32>
    %exp3A = math.exp %sub3A_85 : vector<2048x16xf32>
    %reduce_sum3A_86 = arith.constant dense<0.000000e+00> : vector<2048xf32>
    %reduce_sum3A_87 = vector.multi_reduction <add>, %exp3A, %reduce_sum3A_86 [1] : vector<2048x16xf32> to vector<2048xf32>
    %broadcast_in_dim3A_88 = vector.shape_cast %reduce_sum3A_87 : vector<2048xf32> to vector<2048x1xf32>
    %log3A = math.log %broadcast_in_dim3A_88 : vector<2048x1xf32>
    %sub3A_89 = vector.broadcast %log3A : vector<2048x1xf32> to vector<2048x16xf32>
    %sub3A_90 = arith.subf %sub3A_85, %sub3A_89 : vector<2048x16xf32>
    %swap3A = arith.constant 0 : index
    %swap3A_91 = arith.constant 0 : index
    %swap3A_92 = vector.load %arg7[%swap3A, %swap3A_91] : memref<2048x16xf32, #tpu.memory_space<vmem>>, vector<2048x16xf32>
    tpu.vector_store %arg7[%swap3A, %swap3A_91], %sub3A_90 {strides = array<i32>} : memref<2048x16xf32, #tpu.memory_space<vmem>>, vector<2048x16xf32>,
    return
  }
  func.func @transform_0(%arg0: i32) -> (i32, i32, i32) {
    %c0_i32 = arith.constant 0 : i32
    %c0_i32_0 = arith.constant 0 : i32
    %c0_i32_1 = arith.constant 0 : i32
    return %c0_i32, %arg0, %c0_i32_0 : i32, i32, i32
  }
  func.func @transform_1(%arg0: i32) -> (i32, i32) {
    %c0_i32 = arith.constant 0 : i32
    %c0_i32_0 = arith.constant 0 : i32
    return %arg0, %c0_i32 : i32, i32
  }
  func.func @transform_2(%arg0: i32) -> (i32, i32) {
    %c0_i32 = arith.constant 0 : i32
    %c0_i32_0 = arith.constant 0 : i32
    %c0_i32_1 = arith.constant 0 : i32
    return %c0_i32, %c0_i32_0 : i32, i32
  }
  func.func @transform_3(%arg0: i32) -> (i32, i32) {
    %c0_i32 = arith.constant 0 : i32
    %c0_i32_0 = arith.constant 0 : i32
    %c0_i32_1 = arith.constant 0 : i32
    return %c0_i32, %c0_i32_0 : i32, i32
  }
  func.func @transform_4(%arg0: i32) -> (i32, i32) {
    %c0_i32 = arith.constant 0 : i32
    %c0_i32_0 = arith.constant 0 : i32
    %c0_i32_1 = arith.constant 0 : i32
    return %c0_i32, %c0_i32_0 : i32, i32
  }
  func.func @transform_5(%arg0: i32) -> (i32, i32) {
    %c0_i32 = arith.constant 0 : i32
    %c0_i32_0 = arith.constant 0 : i32
    %c0_i32_1 = arith.constant 0 : i32
    return %c0_i32, %c0_i32_0 : i32, i32
  }
  func.func @transform_6(%arg0: i32) -> (i32, i32) {
    %c0_i32 = arith.constant 0 : i32
    %c0_i32_0 = arith.constant 0 : i32
    return %arg0, %c0_i32 : i32, i32
  }
}

</mosaic_0001>

<sc_bundles>
// kernel: kernel.12.cloned.1.call-start
scs
__scs_entry_jumppad:
0x0: {  	(pc) =	sbr.rel $0x88, $3  }
0x1: {  	(tag) =	ssettag $0x0;
	lr =	simm.s32 $0x1  }
0x2: {  	[smem:$0x3F90] =	sst lr;
	_ =	strace $0xD0000000  }
0x3: {  	_ = 	snop  }
0x4: {  	_ = 	snop  }
0x5: {  	_ = 	snop  }
0x6: {  	_ = 	snop  }
0x7: {  	_ = 	snop  }
__scs_overlays_trampoline_lowered:
0x8: {  	[smem:$0x3F9F] =	sst s0  }
0x9: {  	[smem:$0x3FA0] =	sst s1  }
0xa: {  	[smem:$0x3FA1] =	sst s2  }
0xb: {  	[smem:$0x3FA2] =	sst s3  }
0xc: {  	[smem:$0x3FA3] =	sst s4  }
0xd: {  	[smem:$0x3FA4] =	sst s5  }
0xe: {  	[smem:$0x3FA5] =	sst s6  }
0xf: {  	[smem:$0x3FA6] =	sst s7  }
0x10: {  	[smem:$0x3FA7] =	sst s8  }
0x11: {  	[smem:$0x3FA8] =	sst s9;
	s0 =	simm.s32 @!p0 $0x0  }
0x12: {  	s1 =	sld [smem:$0x3F8E];
	s0 =	simm.s32 @p0 $0x1  }
0x13: {  	[smem:$0x3FA9] =	sst s0;
	s0 =	simm.s32 @!p1 $0x0  }
0x14: {  	s2 =	sld [smem:$0x3F8D];
	s0 =	simm.s32 @p1 $0x1  }
0x15: {  	[smem:$0x3FAA] =	sst s0;
	s0 =	simm.s32 @!p2 $0x0  }
0x16: {  	s3 =	sld [smem:$0x3FDB];
	s0 =	simm.s32 @p2 $0x1  }
0x17: {  	s4 =	simm.s32 $0x1BF5;
	[smem:$0x3FAC] =	sst s0  }
0x18: {  	s0 =	sld [smem:$0x3F8F];
	_ =	swait.ge [sflag:s4], $0x0  }
0x19: {  	s7 =	sld [smem:$0x3F90]  }
0x1a: {  	s8 =	sadd.s32 $0xFFFFE003, lr  }
0x1b: {  	s9 =	sadd.s32 $0xFFFFFEF7, lr;
	s5 =	simm.s32 $0xFFFFFFFF;
	p2 =	slt.u32 s8, $0xFFFFF086  }
0x1c: {  	p1 =	slt.u32 s9, $0xF7A;
	s5 =	simm.s32 @!p2 $0x0  }
0x1d: {  	s5 =	simm.s32 @p1 $0x1;
	p0 =	seq.s32 s7, s2  }
0x1e: {  	s7 =	smul.u32 @!p0 $0xF7A, s2;
	p2 =	seq.s32 @!p0 s5, $0x0  }
0x1f: {  	s9 =	smul.u32 $0xF7A, s1;
	s8 =	simm.s32 @!p0 $0x1BF5;
	p2 =	por !p2, p0  }
0x20: {  	[sflag:s8] =	ssyncset.s32 @!p0 $0xFFFFF086;
	s6 =	sadd.s32 @!p0 s3, s7;
	s7 =	simm.s32 @!p0 $0x108  }
0x21: {  	s3 =	sadd.s32 s3, s9;
	s6 =	sadd.s32 @!p0 $0x88, s6;
	s7 =	simm.s32 @p2 $0x1082  }
0x22: {  	[simem:s7], [sflag:s8] =	dma.local @!p0 [hbm:s6], $0xF7A  }
0x23: {  	s9 =	sor.u32 $0xD0000000, s2;
	s6 =	simm.s32 $0x108;
	_ =	swait.ge @!p0 [sflag:s8], $0x0  }
0x24: {  	s3 =	sadd.s32 $0x88, s3;
	s6 =	simm.s32 @!p1 $0x1082;
	[sflag:s4] =	ssyncset.s32 $0xFFFFF086  }
0x25: {  	[simem:s6], [sflag:s4] =	dma.local [hbm:s3], $0xF7A  }
0x26: {  	[smem:$0x3F90] =	sst s1;
	(tag) =	ssettag s2;
	_ =	strace s9  }
0x27: {  	s1 =	sld [smem:$0x3FA0]  }
0x28: {  	s2 =	sld [smem:$0x3FA1]  }
0x29: {  	s4 =	sld [smem:$0x3FA3]  }
0x2a: {  	p0 =	seq.s32 s5, $0x0;
	s5 =	sld [smem:$0x3FA4]  }
0x2b: {  	s6 =	sld [smem:$0x3FA5]  }
0x2c: {  	s7 =	sld [smem:$0x3FA6]  }
0x2d: {  	s3 =	simm.s32 $0x108;
	s8 =	sld [smem:$0x3FA7]  }
0x2e: {  	s3 =	simm.s32 @!p0 $0x1082;
	s9 =	sld [smem:$0x3FA8]  }
0x2f: {  	lr =	sadd.s32 s0, s3;
	s0 =	sld [smem:$0x3F9F]  }
0x30: {  	s3 =	sld [smem:$0x3FA2]  }
0x31: {  	[smem:$0x3FAB] =	sst s10  }
0x32: {  	s10 =	sld [smem:$0x3FA9];
	_ =	sdelay $0x3  }
0x33: {  	p0 =	seq.s32 s10, $0x1;
	s10 =	sld [smem:$0x3FAB];
	_ =	sdelay $0x3  }
0x34: {  	[smem:$0x3FAB] =	sst s10  }
0x35: {  	s10 =	sld [smem:$0x3FAA];
	_ =	sdelay $0x3  }
0x36: {  	p1 =	seq.s32 s10, $0x1;
	s10 =	sld [smem:$0x3FAB];
	_ =	sdelay $0x3  }
0x37: {  	[smem:$0x3FAB] =	sst s10  }
0x38: {  	s10 =	sld [smem:$0x3FAC]  }
0x39: {  	_ = 	snop;
	(pc) =	sbr.ind lr, $3  }
0x3a: {  	_ = 	snop  }
0x3b: {  	_ = 	snop  }
0x3c: {  	p2 =	seq.s32 s10, $0x1;
	s10 =	sld [smem:$0x3FAB]  }
0x3d: {  	_ =	shalt  }
0x3e: {  	_ =	shalt  }
0x3f: {  	_ =	shalt  }
0x40: {  	_ =	shalt  }
0x41: {  	_ =	shalt  }
0x42: {  	_ =	shalt  }
0x43: {  	_ =	shalt  }
0x44: {  	_ =	shalt  }
0x45: {  	_ =	shalt  }
0x46: {  	_ =	shalt  }
0x47: {  	_ =	shalt  }
0x48: {  	_ =	shalt  }
0x49: {  	_ =	shalt  }
0x4a: {  	_ =	shalt  }
0x4b: {  	_ =	shalt  }
0x4c: {  	_ =	shalt  }
0x4d: {  	_ =	shalt  }
0x4e: {  	_ =	shalt  }
0x4f: {  	_ =	shalt  }
0x50: {  	_ =	shalt  }
0x51: {  	_ =	shalt  }
0x52: {  	_ =	shalt  }
0x53: {  	_ =	shalt  }
0x54: {  	_ =	shalt  }
0x55: {  	_ =	shalt  }
0x56: {  	_ =	shalt  }
0x57: {  	_ =	shalt  }
0x58: {  	_ =	shalt  }
0x59: {  	_ =	shalt  }
0x5a: {  	_ =	shalt  }
0x5b: {  	_ =	shalt  }
0x5c: {  	_ =	shalt  }
0x5d: {  	_ =	shalt  }
0x5e: {  	_ =	shalt  }
0x5f: {  	_ =	shalt  }
0x60: {  	_ =	shalt  }
0x61: {  	_ =	shalt  }
0x62: {  	_ =	shalt  }
0x63: {  	_ =	shalt  }
0x64: {  	_ =	shalt  }
0x65: {  	_ =	shalt  }
0x66: {  	_ =	shalt  }
0x67: {  	_ =	shalt  }
0x68: {  	_ =	shalt  }
0x69: {  	_ =	shalt  }
0x6a: {  	_ =	shalt  }
0x6b: {  	_ =	shalt  }
0x6c: {  	_ =	shalt  }
0x6d: {  	_ =	shalt  }
0x6e: {  	_ =	shalt  }
0x6f: {  	_ =	shalt  }
0x70: {  	_ =	shalt  }
0x71: {  	_ =	shalt  }
0x72: {  	_ =	shalt  }
0x73: {  	_ =	shalt  }
0x74: {  	_ =	shalt  }
0x75: {  	_ =	shalt  }
0x76: {  	_ =	shalt  }
0x77: {  	_ =	shalt  }
0x78: {  	_ =	shalt  }
0x79: {  	_ =	shalt  }
0x7a: {  	_ =	shalt  }
0x7b: {  	_ =	shalt  }
0x7c: {  	_ =	shalt  }
0x7d: {  	_ =	shalt  }
0x7e: {  	_ =	shalt  }
0x7f: {  	_ =	shalt  }
0x80: {  	_ =	shalt  }
0x81: {  	_ =	shalt  }
0x82: {  	_ =	shalt  }
0x83: {  	_ =	shalt  }
0x84: {  	_ =	shalt  }
0x85: {  	_ =	shalt  }
0x86: {  	_ =	shalt  }
0x87: {  	_ =	shalt  }
.Lfunc_end0:
.L_simem_size_0:
called_computation_lowered:
.L_overlay_start_0:
0x88: {  	s2 =	sld [smem:$0x3FD9]  }
0x89: {  	s3 =	sld [smem:$0x3FFE];
	_ =	sdelay $0x1  }
0x8a: {  	s1 =	srdreg.scid  }
0x8b: {  	s0 =	sand.u32 $0x1, s1  }
0x8c: {  	s17 =	sshll.u32 s0, $0xA;
	s2 =	sadd.s32 s3, s2  }
0x8d: {  	s2 =	sadd.s32 s2, s17  }
0x8e: {  	[smem:$0x3FB7] =	sst s2  }
0x8f: {  	_ = 	snop  }
0x90: {  	s18 =	sld [smem:$0x3FD0];
	(tm) =	ssettm $0x1  }
0x91: {  	s19 =	sld [smem:$0x3FFB];
	_ =	sdelay $0x3  }
0x92: {  	_ =	strace s19  }
0x93: {  	s2 =	sld [smem:$0x3FFC];
	_ =	sdelay $0x3  }
0x94: {  	_ =	strace s2  }
0x95: {  	s2 =	sld [smem:$0x3FFD];
	_ =	sdelay $0x3  }
0x96: {  	_ =	strace s2  }
0x97: {  	_ =	strace $0x8FFFFFFF  }
0x98: {  	s20 =	sld [smem:$0x3FDB];
	_ =	sdelay $0x1  }
0x99: {  	s4 =	simm.s32 $_scs_section_size  }
0x9a: {  	s5 =	simm.s32 $_size__tile_overlayer_lowered;
	s6 =	simm.s32 $_tile_overlayer_lowered  }
0x9b: {  	s7 =	simm.s32 $0x1BFF;
	s21 =	sshll.u32 s6, $0x1;
	s4 =	sadd.s32 s4, s20  }
0x9c: {  	s22 =	simm.s32 $0x0;
	s5 =	sshll.u32 s5, $0x1;
	s6 =	sadd.s32 s21, s4  }
0x9d: {  	[timem:s22], [sflag:s7] =	dma.local [hbm:s6], s5  }
0x9e: {  	_ =	swait.ge [sflag:s7], s5  }
0x9f: {  	s5 =	ssub.s32 $0x0, s5;
	[sflag:s7] =	ssyncset.done $0x0  }
0xa0: {  	[sflag:s7] =	ssyncadd.s32 s5;
	_ =	sdelay $0x1  }
0xa1: {  	s23 =	simm.s32 $0x1B8B  }
0xa2: {  	_ =	swait.ge [sflag:s23], $0x1  }
0xa3: {  	[sflag:s23] =	ssyncset.done $0x0  }
0xa4: {  	[sflag:s23] =	ssyncadd.s32 $0xFFFFFFFF  }
0xa5: {  	s5 =	sld [smem:$0x0]  }
0xa6: {  	s6 =	sand.u32 $0xFFFFFFFE, s1  }
0xa7: {  	p0 =	sne.s32 s1, s6  }
0xa8: {  	s6 =	sshll.u32 @p0 s6, $0xE  }
0xa9: {  	s6 =	sadd.s32 @p0 $0x11B8D, s6;
	s7 =	sshll.u32 @p0 s5, $0x11  }
0xaa: {  	s6 =	sor.u32 @p0 s7, s6  }
0xab: {  	[sflag:s6] =	ssyncadd.remote.s32 @p0 $0x1;
	_ =	sdelay $0x1  }
0xac: {  	s6 =	simm.s32 @p0 $0x1B8D  }
0xad: {  	_ =	swait.eq @p0 [sflag:s6], $0x1  }
0xae: {  	[sflag:s6] =	ssyncadd.s32 @p0 $0xFFFFFFFF  }
0xaf: {  	s7 =	sshll.u32 @!p0 s1, $0xE  }
0xb0: {  	s7 =	sor.u32 @!p0 $0x4000, s7;
	s6 =	simm.s32 @!p0 $0x1B8D  }
0xb1: {  	s5 =	sshll.u32 @!p0 s5, $0x11;
	s7 =	sadd.s32 @!p0 $0x11B8D, s7;
	_ =	swait.eq @!p0 [sflag:s6], $0x1  }
0xb2: {  	s5 =	sor.u32 @!p0 s5, s7;
	[sflag:s6] =	ssyncadd.s32 @!p0 $0xFFFFFFFF  }
0xb3: {  	s25 =	simm.s32 $0x1B8E;
	s24 =	sld [smem:$0x3FFE];
	[sflag:s5] =	ssyncadd.remote.s32 @!p0 $0x1  }
0xb4: {  	s26 =	simm.s32 $execute0_lowered;
	[smem:$0x3FD2] =	sst s25  }
0xb5: {  	s6 =	sshll.u32 s26, $0x1;
	_ =	strace $0x80000049;
	[dreg:$0x1] =	wrdreg $0xFFFFFFFF  }
0xb6: {  	s28 =	simm.s32 $_size_execute0_lowered;
	s4 =	sadd.s32 s4, s6;
	[dreg:$0x0] =	wrdreg $0x0  }
0xb7: {  	s6 =	sshll.u32 s28, $0x1;
	[dreg:$0x2] =	wrdreg s4  }
0xb8: {  	[dreg:$0x3] =	wrdreg s6  }
0xb9: {  	[dreg:$0x4] =	wrdreg $0xC0  }
0xba: {  	_ =	task [dreg:s22], $0x5FFFF  }
0xbb: {  	[dreg:$0x1] =	wrdreg $0xFFFFFFFF  }
0xbc: {  	[dreg:$0x0] =	wrdreg $0x60  }
0xbd: {  	[dreg:$0x2] =	wrdreg s24  }
0xbe: {  	[dreg:$0x3] =	wrdreg s18  }
0xbf: {  	[dreg:$0x4] =	wrdreg $0x0  }
0xc0: {  	[dreg:$0x5] =	wrdreg $0x9  }
0xc1: {  	_ =	task.clear_ibuf [dreg:s22], $0x6FFFF;
	_ =	strace $0x90000049  }
0xc2: {  	s29 =	simm.s32 $0x9;
	_ =	strace $0x8000004B  }
0xc3: {  	_ =	swait.ge [sflag:s29], $0x1  }
0xc4: {  	[sflag:s29] =	ssyncadd.s32 $0xFFFFFFFF  }
0xc5: {  	_ =	strace $0x9000004B  }
0xc6: {  	_ =	sfence  }
0xc7: {  	s30 =	sld [smem:$0x0];
	_ =	sdelay $0x2  }
0xc8: {  	s31 =	sshll.u32 s1, $0xD;
	s1 =	sshrl.u32 s1, $0x2  }
0xc9: {  	s4 =	sand.u32 $0x4000, s31;
	s1 =	sadd.s32 s1, s30  }
0xca: {  	s0 =	sor.u32 s4, s0;
	s1 =	sshll.u32 s1, $0x11  }
0xcb: {  	s0 =	sor.u32 s1, s0  }
0xcc: {  	s0 =	sadd.s32 $0x8F2B, s0  }
0xcd: {  	[sflag:s0] =	ssyncadd.remote.s32 $0x1  }
0xce: {  	_ =	sfence.sel $0xFFFF  }
0xcf: {  	[dreg:$0x0] =	wrdreg $0xFFFFFFFF;
	(pc) =	sbr.abs _section_cstart, $3  }
0xd0: {  	[dreg:$0x1] =	wrdreg $0xFFFFFFFF  }
0xd1: {  	_ =	task.clear_ibuf [dreg:s22], $0x2FFFF;
	_ =	strace $0x9FFFFFFF  }
0xd2: {  	(tm) =	ssettm $0x7FFFFFFF  }
0xd3: {  	_ =	shalt  }
tec
execute0_lowered:
.L_overlay_start_1:
0x0: {  	(tag) =	ssettag $0x1  }
0x1: {  	s0 =	rddreg [dreg:$0x0]  }
0x2: {  	s3 =	rddreg [dreg:$0x2]  }
0x3: {  	s10 =	stileid.u32;
	s1 =	srdreg.scid  }
0x4: {  	s4 =	simm.s32 $0x0;
	s28 =	simm.s32 $0x3;
	s29 =	simm.s32 $0xA200  }
0x5: {  	s30 =	simm.s32 $0x4;
	s31 =	simm.s32 $0xA280;
	s2 =	smul.u32 $0xA000, s10  }
0x6: {  	s1 =	sand.u32 $0x1, s1;
	[smem:$0x7FF] =	sst s4;
	s8 =	smul.u32 $0x28000, s10  }
0x7: {  	s5 =	sadd.s32 $0x37000, s0;
	s24 =	smul.u32 $0x2760, s10;
	s25 =	sshll.u32 s10, $0x6  }
0x8: {  	s6 =	smul.u32 $0xA0000, s1;
	_ =	strace $0x8000004A;
	s22 =	sshll.u32 s1, $0x4  }
0x9: {  	s23 =	ssub.s32 $0x2, s1;
	s1 =	smul.u32 $0x27600, s1;
	s14 =	sor.u32 $0x1C0D, s25  }
0xa: {  	s7 =	sshrl.u32 s2, $0x3;
	s9 =	sshrl.u32 s23, $0x1;
	s8 =	sshrl.u32 s8, $0x2  }
0xb: {  	s7 =	sadd.s32 s7, s0;
	s2 =	sadd.s32 s2, s6;
	s6 =	sor.u32 s10, s22  }
0xc: {  	s8 =	sadd.s32 s8, s3;
	s1 =	sadd.s32 s24, s1;
	s10 =	simm.s32 $0xA  }
0xd: {  	s2 =	sshrl.u32 s2, $0x3;
	s6 =	smul.u32 $0x2760, s6;
	s7 =	sadd.s32 $0x41000, s7  }
0xe: {  	s12 =	sadd.s32 $0x370, s1;
	s15 =	sadd.s32 $0x320, s1;
	s18 =	sadd.s32 $0x2D0, s1  }
0xf: {  	s20 =	sadd.s32 $0x280, s1;
	s21 =	sadd.s32 $0x230, s1;
	s0 =	sadd.s32 s2, s0  }
0x10: {  	s2 =	ssub.s32 s23, s9;
	[dreg:$0x9] =	wrdreg s7;
	s9 =	sshrl.u32 s15, $0x3  }
0x11: {  	s19 =	sshrl.u32 s18, $0x3;
	s23 =	sshrl.u32 s21, $0x3;
	s18 =	simm.s32 $0xD  }
0x12: {  	s21 =	simm.s32 $0xA080;
	s6 =	sshrl.u32 s6, $0x3;
	s17 =	sadd.s32 s9, s5  }
0x13: {  	s9 =	sshrl.u32 s20, $0x3;
	s0 =	sadd.s32 $0x91000, s0;
	[dreg:$0x5] =	wrdreg s17  }
0x14: {  	s24 =	sadd.s32 s23, s5;
	s25 =	smax.u32 s2, $0x1;
	[dreg:$0x10] =	wrdreg s0  }
0x15: {  	s20 =	simm.s32 $0xA000;
	s23 =	simm.s32 $0x50;
	[dreg:$0x11] =	wrdreg s25  }
0x16: {  	s2 =	simm.s32 $0x6;
	s26 =	sadd.s32 s5, s6;
	[dreg:$0x8] =	wrdreg s24  }
0x17: {  	s22 =	sadd.s32 s9, s5;
	s17 =	sshrl.u32 s8, $0x3;
	[dreg:$0xa] =	wrdreg s26  }
0x18: {  	s24 =	simm.s32 $0xA100;
	s6 =	sadd.s32 $0xA, s26;
	[dreg:$0x7] =	wrdreg s22  }
0x19: {  	s25 =	simm.s32 $0x2;
	s11 =	sadd.s32 $0x14, s26;
	[dreg:$0xb] =	wrdreg s6  }
0x1a: {  	s0 =	simm.s32 $0x5;
	s13 =	sadd.s32 $0x1E, s26;
	[dreg:$0xc] =	wrdreg s11  }
0x1b: {  	s9 =	simm.s32 $0x9;
	s16 =	sadd.s32 $0x28, s26;
	[dreg:$0xd] =	wrdreg s13  }
0x1c: {  	s7 =	sadd.s32 $0x32, s26;
	s26 =	sadd.s32 $0x1E0, s1;
	[dreg:$0xe] =	wrdreg s16  }
0x1d: {  	s22 =	simm.s32 $0x1;
	s1 =	simm.s32 $0x7;
	[dreg:$0xf] =	wrdreg s7  }
0x1e: {  	s6 =	sshrl.u32 s12, $0x3;
	[dreg:$0x12] =	wrdreg s26;
	s26 =	simm.s32 $0xA180  }
0x1f: {  	s11 =	simm.s32 $0xB;
	s12 =	simm.s32 $0xC;
	s6 =	sadd.s32 s6, s5  }
0x20: {  	s13 =	simm.s32 $0x0;
	[dreg:$0x4] =	wrdreg s6;
	s6 =	sadd.s32 s19, s5  }
0x21: {  	s19 =	simm.s32 $0xA300;
	[dreg:$0x6] =	wrdreg s6;
	s6 =	simm.s32 $0x8  }
.LBB2_1:
0x22: {  	s7 =	rddreg [dreg:$0x9]  }
0x23: {  	[spmem:s17], [sflag:s14] =	dma.local [hbm:s7], $0x1400  }
0x24: {  	_ =	swait.ge [sflag:s18], $0x1400  }
0x25: {  	[sflag:s18] =	ssyncset.done $0x0  }
0x26: {  	[sflag:s18] =	ssyncadd.s32 $0xFFFFEC00  }
0x27: {  	s16 =	smov.u32 s14;
	s14 =	rddreg [dreg:$0x1]  }
0x28: {  	[tilespmem:s19], [sflag:$0xD] =	stream.linear.gather [hbm4b:s14+s4], $0x2800, $0x38;
	[tilespmem:$0xCB00] =	vst v63  }
0x29: {  	_ =	swait.ge [sflag:s18], $0x2800  }
0x2a: {  	[sflag:s18] =	ssyncset.done $0x0  }
0x2b: {  	[sflag:s18] =	ssyncadd.s32 $0xFFFFD800  }
0x2c: {  	[bflag:$0x0] =	sbarrier.arrive $0xFFFF  }
0x2d: {  	s15 =	rddreg [dreg:$0xa]  }
0x2e: {  	[tilespmem:s20], [sflag:$0x1] =	stream.linear.gather [hbm4b:s15+s4], $0x50, $0x38;
	[tilespmem:$0xCB00] =	vst v63  }
0x2f: {  	s8 =	rddreg [dreg:$0xb]  }
0x30: {  	[tilespmem:s21], [sflag:$0x2] =	stream.linear.gather [hbm4b:s8+s4], $0x50, $0x38;
	[tilespmem:$0xCB00] =	vst v63  }
0x31: {  	_ =	swait.ge [sflag:s22], $0x50  }
0x32: {  	[sflag:s22] =	ssyncset.done $0x0  }
0x33: {  	[sflag:s22] =	ssyncadd.s32 $0xFFFFFFB0  }
0x34: {  	[spmem:s3] =	stream.indirect.scatter.add.f32 [tilespmem:s19], [sflag:$0x7], $0x80, s20, s23, $0xb8;
	[tilespmem:$0xCB00] =	vst v63  }
0x35: {  	s14 =	rddreg [dreg:$0xc]  }
0x36: {  	[tilespmem:s24], [sflag:$0x3] =	stream.linear.gather [hbm4b:s14+s4], $0x50, $0x38;
	[tilespmem:$0xCB00] =	vst v63  }
0x37: {  	_ =	swait.ge [sflag:s25], $0x50  }
0x38: {  	[sflag:s25] =	ssyncset.done $0x0  }
0x39: {  	[sflag:s25] =	ssyncadd.s32 $0xFFFFFFB0  }
0x3a: {  	[spmem:s3] =	stream.indirect.scatter.add.f32 [tilespmem:s19], [sflag:$0x8], $0x80, s21, s23, $0xb8;
	[tilespmem:$0xCB00] =	vst v63  }
0x3b: {  	s15 =	rddreg [dreg:$0xd]  }
0x3c: {  	[tilespmem:s26], [sflag:$0x4] =	stream.linear.gather [hbm4b:s15+s4], $0x50, $0x38;
	[tilespmem:$0xCB00] =	vst v63  }
0x3d: {  	_ =	swait.ge [sflag:s28], $0x50  }
0x3e: {  	[sflag:s28] =	ssyncset.done $0x0  }
0x3f: {  	[sflag:s28] =	ssyncadd.s32 $0xFFFFFFB0  }
0x40: {  	[spmem:s3] =	stream.indirect.scatter.add.f32 [tilespmem:s19], [sflag:$0x9], $0x80, s24, s23, $0xb8;
	[tilespmem:$0xCB00] =	vst v63  }
0x41: {  	s8 =	rddreg [dreg:$0xe]  }
0x42: {  	[tilespmem:s29], [sflag:$0x5] =	stream.linear.gather [hbm4b:s8+s4], $0x50, $0x38;
	[tilespmem:$0xCB00] =	vst v63  }
0x43: {  	_ =	swait.ge [sflag:s30], $0x50  }
0x44: {  	[sflag:s30] =	ssyncset.done $0x0  }
0x45: {  	[sflag:s30] =	ssyncadd.s32 $0xFFFFFFB0  }
0x46: {  	[spmem:s3] =	stream.indirect.scatter.add.f32 [tilespmem:s19], [sflag:$0xA], $0x80, s26, s23, $0xb8;
	[tilespmem:$0xCB00] =	vst v63  }
0x47: {  	s14 =	rddreg [dreg:$0xf]  }
0x48: {  	[tilespmem:s31], [sflag:$0x6] =	stream.linear.gather [hbm4b:s14+s4], $0x50, $0x38;
	[tilespmem:$0xCB00] =	vst v63  }
0x49: {  	_ =	swait.ge [sflag:s0], $0x50  }
0x4a: {  	[sflag:s0] =	ssyncset.done $0x0  }
0x4b: {  	[sflag:s0] =	ssyncadd.s32 $0xFFFFFFB0  }
0x4c: {  	[spmem:s3] =	stream.indirect.scatter.add.f32 [tilespmem:s19], [sflag:$0xB], $0x80, s29, s23, $0xb8;
	[tilespmem:$0xCB00] =	vst v63  }
0x4d: {  	_ =	swait.ge [sflag:s1], $0x2800  }
0x4e: {  	s7 =	rddreg [dreg:$0x12]  }
0x4f: {  	[sflag:s1] =	ssyncset.done $0x0;
	s8 =	sshrl.u32 s7, $0x3  }
0x50: {  	[sflag:s1] =	ssyncadd.s32 $0xFFFFD800;
	s8 =	sadd.s32 s5, s8  }
0x51: {  	[tilespmem:s20], [sflag:$0x1] =	stream.linear.gather [hbm4b:s8+s4], $0x50, $0x38;
	[tilespmem:$0xCB00] =	vst v63  }
0x52: {  	_ =	swait.ge [sflag:s2], $0x50  }
0x53: {  	[sflag:s2] =	ssyncset.done $0x0  }
0x54: {  	[sflag:s2] =	ssyncadd.s32 $0xFFFFFFB0  }
0x55: {  	[spmem:s3] =	stream.indirect.scatter.add.f32 [tilespmem:s19], [sflag:$0xC], $0x80, s31, s23, $0xb8;
	[tilespmem:$0xCB00] =	vst v63  }
0x56: {  	_ =	swait.ge [sflag:s6], $0x2800  }
0x57: {  	s15 =	rddreg [dreg:$0x8];
	[sflag:s6] =	ssyncset.done $0x0  }
0x58: {  	[sflag:s6] =	ssyncadd.s32 $0xFFFFD800;
	s8 =	sadd.s32 $0x0, s15  }
0x59: {  	[tilespmem:s21], [sflag:$0x2] =	stream.linear.gather [hbm4b:s8+s4], $0x50, $0x38;
	[tilespmem:$0xCB00] =	vst v63  }
0x5a: {  	_ =	swait.ge [sflag:s22], $0x50  }
0x5b: {  	[sflag:s22] =	ssyncset.done $0x0  }
0x5c: {  	[sflag:s22] =	ssyncadd.s32 $0xFFFFFFB0  }
0x5d: {  	[spmem:s3] =	stream.indirect.scatter.add.f32 [tilespmem:s19], [sflag:$0x7], $0x80, s20, s23, $0xb8;
	[tilespmem:$0xCB00] =	vst v63  }
0x5e: {  	_ =	swait.ge [sflag:s9], $0x2800  }
0x5f: {  	s14 =	rddreg [dreg:$0x7];
	[sflag:s9] =	ssyncset.done $0x0  }
0x60: {  	[sflag:s9] =	ssyncadd.s32 $0xFFFFD800;
	s8 =	sadd.s32 $0x0, s14  }
0x61: {  	[tilespmem:s24], [sflag:$0x3] =	stream.linear.gather [hbm4b:s8+s4], $0x50, $0x38;
	[tilespmem:$0xCB00] =	vst v63  }
0x62: {  	_ =	swait.ge [sflag:s25], $0x50  }
0x63: {  	[sflag:s25] =	ssyncset.done $0x0  }
0x64: {  	[sflag:s25] =	ssyncadd.s32 $0xFFFFFFB0  }
0x65: {  	[spmem:s3] =	stream.indirect.scatter.add.f32 [tilespmem:s19], [sflag:$0x8], $0x80, s21, s23, $0xb8;
	[tilespmem:$0xCB00] =	vst v63  }
0x66: {  	_ =	swait.ge [sflag:s10], $0x2800  }
0x67: {  	s15 =	rddreg [dreg:$0x6];
	[sflag:s10] =	ssyncset.done $0x0  }
0x68: {  	[sflag:s10] =	ssyncadd.s32 $0xFFFFD800;
	s8 =	sadd.s32 $0x0, s15  }
0x69: {  	[tilespmem:s26], [sflag:$0x4] =	stream.linear.gather [hbm4b:s8+s4], $0x50, $0x38;
	[tilespmem:$0xCB00] =	vst v63  }
0x6a: {  	_ =	swait.ge [sflag:s28], $0x50  }
0x6b: {  	[sflag:s28] =	ssyncset.done $0x0  }
0x6c: {  	[sflag:s28] =	ssyncadd.s32 $0xFFFFFFB0  }
0x6d: {  	[spmem:s3] =	stream.indirect.scatter.add.f32 [tilespmem:s19], [sflag:$0x9], $0x80, s24, s23, $0xb8;
	[tilespmem:$0xCB00] =	vst v63  }
0x6e: {  	_ =	swait.ge [sflag:s11], $0x2800  }
0x6f: {  	s14 =	rddreg [dreg:$0x5];
	[sflag:s11] =	ssyncset.done $0x0  }
0x70: {  	[sflag:s11] =	ssyncadd.s32 $0xFFFFD800;
	s8 =	sadd.s32 $0x0, s14  }
0x71: {  	[tilespmem:s29], [sflag:$0x5] =	stream.linear.gather [hbm4b:s8+s4], $0x50, $0x38;
	[tilespmem:$0xCB00] =	vst v63  }
0x72: {  	_ =	swait.ge [sflag:s30], $0x50  }
0x73: {  	[sflag:s30] =	ssyncset.done $0x0  }
0x74: {  	[sflag:s30] =	ssyncadd.s32 $0xFFFFFFB0  }
0x75: {  	[spmem:s3] =	stream.indirect.scatter.add.f32 [tilespmem:s19], [sflag:$0xA], $0x80, s26, s23, $0xb8;
	[tilespmem:$0xCB00] =	vst v63  }
0x76: {  	_ =	swait.ge [sflag:s12], $0x2800  }
0x77: {  	s15 =	rddreg [dreg:$0x4];
	[sflag:s12] =	ssyncset.done $0x0  }
0x78: {  	[sflag:s12] =	ssyncadd.s32 $0xFFFFD800;
	s8 =	sadd.s32 $0x0, s15  }
0x79: {  	[tilespmem:s31], [sflag:$0x6] =	stream.linear.gather [hbm4b:s8+s4], $0x50, $0x38;
	[tilespmem:$0xCB00] =	vst v63  }
0x7a: {  	_ =	swait.ge [sflag:s0], $0x50  }
0x7b: {  	[sflag:s0] =	ssyncset.done $0x0  }
0x7c: {  	s14 =	simm.s32 $0x3C;
	s15 =	sadd.s32 $0x1E0, s7;
	[sflag:s0] =	ssyncadd.s32 $0xFFFFFFB0  }
.LBB2_2:
0x7d: {  	[spmem:s3] =	stream.indirect.scatter.add.f32 [tilespmem:s19], [sflag:$0xB], $0x80, s29, s23, $0xb8;
	[tilespmem:$0xCB00] =	vst v63  }
0x7e: {  	_ =	swait.ge [sflag:s1], $0x2800  }
0x7f: {  	s7 =	sshrl.u32 s15, $0x3;
	[sflag:s1] =	ssyncset.done $0x0  }
0x80: {  	s7 =	sadd.s32 s5, s7;
	[sflag:s1] =	ssyncadd.s32 $0xFFFFD800  }
0x81: {  	[tilespmem:s20], [sflag:$0x1] =	stream.linear.gather [hbm4b:s7+s4], $0x50, $0x38;
	[tilespmem:$0xCB00] =	vst v63  }
0x82: {  	_ =	swait.ge [sflag:s2], $0x50  }
0x83: {  	[sflag:s2] =	ssyncset.done $0x0  }
0x84: {  	[sflag:s2] =	ssyncadd.s32 $0xFFFFFFB0  }
0x85: {  	[spmem:s3] =	stream.indirect.scatter.add.f32 [tilespmem:s19], [sflag:$0xC], $0x80, s31, s23, $0xb8;
	[tilespmem:$0xCB00] =	vst v63  }
0x86: {  	_ =	swait.ge [sflag:s6], $0x2800  }
0x87: {  	s8 =	smov.u32 s14;
	s7 =	rddreg [dreg:$0x8];
	[sflag:s6] =	ssyncset.done $0x0  }
0x88: {  	[sflag:s6] =	ssyncadd.s32 $0xFFFFD800;
	s7 =	sadd.s32 s8, s7  }
0x89: {  	[tilespmem:s21], [sflag:$0x2] =	stream.linear.gather [hbm4b:s7+s4], $0x50, $0x38;
	[tilespmem:$0xCB00] =	vst v63  }
0x8a: {  	_ =	swait.ge [sflag:s22], $0x50  }
0x8b: {  	[sflag:s22] =	ssyncset.done $0x0  }
0x8c: {  	[sflag:s22] =	ssyncadd.s32 $0xFFFFFFB0  }
0x8d: {  	[spmem:s3] =	stream.indirect.scatter.add.f32 [tilespmem:s19], [sflag:$0x7], $0x80, s20, s23, $0xb8;
	[tilespmem:$0xCB00] =	vst v63  }
0x8e: {  	_ =	swait.ge [sflag:s9], $0x2800  }
0x8f: {  	s7 =	rddreg [dreg:$0x7];
	[sflag:s9] =	ssyncset.done $0x0  }
0x90: {  	[sflag:s9] =	ssyncadd.s32 $0xFFFFD800;
	s7 =	sadd.s32 s8, s7  }
0x91: {  	[tilespmem:s24], [sflag:$0x3] =	stream.linear.gather [hbm4b:s7+s4], $0x50, $0x38;
	[tilespmem:$0xCB00] =	vst v63  }
0x92: {  	_ =	swait.ge [sflag:s25], $0x50  }
0x93: {  	[sflag:s25] =	ssyncset.done $0x0  }
0x94: {  	[sflag:s25] =	ssyncadd.s32 $0xFFFFFFB0  }
0x95: {  	[spmem:s3] =	stream.indirect.scatter.add.f32 [tilespmem:s19], [sflag:$0x8], $0x80, s21, s23, $0xb8;
	[tilespmem:$0xCB00] =	vst v63  }
0x96: {  	_ =	swait.ge [sflag:s10], $0x2800  }
0x97: {  	s7 =	rddreg [dreg:$0x6];
	[sflag:s10] =	ssyncset.done $0x0  }
0x98: {  	[sflag:s10] =	ssyncadd.s32 $0xFFFFD800;
	s7 =	sadd.s32 s8, s7  }
0x99: {  	[tilespmem:s26], [sflag:$0x4] =	stream.linear.gather [hbm4b:s7+s4], $0x50, $0x38;
	[tilespmem:$0xCB00] =	vst v63  }
0x9a: {  	_ =	swait.ge [sflag:s28], $0x50  }
0x9b: {  	[sflag:s28] =	ssyncset.done $0x0  }
0x9c: {  	[sflag:s28] =	ssyncadd.s32 $0xFFFFFFB0  }
0x9d: {  	[spmem:s3] =	stream.indirect.scatter.add.f32 [tilespmem:s19], [sflag:$0x9], $0x80, s24, s23, $0xb8;
	[tilespmem:$0xCB00] =	vst v63  }
0x9e: {  	_ =	swait.ge [sflag:s11], $0x2800  }
0x9f: {  	s7 =	rddreg [dreg:$0x5];
	[sflag:s11] =	ssyncset.done $0x0  }
0xa0: {  	[sflag:s11] =	ssyncadd.s32 $0xFFFFD800;
	s7 =	sadd.s32 s8, s7  }
0xa1: {  	[tilespmem:s29], [sflag:$0x5] =	stream.linear.gather [hbm4b:s7+s4], $0x50, $0x38;
	[tilespmem:$0xCB00] =	vst v63  }
0xa2: {  	_ =	swait.ge [sflag:s30], $0x50  }
0xa3: {  	[sflag:s30] =	ssyncset.done $0x0  }
0xa4: {  	[sflag:s30] =	ssyncadd.s32 $0xFFFFFFB0  }
0xa5: {  	[spmem:s3] =	stream.indirect.scatter.add.f32 [tilespmem:s19], [sflag:$0xA], $0x80, s26, s23, $0xb8;
	[tilespmem:$0xCB00] =	vst v63  }
0xa6: {  	_ =	swait.ge [sflag:s12], $0x2800  }
0xa7: {  	p0 =	sne.s32 s14, $0x474;
	s7 =	rddreg [dreg:$0x4];
	[sflag:s12] =	ssyncset.done $0x0  }
.Ltmp0:
0xa8: {  	[sflag:s12] =	ssyncadd.s32 $0xFFFFD800;
	s7 =	sadd.s32 s8, s7;
	(pc) =	sbr.rel @p0 .LBB2_2-.Ltmp0, $4  }
0xa9: {  	[tilespmem:s31], [sflag:$0x6] =	stream.linear.gather [hbm4b:s7+s4], $0x50, $0x38;
	[tilespmem:$0xCB00] =	vst v63  }
0xaa: {  	_ =	swait.ge [sflag:s0], $0x50  }
0xab: {  	[sflag:s0] =	ssyncset.done $0x0  }
0xac: {  	s14 =	sadd.s32 $0x3C, s14;
	s15 =	sadd.s32 $0x1E0, s15;
	[sflag:s0] =	ssyncadd.s32 $0xFFFFFFB0  }
0xad: {  	[spmem:s3] =	stream.indirect.scatter.add.f32 [tilespmem:s19], [sflag:$0xB], $0x80, s29, s23, $0xb8;
	[tilespmem:$0xCB00] =	vst v63  }
0xae: {  	_ =	swait.ge [sflag:s2], $0x50  }
0xaf: {  	[sflag:s2] =	ssyncset.done $0x0  }
0xb0: {  	[sflag:s2] =	ssyncadd.s32 $0xFFFFFFB0  }
0xb1: {  	[spmem:s3] =	stream.indirect.scatter.add.f32 [tilespmem:s19], [sflag:$0xC], $0x80, s31, s23, $0xb8;
	[tilespmem:$0xCB00] =	vst v63  }
0xb2: {  	_ =	swait.ge [sflag:s1], $0x2800  }
0xb3: {  	[sflag:s1] =	ssyncset.done $0x0  }
0xb4: {  	[sflag:s1] =	ssyncadd.s32 $0xFFFFD800  }
0xb5: {  	_ =	swait.ge [sflag:s6], $0x2800  }
0xb6: {  	[sflag:s6] =	ssyncset.done $0x0  }
0xb7: {  	[sflag:s6] =	ssyncadd.s32 $0xFFFFD800  }
0xb8: {  	_ =	swait.ge [sflag:s9], $0x2800  }
0xb9: {  	[sflag:s9] =	ssyncset.done $0x0  }
0xba: {  	[sflag:s9] =	ssyncadd.s32 $0xFFFFD800  }
0xbb: {  	_ =	swait.ge [sflag:s10], $0x2800  }
0xbc: {  	[sflag:s10] =	ssyncset.done $0x0  }
0xbd: {  	[sflag:s10] =	ssyncadd.s32 $0xFFFFD800  }
0xbe: {  	_ =	swait.ge [sflag:s11], $0x2800  }
0xbf: {  	[sflag:s11] =	ssyncset.done $0x0  }
0xc0: {  	[sflag:s11] =	ssyncadd.s32 $0xFFFFD800  }
0xc1: {  	_ =	swait.ge [sflag:s12], $0x2800  }
0xc2: {  	[sflag:s12] =	ssyncset.done $0x0  }
0xc3: {  	[sflag:s12] =	ssyncadd.s32 $0xFFFFD800  }
0xc4: {  	[bflag:$0x0] =	sbarrier.arrive $0xFFFF  }
0xc5: {  	s7 =	rddreg [dreg:$0x10]  }
0xc6: {  	[hbm:s7], [sflag:s16] =	dma.local [spmem:s17], $0x1400  }
0xc7: {  	_ =	swait.ge [sflag:s18], $0x1400  }
0xc8: {  	s14 =	smov.u32 s16;
	s13 =	sadd.s32 $0x1, s13;
	s16 =	rddreg [dreg:$0x11]  }
0xc9: {  	p0 =	sne.s32 s13, s16  }
.Ltmp1:
0xca: {  	_ = 	snop;
	(pc) =	sbr.rel @p0 .LBB2_1-.Ltmp1, $3  }
0xcb: {  	_ =	sdelay $0x1  }
0xcc: {  	[sflag:s18] =	ssyncset.done $0x0  }
0xcd: {  	[sflag:s18] =	ssyncadd.s32 $0xFFFFEC00  }
0xce: {  	_ =	sfence.sel $0x180000  }
0xcf: {  	[bflag:$0x0] =	sbarrier.arrive $0xFFFF  }
0xd0: {  	_ =	strace $0x9000004A  }
0xd1: {  	s0 =	stileid.u32;
	[bflag:$0x2] =	sbarrier.arrive $0xFFFF  }
0xd2: {  	p0 =	sne.s32 s0, $0x0;
	s0 =	rddreg [dreg:$0x3]  }
0xd3: {  	s0 =	sadd.s32 @!p0 $0x100000, s0  }
0xd4: {  	[sflag:s0] =	ssyncadd.tile.s32 @!p0 $0x1;
	_ =	shalt  }
.Lfunc_end2:
_tile_overlayer_lowered:
.L_overlay_start_2:
0xd5: {  	(tag) =	ssettag $0x2  }
0xd6: {  	s0 =	rddreg [dreg:$0x0];
	s2 =	stileid.u32  }
0xd7: {  	s1 =	rddreg [dreg:$0x1];
	p0 =	sne.s32 s2, $0x0  }
0xd8: {  	s3 =	rddreg [dreg:$0x2];
	[bflag:$0x3] =	sbarrier.arrive $0xFFFF;
	s2 =	simm.s32 @!p0 $0x1C0D  }
0xd9: {  	[timem:s3], [sflag:s2] =	dma.local @!p0 [hbm:s0], s1  }
0xda: {  	s0 =	simm.s32 @!p0 $0xD  }
0xdb: {  	_ =	swait.ge @!p0 [sflag:s0], s1  }
0xdc: {  	s1 =	ssub.s32 @!p0 $0x0, s1;
	[sflag:s0] =	ssyncset.done @!p0 $0x0  }
0xdd: {  	[sflag:s0] =	ssyncadd.s32 @!p0 s1  }
0xde: {  	[bflag:$0x3] =	sbarrier.arrive $0xFFFF  }
0xdf: {  	_ =	shalt  }

// kernel: kernel.15.cloned.1.call-start
scs
__scs_entry_jumppad:
0x0: {  	(pc) =	sbr.rel $0x88, $3  }
0x1: {  	(tag) =	ssettag $0x0;
	lr =	simm.s32 $0x1  }
0x2: {  	[smem:$0x3F90] =	sst lr;
	_ =	strace $0xD0000000  }
0x3: {  	_ = 	snop  }
0x4: {  	_ = 	snop  }
0x5: {  	_ = 	snop  }
0x6: {  	_ = 	snop  }
0x7: {  	_ = 	snop  }
__scs_overlays_trampoline_lowered:
0x8: {  	[smem:$0x3F9F] =	sst s0  }
0x9: {  	[smem:$0x3FA0] =	sst s1  }
0xa: {  	[smem:$0x3FA1] =	sst s2  }
0xb: {  	[smem:$0x3FA2] =	sst s3  }
0xc: {  	[smem:$0x3FA3] =	sst s4  }
0xd: {  	[smem:$0x3FA4] =	sst s5  }
0xe: {  	[smem:$0x3FA5] =	sst s6  }
0xf: {  	[smem:$0x3FA6] =	sst s7  }
0x10: {  	[smem:$0x3FA7] =	sst s8  }
0x11: {  	[smem:$0x3FA8] =	sst s9;
	s0 =	simm.s32 @!p0 $0x0  }
0x12: {  	s1 =	sld [smem:$0x3F8E];
	s0 =	simm.s32 @p0 $0x1  }
0x13: {  	[smem:$0x3FA9] =	sst s0;
	s0 =	simm.s32 @!p1 $0x0  }
0x14: {  	s2 =	sld [smem:$0x3F8D];
	s0 =	simm.s32 @p1 $0x1  }
0x15: {  	[smem:$0x3FAA] =	sst s0;
	s0 =	simm.s32 @!p2 $0x0  }
0x16: {  	s3 =	sld [smem:$0x3FDB];
	s0 =	simm.s32 @p2 $0x1  }
0x17: {  	s4 =	simm.s32 $0x1BF5;
	[smem:$0x3FAC] =	sst s0  }
0x18: {  	s0 =	sld [smem:$0x3F8F];
	_ =	swait.ge [sflag:s4], $0x0  }
0x19: {  	s7 =	sld [smem:$0x3F90]  }
0x1a: {  	s8 =	sadd.s32 $0xFFFFE003, lr  }
0x1b: {  	s9 =	sadd.s32 $0xFFFFFEF7, lr;
	s5 =	simm.s32 $0xFFFFFFFF;
	p2 =	slt.u32 s8, $0xFFFFF086  }
0x1c: {  	p1 =	slt.u32 s9, $0xF7A;
	s5 =	simm.s32 @!p2 $0x0  }
0x1d: {  	s5 =	simm.s32 @p1 $0x1;
	p0 =	seq.s32 s7, s2  }
0x1e: {  	s7 =	smul.u32 @!p0 $0xF7A, s2;
	p2 =	seq.s32 @!p0 s5, $0x0  }
0x1f: {  	s9 =	smul.u32 $0xF7A, s1;
	s8 =	simm.s32 @!p0 $0x1BF5;
	p2 =	por !p2, p0  }
0x20: {  	[sflag:s8] =	ssyncset.s32 @!p0 $0xFFFFF086;
	s6 =	sadd.s32 @!p0 s3, s7;
	s7 =	simm.s32 @!p0 $0x108  }
0x21: {  	s3 =	sadd.s32 s3, s9;
	s6 =	sadd.s32 @!p0 $0x88, s6;
	s7 =	simm.s32 @p2 $0x1082  }
0x22: {  	[simem:s7], [sflag:s8] =	dma.local @!p0 [hbm:s6], $0xF7A  }
0x23: {  	s9 =	sor.u32 $0xD0000000, s2;
	s6 =	simm.s32 $0x108;
	_ =	swait.ge @!p0 [sflag:s8], $0x0  }
0x24: {  	s3 =	sadd.s32 $0x88, s3;
	s6 =	simm.s32 @!p1 $0x1082;
	[sflag:s4] =	ssyncset.s32 $0xFFFFF086  }
0x25: {  	[simem:s6], [sflag:s4] =	dma.local [hbm:s3], $0xF7A  }
0x26: {  	[smem:$0x3F90] =	sst s1;
	(tag) =	ssettag s2;
	_ =	strace s9  }
0x27: {  	s1 =	sld [smem:$0x3FA0]  }
0x28: {  	s2 =	sld [smem:$0x3FA1]  }
0x29: {  	s4 =	sld [smem:$0x3FA3]  }
0x2a: {  	p0 =	seq.s32 s5, $0x0;
	s5 =	sld [smem:$0x3FA4]  }
0x2b: {  	s6 =	sld [smem:$0x3FA5]  }
0x2c: {  	s7 =	sld [smem:$0x3FA6]  }
0x2d: {  	s3 =	simm.s32 $0x108;
	s8 =	sld [smem:$0x3FA7]  }
0x2e: {  	s3 =	simm.s32 @!p0 $0x1082;
	s9 =	sld [smem:$0x3FA8]  }
0x2f: {  	lr =	sadd.s32 s0, s3;
	s0 =	sld [smem:$0x3F9F]  }
0x30: {  	s3 =	sld [smem:$0x3FA2]  }
0x31: {  	[smem:$0x3FAB] =	sst s10  }
0x32: {  	s10 =	sld [smem:$0x3FA9];
	_ =	sdelay $0x3  }
0x33: {  	p0 =	seq.s32 s10, $0x1;
	s10 =	sld [smem:$0x3FAB];
	_ =	sdelay $0x3  }
0x34: {  	[smem:$0x3FAB] =	sst s10  }
0x35: {  	s10 =	sld [smem:$0x3FAA];
	_ =	sdelay $0x3  }
0x36: {  	p1 =	seq.s32 s10, $0x1;
	s10 =	sld [smem:$0x3FAB];
	_ =	sdelay $0x3  }
0x37: {  	[smem:$0x3FAB] =	sst s10  }
0x38: {  	s10 =	sld [smem:$0x3FAC]  }
0x39: {  	_ = 	snop;
	(pc) =	sbr.ind lr, $3  }
0x3a: {  	_ = 	snop  }
0x3b: {  	_ = 	snop  }
0x3c: {  	p2 =	seq.s32 s10, $0x1;
	s10 =	sld [smem:$0x3FAB]  }
0x3d: {  	_ =	shalt  }
0x3e: {  	_ =	shalt  }
0x3f: {  	_ =	shalt  }
0x40: {  	_ =	shalt  }
0x41: {  	_ =	shalt  }
0x42: {  	_ =	shalt  }
0x43: {  	_ =	shalt  }
0x44: {  	_ =	shalt  }
0x45: {  	_ =	shalt  }
0x46: {  	_ =	shalt  }
0x47: {  	_ =	shalt  }
0x48: {  	_ =	shalt  }
0x49: {  	_ =	shalt  }
0x4a: {  	_ =	shalt  }
0x4b: {  	_ =	shalt  }
0x4c: {  	_ =	shalt  }
0x4d: {  	_ =	shalt  }
0x4e: {  	_ =	shalt  }
0x4f: {  	_ =	shalt  }
0x50: {  	_ =	shalt  }
0x51: {  	_ =	shalt  }
0x52: {  	_ =	shalt  }
0x53: {  	_ =	shalt  }
0x54: {  	_ =	shalt  }
0x55: {  	_ =	shalt  }
0x56: {  	_ =	shalt  }
0x57: {  	_ =	shalt  }
0x58: {  	_ =	shalt  }
0x59: {  	_ =	shalt  }
0x5a: {  	_ =	shalt  }
0x5b: {  	_ =	shalt  }
0x5c: {  	_ =	shalt  }
0x5d: {  	_ =	shalt  }
0x5e: {  	_ =	shalt  }
0x5f: {  	_ =	shalt  }
0x60: {  	_ =	shalt  }
0x61: {  	_ =	shalt  }
0x62: {  	_ =	shalt  }
0x63: {  	_ =	shalt  }
0x64: {  	_ =	shalt  }
0x65: {  	_ =	shalt  }
0x66: {  	_ =	shalt  }
0x67: {  	_ =	shalt  }
0x68: {  	_ =	shalt  }
0x69: {  	_ =	shalt  }
0x6a: {  	_ =	shalt  }
0x6b: {  	_ =	shalt  }
0x6c: {  	_ =	shalt  }
0x6d: {  	_ =	shalt  }
0x6e: {  	_ =	shalt  }
0x6f: {  	_ =	shalt  }
0x70: {  	_ =	shalt  }
0x71: {  	_ =	shalt  }
0x72: {  	_ =	shalt  }
0x73: {  	_ =	shalt  }
0x74: {  	_ =	shalt  }
0x75: {  	_ =	shalt  }
0x76: {  	_ =	shalt  }
0x77: {  	_ =	shalt  }
0x78: {  	_ =	shalt  }
0x79: {  	_ =	shalt  }
0x7a: {  	_ =	shalt  }
0x7b: {  	_ =	shalt  }
0x7c: {  	_ =	shalt  }
0x7d: {  	_ =	shalt  }
0x7e: {  	_ =	shalt  }
0x7f: {  	_ =	shalt  }
0x80: {  	_ =	shalt  }
0x81: {  	_ =	shalt  }
0x82: {  	_ =	shalt  }
0x83: {  	_ =	shalt  }
0x84: {  	_ =	shalt  }
0x85: {  	_ =	shalt  }
0x86: {  	_ =	shalt  }
0x87: {  	_ =	shalt  }
.Lfunc_end0:
.L_simem_size_0:
called_computation.1_lowered:
.L_overlay_start_0:
0x88: {  	s2 =	sld [smem:$0x3FD9]  }
0x89: {  	s3 =	sld [smem:$0x3FFE];
	_ =	sdelay $0x1  }
0x8a: {  	s1 =	srdreg.scid  }
0x8b: {  	s0 =	sand.u32 $0x1, s1  }
0x8c: {  	s16 =	sshll.u32 s0, $0xA;
	s2 =	sadd.s32 s3, s2  }
0x8d: {  	s2 =	sadd.s32 s2, s16  }
0x8e: {  	[smem:$0x3FB7] =	sst s2  }
0x8f: {  	_ = 	snop  }
0x90: {  	(tm) =	ssettm $0x1  }
0x91: {  	s17 =	sld [smem:$0x3FFB];
	_ =	sdelay $0x3  }
0x92: {  	_ =	strace s17  }
0x93: {  	s2 =	sld [smem:$0x3FFC];
	_ =	sdelay $0x3  }
0x94: {  	_ =	strace s2  }
0x95: {  	s2 =	sld [smem:$0x3FFD];
	_ =	sdelay $0x3  }
0x96: {  	_ =	strace s2  }
0x97: {  	_ =	strace $0x8FFFFFFF  }
0x98: {  	s18 =	sld [smem:$0x3FDB];
	_ =	sdelay $0x1  }
0x99: {  	s19 =	simm.s32 $_scs_section_size  }
0x9a: {  	s4 =	simm.s32 $_size__tile_overlayer_lowered;
	s5 =	simm.s32 $_tile_overlayer_lowered  }
0x9b: {  	s22 =	simm.s32 $0x1BFF;
	s21 =	sshll.u32 s5, $0x1;
	s2 =	sadd.s32 s19, s18  }
0x9c: {  	s6 =	simm.s32 $0x0;
	s20 =	sshll.u32 s4, $0x1;
	s4 =	sadd.s32 s21, s2  }
0x9d: {  	[timem:s6], [sflag:s22] =	dma.local [hbm:s4], s20  }
0x9e: {  	_ =	swait.ge [sflag:s22], s20  }
0x9f: {  	s3 =	ssub.s32 $0x0, s20;
	[sflag:s22] =	ssyncset.done $0x0  }
0xa0: {  	[sflag:s22] =	ssyncadd.s32 s3;
	_ =	sdelay $0x1  }
0xa1: {  	s23 =	simm.s32 $0x1B8B  }
0xa2: {  	_ =	swait.ge [sflag:s23], $0x1  }
0xa3: {  	[sflag:s23] =	ssyncset.done $0x0  }
0xa4: {  	s25 =	simm.s32 $0x1B8E;
	s24 =	sld [smem:$0x3FFE];
	[sflag:s23] =	ssyncadd.s32 $0xFFFFFFFF  }
0xa5: {  	s26 =	simm.s32 $execute0_lowered;
	[smem:$0x3FD2] =	sst s25  }
0xa6: {  	s4 =	sshll.u32 s26, $0x1;
	_ =	strace $0x80000046;
	[dreg:$0x1] =	wrdreg $0xFFFFFFFF  }
0xa7: {  	s28 =	simm.s32 $_size_execute0_lowered;
	s2 =	sadd.s32 s2, s4;
	[dreg:$0x0] =	wrdreg $0x0  }
0xa8: {  	s4 =	sshll.u32 s28, $0x1;
	[dreg:$0x2] =	wrdreg s2  }
0xa9: {  	[dreg:$0x3] =	wrdreg s4  }
0xaa: {  	[dreg:$0x4] =	wrdreg $0xC0  }
0xab: {  	_ =	task [dreg:s6], $0x5FFFF  }
0xac: {  	[dreg:$0x1] =	wrdreg $0xFFFFFFFF  }
0xad: {  	[dreg:$0x0] =	wrdreg $0x60  }
0xae: {  	[dreg:$0x2] =	wrdreg s24  }
0xaf: {  	[dreg:$0x3] =	wrdreg $0x0  }
0xb0: {  	[dreg:$0x4] =	wrdreg $0xA  }
0xb1: {  	_ =	task.clear_ibuf [dreg:s6], $0x5FFFF;
	_ =	strace $0x90000046  }
0xb2: {  	s29 =	simm.s32 $0xA;
	_ =	strace $0x80000048  }
0xb3: {  	_ =	swait.ge [sflag:s29], $0x1  }
0xb4: {  	[sflag:s29] =	ssyncadd.s32 $0xFFFFFFFF  }
0xb5: {  	_ =	strace $0x90000048  }
0xb6: {  	_ =	sfence  }
0xb7: {  	s30 =	sld [smem:$0x0];
	_ =	sdelay $0x2  }
0xb8: {  	s31 =	sshll.u32 s1, $0xD;
	s1 =	sshrl.u32 s1, $0x2  }
0xb9: {  	s3 =	sand.u32 $0x4000, s31;
	s1 =	sadd.s32 s1, s30  }
0xba: {  	s0 =	sor.u32 s3, s0;
	s1 =	sshll.u32 s1, $0x11  }
0xbb: {  	s0 =	sor.u32 s1, s0  }
0xbc: {  	s0 =	sadd.s32 $0x8F2B, s0  }
0xbd: {  	[sflag:s0] =	ssyncadd.remote.s32 $0x1  }
0xbe: {  	_ =	sfence.sel $0xFFFF  }
0xbf: {  	[dreg:$0x0] =	wrdreg $0xFFFFFFFF;
	(pc) =	sbr.abs _section_cstart, $3  }
0xc0: {  	[dreg:$0x1] =	wrdreg $0xFFFFFFFF  }
0xc1: {  	_ =	task.clear_ibuf [dreg:s6], $0x2FFFF;
	_ =	strace $0x9FFFFFFF  }
0xc2: {  	(tm) =	ssettm $0x7FFFFFFF  }
0xc3: {  	_ =	shalt  }
tec
execute0_lowered:
.L_overlay_start_1:
0x0: {  	(tag) =	ssettag $0x1  }
0x1: {  	s0 =	rddreg [dreg:$0x0]  }
0x2: {  	s2 =	rddreg [dreg:$0x1]  }
0x3: {  	s10 =	stileid.u32;
	s1 =	srdreg.scid  }
0x4: {  	s3 =	simm.s32 $0x0;
	s31 =	simm.s32 $0x2;
	s30 =	simm.s32 $0xCE00  }
0x5: {  	s29 =	simm.s32 $0x7;
	s5 =	smul.u32 $0xA000, s10;
	s1 =	sand.u32 $0x1, s1  }
0x6: {  	[smem:$0x7FF] =	sst s3;
	s4 =	sadd.s32 $0x5000, s0;
	s21 =	sadd.s32 $0x2D000, s0  }
0x7: {  	s28 =	sadd.s32 $0x37000, s0;
	s23 =	smul.u32 $0x28000, s10;
	s26 =	sshll.u32 s10, $0x6  }
0x8: {  	s6 =	smul.u32 $0xA0000, s1;
	_ =	strace $0x80000047;
	s24 =	ssub.s32 $0x2, s1  }
0x9: {  	s8 =	sshll.u32 s1, $0x4;
	s1 =	smul.u32 $0x27600, s1;
	s14 =	sor.u32 $0x1C13, s26  }
0xa: {  	[dreg:$0xd] =	wrdreg s28;
	s7 =	sshrl.u32 s5, $0x3;
	s9 =	sshrl.u32 s24, $0x1  }
0xb: {  	s8 =	sor.u32 s10, s8;
	[dreg:$0x10] =	wrdreg s14;
	s5 =	sadd.s32 s5, s6  }
0xc: {  	s22 =	sadd.s32 s7, s0;
	s7 =	sshrl.u32 s23, $0x2;
	s25 =	smul.u32 $0x2760, s8  }
0xd: {  	s5 =	sshrl.u32 s5, $0x3;
	s7 =	sadd.s32 s7, s2;
	s6 =	sadd.s32 $0x41000, s22  }
0xe: {  	s2 =	smul.u32 $0x2760, s10;
	s0 =	sadd.s32 s5, s0;
	[dreg:$0xe] =	wrdreg s7  }
0xf: {  	s5 =	ssub.s32 s24, s9;
	[dreg:$0xf] =	wrdreg s6;
	s6 =	sshrl.u32 s25, $0x3  }
0x10: {  	s10 =	sadd.s32 s21, s6;
	s11 =	sadd.s32 s28, s6;
	s12 =	sadd.s32 $0xA, s6  }
0x11: {  	s15 =	sadd.s32 $0x14, s6;
	s1 =	sadd.s32 s2, s1;
	[dreg:$0x11] =	wrdreg s10  }
0x12: {  	s20 =	sadd.s32 $0x1E, s6;
	s0 =	sadd.s32 $0x69000, s0;
	[dreg:$0x12] =	wrdreg s11  }
0x13: {  	s5 =	smax.u32 s5, $0x1;
	s13 =	sadd.s32 s21, s12;
	[dreg:$0x1d] =	wrdreg s0  }
0x14: {  	s16 =	sadd.s32 s28, s12;
	s17 =	sadd.s32 s21, s15;
	[dreg:$0x1e] =	wrdreg s5  }
0x15: {  	s18 =	sadd.s32 $0x370, s1;
	s19 =	sadd.s32 s28, s15;
	[dreg:$0x13] =	wrdreg s13  }
0x16: {  	s22 =	sadd.s32 s21, s20;
	s24 =	sadd.s32 $0x320, s1;
	[dreg:$0x14] =	wrdreg s16  }
0x17: {  	s2 =	sadd.s32 $0x2D0, s1;
	s15 =	sadd.s32 $0x280, s1;
	[dreg:$0x15] =	wrdreg s17  }
0x18: {  	s8 =	sadd.s32 s28, s20;
	s20 =	sadd.s32 $0x230, s1;
	[dreg:$0x16] =	wrdreg s19  }
0x19: {  	s10 =	simm.s32 $0x1;
	s7 =	sshrl.u32 s18, $0x3;
	[dreg:$0x17] =	wrdreg s22  }
0x1a: {  	s0 =	simm.s32 $0x50;
	[dreg:$0x18] =	wrdreg s8;
	s23 =	sadd.s32 s7, s28  }
0x1b: {  	s25 =	sshrl.u32 s24, $0x3;
	s7 =	sadd.s32 s7, s21;
	[dreg:$0x3] =	wrdreg s23  }
0x1c: {  	s5 =	simm.s32 $0xA;
	s26 =	sadd.s32 s25, s28;
	[dreg:$0x4] =	wrdreg s7  }
0x1d: {  	s12 =	sshrl.u32 s2, $0x3;
	s11 =	sadd.s32 s25, s21;
	[dreg:$0x5] =	wrdreg s26  }
0x1e: {  	s17 =	sshrl.u32 s15, $0x3;
	s13 =	sadd.s32 s12, s28;
	[dreg:$0x6] =	wrdreg s11  }
0x1f: {  	s19 =	sadd.s32 $0x28, s6;
	s16 =	sadd.s32 s12, s21;
	[dreg:$0x7] =	wrdreg s13  }
0x20: {  	s6 =	sadd.s32 $0x32, s6;
	s18 =	sadd.s32 s17, s28;
	[dreg:$0x8] =	wrdreg s16  }
0x21: {  	s15 =	simm.s32 $0x3;
	s22 =	sadd.s32 s21, s19;
	[dreg:$0x9] =	wrdreg s18  }
0x22: {  	s9 =	sadd.s32 s17, s21;
	s8 =	sadd.s32 s28, s19;
	[dreg:$0x19] =	wrdreg s22  }
0x23: {  	s24 =	sadd.s32 s21, s6;
	s6 =	sadd.s32 s28, s6;
	[dreg:$0xa] =	wrdreg s9  }
0x24: {  	s19 =	simm.s32 $0x13;
	s12 =	simm.s32 $0xA080;
	[dreg:$0x1a] =	wrdreg s8  }
0x25: {  	s17 =	simm.s32 $0xA380;
	s7 =	sshrl.u32 s20, $0x3;
	[dreg:$0x1b] =	wrdreg s24  }
0x26: {  	[dreg:$0x1c] =	wrdreg s6;
	s26 =	sadd.s32 $0x1E0, s1;
	s22 =	simm.s32 $0xA600  }
0x27: {  	s6 =	simm.s32 $0xA400;
	s1 =	simm.s32 $0xA180;
	s8 =	simm.s32 $0xF600  }
0x28: {  	s11 =	simm.s32 $0x8;
	s18 =	simm.s32 $0xA200;
	s20 =	simm.s32 $0x4  }
0x29: {  	s16 =	simm.s32 $0x9;
	s24 =	simm.s32 $0x5;
	s9 =	simm.s32 $0x0  }
0x2a: {  	s23 =	sadd.s32 s7, s28;
	s25 =	sadd.s32 s7, s21;
	[dreg:$0x1f] =	wrdreg s26  }
0x2b: {  	s7 =	simm.s32 $0xA100;
	s26 =	simm.s32 $0x6;
	[dreg:$0xb] =	wrdreg s23  }
0x2c: {  	[dreg:$0xc] =	wrdreg s25;
	s23 =	simm.s32 $0xA000;
	s25 =	simm.s32 $0xA300  }
.LBB2_1:
0x2d: {  	[smem:$0x7FC] =	sst s9  }
0x2e: {  	s13 =	rddreg [dreg:$0xe]  }
0x2f: {  	s2 =	rddreg [dreg:$0xf];
	s13 =	sshrl.u32 s13, $0x3  }
0x30: {  	[smem:$0x7FD] =	sst s13  }
0x31: {  	[spmem:s13], [sflag:s14] =	dma.local [hbm:s2], $0x1400  }
0x32: {  	_ =	swait.ge [sflag:s19], $0x1400  }
0x33: {  	[sflag:s19] =	ssyncset.done $0x0  }
0x34: {  	[sflag:s19] =	ssyncadd.s32 $0xFFFFEC00  }
0x35: {  	[bflag:$0x0] =	sbarrier.arrive $0xFFFF  }
0x36: {  	s19 =	rddreg [dreg:$0x11]  }
0x37: {  	[tilespmem:s23], [sflag:$0x1] =	stream.linear.gather [hbm4b:s19+s3], $0x50, $0x38;
	[tilespmem:$0x19600] =	vst v63  }
0x38: {  	s2 =	rddreg [dreg:$0x12]  }
0x39: {  	[tilespmem:s25], [sflag:$0x1] =	stream.linear.gather [hbm4b:s2+s3], $0x50, $0x38;
	[tilespmem:$0x19600] =	vst v63  }
0x3a: {  	s13 =	rddreg [dreg:$0x13]  }
0x3b: {  	[tilespmem:s12], [sflag:$0x2] =	stream.linear.gather [hbm4b:s13+s3], $0x50, $0x38;
	[tilespmem:$0x19600] =	vst v63  }
0x3c: {  	s14 =	rddreg [dreg:$0x14]  }
0x3d: {  	[tilespmem:s17], [sflag:$0x2] =	stream.linear.gather [hbm4b:s14+s3], $0x50, $0x38;
	[tilespmem:$0x19600] =	vst v63  }
0x3e: {  	_ =	swait.ge [sflag:s10], $0x50  }
0x3f: {  	[sflag:s10] =	ssyncset.done $0x0  }
0x40: {  	[sflag:s10] =	ssyncadd.s32 $0xFFFFFFB0  }
0x41: {  	_ =	swait.ge [sflag:s10], $0x50  }
0x42: {  	[sflag:s10] =	ssyncset.done $0x0  }
0x43: {  	[sflag:s10] =	ssyncadd.s32 $0xFFFFFFB0  }
0x44: {  	[tilespmem:s22], [sflag:$0x7] =	stream.indirect.gather [hbm4b:s4+s0], $0x80, s23, s0, $0xb8;
	[tilespmem:$0x19600] =	vst v63  }
0x45: {  	s19 =	rddreg [dreg:$0x15]  }
0x46: {  	[tilespmem:s7], [sflag:$0x3] =	stream.linear.gather [hbm4b:s19+s3], $0x50, $0x38;
	[tilespmem:$0x19600] =	vst v63  }
0x47: {  	s2 =	rddreg [dreg:$0x16]  }
0x48: {  	[tilespmem:s6], [sflag:$0x3] =	stream.linear.gather [hbm4b:s2+s3], $0x50, $0x38;
	[tilespmem:$0x19600] =	vst v63  }
0x49: {  	_ =	swait.ge [sflag:s31], $0x50  }
0x4a: {  	[sflag:s31] =	ssyncset.done $0x0  }
0x4b: {  	[sflag:s31] =	ssyncadd.s32 $0xFFFFFFB0  }
0x4c: {  	_ =	swait.ge [sflag:s31], $0x50  }
0x4d: {  	[sflag:s31] =	ssyncset.done $0x0  }
0x4e: {  	[sflag:s31] =	ssyncadd.s32 $0xFFFFFFB0  }
0x4f: {  	[tilespmem:s30], [sflag:$0x8] =	stream.indirect.gather [hbm4b:s4+s0], $0x80, s12, s0, $0xb8;
	[tilespmem:$0x19600] =	vst v63  }
0x50: {  	_ =	swait.ge [sflag:s29], $0x2800  }
0x51: {  	[sflag:s29] =	ssyncset.done $0x0  }
0x52: {  	[sflag:s29] =	ssyncadd.s32 $0xFFFFD800  }
0x53: {  	s2 =	rddreg [dreg:$0x1]  }
0x54: {  	[spmem:s2] =	stream.indirect.scatter.add.f32 [tilespmem:s22], [sflag:$0xD], $0x80, s25, s0, $0xb8;
	[tilespmem:$0x19600] =	vst v63  }
0x55: {  	s13 =	rddreg [dreg:$0x17]  }
0x56: {  	[tilespmem:s1], [sflag:$0x4] =	stream.linear.gather [hbm4b:s13+s3], $0x50, $0x38;
	[tilespmem:$0x19600] =	vst v63  }
0x57: {  	s19 =	simm.s32 $0xA480;
	s14 =	rddreg [dreg:$0x18]  }
0x58: {  	[tilespmem:s19], [sflag:$0x4] =	stream.linear.gather [hbm4b:s14+s3], $0x50, $0x38;
	[tilespmem:$0x19600] =	vst v63  }
0x59: {  	_ =	swait.ge [sflag:s15], $0x50  }
0x5a: {  	[sflag:s15] =	ssyncset.done $0x0  }
0x5b: {  	[sflag:s15] =	ssyncadd.s32 $0xFFFFFFB0  }
0x5c: {  	_ =	swait.ge [sflag:s15], $0x50  }
0x5d: {  	[sflag:s15] =	ssyncset.done $0x0  }
0x5e: {  	[sflag:s15] =	ssyncadd.s32 $0xFFFFFFB0  }
0x5f: {  	[tilespmem:s8], [sflag:$0x9] =	stream.indirect.gather [hbm4b:s4+s0], $0x80, s7, s0, $0xb8;
	[tilespmem:$0x19600] =	vst v63  }
0x60: {  	_ =	swait.ge [sflag:s11], $0x2800  }
0x61: {  	[sflag:s11] =	ssyncset.done $0x0  }
0x62: {  	[sflag:s11] =	ssyncadd.s32 $0xFFFFD800  }
0x63: {  	[spmem:s2] =	stream.indirect.scatter.add.f32 [tilespmem:s30], [sflag:$0xE], $0x80, s17, s0, $0xb8;
	[tilespmem:$0x19600] =	vst v63  }
0x64: {  	s14 =	rddreg [dreg:$0x19]  }
0x65: {  	[tilespmem:s18], [sflag:$0x5] =	stream.linear.gather [hbm4b:s14+s3], $0x50, $0x38;
	[tilespmem:$0x19600] =	vst v63  }
0x66: {  	s13 =	rddreg [dreg:$0x1a];
	s14 =	simm.s32 $0xA500  }
0x67: {  	[tilespmem:s14], [sflag:$0x5] =	stream.linear.gather [hbm4b:s13+s3], $0x50, $0x38;
	[tilespmem:$0x19600] =	vst v63  }
0x68: {  	_ =	swait.ge [sflag:s20], $0x50  }
0x69: {  	[sflag:s20] =	ssyncset.done $0x0  }
0x6a: {  	[sflag:s20] =	ssyncadd.s32 $0xFFFFFFB0  }
0x6b: {  	_ =	swait.ge [sflag:s20], $0x50  }
0x6c: {  	[sflag:s20] =	ssyncset.done $0x0  }
0x6d: {  	s14 =	simm.s32 $0x11E00;
	[sflag:s20] =	ssyncadd.s32 $0xFFFFFFB0  }
0x6e: {  	[tilespmem:s14], [sflag:$0xA] =	stream.indirect.gather [hbm4b:s4+s0], $0x80, s1, s0, $0xb8;
	[tilespmem:$0x19600] =	vst v63  }
0x6f: {  	_ =	swait.ge [sflag:s16], $0x2800  }
0x70: {  	[sflag:s16] =	ssyncset.done $0x0  }
0x71: {  	[sflag:s16] =	ssyncadd.s32 $0xFFFFD800  }
0x72: {  	[spmem:s2] =	stream.indirect.scatter.add.f32 [tilespmem:s8], [sflag:$0xF], $0x80, s6, s0, $0xb8;
	[tilespmem:$0x19600] =	vst v63  }
0x73: {  	s13 =	rddreg [dreg:$0x1b];
	s16 =	simm.s32 $0xA280  }
0x74: {  	[tilespmem:s16], [sflag:$0x6] =	stream.linear.gather [hbm4b:s13+s3], $0x50, $0x38;
	[tilespmem:$0x19600] =	vst v63  }
0x75: {  	s13 =	rddreg [dreg:$0x1c];
	s16 =	simm.s32 $0xA580  }
0x76: {  	[tilespmem:s16], [sflag:$0x6] =	stream.linear.gather [hbm4b:s13+s3], $0x50, $0x38;
	[tilespmem:$0x19600] =	vst v63  }
0x77: {  	_ =	swait.ge [sflag:s24], $0x50  }
0x78: {  	[sflag:s24] =	ssyncset.done $0x0  }
0x79: {  	[sflag:s24] =	ssyncadd.s32 $0xFFFFFFB0  }
0x7a: {  	_ =	swait.ge [sflag:s24], $0x50  }
0x7b: {  	[sflag:s24] =	ssyncset.done $0x0  }
0x7c: {  	s13 =	simm.s32 $0x14600;
	[sflag:s24] =	ssyncadd.s32 $0xFFFFFFB0  }
0x7d: {  	[tilespmem:s13], [sflag:$0xB] =	stream.indirect.gather [hbm4b:s4+s0], $0x80, s18, s0, $0xb8;
	[tilespmem:$0x19600] =	vst v63  }
0x7e: {  	_ =	swait.ge [sflag:s5], $0x2800  }
0x7f: {  	s19 =	simm.s32 $0xA480;
	[sflag:s5] =	ssyncset.done $0x0  }
0x80: {  	s14 =	simm.s32 $0x11E00;
	s16 =	simm.s32 $0xD;
	[sflag:s5] =	ssyncadd.s32 $0xFFFFD800  }
0x81: {  	[spmem:s2] =	stream.indirect.scatter.add.f32 [tilespmem:s14], [sflag:$0x10], $0x80, s19, s0, $0xb8;
	[tilespmem:$0x19600] =	vst v63  }
0x82: {  	_ =	swait.ge [sflag:s16], $0x2800  }
0x83: {  	s19 =	rddreg [dreg:$0x1f]  }
0x84: {  	[sflag:s16] =	ssyncset.done $0x0;
	s14 =	sshrl.u32 s19, $0x3  }
0x85: {  	[sflag:s16] =	ssyncadd.s32 $0xFFFFD800;
	s9 =	sadd.s32 s21, s14  }
0x86: {  	[tilespmem:s23], [sflag:$0x1] =	stream.linear.gather [hbm4b:s9+s3], $0x50, $0x38;
	[tilespmem:$0x19600] =	vst v63  }
0x87: {  	s14 =	sadd.s32 s28, s14  }
0x88: {  	[tilespmem:s25], [sflag:$0x1] =	stream.linear.gather [hbm4b:s14+s3], $0x50, $0x38;
	[tilespmem:$0x19600] =	vst v63  }
0x89: {  	_ =	swait.ge [sflag:s26], $0x50  }
0x8a: {  	[sflag:s26] =	ssyncset.done $0x0  }
0x8b: {  	[sflag:s26] =	ssyncadd.s32 $0xFFFFFFB0  }
0x8c: {  	_ =	swait.ge [sflag:s26], $0x50  }
0x8d: {  	s16 =	simm.s32 $0xB;
	[sflag:s26] =	ssyncset.done $0x0  }
0x8e: {  	s28 =	simm.s32 $0xA280;
	s9 =	simm.s32 $0x16E00;
	[sflag:s26] =	ssyncadd.s32 $0xFFFFFFB0  }
0x8f: {  	[tilespmem:s9], [sflag:$0xC] =	stream.indirect.gather [hbm4b:s4+s0], $0x80, s28, s0, $0xb8;
	[tilespmem:$0x19600] =	vst v63  }
0x90: {  	_ =	swait.ge [sflag:s16], $0x2800  }
0x91: {  	[sflag:s16] =	ssyncset.done $0x0  }
0x92: {  	s13 =	simm.s32 $0x14600;
	s28 =	simm.s32 $0xA500;
	[sflag:s16] =	ssyncadd.s32 $0xFFFFD800  }
0x93: {  	[spmem:s2] =	stream.indirect.scatter.add.f32 [tilespmem:s13], [sflag:$0x11], $0x80, s28, s0, $0xb8;
	[tilespmem:$0x19600] =	vst v63  }
0x94: {  	s13 =	simm.s32 $0xE  }
0x95: {  	_ =	swait.ge [sflag:s13], $0x2800  }
0x96: {  	s14 =	rddreg [dreg:$0xc];
	[sflag:s13] =	ssyncset.done $0x0  }
0x97: {  	s16 =	rddreg [dreg:$0xb];
	[sflag:s13] =	ssyncadd.s32 $0xFFFFD800;
	s14 =	sadd.s32 $0x0, s14  }
0x98: {  	[tilespmem:s12], [sflag:$0x2] =	stream.linear.gather [hbm4b:s14+s3], $0x50, $0x38;
	[tilespmem:$0x19600] =	vst v63  }
0x99: {  	s13 =	sadd.s32 $0x0, s16  }
0x9a: {  	[tilespmem:s17], [sflag:$0x2] =	stream.linear.gather [hbm4b:s13+s3], $0x50, $0x38;
	[tilespmem:$0x19600] =	vst v63  }
0x9b: {  	_ =	swait.ge [sflag:s10], $0x50  }
0x9c: {  	[sflag:s10] =	ssyncset.done $0x0  }
0x9d: {  	[sflag:s10] =	ssyncadd.s32 $0xFFFFFFB0  }
0x9e: {  	_ =	swait.ge [sflag:s10], $0x50  }
0x9f: {  	[sflag:s10] =	ssyncset.done $0x0  }
0xa0: {  	s14 =	simm.s32 $0xC;
	[sflag:s10] =	ssyncadd.s32 $0xFFFFFFB0  }
0xa1: {  	[tilespmem:s22], [sflag:$0x7] =	stream.indirect.gather [hbm4b:s4+s0], $0x80, s23, s0, $0xb8;
	[tilespmem:$0x19600] =	vst v63  }
0xa2: {  	_ =	swait.ge [sflag:s14], $0x2800  }
0xa3: {  	[sflag:s14] =	ssyncset.done $0x0  }
0xa4: {  	s16 =	simm.s32 $0xF;
	s10 =	simm.s32 $0xA580;
	[sflag:s14] =	ssyncadd.s32 $0xFFFFD800  }
0xa5: {  	[spmem:s2] =	stream.indirect.scatter.add.f32 [tilespmem:s9], [sflag:$0x12], $0x80, s10, s0, $0xb8;
	[tilespmem:$0x19600] =	vst v63  }
0xa6: {  	_ =	swait.ge [sflag:s16], $0x2800  }
0xa7: {  	s23 =	rddreg [dreg:$0xa];
	[sflag:s16] =	ssyncset.done $0x0  }
0xa8: {  	s13 =	rddreg [dreg:$0x9];
	[sflag:s16] =	ssyncadd.s32 $0xFFFFD800;
	s14 =	sadd.s32 $0x0, s23  }
0xa9: {  	[tilespmem:s7], [sflag:$0x3] =	stream.linear.gather [hbm4b:s14+s3], $0x50, $0x38;
	[tilespmem:$0x19600] =	vst v63  }
0xaa: {  	s16 =	sadd.s32 $0x0, s13  }
0xab: {  	[tilespmem:s6], [sflag:$0x3] =	stream.linear.gather [hbm4b:s16+s3], $0x50, $0x38;
	[tilespmem:$0x19600] =	vst v63  }
0xac: {  	_ =	swait.ge [sflag:s31], $0x50  }
0xad: {  	[sflag:s31] =	ssyncset.done $0x0  }
0xae: {  	[sflag:s31] =	ssyncadd.s32 $0xFFFFFFB0  }
0xaf: {  	_ =	swait.ge [sflag:s31], $0x50  }
0xb0: {  	[sflag:s31] =	ssyncset.done $0x0  }
0xb1: {  	[sflag:s31] =	ssyncadd.s32 $0xFFFFFFB0  }
0xb2: {  	[tilespmem:s30], [sflag:$0x8] =	stream.indirect.gather [hbm4b:s4+s0], $0x80, s12, s0, $0xb8;
	[tilespmem:$0x19600] =	vst v63  }
0xb3: {  	_ =	swait.ge [sflag:s29], $0x2800  }
0xb4: {  	[sflag:s29] =	ssyncset.done $0x0  }
0xb5: {  	[sflag:s29] =	ssyncadd.s32 $0xFFFFD800  }
0xb6: {  	[spmem:s2] =	stream.indirect.scatter.add.f32 [tilespmem:s22], [sflag:$0xD], $0x80, s25, s0, $0xb8;
	[tilespmem:$0x19600] =	vst v63  }
0xb7: {  	s22 =	simm.s32 $0x10  }
0xb8: {  	_ =	swait.ge [sflag:s22], $0x2800  }
0xb9: {  	s23 =	rddreg [dreg:$0x8];
	[sflag:s22] =	ssyncset.done $0x0  }
0xba: {  	s25 =	rddreg [dreg:$0x7];
	[sflag:s22] =	ssyncadd.s32 $0xFFFFD800;
	s14 =	sadd.s32 $0x0, s23  }
0xbb: {  	[tilespmem:s1], [sflag:$0x4] =	stream.linear.gather [hbm4b:s14+s3], $0x50, $0x38;
	[tilespmem:$0x19600] =	vst v63  }
0xbc: {  	s31 =	simm.s32 $0xA480;
	s29 =	sadd.s32 $0x0, s25  }
0xbd: {  	[tilespmem:s31], [sflag:$0x4] =	stream.linear.gather [hbm4b:s29+s3], $0x50, $0x38;
	[tilespmem:$0x19600] =	vst v63  }
0xbe: {  	_ =	swait.ge [sflag:s15], $0x50  }
0xbf: {  	[sflag:s15] =	ssyncset.done $0x0  }
0xc0: {  	[sflag:s15] =	ssyncadd.s32 $0xFFFFFFB0  }
0xc1: {  	_ =	swait.ge [sflag:s15], $0x50  }
0xc2: {  	[sflag:s15] =	ssyncset.done $0x0  }
0xc3: {  	[sflag:s15] =	ssyncadd.s32 $0xFFFFFFB0  }
0xc4: {  	[tilespmem:s8], [sflag:$0x9] =	stream.indirect.gather [hbm4b:s4+s0], $0x80, s7, s0, $0xb8;
	[tilespmem:$0x19600] =	vst v63  }
0xc5: {  	_ =	swait.ge [sflag:s11], $0x2800  }
0xc6: {  	[sflag:s11] =	ssyncset.done $0x0  }
0xc7: {  	s9 =	simm.s32 $0x11;
	[sflag:s11] =	ssyncadd.s32 $0xFFFFD800  }
0xc8: {  	[spmem:s2] =	stream.indirect.scatter.add.f32 [tilespmem:s30], [sflag:$0xE], $0x80, s17, s0, $0xb8;
	[tilespmem:$0x19600] =	vst v63  }
0xc9: {  	_ =	swait.ge [sflag:s9], $0x2800  }
0xca: {  	s11 =	rddreg [dreg:$0x6];
	[sflag:s9] =	ssyncset.done $0x0  }
0xcb: {  	s12 =	rddreg [dreg:$0x5];
	[sflag:s9] =	ssyncadd.s32 $0xFFFFD800;
	s14 =	sadd.s32 $0x0, s11  }
0xcc: {  	[tilespmem:s18], [sflag:$0x5] =	stream.linear.gather [hbm4b:s14+s3], $0x50, $0x38;
	[tilespmem:$0x19600] =	vst v63  }
0xcd: {  	s28 =	simm.s32 $0xA500;
	s13 =	sadd.s32 $0x0, s12  }
0xce: {  	[tilespmem:s28], [sflag:$0x5] =	stream.linear.gather [hbm4b:s13+s3], $0x50, $0x38;
	[tilespmem:$0x19600] =	vst v63  }
0xcf: {  	_ =	swait.ge [sflag:s20], $0x50  }
0xd0: {  	[sflag:s20] =	ssyncset.done $0x0  }
0xd1: {  	[sflag:s20] =	ssyncadd.s32 $0xFFFFFFB0  }
0xd2: {  	_ =	swait.ge [sflag:s20], $0x50  }
0xd3: {  	[sflag:s20] =	ssyncset.done $0x0  }
0xd4: {  	s5 =	simm.s32 $0x9;
	s14 =	simm.s32 $0x11E00;
	[sflag:s20] =	ssyncadd.s32 $0xFFFFFFB0  }
0xd5: {  	[tilespmem:s14], [sflag:$0xA] =	stream.indirect.gather [hbm4b:s4+s0], $0x80, s1, s0, $0xb8;
	[tilespmem:$0x19600] =	vst v63  }
0xd6: {  	_ =	swait.ge [sflag:s5], $0x2800  }
0xd7: {  	[sflag:s5] =	ssyncset.done $0x0  }
0xd8: {  	s16 =	simm.s32 $0x12;
	[sflag:s5] =	ssyncadd.s32 $0xFFFFD800  }
0xd9: {  	[spmem:s2] =	stream.indirect.scatter.add.f32 [tilespmem:s8], [sflag:$0xF], $0x80, s6, s0, $0xb8;
	[tilespmem:$0x19600] =	vst v63  }
0xda: {  	_ =	swait.ge [sflag:s16], $0x2800  }
0xdb: {  	s23 =	simm.s32 $0xA280;
	s17 =	rddreg [dreg:$0x4];
	[sflag:s16] =	ssyncset.done $0x0  }
0xdc: {  	s22 =	rddreg [dreg:$0x3];
	[sflag:s16] =	ssyncadd.s32 $0xFFFFD800;
	s14 =	sadd.s32 $0x0, s17  }
0xdd: {  	[tilespmem:s23], [sflag:$0x6] =	stream.linear.gather [hbm4b:s14+s3], $0x50, $0x38;
	[tilespmem:$0x19600] =	vst v63  }
0xde: {  	s25 =	sadd.s32 $0x0, s22  }
0xdf: {  	[tilespmem:s10], [sflag:$0x6] =	stream.linear.gather [hbm4b:s25+s3], $0x50, $0x38;
	[tilespmem:$0x19600] =	vst v63  }
0xe0: {  	_ =	swait.ge [sflag:s24], $0x50  }
0xe1: {  	[sflag:s24] =	ssyncset.done $0x0  }
0xe2: {  	[sflag:s24] =	ssyncadd.s32 $0xFFFFFFB0  }
0xe3: {  	_ =	swait.ge [sflag:s24], $0x50  }
0xe4: {  	[sflag:s24] =	ssyncset.done $0x0  }
0xe5: {  	s29 =	simm.s32 $0xA;
	s28 =	simm.s32 $0x14600;
	[sflag:s24] =	ssyncadd.s32 $0xFFFFFFB0  }
0xe6: {  	[tilespmem:s28], [sflag:$0xB] =	stream.indirect.gather [hbm4b:s4+s0], $0x80, s18, s0, $0xb8;
	[tilespmem:$0x19600] =	vst v63  }
0xe7: {  	s31 =	simm.s32 $0xA;
	s30 =	simm.s32 $0x2;
	_ =	swait.ge [sflag:s29], $0x2800  }
0xe8: {  	s13 =	simm.s32 $0x8;
	s16 =	sadd.s32 $0x1E0, s19;
	[sflag:s29] =	ssyncset.done $0x0  }
0xe9: {  	s14 =	simm.s32 $0x3C;
	s10 =	simm.s32 $0x1;
	[sflag:s31] =	ssyncadd.s32 $0xFFFFD800  }
.LBB2_2:
0xea: {  	s7 =	simm.s32 $0xA480  }
0xeb: {  	s25 =	simm.s32 $0x11E00;
	s31 =	rddreg [dreg:$0x1];
	s6 =	simm.s32 $0xD  }
0xec: {  	[spmem:s31] =	stream.indirect.scatter.add.f32 [tilespmem:s25], [sflag:$0x10], $0x80, s7, s0, $0xb8;
	[tilespmem:$0x19600] =	vst v63  }
0xed: {  	s19 =	sshrl.u32 s16, $0x3;
	_ =	swait.ge [sflag:s6], $0x2800  }
0xee: {  	s23 =	smov.u32 s21;
	s5 =	simm.s32 $0xA000;
	[sflag:s6] =	ssyncset.done $0x0  }
0xef: {  	s17 =	sadd.s32 s21, s19;
	s21 =	rddreg [dreg:$0xd];
	[sflag:s6] =	ssyncadd.s32 $0xFFFFD800  }
0xf0: {  	[tilespmem:s5], [sflag:$0x1] =	stream.linear.gather [hbm4b:s17+s3], $0x50, $0x38;
	[tilespmem:$0x19600] =	vst v63  }
0xf1: {  	s2 =	simm.s32 $0xA300;
	s19 =	sadd.s32 s21, s19  }
0xf2: {  	[tilespmem:s2], [sflag:$0x1] =	stream.linear.gather [hbm4b:s19+s3], $0x50, $0x38;
	[tilespmem:$0x19600] =	vst v63  }
0xf3: {  	_ =	swait.ge [sflag:s26], $0x50  }
0xf4: {  	[sflag:s26] =	ssyncset.done $0x0  }
0xf5: {  	[sflag:s26] =	ssyncadd.s32 $0xFFFFFFB0  }
0xf6: {  	_ =	swait.ge [sflag:s26], $0x50  }
0xf7: {  	s8 =	simm.s32 $0x16E00;
	[sflag:s26] =	ssyncset.done $0x0  }
0xf8: {  	s22 =	simm.s32 $0xB;
	s17 =	simm.s32 $0xA280;
	[sflag:s26] =	ssyncadd.s32 $0xFFFFFFB0  }
0xf9: {  	[tilespmem:s8], [sflag:$0xC] =	stream.indirect.gather [hbm4b:s4+s0], $0x80, s17, s0, $0xb8;
	[tilespmem:$0x19600] =	vst v63  }
0xfa: {  	_ =	swait.ge [sflag:s22], $0x2800  }
0xfb: {  	s12 =	simm.s32 $0xA500;
	[sflag:s22] =	ssyncset.done $0x0  }
0xfc: {  	s6 =	simm.s32 $0x14600;
	[sflag:s22] =	ssyncadd.s32 $0xFFFFD800;
	s22 =	simm.s32 $0xE  }
0xfd: {  	[spmem:s31] =	stream.indirect.scatter.add.f32 [tilespmem:s6], [sflag:$0x11], $0x80, s12, s0, $0xb8;
	[tilespmem:$0x19600] =	vst v63  }
0xfe: {  	s18 =	smov.u32 s14;
	_ =	swait.ge [sflag:s22], $0x2800  }
0xff: {  	s1 =	simm.s32 $0xA080;
	s28 =	rddreg [dreg:$0xc];
	[sflag:s22] =	ssyncset.done $0x0  }
0x100: {  	s29 =	rddreg [dreg:$0xb];
	[sflag:s22] =	ssyncadd.s32 $0xFFFFD800;
	s19 =	sadd.s32 s18, s28  }
0x101: {  	[tilespmem:s1], [sflag:$0x2] =	stream.linear.gather [hbm4b:s19+s3], $0x50, $0x38;
	[tilespmem:$0x19600] =	vst v63  }
0x102: {  	s9 =	sadd.s32 s18, s29;
	s29 =	simm.s32 $0xA380  }
0x103: {  	[tilespmem:s29], [sflag:$0x2] =	stream.linear.gather [hbm4b:s9+s3], $0x50, $0x38;
	[tilespmem:$0x19600] =	vst v63  }
0x104: {  	_ =	swait.ge [sflag:s10], $0x50  }
0x105: {  	[sflag:s10] =	ssyncset.done $0x0  }
0x106: {  	[sflag:s10] =	ssyncadd.s32 $0xFFFFFFB0  }
0x107: {  	_ =	swait.ge [sflag:s10], $0x50  }
0x108: {  	[sflag:s10] =	ssyncset.done $0x0  }
0x109: {  	s11 =	simm.s32 $0xC;
	s9 =	simm.s32 $0xA600;
	[sflag:s10] =	ssyncadd.s32 $0xFFFFFFB0  }
0x10a: {  	[tilespmem:s9], [sflag:$0x7] =	stream.indirect.gather [hbm4b:s4+s0], $0x80, s5, s0, $0xb8;
	[tilespmem:$0x19600] =	vst v63  }
0x10b: {  	_ =	swait.ge [sflag:s11], $0x2800  }
0x10c: {  	[sflag:s11] =	ssyncset.done $0x0  }
0x10d: {  	s21 =	simm.s32 $0xF;
	s22 =	simm.s32 $0xA580;
	[sflag:s11] =	ssyncadd.s32 $0xFFFFD800  }
0x10e: {  	[spmem:s31] =	stream.indirect.scatter.add.f32 [tilespmem:s8], [sflag:$0x12], $0x80, s22, s0, $0xb8;
	[tilespmem:$0x19600] =	vst v63  }
0x10f: {  	_ =	swait.ge [sflag:s21], $0x2800  }
0x110: {  	s11 =	simm.s32 $0xA100;
	s28 =	rddreg [dreg:$0xa];
	[sflag:s21] =	ssyncset.done $0x0  }
0x111: {  	s5 =	rddreg [dreg:$0x9];
	[sflag:s21] =	ssyncadd.s32 $0xFFFFD800;
	s19 =	sadd.s32 s18, s28  }
0x112: {  	[tilespmem:s11], [sflag:$0x3] =	stream.linear.gather [hbm4b:s19+s3], $0x50, $0x38;
	[tilespmem:$0x19600] =	vst v63  }
0x113: {  	s8 =	sadd.s32 s18, s5;
	s5 =	simm.s32 $0xA400  }
0x114: {  	[tilespmem:s5], [sflag:$0x3] =	stream.linear.gather [hbm4b:s8+s3], $0x50, $0x38;
	[tilespmem:$0x19600] =	vst v63  }
0x115: {  	_ =	swait.ge [sflag:s30], $0x50  }
0x116: {  	[sflag:s30] =	ssyncset.done $0x0  }
0x117: {  	[sflag:s30] =	ssyncadd.s32 $0xFFFFFFB0  }
0x118: {  	_ =	swait.ge [sflag:s30], $0x50  }
0x119: {  	[sflag:s30] =	ssyncset.done $0x0  }
0x11a: {  	s28 =	simm.s32 $0xCE00;
	s19 =	simm.s32 $0x7;
	[sflag:s30] =	ssyncadd.s32 $0xFFFFFFB0  }
0x11b: {  	[tilespmem:s28], [sflag:$0x8] =	stream.indirect.gather [hbm4b:s4+s0], $0x80, s1, s0, $0xb8;
	[tilespmem:$0x19600] =	vst v63  }
0x11c: {  	_ =	swait.ge [sflag:s19], $0x2800  }
0x11d: {  	[sflag:s19] =	ssyncset.done $0x0  }
0x11e: {  	s21 =	simm.s32 $0x10;
	[sflag:s19] =	ssyncadd.s32 $0xFFFFD800  }
0x11f: {  	[spmem:s31] =	stream.indirect.scatter.add.f32 [tilespmem:s9], [sflag:$0xD], $0x80, s2, s0, $0xb8;
	[tilespmem:$0x19600] =	vst v63  }
0x120: {  	_ =	swait.ge [sflag:s21], $0x2800  }
0x121: {  	s1 =	rddreg [dreg:$0x8]  }
0x122: {  	[sflag:s21] =	ssyncset.done $0x0;
	s2 =	rddreg [dreg:$0x7]  }
0x123: {  	[sflag:s21] =	ssyncadd.s32 $0xFFFFD800;
	s19 =	sadd.s32 s18, s1;
	s1 =	simm.s32 $0xA180  }
0x124: {  	[tilespmem:s1], [sflag:$0x4] =	stream.linear.gather [hbm4b:s19+s3], $0x50, $0x38;
	[tilespmem:$0x19600] =	vst v63  }
0x125: {  	s9 =	sadd.s32 s18, s2  }
0x126: {  	[tilespmem:s7], [sflag:$0x4] =	stream.linear.gather [hbm4b:s9+s3], $0x50, $0x38;
	[tilespmem:$0x19600] =	vst v63  }
0x127: {  	_ =	swait.ge [sflag:s15], $0x50  }
0x128: {  	[sflag:s15] =	ssyncset.done $0x0  }
0x129: {  	[sflag:s15] =	ssyncadd.s32 $0xFFFFFFB0  }
0x12a: {  	_ =	swait.ge [sflag:s15], $0x50  }
0x12b: {  	[sflag:s15] =	ssyncset.done $0x0  }
0x12c: {  	s9 =	simm.s32 $0xF600;
	[sflag:s15] =	ssyncadd.s32 $0xFFFFFFB0  }
0x12d: {  	[tilespmem:s9], [sflag:$0x9] =	stream.indirect.gather [hbm4b:s4+s0], $0x80, s11, s0, $0xb8;
	[tilespmem:$0x19600] =	vst v63  }
0x12e: {  	_ =	swait.ge [sflag:s13], $0x2800  }
0x12f: {  	[sflag:s13] =	ssyncset.done $0x0  }
0x130: {  	s21 =	simm.s32 $0x11;
	[sflag:s13] =	ssyncadd.s32 $0xFFFFD800  }
0x131: {  	[spmem:s31] =	stream.indirect.scatter.add.f32 [tilespmem:s28], [sflag:$0xE], $0x80, s29, s0, $0xb8;
	[tilespmem:$0x19600] =	vst v63  }
0x132: {  	_ =	swait.ge [sflag:s21], $0x2800  }
0x133: {  	s2 =	simm.s32 $0xA200;
	s28 =	rddreg [dreg:$0x6];
	[sflag:s21] =	ssyncset.done $0x0  }
0x134: {  	s29 =	rddreg [dreg:$0x5];
	[sflag:s21] =	ssyncadd.s32 $0xFFFFD800;
	s19 =	sadd.s32 s18, s28  }
0x135: {  	[tilespmem:s2], [sflag:$0x5] =	stream.linear.gather [hbm4b:s19+s3], $0x50, $0x38;
	[tilespmem:$0x19600] =	vst v63  }
0x136: {  	s11 =	sadd.s32 s18, s29  }
0x137: {  	[tilespmem:s12], [sflag:$0x5] =	stream.linear.gather [hbm4b:s11+s3], $0x50, $0x38;
	[tilespmem:$0x19600] =	vst v63  }
0x138: {  	_ =	swait.ge [sflag:s20], $0x50  }
0x139: {  	[sflag:s20] =	ssyncset.done $0x0  }
0x13a: {  	[sflag:s20] =	ssyncadd.s32 $0xFFFFFFB0  }
0x13b: {  	_ =	swait.ge [sflag:s20], $0x50  }
0x13c: {  	[sflag:s20] =	ssyncset.done $0x0  }
0x13d: {  	s19 =	simm.s32 $0x9;
	[sflag:s20] =	ssyncadd.s32 $0xFFFFFFB0  }
0x13e: {  	[tilespmem:s25], [sflag:$0xA] =	stream.indirect.gather [hbm4b:s4+s0], $0x80, s1, s0, $0xb8;
	[tilespmem:$0x19600] =	vst v63  }
0x13f: {  	_ =	swait.ge [sflag:s19], $0x2800  }
0x140: {  	[sflag:s19] =	ssyncset.done $0x0  }
0x141: {  	s21 =	simm.s32 $0x12;
	[sflag:s19] =	ssyncadd.s32 $0xFFFFD800  }
0x142: {  	[spmem:s31] =	stream.indirect.scatter.add.f32 [tilespmem:s9], [sflag:$0xF], $0x80, s5, s0, $0xb8;
	[tilespmem:$0x19600] =	vst v63  }
0x143: {  	_ =	swait.ge [sflag:s21], $0x2800  }
0x144: {  	s28 =	rddreg [dreg:$0x4];
	[sflag:s21] =	ssyncset.done $0x0  }
0x145: {  	s29 =	rddreg [dreg:$0x3];
	[sflag:s21] =	ssyncadd.s32 $0xFFFFD800;
	s19 =	sadd.s32 s18, s28  }
0x146: {  	[tilespmem:s17], [sflag:$0x6] =	stream.linear.gather [hbm4b:s19+s3], $0x50, $0x38;
	[tilespmem:$0x19600] =	vst v63  }
0x147: {  	s18 =	sadd.s32 s18, s29  }
0x148: {  	[tilespmem:s22], [sflag:$0x6] =	stream.linear.gather [hbm4b:s18+s3], $0x50, $0x38;
	[tilespmem:$0x19600] =	vst v63  }
0x149: {  	_ =	swait.ge [sflag:s24], $0x50  }
0x14a: {  	[sflag:s24] =	ssyncset.done $0x0  }
0x14b: {  	[sflag:s24] =	ssyncadd.s32 $0xFFFFFFB0  }
0x14c: {  	p0 =	sne.s32 s14, $0x474;
	s14 =	sadd.s32 $0x3C, s14;
	_ =	swait.ge [sflag:s24], $0x50  }
0x14d: {  	s16 =	sadd.s32 $0x1E0, s16;
	s8 =	simm.s32 $0xA480;
	[sflag:s24] =	ssyncset.done $0x0  }
.Ltmp0:
0x14e: {  	s31 =	simm.s32 $0xA;
	[sflag:s24] =	ssyncadd.s32 $0xFFFFFFB0;
	(pc) =	sbr.rel @p0 .LBB2_2-.Ltmp0, $4  }
0x14f: {  	[tilespmem:s6], [sflag:$0xB] =	stream.indirect.gather [hbm4b:s4+s0], $0x80, s2, s0, $0xb8;
	[tilespmem:$0x19600] =	vst v63  }
0x150: {  	s7 =	simm.s32 $0xA500;
	s12 =	simm.s32 $0x11E00;
	_ =	swait.ge [sflag:s31], $0x2800  }
0x151: {  	s25 =	simm.s32 $0xA280;
	s21 =	smov.u32 s23;
	[sflag:s31] =	ssyncset.done $0x0  }
0x152: {  	s17 =	simm.s32 $0xA580;
	s18 =	simm.s32 $0x14600;
	[sflag:s31] =	ssyncadd.s32 $0xFFFFD800  }
0x153: {  	s2 =	rddreg [dreg:$0x1]  }
0x154: {  	[spmem:s2] =	stream.indirect.scatter.add.f32 [tilespmem:s12], [sflag:$0x10], $0x80, s8, s0, $0xb8;
	[tilespmem:$0x19600] =	vst v63  }
0x155: {  	_ =	swait.ge [sflag:s26], $0x50  }
0x156: {  	[sflag:s26] =	ssyncset.done $0x0  }
0x157: {  	[sflag:s26] =	ssyncadd.s32 $0xFFFFFFB0  }
0x158: {  	_ =	swait.ge [sflag:s26], $0x50  }
0x159: {  	[sflag:s26] =	ssyncset.done $0x0  }
0x15a: {  	s5 =	simm.s32 $0x16E00;
	s1 =	simm.s32 $0xB;
	[sflag:s26] =	ssyncadd.s32 $0xFFFFFFB0  }
0x15b: {  	[tilespmem:s5], [sflag:$0xC] =	stream.indirect.gather [hbm4b:s4+s0], $0x80, s25, s0, $0xb8;
	[tilespmem:$0x19600] =	vst v63  }
0x15c: {  	_ =	swait.ge [sflag:s1], $0x2800  }
0x15d: {  	[sflag:s1] =	ssyncset.done $0x0  }
0x15e: {  	s13 =	simm.s32 $0xC;
	[sflag:s1] =	ssyncadd.s32 $0xFFFFD800  }
0x15f: {  	[spmem:s2] =	stream.indirect.scatter.add.f32 [tilespmem:s18], [sflag:$0x11], $0x80, s7, s0, $0xb8;
	[tilespmem:$0x19600] =	vst v63  }
0x160: {  	_ =	swait.ge [sflag:s13], $0x2800  }
0x161: {  	[sflag:s13] =	ssyncset.done $0x0  }
0x162: {  	s14 =	simm.s32 $0xD;
	[sflag:s13] =	ssyncadd.s32 $0xFFFFD800  }
0x163: {  	[spmem:s2] =	stream.indirect.scatter.add.f32 [tilespmem:s5], [sflag:$0x12], $0x80, s17, s0, $0xb8;
	[tilespmem:$0x19600] =	vst v63  }
0x164: {  	_ =	swait.ge [sflag:s14], $0x2800  }
0x165: {  	[sflag:s14] =	ssyncset.done $0x0  }
0x166: {  	s16 =	simm.s32 $0xE;
	[sflag:s14] =	ssyncadd.s32 $0xFFFFD800  }
0x167: {  	_ =	swait.ge [sflag:s16], $0x2800  }
0x168: {  	[sflag:s16] =	ssyncset.done $0x0  }
0x169: {  	s17 =	simm.s32 $0xF;
	[sflag:s16] =	ssyncadd.s32 $0xFFFFD800  }
0x16a: {  	_ =	swait.ge [sflag:s17], $0x2800  }
0x16b: {  	[sflag:s17] =	ssyncset.done $0x0  }
0x16c: {  	s18 =	simm.s32 $0x10;
	[sflag:s17] =	ssyncadd.s32 $0xFFFFD800  }
0x16d: {  	_ =	swait.ge [sflag:s18], $0x2800  }
0x16e: {  	[sflag:s18] =	ssyncset.done $0x0  }
0x16f: {  	s19 =	simm.s32 $0x11;
	[sflag:s18] =	ssyncadd.s32 $0xFFFFD800  }
0x170: {  	_ =	swait.ge [sflag:s19], $0x2800  }
0x171: {  	[sflag:s19] =	ssyncset.done $0x0  }
0x172: {  	s22 =	simm.s32 $0x12;
	[sflag:s19] =	ssyncadd.s32 $0xFFFFD800  }
0x173: {  	_ =	swait.ge [sflag:s22], $0x2800  }
0x174: {  	[sflag:s22] =	ssyncset.done $0x0  }
0x175: {  	[sflag:s22] =	ssyncadd.s32 $0xFFFFD800  }
0x176: {  	[bflag:$0x0] =	sbarrier.arrive $0xFFFF  }
0x177: {  	s23 =	sld [smem:$0x7FD]  }
0x178: {  	s14 =	rddreg [dreg:$0x10]  }
0x179: {  	s19 =	simm.s32 $0x13;
	s16 =	rddreg [dreg:$0x1d]  }
0x17a: {  	[hbm:s16], [sflag:s14] =	dma.local [spmem:s23], $0x1400  }
0x17b: {  	_ =	swait.ge [sflag:s19], $0x1400  }
0x17c: {  	s9 =	sld [smem:$0x7FC];
	_ =	sdelay $0x1  }
0x17d: {  	s6 =	simm.s32 $0xA400;
	s30 =	simm.s32 $0xCE00;
	s29 =	simm.s32 $0x7  }
0x17e: {  	s11 =	simm.s32 $0x8;
	s25 =	rddreg [dreg:$0x1e];
	s9 =	sadd.s32 $0x1, s9  }
0x17f: {  	s10 =	simm.s32 $0x1;
	s31 =	simm.s32 $0x2;
	p0 =	sne.s32 s9, s25  }
.Ltmp1:
0x180: {  	s12 =	simm.s32 $0xA080;
	s8 =	simm.s32 $0xF600;
	(pc) =	sbr.rel @p0 .LBB2_1-.Ltmp1, $4  }
0x181: {  	s1 =	simm.s32 $0xA180;
	s7 =	simm.s32 $0xA100;
	s5 =	simm.s32 $0xA  }
0x182: {  	s17 =	simm.s32 $0xA380;
	s18 =	simm.s32 $0xA200;
	s22 =	simm.s32 $0xA600  }
0x183: {  	s23 =	simm.s32 $0xA000;
	s16 =	simm.s32 $0x9;
	[sflag:s19] =	ssyncset.done $0x0  }
0x184: {  	s28 =	rddreg [dreg:$0xd];
	[sflag:s19] =	ssyncadd.s32 $0xFFFFEC00;
	s25 =	simm.s32 $0xA300  }
0x185: {  	_ =	sfence.sel $0x180000  }
0x186: {  	[bflag:$0x0] =	sbarrier.arrive $0xFFFF  }
0x187: {  	_ =	strace $0x90000047  }
0x188: {  	s0 =	stileid.u32;
	[bflag:$0x2] =	sbarrier.arrive $0xFFFF  }
0x189: {  	p0 =	sne.s32 s0, $0x0;
	s0 =	rddreg [dreg:$0x2]  }
0x18a: {  	s0 =	sadd.s32 @!p0 $0x100000, s0  }
0x18b: {  	[sflag:s0] =	ssyncadd.tile.s32 @!p0 $0x1;
	_ =	shalt  }
.Lfunc_end2:
_tile_overlayer_lowered:
.L_overlay_start_2:
0x18c: {  	(tag) =	ssettag $0x2  }
0x18d: {  	s0 =	rddreg [dreg:$0x0];
	s2 =	stileid.u32  }
0x18e: {  	s1 =	rddreg [dreg:$0x1];
	p0 =	sne.s32 s2, $0x0  }
0x18f: {  	s3 =	rddreg [dreg:$0x2];
	[bflag:$0x3] =	sbarrier.arrive $0xFFFF;
	s2 =	simm.s32 @!p0 $0x1C13  }
0x190: {  	[timem:s3], [sflag:s2] =	dma.local @!p0 [hbm:s0], s1  }
0x191: {  	s0 =	simm.s32 @!p0 $0x13  }
0x192: {  	_ =	swait.ge @!p0 [sflag:s0], s1  }
0x193: {  	s1 =	ssub.s32 @!p0 $0x0, s1;
	[sflag:s0] =	ssyncset.done @!p0 $0x0  }
0x194: {  	[sflag:s0] =	ssyncadd.s32 @!p0 s1  }
0x195: {  	[bflag:$0x3] =	sbarrier.arrive $0xFFFF  }
0x196: {  	_ =	shalt  }

// kernel: kernel.18.cloned.1.call-start
scs
__scs_entry_jumppad:
0x0: {  	(pc) =	sbr.rel $0x88, $3  }
0x1: {  	(tag) =	ssettag $0x0;
	lr =	simm.s32 $0x1  }
0x2: {  	[smem:$0x3F90] =	sst lr;
	_ =	strace $0xD0000000  }
0x3: {  	_ = 	snop  }
0x4: {  	_ = 	snop  }
0x5: {  	_ = 	snop  }
0x6: {  	_ = 	snop  }
0x7: {  	_ = 	snop  }
__scs_overlays_trampoline_lowered:
0x8: {  	[smem:$0x3F9F] =	sst s0  }
0x9: {  	[smem:$0x3FA0] =	sst s1  }
0xa: {  	[smem:$0x3FA1] =	sst s2  }
0xb: {  	[smem:$0x3FA2] =	sst s3  }
0xc: {  	[smem:$0x3FA3] =	sst s4  }
0xd: {  	[smem:$0x3FA4] =	sst s5  }
0xe: {  	[smem:$0x3FA5] =	sst s6  }
0xf: {  	[smem:$0x3FA6] =	sst s7  }
0x10: {  	[smem:$0x3FA7] =	sst s8  }
0x11: {  	[smem:$0x3FA8] =	sst s9;
	s0 =	simm.s32 @!p0 $0x0  }
0x12: {  	s1 =	sld [smem:$0x3F8E];
	s0 =	simm.s32 @p0 $0x1  }
0x13: {  	[smem:$0x3FA9] =	sst s0;
	s0 =	simm.s32 @!p1 $0x0  }
0x14: {  	s2 =	sld [smem:$0x3F8D];
	s0 =	simm.s32 @p1 $0x1  }
0x15: {  	[smem:$0x3FAA] =	sst s0;
	s0 =	simm.s32 @!p2 $0x0  }
0x16: {  	s3 =	sld [smem:$0x3FDB];
	s0 =	simm.s32 @p2 $0x1  }
0x17: {  	s4 =	simm.s32 $0x1BF5;
	[smem:$0x3FAC] =	sst s0  }
0x18: {  	s0 =	sld [smem:$0x3F8F];
	_ =	swait.ge [sflag:s4], $0x0  }
0x19: {  	s7 =	sld [smem:$0x3F90]  }
0x1a: {  	s8 =	sadd.s32 $0xFFFFE003, lr  }
0x1b: {  	s9 =	sadd.s32 $0xFFFFFEF7, lr;
	s5 =	simm.s32 $0xFFFFFFFF;
	p2 =	slt.u32 s8, $0xFFFFF086  }
0x1c: {  	p1 =	slt.u32 s9, $0xF7A;
	s5 =	simm.s32 @!p2 $0x0  }
0x1d: {  	s5 =	simm.s32 @p1 $0x1;
	p0 =	seq.s32 s7, s2  }
0x1e: {  	s7 =	smul.u32 @!p0 $0xF7A, s2;
	p2 =	seq.s32 @!p0 s5, $0x0  }
0x1f: {  	s9 =	smul.u32 $0xF7A, s1;
	s8 =	simm.s32 @!p0 $0x1BF5;
	p2 =	por !p2, p0  }
0x20: {  	[sflag:s8] =	ssyncset.s32 @!p0 $0xFFFFF086;
	s6 =	sadd.s32 @!p0 s3, s7;
	s7 =	simm.s32 @!p0 $0x108  }
0x21: {  	s3 =	sadd.s32 s3, s9;
	s6 =	sadd.s32 @!p0 $0x88, s6;
	s7 =	simm.s32 @p2 $0x1082  }
0x22: {  	[simem:s7], [sflag:s8] =	dma.local @!p0 [hbm:s6], $0xF7A  }
0x23: {  	s9 =	sor.u32 $0xD0000000, s2;
	s6 =	simm.s32 $0x108;
	_ =	swait.ge @!p0 [sflag:s8], $0x0  }
0x24: {  	s3 =	sadd.s32 $0x88, s3;
	s6 =	simm.s32 @!p1 $0x1082;
	[sflag:s4] =	ssyncset.s32 $0xFFFFF086  }
0x25: {  	[simem:s6], [sflag:s4] =	dma.local [hbm:s3], $0xF7A  }
0x26: {  	[smem:$0x3F90] =	sst s1;
	(tag) =	ssettag s2;
	_ =	strace s9  }
0x27: {  	s1 =	sld [smem:$0x3FA0]  }
0x28: {  	s2 =	sld [smem:$0x3FA1]  }
0x29: {  	s4 =	sld [smem:$0x3FA3]  }
0x2a: {  	p0 =	seq.s32 s5, $0x0;
	s5 =	sld [smem:$0x3FA4]  }
0x2b: {  	s6 =	sld [smem:$0x3FA5]  }
0x2c: {  	s7 =	sld [smem:$0x3FA6]  }
0x2d: {  	s3 =	simm.s32 $0x108;
	s8 =	sld [smem:$0x3FA7]  }
0x2e: {  	s3 =	simm.s32 @!p0 $0x1082;
	s9 =	sld [smem:$0x3FA8]  }
0x2f: {  	lr =	sadd.s32 s0, s3;
	s0 =	sld [smem:$0x3F9F]  }
0x30: {  	s3 =	sld [smem:$0x3FA2]  }
0x31: {  	[smem:$0x3FAB] =	sst s10  }
0x32: {  	s10 =	sld [smem:$0x3FA9];
	_ =	sdelay $0x3  }
0x33: {  	p0 =	seq.s32 s10, $0x1;
	s10 =	sld [smem:$0x3FAB];
	_ =	sdelay $0x3  }
0x34: {  	[smem:$0x3FAB] =	sst s10  }
0x35: {  	s10 =	sld [smem:$0x3FAA];
	_ =	sdelay $0x3  }
0x36: {  	p1 =	seq.s32 s10, $0x1;
	s10 =	sld [smem:$0x3FAB];
	_ =	sdelay $0x3  }
0x37: {  	[smem:$0x3FAB] =	sst s10  }
0x38: {  	s10 =	sld [smem:$0x3FAC]  }
0x39: {  	_ = 	snop;
	(pc) =	sbr.ind lr, $3  }
0x3a: {  	_ = 	snop  }
0x3b: {  	_ = 	snop  }
0x3c: {  	p2 =	seq.s32 s10, $0x1;
	s10 =	sld [smem:$0x3FAB]  }
0x3d: {  	_ =	shalt  }
0x3e: {  	_ =	shalt  }
0x3f: {  	_ =	shalt  }
0x40: {  	_ =	shalt  }
0x41: {  	_ =	shalt  }
0x42: {  	_ =	shalt  }
0x43: {  	_ =	shalt  }
0x44: {  	_ =	shalt  }
0x45: {  	_ =	shalt  }
0x46: {  	_ =	shalt  }
0x47: {  	_ =	shalt  }
0x48: {  	_ =	shalt  }
0x49: {  	_ =	shalt  }
0x4a: {  	_ =	shalt  }
0x4b: {  	_ =	shalt  }
0x4c: {  	_ =	shalt  }
0x4d: {  	_ =	shalt  }
0x4e: {  	_ =	shalt  }
0x4f: {  	_ =	shalt  }
0x50: {  	_ =	shalt  }
0x51: {  	_ =	shalt  }
0x52: {  	_ =	shalt  }
0x53: {  	_ =	shalt  }
0x54: {  	_ =	shalt  }
0x55: {  	_ =	shalt  }
0x56: {  	_ =	shalt  }
0x57: {  	_ =	shalt  }
0x58: {  	_ =	shalt  }
0x59: {  	_ =	shalt  }
0x5a: {  	_ =	shalt  }
0x5b: {  	_ =	shalt  }
0x5c: {  	_ =	shalt  }
0x5d: {  	_ =	shalt  }
0x5e: {  	_ =	shalt  }
0x5f: {  	_ =	shalt  }
0x60: {  	_ =	shalt  }
0x61: {  	_ =	shalt  }
0x62: {  	_ =	shalt  }
0x63: {  	_ =	shalt  }
0x64: {  	_ =	shalt  }
0x65: {  	_ =	shalt  }
0x66: {  	_ =	shalt  }
0x67: {  	_ =	shalt  }
0x68: {  	_ =	shalt  }
0x69: {  	_ =	shalt  }
0x6a: {  	_ =	shalt  }
0x6b: {  	_ =	shalt  }
0x6c: {  	_ =	shalt  }
0x6d: {  	_ =	shalt  }
0x6e: {  	_ =	shalt  }
0x6f: {  	_ =	shalt  }
0x70: {  	_ =	shalt  }
0x71: {  	_ =	shalt  }
0x72: {  	_ =	shalt  }
0x73: {  	_ =	shalt  }
0x74: {  	_ =	shalt  }
0x75: {  	_ =	shalt  }
0x76: {  	_ =	shalt  }
0x77: {  	_ =	shalt  }
0x78: {  	_ =	shalt  }
0x79: {  	_ =	shalt  }
0x7a: {  	_ =	shalt  }
0x7b: {  	_ =	shalt  }
0x7c: {  	_ =	shalt  }
0x7d: {  	_ =	shalt  }
0x7e: {  	_ =	shalt  }
0x7f: {  	_ =	shalt  }
0x80: {  	_ =	shalt  }
0x81: {  	_ =	shalt  }
0x82: {  	_ =	shalt  }
0x83: {  	_ =	shalt  }
0x84: {  	_ =	shalt  }
0x85: {  	_ =	shalt  }
0x86: {  	_ =	shalt  }
0x87: {  	_ =	shalt  }
.Lfunc_end0:
.L_simem_size_0:
called_computation.2_lowered:
.L_overlay_start_0:
0x88: {  	s2 =	sld [smem:$0x3FD9]  }
0x89: {  	s3 =	sld [smem:$0x3FFE];
	_ =	sdelay $0x1  }
0x8a: {  	s1 =	srdreg.scid  }
0x8b: {  	s0 =	sand.u32 $0x1, s1  }
0x8c: {  	s16 =	sshll.u32 s0, $0xA;
	s2 =	sadd.s32 s3, s2  }
0x8d: {  	s2 =	sadd.s32 s2, s16  }
0x8e: {  	[smem:$0x3FB7] =	sst s2  }
0x8f: {  	_ = 	snop  }
0x90: {  	(tm) =	ssettm $0x1  }
0x91: {  	s17 =	sld [smem:$0x3FFB];
	_ =	sdelay $0x3  }
0x92: {  	_ =	strace s17  }
0x93: {  	s2 =	sld [smem:$0x3FFC];
	_ =	sdelay $0x3  }
0x94: {  	_ =	strace s2  }
0x95: {  	s2 =	sld [smem:$0x3FFD];
	_ =	sdelay $0x3  }
0x96: {  	_ =	strace s2  }
0x97: {  	_ =	strace $0x8FFFFFFF  }
0x98: {  	s18 =	sld [smem:$0x3FDB];
	_ =	sdelay $0x1  }
0x99: {  	s19 =	simm.s32 $_scs_section_size  }
0x9a: {  	s4 =	simm.s32 $_size__tile_overlayer_lowered;
	s5 =	simm.s32 $_tile_overlayer_lowered  }
0x9b: {  	s22 =	simm.s32 $0x1BFF;
	s21 =	sshll.u32 s5, $0x1;
	s2 =	sadd.s32 s19, s18  }
0x9c: {  	s6 =	simm.s32 $0x0;
	s20 =	sshll.u32 s4, $0x1;
	s4 =	sadd.s32 s21, s2  }
0x9d: {  	[timem:s6], [sflag:s22] =	dma.local [hbm:s4], s20  }
0x9e: {  	_ =	swait.ge [sflag:s22], s20  }
0x9f: {  	s3 =	ssub.s32 $0x0, s20;
	[sflag:s22] =	ssyncset.done $0x0  }
0xa0: {  	[sflag:s22] =	ssyncadd.s32 s3;
	_ =	sdelay $0x1  }
0xa1: {  	s23 =	simm.s32 $0x1B8B  }
0xa2: {  	_ =	swait.ge [sflag:s23], $0x1  }
0xa3: {  	[sflag:s23] =	ssyncset.done $0x0  }
0xa4: {  	s25 =	simm.s32 $0x1B8E;
	s24 =	sld [smem:$0x3FFE];
	[sflag:s23] =	ssyncadd.s32 $0xFFFFFFFF  }
0xa5: {  	s26 =	simm.s32 $execute0_lowered;
	[smem:$0x3FD2] =	sst s25  }
0xa6: {  	s4 =	sshll.u32 s26, $0x1;
	_ =	strace $0x8000004C;
	[dreg:$0x1] =	wrdreg $0xFFFFFFFF  }
0xa7: {  	s28 =	simm.s32 $_size_execute0_lowered;
	s2 =	sadd.s32 s2, s4;
	[dreg:$0x0] =	wrdreg $0x0  }
0xa8: {  	s4 =	sshll.u32 s28, $0x1;
	[dreg:$0x2] =	wrdreg s2  }
0xa9: {  	[dreg:$0x3] =	wrdreg s4  }
0xaa: {  	[dreg:$0x4] =	wrdreg $0xC0  }
0xab: {  	_ =	task [dreg:s6], $0x5FFFF  }
0xac: {  	[dreg:$0x1] =	wrdreg $0xFFFFFFFF  }
0xad: {  	[dreg:$0x0] =	wrdreg $0x60  }
0xae: {  	[dreg:$0x2] =	wrdreg s24  }
0xaf: {  	[dreg:$0x3] =	wrdreg $0x0  }
0xb0: {  	[dreg:$0x4] =	wrdreg $0x9  }
0xb1: {  	_ =	task.clear_ibuf [dreg:s6], $0x5FFFF;
	_ =	strace $0x9000004C  }
0xb2: {  	s29 =	simm.s32 $0x9;
	_ =	strace $0x8000004E  }
0xb3: {  	_ =	swait.ge [sflag:s29], $0x1  }
0xb4: {  	[sflag:s29] =	ssyncadd.s32 $0xFFFFFFFF  }
0xb5: {  	_ =	strace $0x9000004E  }
0xb6: {  	_ =	sfence  }
0xb7: {  	s30 =	sld [smem:$0x0];
	_ =	sdelay $0x2  }
0xb8: {  	s31 =	sshll.u32 s1, $0xD;
	s1 =	sshrl.u32 s1, $0x2  }
0xb9: {  	s3 =	sand.u32 $0x4000, s31;
	s1 =	sadd.s32 s1, s30  }
0xba: {  	s0 =	sor.u32 s3, s0;
	s1 =	sshll.u32 s1, $0x11  }
0xbb: {  	s0 =	sor.u32 s1, s0  }
0xbc: {  	s0 =	sadd.s32 $0x8F2B, s0  }
0xbd: {  	[sflag:s0] =	ssyncadd.remote.s32 $0x1  }
0xbe: {  	_ =	sfence.sel $0xFFFF  }
0xbf: {  	[dreg:$0x0] =	wrdreg $0xFFFFFFFF;
	(pc) =	sbr.abs _section_cstart, $3  }
0xc0: {  	[dreg:$0x1] =	wrdreg $0xFFFFFFFF  }
0xc1: {  	_ =	task.clear_ibuf [dreg:s6], $0x2FFFF;
	_ =	strace $0x9FFFFFFF  }
0xc2: {  	(tm) =	ssettm $0x7FFFFFFF  }
0xc3: {  	_ =	shalt  }
tec
execute0_lowered:
.L_overlay_start_1:
0x0: {  	(tag) =	ssettag $0x1  }
0x1: {  	s0 =	rddreg [dreg:$0x0]  }
0x2: {  	s2 =	rddreg [dreg:$0x1]  }
0x3: {  	s12 =	stileid.u32;
	s1 =	srdreg.scid;
	s3 =	simm.s32 $0x0  }
0x4: {  	s29 =	simm.s32 $0x2;
	s31 =	simm.s32 $0x6;
	s5 =	smul.u32 $0x14000, s12  }
0x5: {  	s1 =	sand.u32 $0x1, s1;
	[smem:$0x7FF] =	sst s3;
	s10 =	smul.u32 $0x50000, s12  }
0x6: {  	s4 =	sadd.s32 $0x69000, s0;
	s7 =	sadd.s32 $0x37000, s0;
	s26 =	smul.u32 $0x2800, s12  }
0x7: {  	s24 =	sshll.u32 s12, $0x6;
	s6 =	smul.u32 $0x140000, s1;
	_ =	strace $0x8000004D  }
0x8: {  	s9 =	ssub.s32 $0x2, s1;
	s11 =	sshll.u32 s1, $0x4;
	s1 =	smul.u32 $0x28000, s1  }
0x9: {  	s17 =	sor.u32 $0x1C0D, s24;
	s8 =	sshrl.u32 s5, $0x3;
	s21 =	sshrl.u32 s9, $0x1  }
0xa: {  	s11 =	sor.u32 s12, s11;
	s22 =	sshrl.u32 s10, $0x2;
	[dreg:$0xd] =	wrdreg s17  }
0xb: {  	s5 =	sadd.s32 s5, s6;
	s6 =	sadd.s32 $0x2D000, s0;
	s8 =	sadd.s32 s8, s0  }
0xc: {  	s23 =	smul.u32 $0x2800, s11;
	s1 =	sadd.s32 s26, s1;
	s5 =	sshrl.u32 s5, $0x3  }
0xd: {  	s8 =	sadd.s32 $0x41000, s8;
	s10 =	sor.u32 $0x230, s1;
	s18 =	sor.u32 $0x1E0, s1  }
0xe: {  	s0 =	sadd.s32 s5, s0;
	s5 =	ssub.s32 s9, s21;
	s9 =	sadd.s32 s22, s2  }
0xf: {  	[dreg:$0xc] =	wrdreg s8;
	s25 =	sshrl.u32 s23, $0x3;
	s16 =	sshrl.u32 s10, $0x3  }
0x10: {  	s19 =	sshrl.u32 s18, $0x3;
	s21 =	sor.u32 $0x190, s1;
	s1 =	sor.u32 $0x140, s1  }
0x11: {  	s18 =	simm.s32 $0xD;
	[dreg:$0xb] =	wrdreg s9;
	s28 =	sadd.s32 s7, s25  }
0x12: {  	s30 =	sor.u32 $0xA, s25;
	s12 =	sadd.s32 s6, s25;
	[dreg:$0xe] =	wrdreg s28  }
0x13: {  	s14 =	sor.u32 $0x14, s25;
	s10 =	sadd.s32 s16, s6;
	[dreg:$0xf] =	wrdreg s12  }
0x14: {  	s9 =	sor.u32 $0x1E, s25;
	s20 =	sadd.s32 s19, s6;
	[dreg:$0x3] =	wrdreg s10  }
0x15: {  	s22 =	sadd.s32 s19, s7;
	s23 =	sshrl.u32 s21, $0x3;
	[dreg:$0x5] =	wrdreg s20  }
0x16: {  	s1 =	sshrl.u32 s1, $0x3;
	s0 =	sadd.s32 $0xB9000, s0;
	[dreg:$0x6] =	wrdreg s22  }
0x17: {  	s19 =	simm.s32 $0x14000;
	s13 =	sadd.s32 s7, s30;
	[dreg:$0x16] =	wrdreg s0  }
0x18: {  	s21 =	simm.s32 $0x14080;
	s8 =	sadd.s32 s6, s30;
	[dreg:$0x10] =	wrdreg s13  }
0x19: {  	s15 =	sadd.s32 s7, s14;
	s24 =	sadd.s32 s23, s6;
	[dreg:$0x11] =	wrdreg s8  }
0x1a: {  	s25 =	sadd.s32 s23, s7;
	s26 =	sadd.s32 s7, s9;
	[dreg:$0x12] =	wrdreg s15  }
0x1b: {  	s28 =	sadd.s32 s1, s6;
	s1 =	sadd.s32 s1, s7;
	[dreg:$0x7] =	wrdreg s24  }
0x1c: {  	s30 =	smax.u32 s5, $0x1;
	s20 =	simm.s32 $0x14200;
	[dreg:$0x14] =	wrdreg s26  }
0x1d: {  	s23 =	simm.s32 $0x1;
	s22 =	simm.s32 $0x14100;
	[dreg:$0x8] =	wrdreg s25  }
0x1e: {  	s5 =	simm.s32 $0x3;
	s10 =	simm.s32 $0x4;
	[dreg:$0x9] =	wrdreg s28  }
0x1f: {  	s12 =	simm.s32 $0x7;
	s0 =	simm.s32 $0x0;
	[dreg:$0x17] =	wrdreg s30  }
0x20: {  	s8 =	sadd.s32 s6, s14;
	s6 =	sadd.s32 s6, s9;
	[dreg:$0xa] =	wrdreg s1  }
0x21: {  	s24 =	simm.s32 $0x50;
	s26 =	simm.s32 $0x14400;
	s9 =	simm.s32 $0x9  }
0x22: {  	s13 =	simm.s32 $0xA;
	s14 =	simm.s32 $0x8;
	[dreg:$0x13] =	wrdreg s8  }
0x23: {  	s15 =	simm.s32 $0xB;
	s8 =	sadd.s32 s16, s7;
	[dreg:$0x15] =	wrdreg s6  }
0x24: {  	s16 =	simm.s32 $0xC;
	[dreg:$0x4] =	wrdreg s8;
	s8 =	simm.s32 $0x5  }
.LBB2_1:
0x25: {  	[dreg:$0x18] =	wrdreg s0  }
0x26: {  	s7 =	rddreg [dreg:$0xb]  }
0x27: {  	s11 =	rddreg [dreg:$0xc];
	s7 =	sshrl.u32 s7, $0x3  }
0x28: {  	[dreg:$0x19] =	wrdreg s7  }
0x29: {  	[spmem:s7], [sflag:s17] =	dma.local [hbm:s11], $0x2800  }
0x2a: {  	_ =	swait.ge [sflag:s18], $0x2800  }
0x2b: {  	[sflag:s18] =	ssyncset.done $0x0  }
0x2c: {  	[sflag:s18] =	ssyncadd.s32 $0xFFFFD800  }
0x2d: {  	[bflag:$0x0] =	sbarrier.arrive $0xFFFF  }
0x2e: {  	s17 =	rddreg [dreg:$0xe]  }
0x2f: {  	[tilespmem:s19], [sflag:$0x1] =	stream.linear.gather [hbm4b:s17+s3], $0x50, $0x38;
	[tilespmem:$0x1E400] =	vst v63  }
0x30: {  	s18 =	rddreg [dreg:$0xf]  }
0x31: {  	[tilespmem:s20], [sflag:$0x1] =	stream.linear.gather [hbm4b:s18+s3], $0x50, $0x38;
	[tilespmem:$0x1E400] =	vst v63  }
0x32: {  	s25 =	rddreg [dreg:$0x10]  }
0x33: {  	[tilespmem:s21], [sflag:$0x2] =	stream.linear.gather [hbm4b:s25+s3], $0x50, $0x38;
	[tilespmem:$0x1E400] =	vst v63  }
0x34: {  	s30 =	rddreg [dreg:$0x11];
	s17 =	simm.s32 $0x14280  }
0x35: {  	[tilespmem:s17], [sflag:$0x2] =	stream.linear.gather [hbm4b:s30+s3], $0x50, $0x38;
	[tilespmem:$0x1E400] =	vst v63  }
0x36: {  	_ =	swait.ge [sflag:s23], $0x50  }
0x37: {  	[sflag:s23] =	ssyncset.done $0x0  }
0x38: {  	[sflag:s23] =	ssyncadd.s32 $0xFFFFFFB0  }
0x39: {  	_ =	swait.ge [sflag:s23], $0x50  }
0x3a: {  	[sflag:s23] =	ssyncset.done $0x0  }
0x3b: {  	[sflag:s23] =	ssyncadd.s32 $0xFFFFFFB0  }
0x3c: {  	[tilespmem:s26], [sflag:$0x5] =	stream.indirect.gather [hbm4b:s4+s24], $0x80, s19, s24, $0xb8;
	[tilespmem:$0x1E400] =	vst v63  }
0x3d: {  	s0 =	rddreg [dreg:$0x12]  }
0x3e: {  	[tilespmem:s22], [sflag:$0x3] =	stream.linear.gather [hbm4b:s0+s3], $0x50, $0x38;
	[tilespmem:$0x1E400] =	vst v63  }
0x3f: {  	s25 =	simm.s32 $0x14300;
	s1 =	rddreg [dreg:$0x13]  }
0x40: {  	[tilespmem:s25], [sflag:$0x3] =	stream.linear.gather [hbm4b:s1+s3], $0x50, $0x38;
	[tilespmem:$0x1E400] =	vst v63  }
0x41: {  	_ =	swait.ge [sflag:s29], $0x50  }
0x42: {  	[sflag:s29] =	ssyncset.done $0x0  }
0x43: {  	[sflag:s29] =	ssyncadd.s32 $0xFFFFFFB0  }
0x44: {  	_ =	swait.ge [sflag:s29], $0x50  }
0x45: {  	[sflag:s29] =	ssyncset.done $0x0  }
0x46: {  	s0 =	simm.s32 $0x16C00;
	[sflag:s29] =	ssyncadd.s32 $0xFFFFFFB0  }
0x47: {  	[tilespmem:s0], [sflag:$0x6] =	stream.indirect.gather [hbm4b:s4+s24], $0x80, s21, s24, $0xb8;
	[tilespmem:$0x1E400] =	vst v63  }
0x48: {  	_ =	swait.ge [sflag:s8], $0x2800  }
0x49: {  	[sflag:s8] =	ssyncset.done $0x0  }
0x4a: {  	[sflag:s8] =	ssyncadd.s32 $0xFFFFD800  }
0x4b: {  	[spmem:s2] =	stream.indirect.scatter.add.f32 [tilespmem:s26], [sflag:$0x9], $0x80, s20, s24, $0xb8;
	[tilespmem:$0x1E400] =	vst v63  }
0x4c: {  	s1 =	simm.s32 $0x14180;
	s6 =	rddreg [dreg:$0x14]  }
0x4d: {  	[tilespmem:s1], [sflag:$0x4] =	stream.linear.gather [hbm4b:s6+s3], $0x50, $0x38;
	[tilespmem:$0x1E400] =	vst v63  }
0x4e: {  	s11 =	rddreg [dreg:$0x15];
	s6 =	simm.s32 $0x14380  }
0x4f: {  	[tilespmem:s6], [sflag:$0x4] =	stream.linear.gather [hbm4b:s11+s3], $0x50, $0x38;
	[tilespmem:$0x1E400] =	vst v63  }
0x50: {  	_ =	swait.ge [sflag:s5], $0x50  }
0x51: {  	[sflag:s5] =	ssyncset.done $0x0  }
0x52: {  	[sflag:s5] =	ssyncadd.s32 $0xFFFFFFB0  }
0x53: {  	_ =	swait.ge [sflag:s5], $0x50  }
0x54: {  	[sflag:s5] =	ssyncset.done $0x0  }
0x55: {  	s11 =	simm.s32 $0x19400;
	[sflag:s5] =	ssyncadd.s32 $0xFFFFFFB0  }
0x56: {  	[tilespmem:s11], [sflag:$0x7] =	stream.indirect.gather [hbm4b:s4+s24], $0x80, s22, s24, $0xb8;
	[tilespmem:$0x1E400] =	vst v63  }
0x57: {  	_ =	swait.ge [sflag:s31], $0x2800  }
0x58: {  	[sflag:s31] =	ssyncset.done $0x0  }
0x59: {  	[sflag:s31] =	ssyncadd.s32 $0xFFFFD800  }
0x5a: {  	[spmem:s2] =	stream.indirect.scatter.add.f32 [tilespmem:s0], [sflag:$0xA], $0x80, s17, s24, $0xb8;
	[tilespmem:$0x1E400] =	vst v63  }
0x5b: {  	_ =	swait.ge [sflag:s9], $0x2800  }
0x5c: {  	s18 =	rddreg [dreg:$0xa];
	[sflag:s9] =	ssyncset.done $0x0  }
0x5d: {  	s30 =	rddreg [dreg:$0x9];
	[sflag:s9] =	ssyncadd.s32 $0xFFFFD800;
	s7 =	sadd.s32 $0x0, s18  }
0x5e: {  	[tilespmem:s19], [sflag:$0x1] =	stream.linear.gather [hbm4b:s7+s3], $0x50, $0x38;
	[tilespmem:$0x1E400] =	vst v63  }
0x5f: {  	s30 =	sadd.s32 $0x0, s30  }
0x60: {  	[tilespmem:s20], [sflag:$0x1] =	stream.linear.gather [hbm4b:s30+s3], $0x50, $0x38;
	[tilespmem:$0x1E400] =	vst v63  }
0x61: {  	_ =	swait.ge [sflag:s10], $0x50  }
0x62: {  	[sflag:s10] =	ssyncset.done $0x0  }
0x63: {  	[sflag:s10] =	ssyncadd.s32 $0xFFFFFFB0  }
0x64: {  	_ =	swait.ge [sflag:s10], $0x50  }
0x65: {  	[sflag:s10] =	ssyncset.done $0x0  }
0x66: {  	s28 =	simm.s32 $0x1BC00;
	[sflag:s10] =	ssyncadd.s32 $0xFFFFFFB0  }
0x67: {  	[tilespmem:s28], [sflag:$0x8] =	stream.indirect.gather [hbm4b:s4+s24], $0x80, s1, s24, $0xb8;
	[tilespmem:$0x1E400] =	vst v63  }
0x68: {  	_ =	swait.ge [sflag:s12], $0x2800  }
0x69: {  	[sflag:s12] =	ssyncset.done $0x0  }
0x6a: {  	[sflag:s12] =	ssyncadd.s32 $0xFFFFD800  }
0x6b: {  	[spmem:s2] =	stream.indirect.scatter.add.f32 [tilespmem:s11], [sflag:$0xB], $0x80, s25, s24, $0xb8;
	[tilespmem:$0x1E400] =	vst v63  }
0x6c: {  	_ =	swait.ge [sflag:s13], $0x2800  }
0x6d: {  	s18 =	rddreg [dreg:$0x8];
	[sflag:s13] =	ssyncset.done $0x0  }
0x6e: {  	s30 =	rddreg [dreg:$0x7];
	[sflag:s13] =	ssyncadd.s32 $0xFFFFD800;
	s7 =	sadd.s32 $0x0, s18  }
0x6f: {  	[tilespmem:s21], [sflag:$0x2] =	stream.linear.gather [hbm4b:s7+s3], $0x50, $0x38;
	[tilespmem:$0x1E400] =	vst v63  }
0x70: {  	s18 =	sadd.s32 $0x0, s30  }
0x71: {  	[tilespmem:s17], [sflag:$0x2] =	stream.linear.gather [hbm4b:s18+s3], $0x50, $0x38;
	[tilespmem:$0x1E400] =	vst v63  }
0x72: {  	_ =	swait.ge [sflag:s23], $0x50  }
0x73: {  	[sflag:s23] =	ssyncset.done $0x0  }
0x74: {  	[sflag:s23] =	ssyncadd.s32 $0xFFFFFFB0  }
0x75: {  	_ =	swait.ge [sflag:s23], $0x50  }
0x76: {  	[sflag:s23] =	ssyncset.done $0x0  }
0x77: {  	[sflag:s23] =	ssyncadd.s32 $0xFFFFFFB0  }
0x78: {  	[tilespmem:s26], [sflag:$0x5] =	stream.indirect.gather [hbm4b:s4+s24], $0x80, s19, s24, $0xb8;
	[tilespmem:$0x1E400] =	vst v63  }
0x79: {  	_ =	swait.ge [sflag:s14], $0x2800  }
0x7a: {  	[sflag:s14] =	ssyncset.done $0x0  }
0x7b: {  	[sflag:s14] =	ssyncadd.s32 $0xFFFFD800  }
0x7c: {  	[spmem:s2] =	stream.indirect.scatter.add.f32 [tilespmem:s28], [sflag:$0xC], $0x80, s6, s24, $0xb8;
	[tilespmem:$0x1E400] =	vst v63  }
0x7d: {  	_ =	swait.ge [sflag:s15], $0x2800  }
0x7e: {  	s30 =	rddreg [dreg:$0x6];
	[sflag:s15] =	ssyncset.done $0x0  }
0x7f: {  	s17 =	rddreg [dreg:$0x5];
	[sflag:s15] =	ssyncadd.s32 $0xFFFFD800;
	s7 =	sadd.s32 $0x0, s30  }
0x80: {  	[tilespmem:s22], [sflag:$0x3] =	stream.linear.gather [hbm4b:s7+s3], $0x50, $0x38;
	[tilespmem:$0x1E400] =	vst v63  }
0x81: {  	s19 =	sadd.s32 $0x0, s17  }
0x82: {  	[tilespmem:s25], [sflag:$0x3] =	stream.linear.gather [hbm4b:s19+s3], $0x50, $0x38;
	[tilespmem:$0x1E400] =	vst v63  }
0x83: {  	_ =	swait.ge [sflag:s29], $0x50  }
0x84: {  	[sflag:s29] =	ssyncset.done $0x0  }
0x85: {  	[sflag:s29] =	ssyncadd.s32 $0xFFFFFFB0  }
0x86: {  	_ =	swait.ge [sflag:s29], $0x50  }
0x87: {  	[sflag:s29] =	ssyncset.done $0x0  }
0x88: {  	[sflag:s29] =	ssyncadd.s32 $0xFFFFFFB0  }
0x89: {  	[tilespmem:s0], [sflag:$0x6] =	stream.indirect.gather [hbm4b:s4+s24], $0x80, s21, s24, $0xb8;
	[tilespmem:$0x1E400] =	vst v63  }
0x8a: {  	_ =	swait.ge [sflag:s8], $0x2800  }
0x8b: {  	[sflag:s8] =	ssyncset.done $0x0  }
0x8c: {  	[sflag:s8] =	ssyncadd.s32 $0xFFFFD800  }
0x8d: {  	[spmem:s2] =	stream.indirect.scatter.add.f32 [tilespmem:s26], [sflag:$0x9], $0x80, s20, s24, $0xb8;
	[tilespmem:$0x1E400] =	vst v63  }
0x8e: {  	_ =	swait.ge [sflag:s16], $0x2800  }
0x8f: {  	s25 =	rddreg [dreg:$0x4];
	[sflag:s16] =	ssyncset.done $0x0  }
0x90: {  	s26 =	rddreg [dreg:$0x3];
	[sflag:s16] =	ssyncadd.s32 $0xFFFFD800;
	s7 =	sadd.s32 $0x0, s25  }
0x91: {  	[tilespmem:s1], [sflag:$0x4] =	stream.linear.gather [hbm4b:s7+s3], $0x50, $0x38;
	[tilespmem:$0x1E400] =	vst v63  }
0x92: {  	s30 =	sadd.s32 $0x0, s26  }
0x93: {  	[tilespmem:s6], [sflag:$0x4] =	stream.linear.gather [hbm4b:s30+s3], $0x50, $0x38;
	[tilespmem:$0x1E400] =	vst v63  }
0x94: {  	_ =	swait.ge [sflag:s5], $0x50  }
0x95: {  	[sflag:s5] =	ssyncset.done $0x0  }
0x96: {  	[sflag:s5] =	ssyncadd.s32 $0xFFFFFFB0  }
0x97: {  	_ =	swait.ge [sflag:s5], $0x50  }
0x98: {  	[sflag:s5] =	ssyncset.done $0x0  }
0x99: {  	[sflag:s5] =	ssyncadd.s32 $0xFFFFFFB0  }
0x9a: {  	[tilespmem:s11], [sflag:$0x7] =	stream.indirect.gather [hbm4b:s4+s24], $0x80, s22, s24, $0xb8;
	[tilespmem:$0x1E400] =	vst v63  }
0x9b: {  	s18 =	simm.s32 $0x28;
	s28 =	simm.s32 $0x14100;
	_ =	swait.ge [sflag:s31], $0x2800  }
0x9c: {  	s21 =	simm.s32 $0x14200;
	s8 =	simm.s32 $0x5;
	[sflag:s31] =	ssyncset.done $0x0  }
0x9d: {  	s20 =	simm.s32 $0x14000;
	s22 =	simm.s32 $0x14080;
	[sflag:s31] =	ssyncadd.s32 $0xFFFFD800  }
.LBB2_2:
0x9e: {  	s26 =	simm.s32 $0x14280;
	s1 =	simm.s32 $0x16C00  }
0x9f: {  	[spmem:s2] =	stream.indirect.scatter.add.f32 [tilespmem:s1], [sflag:$0xA], $0x80, s26, s24, $0xb8;
	[tilespmem:$0x1E400] =	vst v63  }
0xa0: {  	_ =	swait.ge [sflag:s9], $0x2800  }
0xa1: {  	s7 =	smov.u32 s18;
	s17 =	rddreg [dreg:$0xa];
	[sflag:s9] =	ssyncset.done $0x0  }
0xa2: {  	s19 =	rddreg [dreg:$0x9];
	[sflag:s9] =	ssyncadd.s32 $0xFFFFD800;
	s17 =	sadd.s32 s7, s17  }
0xa3: {  	[tilespmem:s20], [sflag:$0x1] =	stream.linear.gather [hbm4b:s17+s3], $0x50, $0x38;
	[tilespmem:$0x1E400] =	vst v63  }
0xa4: {  	s11 =	sadd.s32 s7, s19  }
0xa5: {  	[tilespmem:s21], [sflag:$0x1] =	stream.linear.gather [hbm4b:s11+s3], $0x50, $0x38;
	[tilespmem:$0x1E400] =	vst v63  }
0xa6: {  	_ =	swait.ge [sflag:s10], $0x50  }
0xa7: {  	[sflag:s10] =	ssyncset.done $0x0  }
0xa8: {  	[sflag:s10] =	ssyncadd.s32 $0xFFFFFFB0  }
0xa9: {  	_ =	swait.ge [sflag:s10], $0x50  }
0xaa: {  	[sflag:s10] =	ssyncset.done $0x0  }
0xab: {  	s6 =	simm.s32 $0x14180;
	s30 =	simm.s32 $0x1BC00;
	[sflag:s10] =	ssyncadd.s32 $0xFFFFFFB0  }
0xac: {  	[tilespmem:s30], [sflag:$0x8] =	stream.indirect.gather [hbm4b:s4+s24], $0x80, s6, s24, $0xb8;
	[tilespmem:$0x1E400] =	vst v63  }
0xad: {  	_ =	swait.ge [sflag:s12], $0x2800  }
0xae: {  	[sflag:s12] =	ssyncset.done $0x0  }
0xaf: {  	s0 =	simm.s32 $0x14300;
	s31 =	simm.s32 $0x19400;
	[sflag:s12] =	ssyncadd.s32 $0xFFFFD800  }
0xb0: {  	[spmem:s2] =	stream.indirect.scatter.add.f32 [tilespmem:s31], [sflag:$0xB], $0x80, s0, s24, $0xb8;
	[tilespmem:$0x1E400] =	vst v63  }
0xb1: {  	_ =	swait.ge [sflag:s13], $0x2800  }
0xb2: {  	s19 =	rddreg [dreg:$0x8];
	[sflag:s13] =	ssyncset.done $0x0  }
0xb3: {  	s25 =	rddreg [dreg:$0x7];
	[sflag:s13] =	ssyncadd.s32 $0xFFFFD800;
	s17 =	sadd.s32 s7, s19  }
0xb4: {  	[tilespmem:s22], [sflag:$0x2] =	stream.linear.gather [hbm4b:s17+s3], $0x50, $0x38;
	[tilespmem:$0x1E400] =	vst v63  }
0xb5: {  	s11 =	sadd.s32 s7, s25  }
0xb6: {  	[tilespmem:s26], [sflag:$0x2] =	stream.linear.gather [hbm4b:s11+s3], $0x50, $0x38;
	[tilespmem:$0x1E400] =	vst v63  }
0xb7: {  	_ =	swait.ge [sflag:s23], $0x50  }
0xb8: {  	[sflag:s23] =	ssyncset.done $0x0  }
0xb9: {  	[sflag:s23] =	ssyncadd.s32 $0xFFFFFFB0  }
0xba: {  	_ =	swait.ge [sflag:s23], $0x50  }
0xbb: {  	[sflag:s23] =	ssyncset.done $0x0  }
0xbc: {  	s26 =	simm.s32 $0x14400;
	[sflag:s23] =	ssyncadd.s32 $0xFFFFFFB0  }
0xbd: {  	[tilespmem:s26], [sflag:$0x5] =	stream.indirect.gather [hbm4b:s4+s24], $0x80, s20, s24, $0xb8;
	[tilespmem:$0x1E400] =	vst v63  }
0xbe: {  	_ =	swait.ge [sflag:s14], $0x2800  }
0xbf: {  	[sflag:s14] =	ssyncset.done $0x0  }
0xc0: {  	s11 =	simm.s32 $0x14380;
	[sflag:s14] =	ssyncadd.s32 $0xFFFFD800  }
0xc1: {  	[spmem:s2] =	stream.indirect.scatter.add.f32 [tilespmem:s30], [sflag:$0xC], $0x80, s11, s24, $0xb8;
	[tilespmem:$0x1E400] =	vst v63  }
0xc2: {  	_ =	swait.ge [sflag:s15], $0x2800  }
0xc3: {  	s17 =	rddreg [dreg:$0x6];
	[sflag:s15] =	ssyncset.done $0x0  }
0xc4: {  	s19 =	rddreg [dreg:$0x5];
	[sflag:s15] =	ssyncadd.s32 $0xFFFFD800;
	s17 =	sadd.s32 s7, s17  }
0xc5: {  	[tilespmem:s28], [sflag:$0x3] =	stream.linear.gather [hbm4b:s17+s3], $0x50, $0x38;
	[tilespmem:$0x1E400] =	vst v63  }
0xc6: {  	s19 =	sadd.s32 s7, s19  }
0xc7: {  	[tilespmem:s0], [sflag:$0x3] =	stream.linear.gather [hbm4b:s19+s3], $0x50, $0x38;
	[tilespmem:$0x1E400] =	vst v63  }
0xc8: {  	_ =	swait.ge [sflag:s29], $0x50  }
0xc9: {  	[sflag:s29] =	ssyncset.done $0x0  }
0xca: {  	[sflag:s29] =	ssyncadd.s32 $0xFFFFFFB0  }
0xcb: {  	_ =	swait.ge [sflag:s29], $0x50  }
0xcc: {  	[sflag:s29] =	ssyncset.done $0x0  }
0xcd: {  	[sflag:s29] =	ssyncadd.s32 $0xFFFFFFB0  }
0xce: {  	[tilespmem:s1], [sflag:$0x6] =	stream.indirect.gather [hbm4b:s4+s24], $0x80, s22, s24, $0xb8;
	[tilespmem:$0x1E400] =	vst v63  }
0xcf: {  	_ =	swait.ge [sflag:s8], $0x2800  }
0xd0: {  	[sflag:s8] =	ssyncset.done $0x0  }
0xd1: {  	[sflag:s8] =	ssyncadd.s32 $0xFFFFD800  }
0xd2: {  	[spmem:s2] =	stream.indirect.scatter.add.f32 [tilespmem:s26], [sflag:$0x9], $0x80, s21, s24, $0xb8;
	[tilespmem:$0x1E400] =	vst v63  }
0xd3: {  	_ =	swait.ge [sflag:s16], $0x2800  }
0xd4: {  	s1 =	rddreg [dreg:$0x4];
	[sflag:s16] =	ssyncset.done $0x0  }
0xd5: {  	s19 =	rddreg [dreg:$0x3];
	[sflag:s16] =	ssyncadd.s32 $0xFFFFD800;
	s17 =	sadd.s32 s7, s1  }
0xd6: {  	[tilespmem:s6], [sflag:$0x4] =	stream.linear.gather [hbm4b:s17+s3], $0x50, $0x38;
	[tilespmem:$0x1E400] =	vst v63  }
0xd7: {  	s7 =	sadd.s32 s7, s19  }
0xd8: {  	[tilespmem:s11], [sflag:$0x4] =	stream.linear.gather [hbm4b:s7+s3], $0x50, $0x38;
	[tilespmem:$0x1E400] =	vst v63  }
0xd9: {  	_ =	swait.ge [sflag:s5], $0x50  }
0xda: {  	[sflag:s5] =	ssyncset.done $0x0  }
0xdb: {  	[sflag:s5] =	ssyncadd.s32 $0xFFFFFFB0  }
0xdc: {  	_ =	swait.ge [sflag:s5], $0x50  }
0xdd: {  	[sflag:s5] =	ssyncset.done $0x0  }
0xde: {  	p0 =	sne.s32 s18, $0x4B0;
	[sflag:s5] =	ssyncadd.s32 $0xFFFFFFB0  }
0xdf: {  	[tilespmem:s31], [sflag:$0x7] =	stream.indirect.gather [hbm4b:s4+s24], $0x80, s28, s24, $0xb8;
	[tilespmem:$0x1E400] =	vst v63  }
.Ltmp0:
0xe0: {  	_ = 	snop;
	(pc) =	sbr.rel @p0 .LBB2_2-.Ltmp0, $4  }
0xe1: {  	s18 =	sadd.s32 $0x28, s18;
	s31 =	simm.s32 $0x6  }
0xe2: {  	s25 =	simm.s32 $0x14280;
	s30 =	simm.s32 $0x14300;
	_ =	swait.ge [sflag:s31], $0x2800  }
0xe3: {  	s0 =	simm.s32 $0x16C00;
	s1 =	simm.s32 $0x14180;
	[sflag:s31] =	ssyncset.done $0x0  }
0xe4: {  	s6 =	simm.s32 $0x14380;
	s7 =	simm.s32 $0x19400;
	[sflag:s31] =	ssyncadd.s32 $0xFFFFD800  }
0xe5: {  	[spmem:s2] =	stream.indirect.scatter.add.f32 [tilespmem:s0], [sflag:$0xA], $0x80, s25, s24, $0xb8;
	[tilespmem:$0x1E400] =	vst v63  }
0xe6: {  	_ =	swait.ge [sflag:s10], $0x50  }
0xe7: {  	[sflag:s10] =	ssyncset.done $0x0  }
0xe8: {  	[sflag:s10] =	ssyncadd.s32 $0xFFFFFFB0  }
0xe9: {  	_ =	swait.ge [sflag:s10], $0x50  }
0xea: {  	[sflag:s10] =	ssyncset.done $0x0  }
0xeb: {  	s21 =	simm.s32 $0x1BC00;
	[sflag:s10] =	ssyncadd.s32 $0xFFFFFFB0  }
0xec: {  	[tilespmem:s21], [sflag:$0x8] =	stream.indirect.gather [hbm4b:s4+s24], $0x80, s1, s24, $0xb8;
	[tilespmem:$0x1E400] =	vst v63  }
0xed: {  	_ =	swait.ge [sflag:s12], $0x2800  }
0xee: {  	[sflag:s12] =	ssyncset.done $0x0  }
0xef: {  	[sflag:s12] =	ssyncadd.s32 $0xFFFFD800  }
0xf0: {  	[spmem:s2] =	stream.indirect.scatter.add.f32 [tilespmem:s7], [sflag:$0xB], $0x80, s30, s24, $0xb8;
	[tilespmem:$0x1E400] =	vst v63  }
0xf1: {  	_ =	swait.ge [sflag:s14], $0x2800  }
0xf2: {  	[sflag:s14] =	ssyncset.done $0x0  }
0xf3: {  	[sflag:s14] =	ssyncadd.s32 $0xFFFFD800  }
0xf4: {  	[spmem:s2] =	stream.indirect.scatter.add.f32 [tilespmem:s21], [sflag:$0xC], $0x80, s6, s24, $0xb8;
	[tilespmem:$0x1E400] =	vst v63  }
0xf5: {  	_ =	swait.ge [sflag:s9], $0x2800  }
0xf6: {  	[sflag:s9] =	ssyncset.done $0x0  }
0xf7: {  	[sflag:s9] =	ssyncadd.s32 $0xFFFFD800  }
0xf8: {  	_ =	swait.ge [sflag:s13], $0x2800  }
0xf9: {  	[sflag:s13] =	ssyncset.done $0x0  }
0xfa: {  	[sflag:s13] =	ssyncadd.s32 $0xFFFFD800  }
0xfb: {  	_ =	swait.ge [sflag:s15], $0x2800  }
0xfc: {  	[sflag:s15] =	ssyncset.done $0x0  }
0xfd: {  	[sflag:s15] =	ssyncadd.s32 $0xFFFFD800  }
0xfe: {  	_ =	swait.ge [sflag:s16], $0x2800  }
0xff: {  	[sflag:s16] =	ssyncset.done $0x0  }
0x100: {  	[sflag:s16] =	ssyncadd.s32 $0xFFFFD800  }
0x101: {  	[bflag:$0x0] =	sbarrier.arrive $0xFFFF  }
0x102: {  	s17 =	rddreg [dreg:$0xd]  }
0x103: {  	s22 =	rddreg [dreg:$0x16]  }
0x104: {  	s18 =	simm.s32 $0xD;
	s25 =	rddreg [dreg:$0x19]  }
0x105: {  	[hbm:s22], [sflag:s17] =	dma.local [spmem:s25], $0x2800  }
0x106: {  	_ =	swait.ge [sflag:s18], $0x2800  }
0x107: {  	s28 =	rddreg [dreg:$0x18]  }
0x108: {  	s30 =	rddreg [dreg:$0x17];
	s0 =	sadd.s32 $0x1, s28  }
0x109: {  	p0 =	sne.s32 s0, s30  }
.Ltmp1:
0x10a: {  	_ = 	snop;
	(pc) =	sbr.rel @p0 .LBB2_1-.Ltmp1, $4  }
0x10b: {  	_ = 	snop  }
0x10c: {  	s19 =	simm.s32 $0x14000  }
0x10d: {  	s20 =	simm.s32 $0x14200;
	s8 =	simm.s32 $0x5;
	[sflag:s18] =	ssyncset.done $0x0  }
0x10e: {  	s21 =	simm.s32 $0x14080;
	s22 =	simm.s32 $0x14100;
	[sflag:s18] =	ssyncadd.s32 $0xFFFFD800  }
0x10f: {  	_ =	sfence.sel $0x180000  }
0x110: {  	[bflag:$0x0] =	sbarrier.arrive $0xFFFF  }
0x111: {  	_ =	strace $0x9000004D  }
0x112: {  	s0 =	stileid.u32;
	[bflag:$0x2] =	sbarrier.arrive $0xFFFF  }
0x113: {  	p0 =	sne.s32 s0, $0x0;
	s0 =	rddreg [dreg:$0x2]  }
0x114: {  	s0 =	sadd.s32 @!p0 $0x100000, s0  }
0x115: {  	[sflag:s0] =	ssyncadd.tile.s32 @!p0 $0x1;
	_ =	shalt  }
.Lfunc_end2:
_tile_overlayer_lowered:
.L_overlay_start_2:
0x116: {  	(tag) =	ssettag $0x2  }
0x117: {  	s0 =	rddreg [dreg:$0x0];
	s2 =	stileid.u32  }
0x118: {  	s1 =	rddreg [dreg:$0x1];
	p0 =	sne.s32 s2, $0x0  }
0x119: {  	s3 =	rddreg [dreg:$0x2];
	[bflag:$0x3] =	sbarrier.arrive $0xFFFF;
	s2 =	simm.s32 @!p0 $0x1C0D  }
0x11a: {  	[timem:s3], [sflag:s2] =	dma.local @!p0 [hbm:s0], s1  }
0x11b: {  	s0 =	simm.s32 @!p0 $0xD  }
0x11c: {  	_ =	swait.ge @!p0 [sflag:s0], s1  }
0x11d: {  	s1 =	ssub.s32 @!p0 $0x0, s1;
	[sflag:s0] =	ssyncset.done @!p0 $0x0  }
0x11e: {  	[sflag:s0] =	ssyncadd.s32 @!p0 s1  }
0x11f: {  	[bflag:$0x3] =	sbarrier.arrive $0xFFFF  }
0x120: {  	_ =	shalt  }

// kernel: kernel.21.cloned.1.call-start
scs
__scs_entry_jumppad:
0x0: {  	(pc) =	sbr.rel $0x88, $3  }
0x1: {  	(tag) =	ssettag $0x0;
	lr =	simm.s32 $0x1  }
0x2: {  	[smem:$0x3F90] =	sst lr;
	_ =	strace $0xD0000000  }
0x3: {  	_ = 	snop  }
0x4: {  	_ = 	snop  }
0x5: {  	_ = 	snop  }
0x6: {  	_ = 	snop  }
0x7: {  	_ = 	snop  }
__scs_overlays_trampoline_lowered:
0x8: {  	[smem:$0x3F9F] =	sst s0  }
0x9: {  	[smem:$0x3FA0] =	sst s1  }
0xa: {  	[smem:$0x3FA1] =	sst s2  }
0xb: {  	[smem:$0x3FA2] =	sst s3  }
0xc: {  	[smem:$0x3FA3] =	sst s4  }
0xd: {  	[smem:$0x3FA4] =	sst s5  }
0xe: {  	[smem:$0x3FA5] =	sst s6  }
0xf: {  	[smem:$0x3FA6] =	sst s7  }
0x10: {  	[smem:$0x3FA7] =	sst s8  }
0x11: {  	[smem:$0x3FA8] =	sst s9;
	s0 =	simm.s32 @!p0 $0x0  }
0x12: {  	s1 =	sld [smem:$0x3F8E];
	s0 =	simm.s32 @p0 $0x1  }
0x13: {  	[smem:$0x3FA9] =	sst s0;
	s0 =	simm.s32 @!p1 $0x0  }
0x14: {  	s2 =	sld [smem:$0x3F8D];
	s0 =	simm.s32 @p1 $0x1  }
0x15: {  	[smem:$0x3FAA] =	sst s0;
	s0 =	simm.s32 @!p2 $0x0  }
0x16: {  	s3 =	sld [smem:$0x3FDB];
	s0 =	simm.s32 @p2 $0x1  }
0x17: {  	s4 =	simm.s32 $0x1BF5;
	[smem:$0x3FAC] =	sst s0  }
0x18: {  	s0 =	sld [smem:$0x3F8F];
	_ =	swait.ge [sflag:s4], $0x0  }
0x19: {  	s7 =	sld [smem:$0x3F90]  }
0x1a: {  	s8 =	sadd.s32 $0xFFFFE003, lr  }
0x1b: {  	s9 =	sadd.s32 $0xFFFFFEF7, lr;
	s5 =	simm.s32 $0xFFFFFFFF;
	p2 =	slt.u32 s8, $0xFFFFF086  }
0x1c: {  	p1 =	slt.u32 s9, $0xF7A;
	s5 =	simm.s32 @!p2 $0x0  }
0x1d: {  	s5 =	simm.s32 @p1 $0x1;
	p0 =	seq.s32 s7, s2  }
0x1e: {  	s7 =	smul.u32 @!p0 $0xF7A, s2;
	p2 =	seq.s32 @!p0 s5, $0x0  }
0x1f: {  	s9 =	smul.u32 $0xF7A, s1;
	s8 =	simm.s32 @!p0 $0x1BF5;
	p2 =	por !p2, p0  }
0x20: {  	[sflag:s8] =	ssyncset.s32 @!p0 $0xFFFFF086;
	s6 =	sadd.s32 @!p0 s3, s7;
	s7 =	simm.s32 @!p0 $0x108  }
0x21: {  	s3 =	sadd.s32 s3, s9;
	s6 =	sadd.s32 @!p0 $0x88, s6;
	s7 =	simm.s32 @p2 $0x1082  }
0x22: {  	[simem:s7], [sflag:s8] =	dma.local @!p0 [hbm:s6], $0xF7A  }
0x23: {  	s9 =	sor.u32 $0xD0000000, s2;
	s6 =	simm.s32 $0x108;
	_ =	swait.ge @!p0 [sflag:s8], $0x0  }
0x24: {  	s3 =	sadd.s32 $0x88, s3;
	s6 =	simm.s32 @!p1 $0x1082;
	[sflag:s4] =	ssyncset.s32 $0xFFFFF086  }
0x25: {  	[simem:s6], [sflag:s4] =	dma.local [hbm:s3], $0xF7A  }
0x26: {  	[smem:$0x3F90] =	sst s1;
	(tag) =	ssettag s2;
	_ =	strace s9  }
0x27: {  	s1 =	sld [smem:$0x3FA0]  }
0x28: {  	s2 =	sld [smem:$0x3FA1]  }
0x29: {  	s4 =	sld [smem:$0x3FA3]  }
0x2a: {  	p0 =	seq.s32 s5, $0x0;
	s5 =	sld [smem:$0x3FA4]  }
0x2b: {  	s6 =	sld [smem:$0x3FA5]  }
0x2c: {  	s7 =	sld [smem:$0x3FA6]  }
0x2d: {  	s3 =	simm.s32 $0x108;
	s8 =	sld [smem:$0x3FA7]  }
0x2e: {  	s3 =	simm.s32 @!p0 $0x1082;
	s9 =	sld [smem:$0x3FA8]  }
0x2f: {  	lr =	sadd.s32 s0, s3;
	s0 =	sld [smem:$0x3F9F]  }
0x30: {  	s3 =	sld [smem:$0x3FA2]  }
0x31: {  	[smem:$0x3FAB] =	sst s10  }
0x32: {  	s10 =	sld [smem:$0x3FA9];
	_ =	sdelay $0x3  }
0x33: {  	p0 =	seq.s32 s10, $0x1;
	s10 =	sld [smem:$0x3FAB];
	_ =	sdelay $0x3  }
0x34: {  	[smem:$0x3FAB] =	sst s10  }
0x35: {  	s10 =	sld [smem:$0x3FAA];
	_ =	sdelay $0x3  }
0x36: {  	p1 =	seq.s32 s10, $0x1;
	s10 =	sld [smem:$0x3FAB];
	_ =	sdelay $0x3  }
0x37: {  	[smem:$0x3FAB] =	sst s10  }
0x38: {  	s10 =	sld [smem:$0x3FAC]  }
0x39: {  	_ = 	snop;
	(pc) =	sbr.ind lr, $3  }
0x3a: {  	_ = 	snop  }
0x3b: {  	_ = 	snop  }
0x3c: {  	p2 =	seq.s32 s10, $0x1;
	s10 =	sld [smem:$0x3FAB]  }
0x3d: {  	_ =	shalt  }
0x3e: {  	_ =	shalt  }
0x3f: {  	_ =	shalt  }
0x40: {  	_ =	shalt  }
0x41: {  	_ =	shalt  }
0x42: {  	_ =	shalt  }
0x43: {  	_ =	shalt  }
0x44: {  	_ =	shalt  }
0x45: {  	_ =	shalt  }
0x46: {  	_ =	shalt  }
0x47: {  	_ =	shalt  }
0x48: {  	_ =	shalt  }
0x49: {  	_ =	shalt  }
0x4a: {  	_ =	shalt  }
0x4b: {  	_ =	shalt  }
0x4c: {  	_ =	shalt  }
0x4d: {  	_ =	shalt  }
0x4e: {  	_ =	shalt  }
0x4f: {  	_ =	shalt  }
0x50: {  	_ =	shalt  }
0x51: {  	_ =	shalt  }
0x52: {  	_ =	shalt  }
0x53: {  	_ =	shalt  }
0x54: {  	_ =	shalt  }
0x55: {  	_ =	shalt  }
0x56: {  	_ =	shalt  }
0x57: {  	_ =	shalt  }
0x58: {  	_ =	shalt  }
0x59: {  	_ =	shalt  }
0x5a: {  	_ =	shalt  }
0x5b: {  	_ =	shalt  }
0x5c: {  	_ =	shalt  }
0x5d: {  	_ =	shalt  }
0x5e: {  	_ =	shalt  }
0x5f: {  	_ =	shalt  }
0x60: {  	_ =	shalt  }
0x61: {  	_ =	shalt  }
0x62: {  	_ =	shalt  }
0x63: {  	_ =	shalt  }
0x64: {  	_ =	shalt  }
0x65: {  	_ =	shalt  }
0x66: {  	_ =	shalt  }
0x67: {  	_ =	shalt  }
0x68: {  	_ =	shalt  }
0x69: {  	_ =	shalt  }
0x6a: {  	_ =	shalt  }
0x6b: {  	_ =	shalt  }
0x6c: {  	_ =	shalt  }
0x6d: {  	_ =	shalt  }
0x6e: {  	_ =	shalt  }
0x6f: {  	_ =	shalt  }
0x70: {  	_ =	shalt  }
0x71: {  	_ =	shalt  }
0x72: {  	_ =	shalt  }
0x73: {  	_ =	shalt  }
0x74: {  	_ =	shalt  }
0x75: {  	_ =	shalt  }
0x76: {  	_ =	shalt  }
0x77: {  	_ =	shalt  }
0x78: {  	_ =	shalt  }
0x79: {  	_ =	shalt  }
0x7a: {  	_ =	shalt  }
0x7b: {  	_ =	shalt  }
0x7c: {  	_ =	shalt  }
0x7d: {  	_ =	shalt  }
0x7e: {  	_ =	shalt  }
0x7f: {  	_ =	shalt  }
0x80: {  	_ =	shalt  }
0x81: {  	_ =	shalt  }
0x82: {  	_ =	shalt  }
0x83: {  	_ =	shalt  }
0x84: {  	_ =	shalt  }
0x85: {  	_ =	shalt  }
0x86: {  	_ =	shalt  }
0x87: {  	_ =	shalt  }
.Lfunc_end0:
.L_simem_size_0:
called_computation.3_lowered:
.L_overlay_start_0:
0x88: {  	s2 =	sld [smem:$0x3FD9]  }
0x89: {  	s3 =	sld [smem:$0x3FFE];
	_ =	sdelay $0x1  }
0x8a: {  	s1 =	srdreg.scid  }
0x8b: {  	s0 =	sand.u32 $0x1, s1  }
0x8c: {  	s16 =	sshll.u32 s0, $0xA;
	s2 =	sadd.s32 s3, s2  }
0x8d: {  	s2 =	sadd.s32 s2, s16  }
0x8e: {  	[smem:$0x3FB7] =	sst s2  }
0x8f: {  	_ = 	snop  }
0x90: {  	(tm) =	ssettm $0x1  }
0x91: {  	s17 =	sld [smem:$0x3FFB];
	_ =	sdelay $0x3  }
0x92: {  	_ =	strace s17  }
0x93: {  	s2 =	sld [smem:$0x3FFC];
	_ =	sdelay $0x3  }
0x94: {  	_ =	strace s2  }
0x95: {  	s2 =	sld [smem:$0x3FFD];
	_ =	sdelay $0x3  }
0x96: {  	_ =	strace s2  }
0x97: {  	_ =	strace $0x8FFFFFFF  }
0x98: {  	s18 =	sld [smem:$0x3FDB];
	_ =	sdelay $0x1  }
0x99: {  	s19 =	simm.s32 $_scs_section_size  }
0x9a: {  	s4 =	simm.s32 $_size__tile_overlayer_lowered;
	s5 =	simm.s32 $_tile_overlayer_lowered  }
0x9b: {  	s22 =	simm.s32 $0x1BFF;
	s21 =	sshll.u32 s5, $0x1;
	s2 =	sadd.s32 s19, s18  }
0x9c: {  	s6 =	simm.s32 $0x0;
	s20 =	sshll.u32 s4, $0x1;
	s4 =	sadd.s32 s21, s2  }
0x9d: {  	[timem:s6], [sflag:s22] =	dma.local [hbm:s4], s20  }
0x9e: {  	_ =	swait.ge [sflag:s22], s20  }
0x9f: {  	s3 =	ssub.s32 $0x0, s20;
	[sflag:s22] =	ssyncset.done $0x0  }
0xa0: {  	[sflag:s22] =	ssyncadd.s32 s3;
	_ =	sdelay $0x1  }
0xa1: {  	s23 =	simm.s32 $0x1B8B  }
0xa2: {  	_ =	swait.ge [sflag:s23], $0x1  }
0xa3: {  	[sflag:s23] =	ssyncset.done $0x0  }
0xa4: {  	s25 =	simm.s32 $0x1B8E;
	s24 =	sld [smem:$0x3FFE];
	[sflag:s23] =	ssyncadd.s32 $0xFFFFFFFF  }
0xa5: {  	s26 =	simm.s32 $execute0_lowered;
	[smem:$0x3FD2] =	sst s25  }
0xa6: {  	s4 =	sshll.u32 s26, $0x1;
	_ =	strace $0x8000004F;
	[dreg:$0x1] =	wrdreg $0xFFFFFFFF  }
0xa7: {  	s28 =	simm.s32 $_size_execute0_lowered;
	s2 =	sadd.s32 s2, s4;
	[dreg:$0x0] =	wrdreg $0x0  }
0xa8: {  	s4 =	sshll.u32 s28, $0x1;
	[dreg:$0x2] =	wrdreg s2  }
0xa9: {  	[dreg:$0x3] =	wrdreg s4  }
0xaa: {  	[dreg:$0x4] =	wrdreg $0xC0  }
0xab: {  	_ =	task [dreg:s6], $0x5FFFF  }
0xac: {  	[dreg:$0x1] =	wrdreg $0xFFFFFFFF  }
0xad: {  	[dreg:$0x0] =	wrdreg $0x60  }
0xae: {  	[dreg:$0x2] =	wrdreg s24  }
0xaf: {  	[dreg:$0x3] =	wrdreg $0x0  }
0xb0: {  	[dreg:$0x4] =	wrdreg $0x9  }
0xb1: {  	_ =	task.clear_ibuf [dreg:s6], $0x5FFFF;
	_ =	strace $0x9000004F  }
0xb2: {  	s29 =	simm.s32 $0x9;
	_ =	strace $0x80000051  }
0xb3: {  	_ =	swait.ge [sflag:s29], $0x1  }
0xb4: {  	[sflag:s29] =	ssyncadd.s32 $0xFFFFFFFF  }
0xb5: {  	_ =	strace $0x90000051  }
0xb6: {  	_ =	sfence  }
0xb7: {  	s30 =	sld [smem:$0x0];
	_ =	sdelay $0x2  }
0xb8: {  	s31 =	sshll.u32 s1, $0xD;
	s1 =	sshrl.u32 s1, $0x2  }
0xb9: {  	s3 =	sand.u32 $0x4000, s31;
	s1 =	sadd.s32 s1, s30  }
0xba: {  	s0 =	sor.u32 s3, s0;
	s1 =	sshll.u32 s1, $0x11  }
0xbb: {  	s0 =	sor.u32 s1, s0  }
0xbc: {  	s0 =	sadd.s32 $0x8F2B, s0  }
0xbd: {  	[sflag:s0] =	ssyncadd.remote.s32 $0x1  }
0xbe: {  	_ =	sfence.sel $0xFFFF  }
0xbf: {  	[dreg:$0x0] =	wrdreg $0xFFFFFFFF;
	(pc) =	sbr.abs _section_cstart, $3  }
0xc0: {  	[dreg:$0x1] =	wrdreg $0xFFFFFFFF  }
0xc1: {  	_ =	task.clear_ibuf [dreg:s6], $0x2FFFF;
	_ =	strace $0x9FFFFFFF  }
0xc2: {  	(tm) =	ssettm $0x7FFFFFFF  }
0xc3: {  	_ =	shalt  }
tec
execute0_lowered:
.L_overlay_start_1:
0x0: {  	(tag) =	ssettag $0x1  }
0x1: {  	s0 =	rddreg [dreg:$0x0]  }
0x2: {  	s2 =	rddreg [dreg:$0x1]  }
0x3: {  	s10 =	stileid.u32;
	s1 =	srdreg.scid  }
0x4: {  	s3 =	simm.s32 $0x0;
	s31 =	simm.s32 $0x2;
	s30 =	simm.s32 $0xCE00  }
0x5: {  	s29 =	simm.s32 $0x7;
	s5 =	smul.u32 $0xA000, s10;
	s1 =	sand.u32 $0x1, s1  }
0x6: {  	[smem:$0x7FF] =	sst s3;
	s4 =	sadd.s32 $0x5000, s0;
	s21 =	sadd.s32 $0x2D000, s0  }
0x7: {  	s28 =	sadd.s32 $0x37000, s0;
	s23 =	smul.u32 $0x28000, s10;
	s26 =	sshll.u32 s10, $0x6  }
0x8: {  	s6 =	smul.u32 $0xA0000, s1;
	_ =	strace $0x80000050;
	s24 =	ssub.s32 $0x2, s1  }
0x9: {  	s8 =	sshll.u32 s1, $0x4;
	s1 =	smul.u32 $0x27600, s1;
	s14 =	sor.u32 $0x1C13, s26  }
0xa: {  	[dreg:$0xd] =	wrdreg s28;
	s7 =	sshrl.u32 s5, $0x3;
	s9 =	sshrl.u32 s24, $0x1  }
0xb: {  	s8 =	sor.u32 s10, s8;
	[dreg:$0x10] =	wrdreg s14;
	s5 =	sadd.s32 s5, s6  }
0xc: {  	s22 =	sadd.s32 s7, s0;
	s7 =	sshrl.u32 s23, $0x2;
	s25 =	smul.u32 $0x2760, s8  }
0xd: {  	s5 =	sshrl.u32 s5, $0x3;
	s7 =	sadd.s32 s7, s2;
	s6 =	sadd.s32 $0x41000, s22  }
0xe: {  	s2 =	smul.u32 $0x2760, s10;
	s0 =	sadd.s32 s5, s0;
	[dreg:$0xe] =	wrdreg s7  }
0xf: {  	s5 =	ssub.s32 s24, s9;
	[dreg:$0xf] =	wrdreg s6;
	s6 =	sshrl.u32 s25, $0x3  }
0x10: {  	s10 =	sadd.s32 s21, s6;
	s11 =	sadd.s32 s28, s6;
	s12 =	sadd.s32 $0xA, s6  }
0x11: {  	s15 =	sadd.s32 $0x14, s6;
	s1 =	sadd.s32 s2, s1;
	[dreg:$0x11] =	wrdreg s10  }
0x12: {  	s20 =	sadd.s32 $0x1E, s6;
	s0 =	sadd.s32 $0x69000, s0;
	[dreg:$0x12] =	wrdreg s11  }
0x13: {  	s5 =	smax.u32 s5, $0x1;
	s13 =	sadd.s32 s21, s12;
	[dreg:$0x1d] =	wrdreg s0  }
0x14: {  	s16 =	sadd.s32 s28, s12;
	s17 =	sadd.s32 s21, s15;
	[dreg:$0x1e] =	wrdreg s5  }
0x15: {  	s18 =	sadd.s32 $0x370, s1;
	s19 =	sadd.s32 s28, s15;
	[dreg:$0x13] =	wrdreg s13  }
0x16: {  	s22 =	sadd.s32 s21, s20;
	s24 =	sadd.s32 $0x320, s1;
	[dreg:$0x14] =	wrdreg s16  }
0x17: {  	s2 =	sadd.s32 $0x2D0, s1;
	s15 =	sadd.s32 $0x280, s1;
	[dreg:$0x15] =	wrdreg s17  }
0x18: {  	s8 =	sadd.s32 s28, s20;
	s20 =	sadd.s32 $0x230, s1;
	[dreg:$0x16] =	wrdreg s19  }
0x19: {  	s10 =	simm.s32 $0x1;
	s7 =	sshrl.u32 s18, $0x3;
	[dreg:$0x17] =	wrdreg s22  }
0x1a: {  	s0 =	simm.s32 $0x50;
	[dreg:$0x18] =	wrdreg s8;
	s23 =	sadd.s32 s7, s28  }
0x1b: {  	s25 =	sshrl.u32 s24, $0x3;
	s7 =	sadd.s32 s7, s21;
	[dreg:$0x3] =	wrdreg s23  }
0x1c: {  	s5 =	simm.s32 $0xA;
	s26 =	sadd.s32 s25, s28;
	[dreg:$0x4] =	wrdreg s7  }
0x1d: {  	s12 =	sshrl.u32 s2, $0x3;
	s11 =	sadd.s32 s25, s21;
	[dreg:$0x5] =	wrdreg s26  }
0x1e: {  	s17 =	sshrl.u32 s15, $0x3;
	s13 =	sadd.s32 s12, s28;
	[dreg:$0x6] =	wrdreg s11  }
0x1f: {  	s19 =	sadd.s32 $0x28, s6;
	s16 =	sadd.s32 s12, s21;
	[dreg:$0x7] =	wrdreg s13  }
0x20: {  	s6 =	sadd.s32 $0x32, s6;
	s18 =	sadd.s32 s17, s28;
	[dreg:$0x8] =	wrdreg s16  }
0x21: {  	s15 =	simm.s32 $0x3;
	s22 =	sadd.s32 s21, s19;
	[dreg:$0x9] =	wrdreg s18  }
0x22: {  	s9 =	sadd.s32 s17, s21;
	s8 =	sadd.s32 s28, s19;
	[dreg:$0x19] =	wrdreg s22  }
0x23: {  	s24 =	sadd.s32 s21, s6;
	s6 =	sadd.s32 s28, s6;
	[dreg:$0xa] =	wrdreg s9  }
0x24: {  	s19 =	simm.s32 $0x13;
	s12 =	simm.s32 $0xA080;
	[dreg:$0x1a] =	wrdreg s8  }
0x25: {  	s17 =	simm.s32 $0xA380;
	s7 =	sshrl.u32 s20, $0x3;
	[dreg:$0x1b] =	wrdreg s24  }
0x26: {  	[dreg:$0x1c] =	wrdreg s6;
	s26 =	sadd.s32 $0x1E0, s1;
	s22 =	simm.s32 $0xA600  }
0x27: {  	s6 =	simm.s32 $0xA400;
	s1 =	simm.s32 $0xA180;
	s8 =	simm.s32 $0xF600  }
0x28: {  	s11 =	simm.s32 $0x8;
	s18 =	simm.s32 $0xA200;
	s20 =	simm.s32 $0x4  }
0x29: {  	s16 =	simm.s32 $0x9;
	s24 =	simm.s32 $0x5;
	s9 =	simm.s32 $0x0  }
0x2a: {  	s23 =	sadd.s32 s7, s28;
	s25 =	sadd.s32 s7, s21;
	[dreg:$0x1f] =	wrdreg s26  }
0x2b: {  	s7 =	simm.s32 $0xA100;
	s26 =	simm.s32 $0x6;
	[dreg:$0xb] =	wrdreg s23  }
0x2c: {  	[dreg:$0xc] =	wrdreg s25;
	s23 =	simm.s32 $0xA000;
	s25 =	simm.s32 $0xA300  }
.LBB2_1:
0x2d: {  	[smem:$0x7FC] =	sst s9  }
0x2e: {  	s13 =	rddreg [dreg:$0xe]  }
0x2f: {  	s2 =	rddreg [dreg:$0xf];
	s13 =	sshrl.u32 s13, $0x3  }
0x30: {  	[smem:$0x7FD] =	sst s13  }
0x31: {  	[spmem:s13], [sflag:s14] =	dma.local [hbm:s2], $0x1400  }
0x32: {  	_ =	swait.ge [sflag:s19], $0x1400  }
0x33: {  	[sflag:s19] =	ssyncset.done $0x0  }
0x34: {  	[sflag:s19] =	ssyncadd.s32 $0xFFFFEC00  }
0x35: {  	[bflag:$0x0] =	sbarrier.arrive $0xFFFF  }
0x36: {  	s19 =	rddreg [dreg:$0x11]  }
0x37: {  	[tilespmem:s23], [sflag:$0x1] =	stream.linear.gather [hbm4b:s19+s3], $0x50, $0x38;
	[tilespmem:$0x19600] =	vst v63  }
0x38: {  	s2 =	rddreg [dreg:$0x12]  }
0x39: {  	[tilespmem:s25], [sflag:$0x1] =	stream.linear.gather [hbm4b:s2+s3], $0x50, $0x38;
	[tilespmem:$0x19600] =	vst v63  }
0x3a: {  	s13 =	rddreg [dreg:$0x13]  }
0x3b: {  	[tilespmem:s12], [sflag:$0x2] =	stream.linear.gather [hbm4b:s13+s3], $0x50, $0x38;
	[tilespmem:$0x19600] =	vst v63  }
0x3c: {  	s14 =	rddreg [dreg:$0x14]  }
0x3d: {  	[tilespmem:s17], [sflag:$0x2] =	stream.linear.gather [hbm4b:s14+s3], $0x50, $0x38;
	[tilespmem:$0x19600] =	vst v63  }
0x3e: {  	_ =	swait.ge [sflag:s10], $0x50  }
0x3f: {  	[sflag:s10] =	ssyncset.done $0x0  }
0x40: {  	[sflag:s10] =	ssyncadd.s32 $0xFFFFFFB0  }
0x41: {  	_ =	swait.ge [sflag:s10], $0x50  }
0x42: {  	[sflag:s10] =	ssyncset.done $0x0  }
0x43: {  	[sflag:s10] =	ssyncadd.s32 $0xFFFFFFB0  }
0x44: {  	[tilespmem:s22], [sflag:$0x7] =	stream.indirect.gather [hbm4b:s4+s0], $0x80, s23, s0, $0xb8;
	[tilespmem:$0x19600] =	vst v63  }
0x45: {  	s19 =	rddreg [dreg:$0x15]  }
0x46: {  	[tilespmem:s7], [sflag:$0x3] =	stream.linear.gather [hbm4b:s19+s3], $0x50, $0x38;
	[tilespmem:$0x19600] =	vst v63  }
0x47: {  	s2 =	rddreg [dreg:$0x16]  }
0x48: {  	[tilespmem:s6], [sflag:$0x3] =	stream.linear.gather [hbm4b:s2+s3], $0x50, $0x38;
	[tilespmem:$0x19600] =	vst v63  }
0x49: {  	_ =	swait.ge [sflag:s31], $0x50  }
0x4a: {  	[sflag:s31] =	ssyncset.done $0x0  }
0x4b: {  	[sflag:s31] =	ssyncadd.s32 $0xFFFFFFB0  }
0x4c: {  	_ =	swait.ge [sflag:s31], $0x50  }
0x4d: {  	[sflag:s31] =	ssyncset.done $0x0  }
0x4e: {  	[sflag:s31] =	ssyncadd.s32 $0xFFFFFFB0  }
0x4f: {  	[tilespmem:s30], [sflag:$0x8] =	stream.indirect.gather [hbm4b:s4+s0], $0x80, s12, s0, $0xb8;
	[tilespmem:$0x19600] =	vst v63  }
0x50: {  	_ =	swait.ge [sflag:s29], $0x2800  }
0x51: {  	[sflag:s29] =	ssyncset.done $0x0  }
0x52: {  	[sflag:s29] =	ssyncadd.s32 $0xFFFFD800  }
0x53: {  	s2 =	rddreg [dreg:$0x1]  }
0x54: {  	[spmem:s2] =	stream.indirect.scatter.add.f32 [tilespmem:s22], [sflag:$0xD], $0x80, s25, s0, $0xb8;
	[tilespmem:$0x19600] =	vst v63  }
0x55: {  	s13 =	rddreg [dreg:$0x17]  }
0x56: {  	[tilespmem:s1], [sflag:$0x4] =	stream.linear.gather [hbm4b:s13+s3], $0x50, $0x38;
	[tilespmem:$0x19600] =	vst v63  }
0x57: {  	s19 =	simm.s32 $0xA480;
	s14 =	rddreg [dreg:$0x18]  }
0x58: {  	[tilespmem:s19], [sflag:$0x4] =	stream.linear.gather [hbm4b:s14+s3], $0x50, $0x38;
	[tilespmem:$0x19600] =	vst v63  }
0x59: {  	_ =	swait.ge [sflag:s15], $0x50  }
0x5a: {  	[sflag:s15] =	ssyncset.done $0x0  }
0x5b: {  	[sflag:s15] =	ssyncadd.s32 $0xFFFFFFB0  }
0x5c: {  	_ =	swait.ge [sflag:s15], $0x50  }
0x5d: {  	[sflag:s15] =	ssyncset.done $0x0  }
0x5e: {  	[sflag:s15] =	ssyncadd.s32 $0xFFFFFFB0  }
0x5f: {  	[tilespmem:s8], [sflag:$0x9] =	stream.indirect.gather [hbm4b:s4+s0], $0x80, s7, s0, $0xb8;
	[tilespmem:$0x19600] =	vst v63  }
0x60: {  	_ =	swait.ge [sflag:s11], $0x2800  }
0x61: {  	[sflag:s11] =	ssyncset.done $0x0  }
0x62: {  	[sflag:s11] =	ssyncadd.s32 $0xFFFFD800  }
0x63: {  	[spmem:s2] =	stream.indirect.scatter.add.f32 [tilespmem:s30], [sflag:$0xE], $0x80, s17, s0, $0xb8;
	[tilespmem:$0x19600] =	vst v63  }
0x64: {  	s14 =	rddreg [dreg:$0x19]  }
0x65: {  	[tilespmem:s18], [sflag:$0x5] =	stream.linear.gather [hbm4b:s14+s3], $0x50, $0x38;
	[tilespmem:$0x19600] =	vst v63  }
0x66: {  	s13 =	rddreg [dreg:$0x1a];
	s14 =	simm.s32 $0xA500  }
0x67: {  	[tilespmem:s14], [sflag:$0x5] =	stream.linear.gather [hbm4b:s13+s3], $0x50, $0x38;
	[tilespmem:$0x19600] =	vst v63  }
0x68: {  	_ =	swait.ge [sflag:s20], $0x50  }
0x69: {  	[sflag:s20] =	ssyncset.done $0x0  }
0x6a: {  	[sflag:s20] =	ssyncadd.s32 $0xFFFFFFB0  }
0x6b: {  	_ =	swait.ge [sflag:s20], $0x50  }
0x6c: {  	[sflag:s20] =	ssyncset.done $0x0  }
0x6d: {  	s14 =	simm.s32 $0x11E00;
	[sflag:s20] =	ssyncadd.s32 $0xFFFFFFB0  }
0x6e: {  	[tilespmem:s14], [sflag:$0xA] =	stream.indirect.gather [hbm4b:s4+s0], $0x80, s1, s0, $0xb8;
	[tilespmem:$0x19600] =	vst v63  }
0x6f: {  	_ =	swait.ge [sflag:s16], $0x2800  }
0x70: {  	[sflag:s16] =	ssyncset.done $0x0  }
0x71: {  	[sflag:s16] =	ssyncadd.s32 $0xFFFFD800  }
0x72: {  	[spmem:s2] =	stream.indirect.scatter.add.f32 [tilespmem:s8], [sflag:$0xF], $0x80, s6, s0, $0xb8;
	[tilespmem:$0x19600] =	vst v63  }
0x73: {  	s13 =	rddreg [dreg:$0x1b];
	s16 =	simm.s32 $0xA280  }
0x74: {  	[tilespmem:s16], [sflag:$0x6] =	stream.linear.gather [hbm4b:s13+s3], $0x50, $0x38;
	[tilespmem:$0x19600] =	vst v63  }
0x75: {  	s13 =	rddreg [dreg:$0x1c];
	s16 =	simm.s32 $0xA580  }
0x76: {  	[tilespmem:s16], [sflag:$0x6] =	stream.linear.gather [hbm4b:s13+s3], $0x50, $0x38;
	[tilespmem:$0x19600] =	vst v63  }
0x77: {  	_ =	swait.ge [sflag:s24], $0x50  }
0x78: {  	[sflag:s24] =	ssyncset.done $0x0  }
0x79: {  	[sflag:s24] =	ssyncadd.s32 $0xFFFFFFB0  }
0x7a: {  	_ =	swait.ge [sflag:s24], $0x50  }
0x7b: {  	[sflag:s24] =	ssyncset.done $0x0  }
0x7c: {  	s13 =	simm.s32 $0x14600;
	[sflag:s24] =	ssyncadd.s32 $0xFFFFFFB0  }
0x7d: {  	[tilespmem:s13], [sflag:$0xB] =	stream.indirect.gather [hbm4b:s4+s0], $0x80, s18, s0, $0xb8;
	[tilespmem:$0x19600] =	vst v63  }
0x7e: {  	_ =	swait.ge [sflag:s5], $0x2800  }
0x7f: {  	s19 =	simm.s32 $0xA480;
	[sflag:s5] =	ssyncset.done $0x0  }
0x80: {  	s14 =	simm.s32 $0x11E00;
	s16 =	simm.s32 $0xD;
	[sflag:s5] =	ssyncadd.s32 $0xFFFFD800  }
0x81: {  	[spmem:s2] =	stream.indirect.scatter.add.f32 [tilespmem:s14], [sflag:$0x10], $0x80, s19, s0, $0xb8;
	[tilespmem:$0x19600] =	vst v63  }
0x82: {  	_ =	swait.ge [sflag:s16], $0x2800  }
0x83: {  	s19 =	rddreg [dreg:$0x1f]  }
0x84: {  	[sflag:s16] =	ssyncset.done $0x0;
	s14 =	sshrl.u32 s19, $0x3  }
0x85: {  	[sflag:s16] =	ssyncadd.s32 $0xFFFFD800;
	s9 =	sadd.s32 s21, s14  }
0x86: {  	[tilespmem:s23], [sflag:$0x1] =	stream.linear.gather [hbm4b:s9+s3], $0x50, $0x38;
	[tilespmem:$0x19600] =	vst v63  }
0x87: {  	s14 =	sadd.s32 s28, s14  }
0x88: {  	[tilespmem:s25], [sflag:$0x1] =	stream.linear.gather [hbm4b:s14+s3], $0x50, $0x38;
	[tilespmem:$0x19600] =	vst v63  }
0x89: {  	_ =	swait.ge [sflag:s26], $0x50  }
0x8a: {  	[sflag:s26] =	ssyncset.done $0x0  }
0x8b: {  	[sflag:s26] =	ssyncadd.s32 $0xFFFFFFB0  }
0x8c: {  	_ =	swait.ge [sflag:s26], $0x50  }
0x8d: {  	s16 =	simm.s32 $0xB;
	[sflag:s26] =	ssyncset.done $0x0  }
0x8e: {  	s28 =	simm.s32 $0xA280;
	s9 =	simm.s32 $0x16E00;
	[sflag:s26] =	ssyncadd.s32 $0xFFFFFFB0  }
0x8f: {  	[tilespmem:s9], [sflag:$0xC] =	stream.indirect.gather [hbm4b:s4+s0], $0x80, s28, s0, $0xb8;
	[tilespmem:$0x19600] =	vst v63  }
0x90: {  	_ =	swait.ge [sflag:s16], $0x2800  }
0x91: {  	[sflag:s16] =	ssyncset.done $0x0  }
0x92: {  	s13 =	simm.s32 $0x14600;
	s28 =	simm.s32 $0xA500;
	[sflag:s16] =	ssyncadd.s32 $0xFFFFD800  }
0x93: {  	[spmem:s2] =	stream.indirect.scatter.add.f32 [tilespmem:s13], [sflag:$0x11], $0x80, s28, s0, $0xb8;
	[tilespmem:$0x19600] =	vst v63  }
0x94: {  	s13 =	simm.s32 $0xE  }
0x95: {  	_ =	swait.ge [sflag:s13], $0x2800  }
0x96: {  	s14 =	rddreg [dreg:$0xc];
	[sflag:s13] =	ssyncset.done $0x0  }
0x97: {  	s16 =	rddreg [dreg:$0xb];
	[sflag:s13] =	ssyncadd.s32 $0xFFFFD800;
	s14 =	sadd.s32 $0x0, s14  }
0x98: {  	[tilespmem:s12], [sflag:$0x2] =	stream.linear.gather [hbm4b:s14+s3], $0x50, $0x38;
	[tilespmem:$0x19600] =	vst v63  }
0x99: {  	s13 =	sadd.s32 $0x0, s16  }
0x9a: {  	[tilespmem:s17], [sflag:$0x2] =	stream.linear.gather [hbm4b:s13+s3], $0x50, $0x38;
	[tilespmem:$0x19600] =	vst v63  }
0x9b: {  	_ =	swait.ge [sflag:s10], $0x50  }
0x9c: {  	[sflag:s10] =	ssyncset.done $0x0  }
0x9d: {  	[sflag:s10] =	ssyncadd.s32 $0xFFFFFFB0  }
0x9e: {  	_ =	swait.ge [sflag:s10], $0x50  }
0x9f: {  	[sflag:s10] =	ssyncset.done $0x0  }
0xa0: {  	s14 =	simm.s32 $0xC;
	[sflag:s10] =	ssyncadd.s32 $0xFFFFFFB0  }
0xa1: {  	[tilespmem:s22], [sflag:$0x7] =	stream.indirect.gather [hbm4b:s4+s0], $0x80, s23, s0, $0xb8;
	[tilespmem:$0x19600] =	vst v63  }
0xa2: {  	_ =	swait.ge [sflag:s14], $0x2800  }
0xa3: {  	[sflag:s14] =	ssyncset.done $0x0  }
0xa4: {  	s16 =	simm.s32 $0xF;
	s10 =	simm.s32 $0xA580;
	[sflag:s14] =	ssyncadd.s32 $0xFFFFD800  }
0xa5: {  	[spmem:s2] =	stream.indirect.scatter.add.f32 [tilespmem:s9], [sflag:$0x12], $0x80, s10, s0, $0xb8;
	[tilespmem:$0x19600] =	vst v63  }
0xa6: {  	_ =	swait.ge [sflag:s16], $0x2800  }
0xa7: {  	s23 =	rddreg [dreg:$0xa];
	[sflag:s16] =	ssyncset.done $0x0  }
0xa8: {  	s13 =	rddreg [dreg:$0x9];
	[sflag:s16] =	ssyncadd.s32 $0xFFFFD800;
	s14 =	sadd.s32 $0x0, s23  }
0xa9: {  	[tilespmem:s7], [sflag:$0x3] =	stream.linear.gather [hbm4b:s14+s3], $0x50, $0x38;
	[tilespmem:$0x19600] =	vst v63  }
0xaa: {  	s16 =	sadd.s32 $0x0, s13  }
0xab: {  	[tilespmem:s6], [sflag:$0x3] =	stream.linear.gather [hbm4b:s16+s3], $0x50, $0x38;
	[tilespmem:$0x19600] =	vst v63  }
0xac: {  	_ =	swait.ge [sflag:s31], $0x50  }
0xad: {  	[sflag:s31] =	ssyncset.done $0x0  }
0xae: {  	[sflag:s31] =	ssyncadd.s32 $0xFFFFFFB0  }
0xaf: {  	_ =	swait.ge [sflag:s31], $0x50  }
0xb0: {  	[sflag:s31] =	ssyncset.done $0x0  }
0xb1: {  	[sflag:s31] =	ssyncadd.s32 $0xFFFFFFB0  }
0xb2: {  	[tilespmem:s30], [sflag:$0x8] =	stream.indirect.gather [hbm4b:s4+s0], $0x80, s12, s0, $0xb8;
	[tilespmem:$0x19600] =	vst v63  }
0xb3: {  	_ =	swait.ge [sflag:s29], $0x2800  }
0xb4: {  	[sflag:s29] =	ssyncset.done $0x0  }
0xb5: {  	[sflag:s29] =	ssyncadd.s32 $0xFFFFD800  }
0xb6: {  	[spmem:s2] =	stream.indirect.scatter.add.f32 [tilespmem:s22], [sflag:$0xD], $0x80, s25, s0, $0xb8;
	[tilespmem:$0x19600] =	vst v63  }
0xb7: {  	s22 =	simm.s32 $0x10  }
0xb8: {  	_ =	swait.ge [sflag:s22], $0x2800  }
0xb9: {  	s23 =	rddreg [dreg:$0x8];
	[sflag:s22] =	ssyncset.done $0x0  }
0xba: {  	s25 =	rddreg [dreg:$0x7];
	[sflag:s22] =	ssyncadd.s32 $0xFFFFD800;
	s14 =	sadd.s32 $0x0, s23  }
0xbb: {  	[tilespmem:s1], [sflag:$0x4] =	stream.linear.gather [hbm4b:s14+s3], $0x50, $0x38;
	[tilespmem:$0x19600] =	vst v63  }
0xbc: {  	s31 =	simm.s32 $0xA480;
	s29 =	sadd.s32 $0x0, s25  }
0xbd: {  	[tilespmem:s31], [sflag:$0x4] =	stream.linear.gather [hbm4b:s29+s3], $0x50, $0x38;
	[tilespmem:$0x19600] =	vst v63  }
0xbe: {  	_ =	swait.ge [sflag:s15], $0x50  }
0xbf: {  	[sflag:s15] =	ssyncset.done $0x0  }
0xc0: {  	[sflag:s15] =	ssyncadd.s32 $0xFFFFFFB0  }
0xc1: {  	_ =	swait.ge [sflag:s15], $0x50  }
0xc2: {  	[sflag:s15] =	ssyncset.done $0x0  }
0xc3: {  	[sflag:s15] =	ssyncadd.s32 $0xFFFFFFB0  }
0xc4: {  	[tilespmem:s8], [sflag:$0x9] =	stream.indirect.gather [hbm4b:s4+s0], $0x80, s7, s0, $0xb8;
	[tilespmem:$0x19600] =	vst v63  }
0xc5: {  	_ =	swait.ge [sflag:s11], $0x2800  }
0xc6: {  	[sflag:s11] =	ssyncset.done $0x0  }
0xc7: {  	s9 =	simm.s32 $0x11;
	[sflag:s11] =	ssyncadd.s32 $0xFFFFD800  }
0xc8: {  	[spmem:s2] =	stream.indirect.scatter.add.f32 [tilespmem:s30], [sflag:$0xE], $0x80, s17, s0, $0xb8;
	[tilespmem:$0x19600] =	vst v63  }
0xc9: {  	_ =	swait.ge [sflag:s9], $0x2800  }
0xca: {  	s11 =	rddreg [dreg:$0x6];
	[sflag:s9] =	ssyncset.done $0x0  }
0xcb: {  	s12 =	rddreg [dreg:$0x5];
	[sflag:s9] =	ssyncadd.s32 $0xFFFFD800;
	s14 =	sadd.s32 $0x0, s11  }
0xcc: {  	[tilespmem:s18], [sflag:$0x5] =	stream.linear.gather [hbm4b:s14+s3], $0x50, $0x38;
	[tilespmem:$0x19600] =	vst v63  }
0xcd: {  	s28 =	simm.s32 $0xA500;
	s13 =	sadd.s32 $0x0, s12  }
0xce: {  	[tilespmem:s28], [sflag:$0x5] =	stream.linear.gather [hbm4b:s13+s3], $0x50, $0x38;
	[tilespmem:$0x19600] =	vst v63  }
0xcf: {  	_ =	swait.ge [sflag:s20], $0x50  }
0xd0: {  	[sflag:s20] =	ssyncset.done $0x0  }
0xd1: {  	[sflag:s20] =	ssyncadd.s32 $0xFFFFFFB0  }
0xd2: {  	_ =	swait.ge [sflag:s20], $0x50  }
0xd3: {  	[sflag:s20] =	ssyncset.done $0x0  }
0xd4: {  	s5 =	simm.s32 $0x9;
	s14 =	simm.s32 $0x11E00;
	[sflag:s20] =	ssyncadd.s32 $0xFFFFFFB0  }
0xd5: {  	[tilespmem:s14], [sflag:$0xA] =	stream.indirect.gather [hbm4b:s4+s0], $0x80, s1, s0, $0xb8;
	[tilespmem:$0x19600] =	vst v63  }
0xd6: {  	_ =	swait.ge [sflag:s5], $0x2800  }
0xd7: {  	[sflag:s5] =	ssyncset.done $0x0  }
0xd8: {  	s16 =	simm.s32 $0x12;
	[sflag:s5] =	ssyncadd.s32 $0xFFFFD800  }
0xd9: {  	[spmem:s2] =	stream.indirect.scatter.add.f32 [tilespmem:s8], [sflag:$0xF], $0x80, s6, s0, $0xb8;
	[tilespmem:$0x19600] =	vst v63  }
0xda: {  	_ =	swait.ge [sflag:s16], $0x2800  }
0xdb: {  	s23 =	simm.s32 $0xA280;
	s17 =	rddreg [dreg:$0x4];
	[sflag:s16] =	ssyncset.done $0x0  }
0xdc: {  	s22 =	rddreg [dreg:$0x3];
	[sflag:s16] =	ssyncadd.s32 $0xFFFFD800;
	s14 =	sadd.s32 $0x0, s17  }
0xdd: {  	[tilespmem:s23], [sflag:$0x6] =	stream.linear.gather [hbm4b:s14+s3], $0x50, $0x38;
	[tilespmem:$0x19600] =	vst v63  }
0xde: {  	s25 =	sadd.s32 $0x0, s22  }
0xdf: {  	[tilespmem:s10], [sflag:$0x6] =	stream.linear.gather [hbm4b:s25+s3], $0x50, $0x38;
	[tilespmem:$0x19600] =	vst v63  }
0xe0: {  	_ =	swait.ge [sflag:s24], $0x50  }
0xe1: {  	[sflag:s24] =	ssyncset.done $0x0  }
0xe2: {  	[sflag:s24] =	ssyncadd.s32 $0xFFFFFFB0  }
0xe3: {  	_ =	swait.ge [sflag:s24], $0x50  }
0xe4: {  	[sflag:s24] =	ssyncset.done $0x0  }
0xe5: {  	s29 =	simm.s32 $0xA;
	s28 =	simm.s32 $0x14600;
	[sflag:s24] =	ssyncadd.s32 $0xFFFFFFB0  }
0xe6: {  	[tilespmem:s28], [sflag:$0xB] =	stream.indirect.gather [hbm4b:s4+s0], $0x80, s18, s0, $0xb8;
	[tilespmem:$0x19600] =	vst v63  }
0xe7: {  	s31 =	simm.s32 $0xA;
	s30 =	simm.s32 $0x2;
	_ =	swait.ge [sflag:s29], $0x2800  }
0xe8: {  	s13 =	simm.s32 $0x8;
	s16 =	sadd.s32 $0x1E0, s19;
	[sflag:s29] =	ssyncset.done $0x0  }
0xe9: {  	s14 =	simm.s32 $0x3C;
	s10 =	simm.s32 $0x1;
	[sflag:s31] =	ssyncadd.s32 $0xFFFFD800  }
.LBB2_2:
0xea: {  	s7 =	simm.s32 $0xA480  }
0xeb: {  	s25 =	simm.s32 $0x11E00;
	s31 =	rddreg [dreg:$0x1];
	s6 =	simm.s32 $0xD  }
0xec: {  	[spmem:s31] =	stream.indirect.scatter.add.f32 [tilespmem:s25], [sflag:$0x10], $0x80, s7, s0, $0xb8;
	[tilespmem:$0x19600] =	vst v63  }
0xed: {  	s19 =	sshrl.u32 s16, $0x3;
	_ =	swait.ge [sflag:s6], $0x2800  }
0xee: {  	s23 =	smov.u32 s21;
	s5 =	simm.s32 $0xA000;
	[sflag:s6] =	ssyncset.done $0x0  }
0xef: {  	s17 =	sadd.s32 s21, s19;
	s21 =	rddreg [dreg:$0xd];
	[sflag:s6] =	ssyncadd.s32 $0xFFFFD800  }
0xf0: {  	[tilespmem:s5], [sflag:$0x1] =	stream.linear.gather [hbm4b:s17+s3], $0x50, $0x38;
	[tilespmem:$0x19600] =	vst v63  }
0xf1: {  	s2 =	simm.s32 $0xA300;
	s19 =	sadd.s32 s21, s19  }
0xf2: {  	[tilespmem:s2], [sflag:$0x1] =	stream.linear.gather [hbm4b:s19+s3], $0x50, $0x38;
	[tilespmem:$0x19600] =	vst v63  }
0xf3: {  	_ =	swait.ge [sflag:s26], $0x50  }
0xf4: {  	[sflag:s26] =	ssyncset.done $0x0  }
0xf5: {  	[sflag:s26] =	ssyncadd.s32 $0xFFFFFFB0  }
0xf6: {  	_ =	swait.ge [sflag:s26], $0x50  }
0xf7: {  	s8 =	simm.s32 $0x16E00;
	[sflag:s26] =	ssyncset.done $0x0  }
0xf8: {  	s22 =	simm.s32 $0xB;
	s17 =	simm.s32 $0xA280;
	[sflag:s26] =	ssyncadd.s32 $0xFFFFFFB0  }
0xf9: {  	[tilespmem:s8], [sflag:$0xC] =	stream.indirect.gather [hbm4b:s4+s0], $0x80, s17, s0, $0xb8;
	[tilespmem:$0x19600] =	vst v63  }
0xfa: {  	_ =	swait.ge [sflag:s22], $0x2800  }
0xfb: {  	s12 =	simm.s32 $0xA500;
	[sflag:s22] =	ssyncset.done $0x0  }
0xfc: {  	s6 =	simm.s32 $0x14600;
	[sflag:s22] =	ssyncadd.s32 $0xFFFFD800;
	s22 =	simm.s32 $0xE  }
0xfd: {  	[spmem:s31] =	stream.indirect.scatter.add.f32 [tilespmem:s6], [sflag:$0x11], $0x80, s12, s0, $0xb8;
	[tilespmem:$0x19600] =	vst v63  }
0xfe: {  	s18 =	smov.u32 s14;
	_ =	swait.ge [sflag:s22], $0x2800  }
0xff: {  	s1 =	simm.s32 $0xA080;
	s28 =	rddreg [dreg:$0xc];
	[sflag:s22] =	ssyncset.done $0x0  }
0x100: {  	s29 =	rddreg [dreg:$0xb];
	[sflag:s22] =	ssyncadd.s32 $0xFFFFD800;
	s19 =	sadd.s32 s18, s28  }
0x101: {  	[tilespmem:s1], [sflag:$0x2] =	stream.linear.gather [hbm4b:s19+s3], $0x50, $0x38;
	[tilespmem:$0x19600] =	vst v63  }
0x102: {  	s9 =	sadd.s32 s18, s29;
	s29 =	simm.s32 $0xA380  }
0x103: {  	[tilespmem:s29], [sflag:$0x2] =	stream.linear.gather [hbm4b:s9+s3], $0x50, $0x38;
	[tilespmem:$0x19600] =	vst v63  }
0x104: {  	_ =	swait.ge [sflag:s10], $0x50  }
0x105: {  	[sflag:s10] =	ssyncset.done $0x0  }
0x106: {  	[sflag:s10] =	ssyncadd.s32 $0xFFFFFFB0  }
0x107: {  	_ =	swait.ge [sflag:s10], $0x50  }
0x108: {  	[sflag:s10] =	ssyncset.done $0x0  }
0x109: {  	s11 =	simm.s32 $0xC;
	s9 =	simm.s32 $0xA600;
	[sflag:s10] =	ssyncadd.s32 $0xFFFFFFB0  }
0x10a: {  	[tilespmem:s9], [sflag:$0x7] =	stream.indirect.gather [hbm4b:s4+s0], $0x80, s5, s0, $0xb8;
	[tilespmem:$0x19600] =	vst v63  }
0x10b: {  	_ =	swait.ge [sflag:s11], $0x2800  }
0x10c: {  	[sflag:s11] =	ssyncset.done $0x0  }
0x10d: {  	s21 =	simm.s32 $0xF;
	s22 =	simm.s32 $0xA580;
	[sflag:s11] =	ssyncadd.s32 $0xFFFFD800  }
0x10e: {  	[spmem:s31] =	stream.indirect.scatter.add.f32 [tilespmem:s8], [sflag:$0x12], $0x80, s22, s0, $0xb8;
	[tilespmem:$0x19600] =	vst v63  }
0x10f: {  	_ =	swait.ge [sflag:s21], $0x2800  }
0x110: {  	s11 =	simm.s32 $0xA100;
	s28 =	rddreg [dreg:$0xa];
	[sflag:s21] =	ssyncset.done $0x0  }
0x111: {  	s5 =	rddreg [dreg:$0x9];
	[sflag:s21] =	ssyncadd.s32 $0xFFFFD800;
	s19 =	sadd.s32 s18, s28  }
0x112: {  	[tilespmem:s11], [sflag:$0x3] =	stream.linear.gather [hbm4b:s19+s3], $0x50, $0x38;
	[tilespmem:$0x19600] =	vst v63  }
0x113: {  	s8 =	sadd.s32 s18, s5;
	s5 =	simm.s32 $0xA400  }
0x114: {  	[tilespmem:s5], [sflag:$0x3] =	stream.linear.gather [hbm4b:s8+s3], $0x50, $0x38;
	[tilespmem:$0x19600] =	vst v63  }
0x115: {  	_ =	swait.ge [sflag:s30], $0x50  }
0x116: {  	[sflag:s30] =	ssyncset.done $0x0  }
0x117: {  	[sflag:s30] =	ssyncadd.s32 $0xFFFFFFB0  }
0x118: {  	_ =	swait.ge [sflag:s30], $0x50  }
0x119: {  	[sflag:s30] =	ssyncset.done $0x0  }
0x11a: {  	s28 =	simm.s32 $0xCE00;
	s19 =	simm.s32 $0x7;
	[sflag:s30] =	ssyncadd.s32 $0xFFFFFFB0  }
0x11b: {  	[tilespmem:s28], [sflag:$0x8] =	stream.indirect.gather [hbm4b:s4+s0], $0x80, s1, s0, $0xb8;
	[tilespmem:$0x19600] =	vst v63  }
0x11c: {  	_ =	swait.ge [sflag:s19], $0x2800  }
0x11d: {  	[sflag:s19] =	ssyncset.done $0x0  }
0x11e: {  	s21 =	simm.s32 $0x10;
	[sflag:s19] =	ssyncadd.s32 $0xFFFFD800  }
0x11f: {  	[spmem:s31] =	stream.indirect.scatter.add.f32 [tilespmem:s9], [sflag:$0xD], $0x80, s2, s0, $0xb8;
	[tilespmem:$0x19600] =	vst v63  }
0x120: {  	_ =	swait.ge [sflag:s21], $0x2800  }
0x121: {  	s1 =	rddreg [dreg:$0x8]  }
0x122: {  	[sflag:s21] =	ssyncset.done $0x0;
	s2 =	rddreg [dreg:$0x7]  }
0x123: {  	[sflag:s21] =	ssyncadd.s32 $0xFFFFD800;
	s19 =	sadd.s32 s18, s1;
	s1 =	simm.s32 $0xA180  }
0x124: {  	[tilespmem:s1], [sflag:$0x4] =	stream.linear.gather [hbm4b:s19+s3], $0x50, $0x38;
	[tilespmem:$0x19600] =	vst v63  }
0x125: {  	s9 =	sadd.s32 s18, s2  }
0x126: {  	[tilespmem:s7], [sflag:$0x4] =	stream.linear.gather [hbm4b:s9+s3], $0x50, $0x38;
	[tilespmem:$0x19600] =	vst v63  }
0x127: {  	_ =	swait.ge [sflag:s15], $0x50  }
0x128: {  	[sflag:s15] =	ssyncset.done $0x0  }
0x129: {  	[sflag:s15] =	ssyncadd.s32 $0xFFFFFFB0  }
0x12a: {  	_ =	swait.ge [sflag:s15], $0x50  }
0x12b: {  	[sflag:s15] =	ssyncset.done $0x0  }
0x12c: {  	s9 =	simm.s32 $0xF600;
	[sflag:s15] =	ssyncadd.s32 $0xFFFFFFB0  }
0x12d: {  	[tilespmem:s9], [sflag:$0x9] =	stream.indirect.gather [hbm4b:s4+s0], $0x80, s11, s0, $0xb8;
	[tilespmem:$0x19600] =	vst v63  }
0x12e: {  	_ =	swait.ge [sflag:s13], $0x2800  }
0x12f: {  	[sflag:s13] =	ssyncset.done $0x0  }
0x130: {  	s21 =	simm.s32 $0x11;
	[sflag:s13] =	ssyncadd.s32 $0xFFFFD800  }
0x131: {  	[spmem:s31] =	stream.indirect.scatter.add.f32 [tilespmem:s28], [sflag:$0xE], $0x80, s29, s0, $0xb8;
	[tilespmem:$0x19600] =	vst v63  }
0x132: {  	_ =	swait.ge [sflag:s21], $0x2800  }
0x133: {  	s2 =	simm.s32 $0xA200;
	s28 =	rddreg [dreg:$0x6];
	[sflag:s21] =	ssyncset.done $0x0  }
0x134: {  	s29 =	rddreg [dreg:$0x5];
	[sflag:s21] =	ssyncadd.s32 $0xFFFFD800;
	s19 =	sadd.s32 s18, s28  }
0x135: {  	[tilespmem:s2], [sflag:$0x5] =	stream.linear.gather [hbm4b:s19+s3], $0x50, $0x38;
	[tilespmem:$0x19600] =	vst v63  }
0x136: {  	s11 =	sadd.s32 s18, s29  }
0x137: {  	[tilespmem:s12], [sflag:$0x5] =	stream.linear.gather [hbm4b:s11+s3], $0x50, $0x38;
	[tilespmem:$0x19600] =	vst v63  }
0x138: {  	_ =	swait.ge [sflag:s20], $0x50  }
0x139: {  	[sflag:s20] =	ssyncset.done $0x0  }
0x13a: {  	[sflag:s20] =	ssyncadd.s32 $0xFFFFFFB0  }
0x13b: {  	_ =	swait.ge [sflag:s20], $0x50  }
0x13c: {  	[sflag:s20] =	ssyncset.done $0x0  }
0x13d: {  	s19 =	simm.s32 $0x9;
	[sflag:s20] =	ssyncadd.s32 $0xFFFFFFB0  }
0x13e: {  	[tilespmem:s25], [sflag:$0xA] =	stream.indirect.gather [hbm4b:s4+s0], $0x80, s1, s0, $0xb8;
	[tilespmem:$0x19600] =	vst v63  }
0x13f: {  	_ =	swait.ge [sflag:s19], $0x2800  }
0x140: {  	[sflag:s19] =	ssyncset.done $0x0  }
0x141: {  	s21 =	simm.s32 $0x12;
	[sflag:s19] =	ssyncadd.s32 $0xFFFFD800  }
0x142: {  	[spmem:s31] =	stream.indirect.scatter.add.f32 [tilespmem:s9], [sflag:$0xF], $0x80, s5, s0, $0xb8;
	[tilespmem:$0x19600] =	vst v63  }
0x143: {  	_ =	swait.ge [sflag:s21], $0x2800  }
0x144: {  	s28 =	rddreg [dreg:$0x4];
	[sflag:s21] =	ssyncset.done $0x0  }
0x145: {  	s29 =	rddreg [dreg:$0x3];
	[sflag:s21] =	ssyncadd.s32 $0xFFFFD800;
	s19 =	sadd.s32 s18, s28  }
0x146: {  	[tilespmem:s17], [sflag:$0x6] =	stream.linear.gather [hbm4b:s19+s3], $0x50, $0x38;
	[tilespmem:$0x19600] =	vst v63  }
0x147: {  	s18 =	sadd.s32 s18, s29  }
0x148: {  	[tilespmem:s22], [sflag:$0x6] =	stream.linear.gather [hbm4b:s18+s3], $0x50, $0x38;
	[tilespmem:$0x19600] =	vst v63  }
0x149: {  	_ =	swait.ge [sflag:s24], $0x50  }
0x14a: {  	[sflag:s24] =	ssyncset.done $0x0  }
0x14b: {  	[sflag:s24] =	ssyncadd.s32 $0xFFFFFFB0  }
0x14c: {  	p0 =	sne.s32 s14, $0x474;
	s14 =	sadd.s32 $0x3C, s14;
	_ =	swait.ge [sflag:s24], $0x50  }
0x14d: {  	s16 =	sadd.s32 $0x1E0, s16;
	s8 =	simm.s32 $0xA480;
	[sflag:s24] =	ssyncset.done $0x0  }
.Ltmp0:
0x14e: {  	s31 =	simm.s32 $0xA;
	[sflag:s24] =	ssyncadd.s32 $0xFFFFFFB0;
	(pc) =	sbr.rel @p0 .LBB2_2-.Ltmp0, $4  }
0x14f: {  	[tilespmem:s6], [sflag:$0xB] =	stream.indirect.gather [hbm4b:s4+s0], $0x80, s2, s0, $0xb8;
	[tilespmem:$0x19600] =	vst v63  }
0x150: {  	s7 =	simm.s32 $0xA500;
	s12 =	simm.s32 $0x11E00;
	_ =	swait.ge [sflag:s31], $0x2800  }
0x151: {  	s25 =	simm.s32 $0xA280;
	s21 =	smov.u32 s23;
	[sflag:s31] =	ssyncset.done $0x0  }
0x152: {  	s17 =	simm.s32 $0xA580;
	s18 =	simm.s32 $0x14600;
	[sflag:s31] =	ssyncadd.s32 $0xFFFFD800  }
0x153: {  	s2 =	rddreg [dreg:$0x1]  }
0x154: {  	[spmem:s2] =	stream.indirect.scatter.add.f32 [tilespmem:s12], [sflag:$0x10], $0x80, s8, s0, $0xb8;
	[tilespmem:$0x19600] =	vst v63  }
0x155: {  	_ =	swait.ge [sflag:s26], $0x50  }
0x156: {  	[sflag:s26] =	ssyncset.done $0x0  }
0x157: {  	[sflag:s26] =	ssyncadd.s32 $0xFFFFFFB0  }
0x158: {  	_ =	swait.ge [sflag:s26], $0x50  }
0x159: {  	[sflag:s26] =	ssyncset.done $0x0  }
0x15a: {  	s5 =	simm.s32 $0x16E00;
	s1 =	simm.s32 $0xB;
	[sflag:s26] =	ssyncadd.s32 $0xFFFFFFB0  }
0x15b: {  	[tilespmem:s5], [sflag:$0xC] =	stream.indirect.gather [hbm4b:s4+s0], $0x80, s25, s0, $0xb8;
	[tilespmem:$0x19600] =	vst v63  }
0x15c: {  	_ =	swait.ge [sflag:s1], $0x2800  }
0x15d: {  	[sflag:s1] =	ssyncset.done $0x0  }
0x15e: {  	s13 =	simm.s32 $0xC;
	[sflag:s1] =	ssyncadd.s32 $0xFFFFD800  }
0x15f: {  	[spmem:s2] =	stream.indirect.scatter.add.f32 [tilespmem:s18], [sflag:$0x11], $0x80, s7, s0, $0xb8;
	[tilespmem:$0x19600] =	vst v63  }
0x160: {  	_ =	swait.ge [sflag:s13], $0x2800  }
0x161: {  	[sflag:s13] =	ssyncset.done $0x0  }
0x162: {  	s14 =	simm.s32 $0xD;
	[sflag:s13] =	ssyncadd.s32 $0xFFFFD800  }
0x163: {  	[spmem:s2] =	stream.indirect.scatter.add.f32 [tilespmem:s5], [sflag:$0x12], $0x80, s17, s0, $0xb8;
	[tilespmem:$0x19600] =	vst v63  }
0x164: {  	_ =	swait.ge [sflag:s14], $0x2800  }
0x165: {  	[sflag:s14] =	ssyncset.done $0x0  }
0x166: {  	s16 =	simm.s32 $0xE;
	[sflag:s14] =	ssyncadd.s32 $0xFFFFD800  }
0x167: {  	_ =	swait.ge [sflag:s16], $0x2800  }
0x168: {  	[sflag:s16] =	ssyncset.done $0x0  }
0x169: {  	s17 =	simm.s32 $0xF;
	[sflag:s16] =	ssyncadd.s32 $0xFFFFD800  }
0x16a: {  	_ =	swait.ge [sflag:s17], $0x2800  }
0x16b: {  	[sflag:s17] =	ssyncset.done $0x0  }
0x16c: {  	s18 =	simm.s32 $0x10;
	[sflag:s17] =	ssyncadd.s32 $0xFFFFD800  }
0x16d: {  	_ =	swait.ge [sflag:s18], $0x2800  }
0x16e: {  	[sflag:s18] =	ssyncset.done $0x0  }
0x16f: {  	s19 =	simm.s32 $0x11;
	[sflag:s18] =	ssyncadd.s32 $0xFFFFD800  }
0x170: {  	_ =	swait.ge [sflag:s19], $0x2800  }
0x171: {  	[sflag:s19] =	ssyncset.done $0x0  }
0x172: {  	s22 =	simm.s32 $0x12;
	[sflag:s19] =	ssyncadd.s32 $0xFFFFD800  }
0x173: {  	_ =	swait.ge [sflag:s22], $0x2800  }
0x174: {  	[sflag:s22] =	ssyncset.done $0x0  }
0x175: {  	[sflag:s22] =	ssyncadd.s32 $0xFFFFD800  }
0x176: {  	[bflag:$0x0] =	sbarrier.arrive $0xFFFF  }
0x177: {  	s23 =	sld [smem:$0x7FD]  }
0x178: {  	s14 =	rddreg [dreg:$0x10]  }
0x179: {  	s19 =	simm.s32 $0x13;
	s16 =	rddreg [dreg:$0x1d]  }
0x17a: {  	[hbm:s16], [sflag:s14] =	dma.local [spmem:s23], $0x1400  }
0x17b: {  	_ =	swait.ge [sflag:s19], $0x1400  }
0x17c: {  	s9 =	sld [smem:$0x7FC];
	_ =	sdelay $0x1  }
0x17d: {  	s6 =	simm.s32 $0xA400;
	s30 =	simm.s32 $0xCE00;
	s29 =	simm.s32 $0x7  }
0x17e: {  	s11 =	simm.s32 $0x8;
	s25 =	rddreg [dreg:$0x1e];
	s9 =	sadd.s32 $0x1, s9  }
0x17f: {  	s10 =	simm.s32 $0x1;
	s31 =	simm.s32 $0x2;
	p0 =	sne.s32 s9, s25  }
.Ltmp1:
0x180: {  	s12 =	simm.s32 $0xA080;
	s8 =	simm.s32 $0xF600;
	(pc) =	sbr.rel @p0 .LBB2_1-.Ltmp1, $4  }
0x181: {  	s1 =	simm.s32 $0xA180;
	s7 =	simm.s32 $0xA100;
	s5 =	simm.s32 $0xA  }
0x182: {  	s17 =	simm.s32 $0xA380;
	s18 =	simm.s32 $0xA200;
	s22 =	simm.s32 $0xA600  }
0x183: {  	s23 =	simm.s32 $0xA000;
	s16 =	simm.s32 $0x9;
	[sflag:s19] =	ssyncset.done $0x0  }
0x184: {  	s28 =	rddreg [dreg:$0xd];
	[sflag:s19] =	ssyncadd.s32 $0xFFFFEC00;
	s25 =	simm.s32 $0xA300  }
0x185: {  	_ =	sfence.sel $0x180000  }
0x186: {  	[bflag:$0x0] =	sbarrier.arrive $0xFFFF  }
0x187: {  	_ =	strace $0x90000050  }
0x188: {  	s0 =	stileid.u32;
	[bflag:$0x2] =	sbarrier.arrive $0xFFFF  }
0x189: {  	p0 =	sne.s32 s0, $0x0;
	s0 =	rddreg [dreg:$0x2]  }
0x18a: {  	s0 =	sadd.s32 @!p0 $0x100000, s0  }
0x18b: {  	[sflag:s0] =	ssyncadd.tile.s32 @!p0 $0x1;
	_ =	shalt  }
.Lfunc_end2:
_tile_overlayer_lowered:
.L_overlay_start_2:
0x18c: {  	(tag) =	ssettag $0x2  }
0x18d: {  	s0 =	rddreg [dreg:$0x0];
	s2 =	stileid.u32  }
0x18e: {  	s1 =	rddreg [dreg:$0x1];
	p0 =	sne.s32 s2, $0x0  }
0x18f: {  	s3 =	rddreg [dreg:$0x2];
	[bflag:$0x3] =	sbarrier.arrive $0xFFFF;
	s2 =	simm.s32 @!p0 $0x1C13  }
0x190: {  	[timem:s3], [sflag:s2] =	dma.local @!p0 [hbm:s0], s1  }
0x191: {  	s0 =	simm.s32 @!p0 $0x13  }
0x192: {  	_ =	swait.ge @!p0 [sflag:s0], s1  }
0x193: {  	s1 =	ssub.s32 @!p0 $0x0, s1;
	[sflag:s0] =	ssyncset.done @!p0 $0x0  }
0x194: {  	[sflag:s0] =	ssyncadd.s32 @!p0 s1  }
0x195: {  	[bflag:$0x3] =	sbarrier.arrive $0xFFFF  }
0x196: {  	_ =	shalt  }

// kernel: kernel.24.cloned.1.call-start
scs
__scs_entry_jumppad:
0x0: {  	(pc) =	sbr.rel $0x88, $3  }
0x1: {  	(tag) =	ssettag $0x0;
	lr =	simm.s32 $0x1  }
0x2: {  	[smem:$0x3F90] =	sst lr;
	_ =	strace $0xD0000000  }
0x3: {  	_ = 	snop  }
0x4: {  	_ = 	snop  }
0x5: {  	_ = 	snop  }
0x6: {  	_ = 	snop  }
0x7: {  	_ = 	snop  }
__scs_overlays_trampoline_lowered:
0x8: {  	[smem:$0x3F9F] =	sst s0  }
0x9: {  	[smem:$0x3FA0] =	sst s1  }
0xa: {  	[smem:$0x3FA1] =	sst s2  }
0xb: {  	[smem:$0x3FA2] =	sst s3  }
0xc: {  	[smem:$0x3FA3] =	sst s4  }
0xd: {  	[smem:$0x3FA4] =	sst s5  }
0xe: {  	[smem:$0x3FA5] =	sst s6  }
0xf: {  	[smem:$0x3FA6] =	sst s7  }
0x10: {  	[smem:$0x3FA7] =	sst s8  }
0x11: {  	[smem:$0x3FA8] =	sst s9;
	s0 =	simm.s32 @!p0 $0x0  }
0x12: {  	s1 =	sld [smem:$0x3F8E];
	s0 =	simm.s32 @p0 $0x1  }
0x13: {  	[smem:$0x3FA9] =	sst s0;
	s0 =	simm.s32 @!p1 $0x0  }
0x14: {  	s2 =	sld [smem:$0x3F8D];
	s0 =	simm.s32 @p1 $0x1  }
0x15: {  	[smem:$0x3FAA] =	sst s0;
	s0 =	simm.s32 @!p2 $0x0  }
0x16: {  	s3 =	sld [smem:$0x3FDB];
	s0 =	simm.s32 @p2 $0x1  }
0x17: {  	s4 =	simm.s32 $0x1BF5;
	[smem:$0x3FAC] =	sst s0  }
0x18: {  	s0 =	sld [smem:$0x3F8F];
	_ =	swait.ge [sflag:s4], $0x0  }
0x19: {  	s7 =	sld [smem:$0x3F90]  }
0x1a: {  	s8 =	sadd.s32 $0xFFFFE003, lr  }
0x1b: {  	s9 =	sadd.s32 $0xFFFFFEF7, lr;
	s5 =	simm.s32 $0xFFFFFFFF;
	p2 =	slt.u32 s8, $0xFFFFF086  }
0x1c: {  	p1 =	slt.u32 s9, $0xF7A;
	s5 =	simm.s32 @!p2 $0x0  }
0x1d: {  	s5 =	simm.s32 @p1 $0x1;
	p0 =	seq.s32 s7, s2  }
0x1e: {  	s7 =	smul.u32 @!p0 $0xF7A, s2;
	p2 =	seq.s32 @!p0 s5, $0x0  }
0x1f: {  	s9 =	smul.u32 $0xF7A, s1;
	s8 =	simm.s32 @!p0 $0x1BF5;
	p2 =	por !p2, p0  }
0x20: {  	[sflag:s8] =	ssyncset.s32 @!p0 $0xFFFFF086;
	s6 =	sadd.s32 @!p0 s3, s7;
	s7 =	simm.s32 @!p0 $0x108  }
0x21: {  	s3 =	sadd.s32 s3, s9;
	s6 =	sadd.s32 @!p0 $0x88, s6;
	s7 =	simm.s32 @p2 $0x1082  }
0x22: {  	[simem:s7], [sflag:s8] =	dma.local @!p0 [hbm:s6], $0xF7A  }
0x23: {  	s9 =	sor.u32 $0xD0000000, s2;
	s6 =	simm.s32 $0x108;
	_ =	swait.ge @!p0 [sflag:s8], $0x0  }
0x24: {  	s3 =	sadd.s32 $0x88, s3;
	s6 =	simm.s32 @!p1 $0x1082;
	[sflag:s4] =	ssyncset.s32 $0xFFFFF086  }
0x25: {  	[simem:s6], [sflag:s4] =	dma.local [hbm:s3], $0xF7A  }
0x26: {  	[smem:$0x3F90] =	sst s1;
	(tag) =	ssettag s2;
	_ =	strace s9  }
0x27: {  	s1 =	sld [smem:$0x3FA0]  }
0x28: {  	s2 =	sld [smem:$0x3FA1]  }
0x29: {  	s4 =	sld [smem:$0x3FA3]  }
0x2a: {  	p0 =	seq.s32 s5, $0x0;
	s5 =	sld [smem:$0x3FA4]  }
0x2b: {  	s6 =	sld [smem:$0x3FA5]  }
0x2c: {  	s7 =	sld [smem:$0x3FA6]  }
0x2d: {  	s3 =	simm.s32 $0x108;
	s8 =	sld [smem:$0x3FA7]  }
0x2e: {  	s3 =	simm.s32 @!p0 $0x1082;
	s9 =	sld [smem:$0x3FA8]  }
0x2f: {  	lr =	sadd.s32 s0, s3;
	s0 =	sld [smem:$0x3F9F]  }
0x30: {  	s3 =	sld [smem:$0x3FA2]  }
0x31: {  	[smem:$0x3FAB] =	sst s10  }
0x32: {  	s10 =	sld [smem:$0x3FA9];
	_ =	sdelay $0x3  }
0x33: {  	p0 =	seq.s32 s10, $0x1;
	s10 =	sld [smem:$0x3FAB];
	_ =	sdelay $0x3  }
0x34: {  	[smem:$0x3FAB] =	sst s10  }
0x35: {  	s10 =	sld [smem:$0x3FAA];
	_ =	sdelay $0x3  }
0x36: {  	p1 =	seq.s32 s10, $0x1;
	s10 =	sld [smem:$0x3FAB];
	_ =	sdelay $0x3  }
0x37: {  	[smem:$0x3FAB] =	sst s10  }
0x38: {  	s10 =	sld [smem:$0x3FAC]  }
0x39: {  	_ = 	snop;
	(pc) =	sbr.ind lr, $3  }
0x3a: {  	_ = 	snop  }
0x3b: {  	_ = 	snop  }
0x3c: {  	p2 =	seq.s32 s10, $0x1;
	s10 =	sld [smem:$0x3FAB]  }
0x3d: {  	_ =	shalt  }
0x3e: {  	_ =	shalt  }
0x3f: {  	_ =	shalt  }
0x40: {  	_ =	shalt  }
0x41: {  	_ =	shalt  }
0x42: {  	_ =	shalt  }
0x43: {  	_ =	shalt  }
0x44: {  	_ =	shalt  }
0x45: {  	_ =	shalt  }
0x46: {  	_ =	shalt  }
0x47: {  	_ =	shalt  }
0x48: {  	_ =	shalt  }
0x49: {  	_ =	shalt  }
0x4a: {  	_ =	shalt  }
0x4b: {  	_ =	shalt  }
0x4c: {  	_ =	shalt  }
0x4d: {  	_ =	shalt  }
0x4e: {  	_ =	shalt  }
0x4f: {  	_ =	shalt  }
0x50: {  	_ =	shalt  }
0x51: {  	_ =	shalt  }
0x52: {  	_ =	shalt  }
0x53: {  	_ =	shalt  }
0x54: {  	_ =	shalt  }
0x55: {  	_ =	shalt  }
0x56: {  	_ =	shalt  }
0x57: {  	_ =	shalt  }
0x58: {  	_ =	shalt  }
0x59: {  	_ =	shalt  }
0x5a: {  	_ =	shalt  }
0x5b: {  	_ =	shalt  }
0x5c: {  	_ =	shalt  }
0x5d: {  	_ =	shalt  }
0x5e: {  	_ =	shalt  }
0x5f: {  	_ =	shalt  }
0x60: {  	_ =	shalt  }
0x61: {  	_ =	shalt  }
0x62: {  	_ =	shalt  }
0x63: {  	_ =	shalt  }
0x64: {  	_ =	shalt  }
0x65: {  	_ =	shalt  }
0x66: {  	_ =	shalt  }
0x67: {  	_ =	shalt  }
0x68: {  	_ =	shalt  }
0x69: {  	_ =	shalt  }
0x6a: {  	_ =	shalt  }
0x6b: {  	_ =	shalt  }
0x6c: {  	_ =	shalt  }
0x6d: {  	_ =	shalt  }
0x6e: {  	_ =	shalt  }
0x6f: {  	_ =	shalt  }
0x70: {  	_ =	shalt  }
0x71: {  	_ =	shalt  }
0x72: {  	_ =	shalt  }
0x73: {  	_ =	shalt  }
0x74: {  	_ =	shalt  }
0x75: {  	_ =	shalt  }
0x76: {  	_ =	shalt  }
0x77: {  	_ =	shalt  }
0x78: {  	_ =	shalt  }
0x79: {  	_ =	shalt  }
0x7a: {  	_ =	shalt  }
0x7b: {  	_ =	shalt  }
0x7c: {  	_ =	shalt  }
0x7d: {  	_ =	shalt  }
0x7e: {  	_ =	shalt  }
0x7f: {  	_ =	shalt  }
0x80: {  	_ =	shalt  }
0x81: {  	_ =	shalt  }
0x82: {  	_ =	shalt  }
0x83: {  	_ =	shalt  }
0x84: {  	_ =	shalt  }
0x85: {  	_ =	shalt  }
0x86: {  	_ =	shalt  }
0x87: {  	_ =	shalt  }
.Lfunc_end0:
.L_simem_size_0:
called_computation.4_lowered:
.L_overlay_start_0:
0x88: {  	s2 =	sld [smem:$0x3FD9]  }
0x89: {  	s3 =	sld [smem:$0x3FFE];
	_ =	sdelay $0x1  }
0x8a: {  	s1 =	srdreg.scid  }
0x8b: {  	s0 =	sand.u32 $0x1, s1  }
0x8c: {  	s16 =	sshll.u32 s0, $0xA;
	s2 =	sadd.s32 s3, s2  }
0x8d: {  	s2 =	sadd.s32 s2, s16  }
0x8e: {  	[smem:$0x3FB7] =	sst s2  }
0x8f: {  	_ = 	snop  }
0x90: {  	(tm) =	ssettm $0x1  }
0x91: {  	s17 =	sld [smem:$0x3FFB];
	_ =	sdelay $0x3  }
0x92: {  	_ =	strace s17  }
0x93: {  	s2 =	sld [smem:$0x3FFC];
	_ =	sdelay $0x3  }
0x94: {  	_ =	strace s2  }
0x95: {  	s2 =	sld [smem:$0x3FFD];
	_ =	sdelay $0x3  }
0x96: {  	_ =	strace s2  }
0x97: {  	_ =	strace $0x8FFFFFFF  }
0x98: {  	s18 =	sld [smem:$0x3FDB];
	_ =	sdelay $0x1  }
0x99: {  	s19 =	simm.s32 $_scs_section_size  }
0x9a: {  	s4 =	simm.s32 $_size__tile_overlayer_lowered;
	s5 =	simm.s32 $_tile_overlayer_lowered  }
0x9b: {  	s22 =	simm.s32 $0x1BFF;
	s21 =	sshll.u32 s5, $0x1;
	s2 =	sadd.s32 s19, s18  }
0x9c: {  	s6 =	simm.s32 $0x0;
	s20 =	sshll.u32 s4, $0x1;
	s4 =	sadd.s32 s21, s2  }
0x9d: {  	[timem:s6], [sflag:s22] =	dma.local [hbm:s4], s20  }
0x9e: {  	_ =	swait.ge [sflag:s22], s20  }
0x9f: {  	s3 =	ssub.s32 $0x0, s20;
	[sflag:s22] =	ssyncset.done $0x0  }
0xa0: {  	[sflag:s22] =	ssyncadd.s32 s3;
	_ =	sdelay $0x1  }
0xa1: {  	s23 =	simm.s32 $0x1B8B  }
0xa2: {  	_ =	swait.ge [sflag:s23], $0x1  }
0xa3: {  	[sflag:s23] =	ssyncset.done $0x0  }
0xa4: {  	s25 =	simm.s32 $0x1B8E;
	s24 =	sld [smem:$0x3FFE];
	[sflag:s23] =	ssyncadd.s32 $0xFFFFFFFF  }
0xa5: {  	s26 =	simm.s32 $execute0_lowered;
	[smem:$0x3FD2] =	sst s25  }
0xa6: {  	s4 =	sshll.u32 s26, $0x1;
	_ =	strace $0x80000052;
	[dreg:$0x1] =	wrdreg $0xFFFFFFFF  }
0xa7: {  	s28 =	simm.s32 $_size_execute0_lowered;
	s2 =	sadd.s32 s2, s4;
	[dreg:$0x0] =	wrdreg $0x0  }
0xa8: {  	s4 =	sshll.u32 s28, $0x1;
	[dreg:$0x2] =	wrdreg s2  }
0xa9: {  	[dreg:$0x3] =	wrdreg s4  }
0xaa: {  	[dreg:$0x4] =	wrdreg $0xC0  }
0xab: {  	_ =	task [dreg:s6], $0x5FFFF  }
0xac: {  	[dreg:$0x1] =	wrdreg $0xFFFFFFFF  }
0xad: {  	[dreg:$0x0] =	wrdreg $0x60  }
0xae: {  	[dreg:$0x2] =	wrdreg s24  }
0xaf: {  	[dreg:$0x3] =	wrdreg $0x0  }
0xb0: {  	[dreg:$0x4] =	wrdreg $0x9  }
0xb1: {  	_ =	task.clear_ibuf [dreg:s6], $0x5FFFF;
	_ =	strace $0x90000052  }
0xb2: {  	s29 =	simm.s32 $0x9;
	_ =	strace $0x80000054  }
0xb3: {  	_ =	swait.ge [sflag:s29], $0x1  }
0xb4: {  	[sflag:s29] =	ssyncadd.s32 $0xFFFFFFFF  }
0xb5: {  	_ =	strace $0x90000054  }
0xb6: {  	_ =	sfence  }
0xb7: {  	s30 =	sld [smem:$0x0];
	_ =	sdelay $0x2  }
0xb8: {  	s31 =	sshll.u32 s1, $0xD;
	s1 =	sshrl.u32 s1, $0x2  }
0xb9: {  	s3 =	sand.u32 $0x4000, s31;
	s1 =	sadd.s32 s1, s30  }
0xba: {  	s0 =	sor.u32 s3, s0;
	s1 =	sshll.u32 s1, $0x11  }
0xbb: {  	s0 =	sor.u32 s1, s0  }
0xbc: {  	s0 =	sadd.s32 $0x8F2B, s0  }
0xbd: {  	[sflag:s0] =	ssyncadd.remote.s32 $0x1  }
0xbe: {  	_ =	sfence.sel $0xFFFF  }
0xbf: {  	[dreg:$0x0] =	wrdreg $0xFFFFFFFF;
	(pc) =	sbr.abs _section_cstart, $3  }
0xc0: {  	[dreg:$0x1] =	wrdreg $0xFFFFFFFF  }
0xc1: {  	_ =	task.clear_ibuf [dreg:s6], $0x2FFFF;
	_ =	strace $0x9FFFFFFF  }
0xc2: {  	(tm) =	ssettm $0x7FFFFFFF  }
0xc3: {  	_ =	shalt  }
tec
execute0_lowered:
.L_overlay_start_1:
0x0: {  	(tag) =	ssettag $0x1  }
0x1: {  	s0 =	rddreg [dreg:$0x0]  }
0x2: {  	s2 =	rddreg [dreg:$0x1]  }
0x3: {  	s12 =	stileid.u32;
	s1 =	srdreg.scid;
	s3 =	simm.s32 $0x0  }
0x4: {  	s29 =	simm.s32 $0x2;
	s31 =	simm.s32 $0x6;
	s5 =	smul.u32 $0x14000, s12  }
0x5: {  	s1 =	sand.u32 $0x1, s1;
	[smem:$0x7FF] =	sst s3;
	s10 =	smul.u32 $0x50000, s12  }
0x6: {  	s4 =	sadd.s32 $0x5000, s0;
	s7 =	sadd.s32 $0x37000, s0;
	s26 =	smul.u32 $0x2800, s12  }
0x7: {  	s24 =	sshll.u32 s12, $0x6;
	s6 =	smul.u32 $0x140000, s1;
	_ =	strace $0x80000053  }
0x8: {  	s9 =	ssub.s32 $0x2, s1;
	s11 =	sshll.u32 s1, $0x4;
	s1 =	smul.u32 $0x28000, s1  }
0x9: {  	s17 =	sor.u32 $0x1C0D, s24;
	s8 =	sshrl.u32 s5, $0x3;
	s21 =	sshrl.u32 s9, $0x1  }
0xa: {  	s11 =	sor.u32 s12, s11;
	s22 =	sshrl.u32 s10, $0x2;
	[dreg:$0xd] =	wrdreg s17  }
0xb: {  	s5 =	sadd.s32 s5, s6;
	s6 =	sadd.s32 $0x2D000, s0;
	s8 =	sadd.s32 s8, s0  }
0xc: {  	s23 =	smul.u32 $0x2800, s11;
	s1 =	sadd.s32 s26, s1;
	s5 =	sshrl.u32 s5, $0x3  }
0xd: {  	s8 =	sadd.s32 $0x41000, s8;
	s10 =	sor.u32 $0x230, s1;
	s18 =	sor.u32 $0x1E0, s1  }
0xe: {  	s0 =	sadd.s32 s5, s0;
	s5 =	ssub.s32 s9, s21;
	s9 =	sadd.s32 s22, s2  }
0xf: {  	[dreg:$0xc] =	wrdreg s8;
	s25 =	sshrl.u32 s23, $0x3;
	s16 =	sshrl.u32 s10, $0x3  }
0x10: {  	s19 =	sshrl.u32 s18, $0x3;
	s21 =	sor.u32 $0x190, s1;
	s1 =	sor.u32 $0x140, s1  }
0x11: {  	s18 =	simm.s32 $0xD;
	[dreg:$0xb] =	wrdreg s9;
	s28 =	sadd.s32 s7, s25  }
0x12: {  	s30 =	sor.u32 $0xA, s25;
	s12 =	sadd.s32 s6, s25;
	[dreg:$0xe] =	wrdreg s28  }
0x13: {  	s14 =	sor.u32 $0x14, s25;
	s10 =	sadd.s32 s16, s6;
	[dreg:$0xf] =	wrdreg s12  }
0x14: {  	s9 =	sor.u32 $0x1E, s25;
	s20 =	sadd.s32 s19, s6;
	[dreg:$0x3] =	wrdreg s10  }
0x15: {  	s22 =	sadd.s32 s19, s7;
	s23 =	sshrl.u32 s21, $0x3;
	[dreg:$0x5] =	wrdreg s20  }
0x16: {  	s1 =	sshrl.u32 s1, $0x3;
	s0 =	sadd.s32 $0x69000, s0;
	[dreg:$0x6] =	wrdreg s22  }
0x17: {  	s19 =	simm.s32 $0x14000;
	s13 =	sadd.s32 s7, s30;
	[dreg:$0x16] =	wrdreg s0  }
0x18: {  	s21 =	simm.s32 $0x14080;
	s8 =	sadd.s32 s6, s30;
	[dreg:$0x10] =	wrdreg s13  }
0x19: {  	s15 =	sadd.s32 s7, s14;
	s24 =	sadd.s32 s23, s6;
	[dreg:$0x11] =	wrdreg s8  }
0x1a: {  	s25 =	sadd.s32 s23, s7;
	s26 =	sadd.s32 s7, s9;
	[dreg:$0x12] =	wrdreg s15  }
0x1b: {  	s28 =	sadd.s32 s1, s6;
	s1 =	sadd.s32 s1, s7;
	[dreg:$0x7] =	wrdreg s24  }
0x1c: {  	s30 =	smax.u32 s5, $0x1;
	s20 =	simm.s32 $0x14200;
	[dreg:$0x14] =	wrdreg s26  }
0x1d: {  	s23 =	simm.s32 $0x1;
	s22 =	simm.s32 $0x14100;
	[dreg:$0x8] =	wrdreg s25  }
0x1e: {  	s5 =	simm.s32 $0x3;
	s10 =	simm.s32 $0x4;
	[dreg:$0x9] =	wrdreg s28  }
0x1f: {  	s12 =	simm.s32 $0x7;
	s0 =	simm.s32 $0x0;
	[dreg:$0x17] =	wrdreg s30  }
0x20: {  	s8 =	sadd.s32 s6, s14;
	s6 =	sadd.s32 s6, s9;
	[dreg:$0xa] =	wrdreg s1  }
0x21: {  	s24 =	simm.s32 $0x50;
	s26 =	simm.s32 $0x14400;
	s9 =	simm.s32 $0x9  }
0x22: {  	s13 =	simm.s32 $0xA;
	s14 =	simm.s32 $0x8;
	[dreg:$0x13] =	wrdreg s8  }
0x23: {  	s15 =	simm.s32 $0xB;
	s8 =	sadd.s32 s16, s7;
	[dreg:$0x15] =	wrdreg s6  }
0x24: {  	s16 =	simm.s32 $0xC;
	[dreg:$0x4] =	wrdreg s8;
	s8 =	simm.s32 $0x5  }
.LBB2_1:
0x25: {  	[dreg:$0x18] =	wrdreg s0  }
0x26: {  	s7 =	rddreg [dreg:$0xb]  }
0x27: {  	s11 =	rddreg [dreg:$0xc];
	s7 =	sshrl.u32 s7, $0x3  }
0x28: {  	[dreg:$0x19] =	wrdreg s7  }
0x29: {  	[spmem:s7], [sflag:s17] =	dma.local [hbm:s11], $0x2800  }
0x2a: {  	_ =	swait.ge [sflag:s18], $0x2800  }
0x2b: {  	[sflag:s18] =	ssyncset.done $0x0  }
0x2c: {  	[sflag:s18] =	ssyncadd.s32 $0xFFFFD800  }
0x2d: {  	[bflag:$0x0] =	sbarrier.arrive $0xFFFF  }
0x2e: {  	s17 =	rddreg [dreg:$0xe]  }
0x2f: {  	[tilespmem:s19], [sflag:$0x1] =	stream.linear.gather [hbm4b:s17+s3], $0x50, $0x38;
	[tilespmem:$0x1E400] =	vst v63  }
0x30: {  	s18 =	rddreg [dreg:$0xf]  }
0x31: {  	[tilespmem:s20], [sflag:$0x1] =	stream.linear.gather [hbm4b:s18+s3], $0x50, $0x38;
	[tilespmem:$0x1E400] =	vst v63  }
0x32: {  	s25 =	rddreg [dreg:$0x10]  }
0x33: {  	[tilespmem:s21], [sflag:$0x2] =	stream.linear.gather [hbm4b:s25+s3], $0x50, $0x38;
	[tilespmem:$0x1E400] =	vst v63  }
0x34: {  	s30 =	rddreg [dreg:$0x11];
	s17 =	simm.s32 $0x14280  }
0x35: {  	[tilespmem:s17], [sflag:$0x2] =	stream.linear.gather [hbm4b:s30+s3], $0x50, $0x38;
	[tilespmem:$0x1E400] =	vst v63  }
0x36: {  	_ =	swait.ge [sflag:s23], $0x50  }
0x37: {  	[sflag:s23] =	ssyncset.done $0x0  }
0x38: {  	[sflag:s23] =	ssyncadd.s32 $0xFFFFFFB0  }
0x39: {  	_ =	swait.ge [sflag:s23], $0x50  }
0x3a: {  	[sflag:s23] =	ssyncset.done $0x0  }
0x3b: {  	[sflag:s23] =	ssyncadd.s32 $0xFFFFFFB0  }
0x3c: {  	[tilespmem:s26], [sflag:$0x5] =	stream.indirect.gather [hbm4b:s4+s24], $0x80, s19, s24, $0xb8;
	[tilespmem:$0x1E400] =	vst v63  }
0x3d: {  	s0 =	rddreg [dreg:$0x12]  }
0x3e: {  	[tilespmem:s22], [sflag:$0x3] =	stream.linear.gather [hbm4b:s0+s3], $0x50, $0x38;
	[tilespmem:$0x1E400] =	vst v63  }
0x3f: {  	s25 =	simm.s32 $0x14300;
	s1 =	rddreg [dreg:$0x13]  }
0x40: {  	[tilespmem:s25], [sflag:$0x3] =	stream.linear.gather [hbm4b:s1+s3], $0x50, $0x38;
	[tilespmem:$0x1E400] =	vst v63  }
0x41: {  	_ =	swait.ge [sflag:s29], $0x50  }
0x42: {  	[sflag:s29] =	ssyncset.done $0x0  }
0x43: {  	[sflag:s29] =	ssyncadd.s32 $0xFFFFFFB0  }
0x44: {  	_ =	swait.ge [sflag:s29], $0x50  }
0x45: {  	[sflag:s29] =	ssyncset.done $0x0  }
0x46: {  	s0 =	simm.s32 $0x16C00;
	[sflag:s29] =	ssyncadd.s32 $0xFFFFFFB0  }
0x47: {  	[tilespmem:s0], [sflag:$0x6] =	stream.indirect.gather [hbm4b:s4+s24], $0x80, s21, s24, $0xb8;
	[tilespmem:$0x1E400] =	vst v63  }
0x48: {  	_ =	swait.ge [sflag:s8], $0x2800  }
0x49: {  	[sflag:s8] =	ssyncset.done $0x0  }
0x4a: {  	[sflag:s8] =	ssyncadd.s32 $0xFFFFD800  }
0x4b: {  	[spmem:s2] =	stream.indirect.scatter.add.f32 [tilespmem:s26], [sflag:$0x9], $0x80, s20, s24, $0xb8;
	[tilespmem:$0x1E400] =	vst v63  }
0x4c: {  	s1 =	simm.s32 $0x14180;
	s6 =	rddreg [dreg:$0x14]  }
0x4d: {  	[tilespmem:s1], [sflag:$0x4] =	stream.linear.gather [hbm4b:s6+s3], $0x50, $0x38;
	[tilespmem:$0x1E400] =	vst v63  }
0x4e: {  	s11 =	rddreg [dreg:$0x15];
	s6 =	simm.s32 $0x14380  }
0x4f: {  	[tilespmem:s6], [sflag:$0x4] =	stream.linear.gather [hbm4b:s11+s3], $0x50, $0x38;
	[tilespmem:$0x1E400] =	vst v63  }
0x50: {  	_ =	swait.ge [sflag:s5], $0x50  }
0x51: {  	[sflag:s5] =	ssyncset.done $0x0  }
0x52: {  	[sflag:s5] =	ssyncadd.s32 $0xFFFFFFB0  }
0x53: {  	_ =	swait.ge [sflag:s5], $0x50  }
0x54: {  	[sflag:s5] =	ssyncset.done $0x0  }
0x55: {  	s11 =	simm.s32 $0x19400;
	[sflag:s5] =	ssyncadd.s32 $0xFFFFFFB0  }
0x56: {  	[tilespmem:s11], [sflag:$0x7] =	stream.indirect.gather [hbm4b:s4+s24], $0x80, s22, s24, $0xb8;
	[tilespmem:$0x1E400] =	vst v63  }
0x57: {  	_ =	swait.ge [sflag:s31], $0x2800  }
0x58: {  	[sflag:s31] =	ssyncset.done $0x0  }
0x59: {  	[sflag:s31] =	ssyncadd.s32 $0xFFFFD800  }
0x5a: {  	[spmem:s2] =	stream.indirect.scatter.add.f32 [tilespmem:s0], [sflag:$0xA], $0x80, s17, s24, $0xb8;
	[tilespmem:$0x1E400] =	vst v63  }
0x5b: {  	_ =	swait.ge [sflag:s9], $0x2800  }
0x5c: {  	s18 =	rddreg [dreg:$0xa];
	[sflag:s9] =	ssyncset.done $0x0  }
0x5d: {  	s30 =	rddreg [dreg:$0x9];
	[sflag:s9] =	ssyncadd.s32 $0xFFFFD800;
	s7 =	sadd.s32 $0x0, s18  }
0x5e: {  	[tilespmem:s19], [sflag:$0x1] =	stream.linear.gather [hbm4b:s7+s3], $0x50, $0x38;
	[tilespmem:$0x1E400] =	vst v63  }
0x5f: {  	s30 =	sadd.s32 $0x0, s30  }
0x60: {  	[tilespmem:s20], [sflag:$0x1] =	stream.linear.gather [hbm4b:s30+s3], $0x50, $0x38;
	[tilespmem:$0x1E400] =	vst v63  }
0x61: {  	_ =	swait.ge [sflag:s10], $0x50  }
0x62: {  	[sflag:s10] =	ssyncset.done $0x0  }
0x63: {  	[sflag:s10] =	ssyncadd.s32 $0xFFFFFFB0  }
0x64: {  	_ =	swait.ge [sflag:s10], $0x50  }
0x65: {  	[sflag:s10] =	ssyncset.done $0x0  }
0x66: {  	s28 =	simm.s32 $0x1BC00;
	[sflag:s10] =	ssyncadd.s32 $0xFFFFFFB0  }
0x67: {  	[tilespmem:s28], [sflag:$0x8] =	stream.indirect.gather [hbm4b:s4+s24], $0x80, s1, s24, $0xb8;
	[tilespmem:$0x1E400] =	vst v63  }
0x68: {  	_ =	swait.ge [sflag:s12], $0x2800  }
0x69: {  	[sflag:s12] =	ssyncset.done $0x0  }
0x6a: {  	[sflag:s12] =	ssyncadd.s32 $0xFFFFD800  }
0x6b: {  	[spmem:s2] =	stream.indirect.scatter.add.f32 [tilespmem:s11], [sflag:$0xB], $0x80, s25, s24, $0xb8;
	[tilespmem:$0x1E400] =	vst v63  }
0x6c: {  	_ =	swait.ge [sflag:s13], $0x2800  }
0x6d: {  	s18 =	rddreg [dreg:$0x8];
	[sflag:s13] =	ssyncset.done $0x0  }
0x6e: {  	s30 =	rddreg [dreg:$0x7];
	[sflag:s13] =	ssyncadd.s32 $0xFFFFD800;
	s7 =	sadd.s32 $0x0, s18  }
0x6f: {  	[tilespmem:s21], [sflag:$0x2] =	stream.linear.gather [hbm4b:s7+s3], $0x50, $0x38;
	[tilespmem:$0x1E400] =	vst v63  }
0x70: {  	s18 =	sadd.s32 $0x0, s30  }
0x71: {  	[tilespmem:s17], [sflag:$0x2] =	stream.linear.gather [hbm4b:s18+s3], $0x50, $0x38;
	[tilespmem:$0x1E400] =	vst v63  }
0x72: {  	_ =	swait.ge [sflag:s23], $0x50  }
0x73: {  	[sflag:s23] =	ssyncset.done $0x0  }
0x74: {  	[sflag:s23] =	ssyncadd.s32 $0xFFFFFFB0  }
0x75: {  	_ =	swait.ge [sflag:s23], $0x50  }
0x76: {  	[sflag:s23] =	ssyncset.done $0x0  }
0x77: {  	[sflag:s23] =	ssyncadd.s32 $0xFFFFFFB0  }
0x78: {  	[tilespmem:s26], [sflag:$0x5] =	stream.indirect.gather [hbm4b:s4+s24], $0x80, s19, s24, $0xb8;
	[tilespmem:$0x1E400] =	vst v63  }
0x79: {  	_ =	swait.ge [sflag:s14], $0x2800  }
0x7a: {  	[sflag:s14] =	ssyncset.done $0x0  }
0x7b: {  	[sflag:s14] =	ssyncadd.s32 $0xFFFFD800  }
0x7c: {  	[spmem:s2] =	stream.indirect.scatter.add.f32 [tilespmem:s28], [sflag:$0xC], $0x80, s6, s24, $0xb8;
	[tilespmem:$0x1E400] =	vst v63  }
0x7d: {  	_ =	swait.ge [sflag:s15], $0x2800  }
0x7e: {  	s30 =	rddreg [dreg:$0x6];
	[sflag:s15] =	ssyncset.done $0x0  }
0x7f: {  	s17 =	rddreg [dreg:$0x5];
	[sflag:s15] =	ssyncadd.s32 $0xFFFFD800;
	s7 =	sadd.s32 $0x0, s30  }
0x80: {  	[tilespmem:s22], [sflag:$0x3] =	stream.linear.gather [hbm4b:s7+s3], $0x50, $0x38;
	[tilespmem:$0x1E400] =	vst v63  }
0x81: {  	s19 =	sadd.s32 $0x0, s17  }
0x82: {  	[tilespmem:s25], [sflag:$0x3] =	stream.linear.gather [hbm4b:s19+s3], $0x50, $0x38;
	[tilespmem:$0x1E400] =	vst v63  }
0x83: {  	_ =	swait.ge [sflag:s29], $0x50  }
0x84: {  	[sflag:s29] =	ssyncset.done $0x0  }
0x85: {  	[sflag:s29] =	ssyncadd.s32 $0xFFFFFFB0  }
0x86: {  	_ =	swait.ge [sflag:s29], $0x50  }
0x87: {  	[sflag:s29] =	ssyncset.done $0x0  }
0x88: {  	[sflag:s29] =	ssyncadd.s32 $0xFFFFFFB0  }
0x89: {  	[tilespmem:s0], [sflag:$0x6] =	stream.indirect.gather [hbm4b:s4+s24], $0x80, s21, s24, $0xb8;
	[tilespmem:$0x1E400] =	vst v63  }
0x8a: {  	_ =	swait.ge [sflag:s8], $0x2800  }
0x8b: {  	[sflag:s8] =	ssyncset.done $0x0  }
0x8c: {  	[sflag:s8] =	ssyncadd.s32 $0xFFFFD800  }
0x8d: {  	[spmem:s2] =	stream.indirect.scatter.add.f32 [tilespmem:s26], [sflag:$0x9], $0x80, s20, s24, $0xb8;
	[tilespmem:$0x1E400] =	vst v63  }
0x8e: {  	_ =	swait.ge [sflag:s16], $0x2800  }
0x8f: {  	s25 =	rddreg [dreg:$0x4];
	[sflag:s16] =	ssyncset.done $0x0  }
0x90: {  	s26 =	rddreg [dreg:$0x3];
	[sflag:s16] =	ssyncadd.s32 $0xFFFFD800;
	s7 =	sadd.s32 $0x0, s25  }
0x91: {  	[tilespmem:s1], [sflag:$0x4] =	stream.linear.gather [hbm4b:s7+s3], $0x50, $0x38;
	[tilespmem:$0x1E400] =	vst v63  }
0x92: {  	s30 =	sadd.s32 $0x0, s26  }
0x93: {  	[tilespmem:s6], [sflag:$0x4] =	stream.linear.gather [hbm4b:s30+s3], $0x50, $0x38;
	[tilespmem:$0x1E400] =	vst v63  }
0x94: {  	_ =	swait.ge [sflag:s5], $0x50  }
0x95: {  	[sflag:s5] =	ssyncset.done $0x0  }
0x96: {  	[sflag:s5] =	ssyncadd.s32 $0xFFFFFFB0  }
0x97: {  	_ =	swait.ge [sflag:s5], $0x50  }
0x98: {  	[sflag:s5] =	ssyncset.done $0x0  }
0x99: {  	[sflag:s5] =	ssyncadd.s32 $0xFFFFFFB0  }
0x9a: {  	[tilespmem:s11], [sflag:$0x7] =	stream.indirect.gather [hbm4b:s4+s24], $0x80, s22, s24, $0xb8;
	[tilespmem:$0x1E400] =	vst v63  }
0x9b: {  	s18 =	simm.s32 $0x28;
	s28 =	simm.s32 $0x14100;
	_ =	swait.ge [sflag:s31], $0x2800  }
0x9c: {  	s21 =	simm.s32 $0x14200;
	s8 =	simm.s32 $0x5;
	[sflag:s31] =	ssyncset.done $0x0  }
0x9d: {  	s20 =	simm.s32 $0x14000;
	s22 =	simm.s32 $0x14080;
	[sflag:s31] =	ssyncadd.s32 $0xFFFFD800  }
.LBB2_2:
0x9e: {  	s26 =	simm.s32 $0x14280;
	s1 =	simm.s32 $0x16C00  }
0x9f: {  	[spmem:s2] =	stream.indirect.scatter.add.f32 [tilespmem:s1], [sflag:$0xA], $0x80, s26, s24, $0xb8;
	[tilespmem:$0x1E400] =	vst v63  }
0xa0: {  	_ =	swait.ge [sflag:s9], $0x2800  }
0xa1: {  	s7 =	smov.u32 s18;
	s17 =	rddreg [dreg:$0xa];
	[sflag:s9] =	ssyncset.done $0x0  }
0xa2: {  	s19 =	rddreg [dreg:$0x9];
	[sflag:s9] =	ssyncadd.s32 $0xFFFFD800;
	s17 =	sadd.s32 s7, s17  }
0xa3: {  	[tilespmem:s20], [sflag:$0x1] =	stream.linear.gather [hbm4b:s17+s3], $0x50, $0x38;
	[tilespmem:$0x1E400] =	vst v63  }
0xa4: {  	s11 =	sadd.s32 s7, s19  }
0xa5: {  	[tilespmem:s21], [sflag:$0x1] =	stream.linear.gather [hbm4b:s11+s3], $0x50, $0x38;
	[tilespmem:$0x1E400] =	vst v63  }
0xa6: {  	_ =	swait.ge [sflag:s10], $0x50  }
0xa7: {  	[sflag:s10] =	ssyncset.done $0x0  }
0xa8: {  	[sflag:s10] =	ssyncadd.s32 $0xFFFFFFB0  }
0xa9: {  	_ =	swait.ge [sflag:s10], $0x50  }
0xaa: {  	[sflag:s10] =	ssyncset.done $0x0  }
0xab: {  	s6 =	simm.s32 $0x14180;
	s30 =	simm.s32 $0x1BC00;
	[sflag:s10] =	ssyncadd.s32 $0xFFFFFFB0  }
0xac: {  	[tilespmem:s30], [sflag:$0x8] =	stream.indirect.gather [hbm4b:s4+s24], $0x80, s6, s24, $0xb8;
	[tilespmem:$0x1E400] =	vst v63  }
0xad: {  	_ =	swait.ge [sflag:s12], $0x2800  }
0xae: {  	[sflag:s12] =	ssyncset.done $0x0  }
0xaf: {  	s0 =	simm.s32 $0x14300;
	s31 =	simm.s32 $0x19400;
	[sflag:s12] =	ssyncadd.s32 $0xFFFFD800  }
0xb0: {  	[spmem:s2] =	stream.indirect.scatter.add.f32 [tilespmem:s31], [sflag:$0xB], $0x80, s0, s24, $0xb8;
	[tilespmem:$0x1E400] =	vst v63  }
0xb1: {  	_ =	swait.ge [sflag:s13], $0x2800  }
0xb2: {  	s19 =	rddreg [dreg:$0x8];
	[sflag:s13] =	ssyncset.done $0x0  }
0xb3: {  	s25 =	rddreg [dreg:$0x7];
	[sflag:s13] =	ssyncadd.s32 $0xFFFFD800;
	s17 =	sadd.s32 s7, s19  }
0xb4: {  	[tilespmem:s22], [sflag:$0x2] =	stream.linear.gather [hbm4b:s17+s3], $0x50, $0x38;
	[tilespmem:$0x1E400] =	vst v63  }
0xb5: {  	s11 =	sadd.s32 s7, s25  }
0xb6: {  	[tilespmem:s26], [sflag:$0x2] =	stream.linear.gather [hbm4b:s11+s3], $0x50, $0x38;
	[tilespmem:$0x1E400] =	vst v63  }
0xb7: {  	_ =	swait.ge [sflag:s23], $0x50  }
0xb8: {  	[sflag:s23] =	ssyncset.done $0x0  }
0xb9: {  	[sflag:s23] =	ssyncadd.s32 $0xFFFFFFB0  }
0xba: {  	_ =	swait.ge [sflag:s23], $0x50  }
0xbb: {  	[sflag:s23] =	ssyncset.done $0x0  }
0xbc: {  	s26 =	simm.s32 $0x14400;
	[sflag:s23] =	ssyncadd.s32 $0xFFFFFFB0  }
0xbd: {  	[tilespmem:s26], [sflag:$0x5] =	stream.indirect.gather [hbm4b:s4+s24], $0x80, s20, s24, $0xb8;
	[tilespmem:$0x1E400] =	vst v63  }
0xbe: {  	_ =	swait.ge [sflag:s14], $0x2800  }
0xbf: {  	[sflag:s14] =	ssyncset.done $0x0  }
0xc0: {  	s11 =	simm.s32 $0x14380;
	[sflag:s14] =	ssyncadd.s32 $0xFFFFD800  }
0xc1: {  	[spmem:s2] =	stream.indirect.scatter.add.f32 [tilespmem:s30], [sflag:$0xC], $0x80, s11, s24, $0xb8;
	[tilespmem:$0x1E400] =	vst v63  }
0xc2: {  	_ =	swait.ge [sflag:s15], $0x2800  }
0xc3: {  	s17 =	rddreg [dreg:$0x6];
	[sflag:s15] =	ssyncset.done $0x0  }
0xc4: {  	s19 =	rddreg [dreg:$0x5];
	[sflag:s15] =	ssyncadd.s32 $0xFFFFD800;
	s17 =	sadd.s32 s7, s17  }
0xc5: {  	[tilespmem:s28], [sflag:$0x3] =	stream.linear.gather [hbm4b:s17+s3], $0x50, $0x38;
	[tilespmem:$0x1E400] =	vst v63  }
0xc6: {  	s19 =	sadd.s32 s7, s19  }
0xc7: {  	[tilespmem:s0], [sflag:$0x3] =	stream.linear.gather [hbm4b:s19+s3], $0x50, $0x38;
	[tilespmem:$0x1E400] =	vst v63  }
0xc8: {  	_ =	swait.ge [sflag:s29], $0x50  }
0xc9: {  	[sflag:s29] =	ssyncset.done $0x0  }
0xca: {  	[sflag:s29] =	ssyncadd.s32 $0xFFFFFFB0  }
0xcb: {  	_ =	swait.ge [sflag:s29], $0x50  }
0xcc: {  	[sflag:s29] =	ssyncset.done $0x0  }
0xcd: {  	[sflag:s29] =	ssyncadd.s32 $0xFFFFFFB0  }
0xce: {  	[tilespmem:s1], [sflag:$0x6] =	stream.indirect.gather [hbm4b:s4+s24], $0x80, s22, s24, $0xb8;
	[tilespmem:$0x1E400] =	vst v63  }
0xcf: {  	_ =	swait.ge [sflag:s8], $0x2800  }
0xd0: {  	[sflag:s8] =	ssyncset.done $0x0  }
0xd1: {  	[sflag:s8] =	ssyncadd.s32 $0xFFFFD800  }
0xd2: {  	[spmem:s2] =	stream.indirect.scatter.add.f32 [tilespmem:s26], [sflag:$0x9], $0x80, s21, s24, $0xb8;
	[tilespmem:$0x1E400] =	vst v63  }
0xd3: {  	_ =	swait.ge [sflag:s16], $0x2800  }
0xd4: {  	s1 =	rddreg [dreg:$0x4];
	[sflag:s16] =	ssyncset.done $0x0  }
0xd5: {  	s19 =	rddreg [dreg:$0x3];
	[sflag:s16] =	ssyncadd.s32 $0xFFFFD800;
	s17 =	sadd.s32 s7, s1  }
0xd6: {  	[tilespmem:s6], [sflag:$0x4] =	stream.linear.gather [hbm4b:s17+s3], $0x50, $0x38;
	[tilespmem:$0x1E400] =	vst v63  }
0xd7: {  	s7 =	sadd.s32 s7, s19  }
0xd8: {  	[tilespmem:s11], [sflag:$0x4] =	stream.linear.gather [hbm4b:s7+s3], $0x50, $0x38;
	[tilespmem:$0x1E400] =	vst v63  }
0xd9: {  	_ =	swait.ge [sflag:s5], $0x50  }
0xda: {  	[sflag:s5] =	ssyncset.done $0x0  }
0xdb: {  	[sflag:s5] =	ssyncadd.s32 $0xFFFFFFB0  }
0xdc: {  	_ =	swait.ge [sflag:s5], $0x50  }
0xdd: {  	[sflag:s5] =	ssyncset.done $0x0  }
0xde: {  	p0 =	sne.s32 s18, $0x4B0;
	[sflag:s5] =	ssyncadd.s32 $0xFFFFFFB0  }
0xdf: {  	[tilespmem:s31], [sflag:$0x7] =	stream.indirect.gather [hbm4b:s4+s24], $0x80, s28, s24, $0xb8;
	[tilespmem:$0x1E400] =	vst v63  }
.Ltmp0:
0xe0: {  	_ = 	snop;
	(pc) =	sbr.rel @p0 .LBB2_2-.Ltmp0, $4  }
0xe1: {  	s18 =	sadd.s32 $0x28, s18;
	s31 =	simm.s32 $0x6  }
0xe2: {  	s25 =	simm.s32 $0x14280;
	s30 =	simm.s32 $0x14300;
	_ =	swait.ge [sflag:s31], $0x2800  }
0xe3: {  	s0 =	simm.s32 $0x16C00;
	s1 =	simm.s32 $0x14180;
	[sflag:s31] =	ssyncset.done $0x0  }
0xe4: {  	s6 =	simm.s32 $0x14380;
	s7 =	simm.s32 $0x19400;
	[sflag:s31] =	ssyncadd.s32 $0xFFFFD800  }
0xe5: {  	[spmem:s2] =	stream.indirect.scatter.add.f32 [tilespmem:s0], [sflag:$0xA], $0x80, s25, s24, $0xb8;
	[tilespmem:$0x1E400] =	vst v63  }
0xe6: {  	_ =	swait.ge [sflag:s10], $0x50  }
0xe7: {  	[sflag:s10] =	ssyncset.done $0x0  }
0xe8: {  	[sflag:s10] =	ssyncadd.s32 $0xFFFFFFB0  }
0xe9: {  	_ =	swait.ge [sflag:s10], $0x50  }
0xea: {  	[sflag:s10] =	ssyncset.done $0x0  }
0xeb: {  	s21 =	simm.s32 $0x1BC00;
	[sflag:s10] =	ssyncadd.s32 $0xFFFFFFB0  }
0xec: {  	[tilespmem:s21], [sflag:$0x8] =	stream.indirect.gather [hbm4b:s4+s24], $0x80, s1, s24, $0xb8;
	[tilespmem:$0x1E400] =	vst v63  }
0xed: {  	_ =	swait.ge [sflag:s12], $0x2800  }
0xee: {  	[sflag:s12] =	ssyncset.done $0x0  }
0xef: {  	[sflag:s12] =	ssyncadd.s32 $0xFFFFD800  }
0xf0: {  	[spmem:s2] =	stream.indirect.scatter.add.f32 [tilespmem:s7], [sflag:$0xB], $0x80, s30, s24, $0xb8;
	[tilespmem:$0x1E400] =	vst v63  }
0xf1: {  	_ =	swait.ge [sflag:s14], $0x2800  }
0xf2: {  	[sflag:s14] =	ssyncset.done $0x0  }
0xf3: {  	[sflag:s14] =	ssyncadd.s32 $0xFFFFD800  }
0xf4: {  	[spmem:s2] =	stream.indirect.scatter.add.f32 [tilespmem:s21], [sflag:$0xC], $0x80, s6, s24, $0xb8;
	[tilespmem:$0x1E400] =	vst v63  }
0xf5: {  	_ =	swait.ge [sflag:s9], $0x2800  }
0xf6: {  	[sflag:s9] =	ssyncset.done $0x0  }
0xf7: {  	[sflag:s9] =	ssyncadd.s32 $0xFFFFD800  }
0xf8: {  	_ =	swait.ge [sflag:s13], $0x2800  }
0xf9: {  	[sflag:s13] =	ssyncset.done $0x0  }
0xfa: {  	[sflag:s13] =	ssyncadd.s32 $0xFFFFD800  }
0xfb: {  	_ =	swait.ge [sflag:s15], $0x2800  }
0xfc: {  	[sflag:s15] =	ssyncset.done $0x0  }
0xfd: {  	[sflag:s15] =	ssyncadd.s32 $0xFFFFD800  }
0xfe: {  	_ =	swait.ge [sflag:s16], $0x2800  }
0xff: {  	[sflag:s16] =	ssyncset.done $0x0  }
0x100: {  	[sflag:s16] =	ssyncadd.s32 $0xFFFFD800  }
0x101: {  	[bflag:$0x0] =	sbarrier.arrive $0xFFFF  }
0x102: {  	s17 =	rddreg [dreg:$0xd]  }
0x103: {  	s22 =	rddreg [dreg:$0x16]  }
0x104: {  	s18 =	simm.s32 $0xD;
	s25 =	rddreg [dreg:$0x19]  }
0x105: {  	[hbm:s22], [sflag:s17] =	dma.local [spmem:s25], $0x2800  }
0x106: {  	_ =	swait.ge [sflag:s18], $0x2800  }
0x107: {  	s28 =	rddreg [dreg:$0x18]  }
0x108: {  	s30 =	rddreg [dreg:$0x17];
	s0 =	sadd.s32 $0x1, s28  }
0x109: {  	p0 =	sne.s32 s0, s30  }
.Ltmp1:
0x10a: {  	_ = 	snop;
	(pc) =	sbr.rel @p0 .LBB2_1-.Ltmp1, $4  }
0x10b: {  	_ = 	snop  }
0x10c: {  	s19 =	simm.s32 $0x14000  }
0x10d: {  	s20 =	simm.s32 $0x14200;
	s8 =	simm.s32 $0x5;
	[sflag:s18] =	ssyncset.done $0x0  }
0x10e: {  	s21 =	simm.s32 $0x14080;
	s22 =	simm.s32 $0x14100;
	[sflag:s18] =	ssyncadd.s32 $0xFFFFD800  }
0x10f: {  	_ =	sfence.sel $0x180000  }
0x110: {  	[bflag:$0x0] =	sbarrier.arrive $0xFFFF  }
0x111: {  	_ =	strace $0x90000053  }
0x112: {  	s0 =	stileid.u32;
	[bflag:$0x2] =	sbarrier.arrive $0xFFFF  }
0x113: {  	p0 =	sne.s32 s0, $0x0;
	s0 =	rddreg [dreg:$0x2]  }
0x114: {  	s0 =	sadd.s32 @!p0 $0x100000, s0  }
0x115: {  	[sflag:s0] =	ssyncadd.tile.s32 @!p0 $0x1;
	_ =	shalt  }
.Lfunc_end2:
_tile_overlayer_lowered:
.L_overlay_start_2:
0x116: {  	(tag) =	ssettag $0x2  }
0x117: {  	s0 =	rddreg [dreg:$0x0];
	s2 =	stileid.u32  }
0x118: {  	s1 =	rddreg [dreg:$0x1];
	p0 =	sne.s32 s2, $0x0  }
0x119: {  	s3 =	rddreg [dreg:$0x2];
	[bflag:$0x3] =	sbarrier.arrive $0xFFFF;
	s2 =	simm.s32 @!p0 $0x1C0D  }
0x11a: {  	[timem:s3], [sflag:s2] =	dma.local @!p0 [hbm:s0], s1  }
0x11b: {  	s0 =	simm.s32 @!p0 $0xD  }
0x11c: {  	_ =	swait.ge @!p0 [sflag:s0], s1  }
0x11d: {  	s1 =	ssub.s32 @!p0 $0x0, s1;
	[sflag:s0] =	ssyncset.done @!p0 $0x0  }
0x11e: {  	[sflag:s0] =	ssyncadd.s32 @!p0 s1  }
0x11f: {  	[bflag:$0x3] =	sbarrier.arrive $0xFFFF  }
0x120: {  	_ =	shalt  }

</sc_bundles>
